<compile_context>
chip_gen: v7x
topology: tpu7x:2x2x1
jax: 0.10.2.dev20260603
libtpu: 0.0.44.dev20260713+nightly
codegen_flags: <defaults>
</compile_context>

<pallas_src>
import functools

import jax
import jax.numpy as jnp
from jax import lax
from jax.experimental import pallas as pl
from jax.experimental.pallas import tpu as pltpu
from jax.experimental.pallas import tpu_sc as plsc

NC = 2
NS = 16
NW = NC * NS
CH = 80


def _seg_sum_sc(feat, np_, pk3, with_deg):
    d = feat.shape[1]
    n = np_
    cpt = pk3.shape[1]
    rps = n // NS
    zr = 64
    mesh = plsc.VectorSubcoreMesh(core_axis_name="c", subcore_axis_name="s")

    out_type = [jax.ShapeDtypeStruct((NC, n, d), jnp.float32)]
    if with_deg:
        out_type.append(jax.ShapeDtypeStruct((NC, n), jnp.float32))

    @functools.partial(
        pl.kernel,
        out_type=out_type,
        mesh=mesh,
        scratch_types=[
            pltpu.VMEM((3, CH), jnp.int32),
            pltpu.VMEM((3, CH), jnp.int32),
            pltpu.VMEM((3, CH), jnp.int32),
            pltpu.VMEM((3, CH, d), jnp.float32),
            pltpu.VMEM((zr, d), jnp.float32),
            pltpu.VMEM((CH,), jnp.float32),
            pltpu.VMEM((rps,), jnp.float32),
            pltpu.VMEM_SHARED((n, d), jnp.float32),
            pltpu.VMEM_SHARED((n,), jnp.float32),
        ] + [pltpu.SemaphoreType.DMA] * 12,
    )
    def k(feat_hbm, pk_hbm, acc_hbm, *rest):
        if with_deg:
            (deg_hbm, pbuf, sidx, didx, gbuf, zbuf, ones_v, dbuf, acc, deg,
             *sems) = rest
        else:
            (pbuf, sidx, didx, gbuf, zbuf, ones_v, dbuf, acc, deg,
             *sems) = rest
        sem_i = sems[0:3]
        sem_g = sems[3:6]
        sem_s = sems[6:9]
        sem_d = sems[9:12]
        c = lax.axis_index("c")
        s = lax.axis_index("s")
        wid = s * NC + c

        zeros16 = jnp.zeros((16,), jnp.float32)
        ones16 = jnp.ones((16,), jnp.float32)

        def zero_body(i, _):
            for j in range(d // 16):
                zbuf[i, pl.ds(j * 16, 16)] = zeros16
            return 0

        lax.fori_loop(0, zr, zero_body, 0)

        def zero1d_body(i, _):
            dbuf[pl.ds(i * 16, 16)] = zeros16
            return 0

        lax.fori_loop(0, rps // 16, zero1d_body, 0)
        for j in range(CH // 16):
            ones_v[pl.ds(j * 16, 16)] = ones16

        for kk in range(rps // zr):
            pltpu.sync_copy(zbuf, acc.at[pl.ds(s * rps + kk * zr, zr), :])
        if with_deg:
            pltpu.sync_copy(dbuf, deg.at[pl.ds(s * rps, rps)])
        plsc.subcore_barrier()

        def load(cc, b):
            pltpu.async_copy(pk_hbm.at[wid, cc], pbuf.at[b], sem_i[b])

        def prep(cc, b):
            @pl.when(cc >= 3)
            def _():
                pltpu.make_async_copy(gbuf.at[b], acc.at[didx.at[b]],
                                      sem_s[b]).wait()
                if with_deg:
                    pltpu.make_async_copy(ones_v, deg.at[didx.at[b]],
                                          sem_d[b]).wait()
            pltpu.make_async_copy(pk_hbm.at[wid, cc], pbuf.at[b],
                                  sem_i[b]).wait()
            for j in range(CH // 16):
                v = pbuf[b, pl.ds(j * 16, 16)]
                sidx[b, pl.ds(j * 16, 16)] = lax.bitwise_and(v, 0xFFFF)
                didx[b, pl.ds(j * 16, 16)] = lax.shift_right_logical(v, 16)
            pltpu.async_copy(feat_hbm.at[sidx.at[b]], gbuf.at[b], sem_g[b])

        def fin(cc, b):
            pltpu.make_async_copy(feat_hbm.at[sidx.at[b]], gbuf.at[b],
                                  sem_g[b]).wait()
            pltpu.async_copy(gbuf.at[b], acc.at[didx.at[b]], sem_s[b],
                             add=True)
            if with_deg:
                pltpu.async_copy(ones_v, deg.at[didx.at[b]], sem_d[b],
                                 add=True)

        load(0, 0)
        load(1, 1)
        load(2, 2)
        prep(0, 0)

        def pipe_body(g, _):
            for b in (0, 1, 2):
                cc = 3 * g + b

                @pl.when(cc + 1 < cpt)
                def _():
                    prep(cc + 1, (b + 1) % 3)

                @pl.when(cc + 3 < cpt)
                def _():
                    load(cc + 3, b)

                @pl.when(cc < cpt)
                def _():
                    fin(cc, b)
            return 0

        lax.fori_loop(0, (cpt + 2) // 3, pipe_body, 0)

        for b in (0, 1, 2):
            pltpu.make_async_copy(gbuf.at[b], acc.at[didx.at[b]],
                                  sem_s[b]).wait()
            if with_deg:
                pltpu.make_async_copy(ones_v, deg.at[didx.at[b]],
                                      sem_d[b]).wait()
        plsc.subcore_barrier()

        for kk in range(rps // zr):
            base = s * rps + kk * zr
            pltpu.sync_copy(acc.at[pl.ds(base, zr), :], zbuf)
            pltpu.sync_copy(zbuf, acc_hbm.at[c, pl.ds(base, zr), :])
        if with_deg:
            pltpu.sync_copy(deg.at[pl.ds(s * rps, rps)], dbuf)
            pltpu.sync_copy(dbuf, deg_hbm.at[c, pl.ds(s * rps, rps)])

    return k(feat, pk3)


def _tc_layer1(x, p0, p1, d0, d1, w1_root, b1, w1_rel0, w2_rel0, w2_root, b2):
    n, din = x.shape
    hid = w1_root.shape[1]
    dout = w2_root.shape[1]
    blk = 1000
    grid = (n // blk,)

    def body(x_ref, p0_ref, p1_ref, d0_ref, d1_ref, w1r_ref, b1_ref, w1e_ref,
             w2e_ref, w2r_ref, b2_ref, hr_ref, hroot_ref):
        agg = p0_ref[...] + p1_ref[...]
        deg = d0_ref[...] + d1_ref[...]
        inv = 1.0 / jnp.maximum(deg, 1.0)
        h = x_ref[...] @ w1r_ref[...] + (agg * inv) @ w1e_ref[...] + b1_ref[...]
        h = jnp.maximum(h, 0.0)
        hr_ref[...] = h @ w2e_ref[...]
        hroot_ref[...] = h @ w2r_ref[...] + b2_ref[...]

    return pl.pallas_call(
        body,
        grid=grid,
        in_specs=[
            pl.BlockSpec((blk, din), lambda i: (i, 0)),
            pl.BlockSpec((blk, din), lambda i: (i, 0)),
            pl.BlockSpec((blk, din), lambda i: (i, 0)),
            pl.BlockSpec((blk, 1), lambda i: (i, 0)),
            pl.BlockSpec((blk, 1), lambda i: (i, 0)),
            pl.BlockSpec((din, hid), lambda i: (0, 0)),
            pl.BlockSpec((1, hid), lambda i: (0, 0)),
            pl.BlockSpec((din, hid), lambda i: (0, 0)),
            pl.BlockSpec((hid, dout), lambda i: (0, 0)),
            pl.BlockSpec((hid, dout), lambda i: (0, 0)),
            pl.BlockSpec((1, dout), lambda i: (0, 0)),
        ],
        out_specs=[
            pl.BlockSpec((blk, dout), lambda i: (i, 0)),
            pl.BlockSpec((blk, dout), lambda i: (i, 0)),
        ],
        out_shape=[
            jax.ShapeDtypeStruct((n, dout), jnp.float32),
            jax.ShapeDtypeStruct((n, dout), jnp.float32),
        ],
    )(x, p0, p1, d0, d1, w1_root, b1.reshape(1, hid), w1_rel0, w2_rel0,
      w2_root, b2.reshape(1, dout))


def _tc_pool(hroot, p0, p1, d0, d1, batch3, n_graphs):
    n, d = hroot.shape
    blk = 1000
    grid = (n // blk,)

    def body(hroot_ref, p0_ref, p1_ref, d0_ref, d1_ref, b_ref, out_ref,
             acc_sum, acc_cnt):
        i = pl.program_id(0)
        inv = 1.0 / jnp.maximum(d0_ref[...] + d1_ref[...], 1.0)
        node = hroot_ref[...] + (p0_ref[...] + p1_ref[...]) * inv
        bid = b_ref[...].reshape(1, blk)
        gids = lax.broadcasted_iota(jnp.int32, (n_graphs, blk), 0)
        mask = (jnp.broadcast_to(bid, (n_graphs, blk)) == gids).astype(
            jnp.float32)
        psum = mask @ node
        pcnt = mask @ jnp.ones((blk, d), jnp.float32)

        @pl.when(i == 0)
        def _():
            acc_sum[...] = psum
            acc_cnt[...] = pcnt

        @pl.when(i > 0)
        def _():
            acc_sum[...] += psum
            acc_cnt[...] += pcnt

        @pl.when(i == grid[0] - 1)
        def _():
            out_ref[...] = acc_sum[...] / jnp.maximum(acc_cnt[...], 1.0)

    return pl.pallas_call(
        body,
        grid=grid,
        in_specs=[
            pl.BlockSpec((blk, d), lambda i: (i, 0)),
            pl.BlockSpec((blk, d), lambda i: (i, 0)),
            pl.BlockSpec((blk, d), lambda i: (i, 0)),
            pl.BlockSpec((blk, 1), lambda i: (i, 0)),
            pl.BlockSpec((blk, 1), lambda i: (i, 0)),
            pl.BlockSpec((1, 1, blk), lambda i: (i, 0, 0)),
        ],
        out_specs=pl.BlockSpec((n_graphs, d), lambda i: (0, 0)),
        out_shape=jax.ShapeDtypeStruct((n_graphs, d), jnp.float32),
        scratch_shapes=[
            pltpu.VMEM((n_graphs, d), jnp.float32),
            pltpu.VMEM((n_graphs, d), jnp.float32),
        ],
    )(hroot, p0, p1, d0, d1, batch3)


def kernel(x, edge_index, batch, W1_rel, W1_root, b1, W2_rel, W2_root, b2):
    n, din = x.shape
    e = edge_index.shape[1]
    n_graphs = 16
    cpt = e // (NW * CH)

    np_ = ((n + 1023) // 1024) * 1024

    packed = jnp.bitwise_or(edge_index[0],
                            jnp.left_shift(edge_index[1], 16))
    pk3 = packed.reshape(NW, cpt, CH)

    parts1, degs1 = _seg_sum_sc(x, np_, pk3, True)
    d0 = degs1[0].reshape(np_, 1)
    d1 = degs1[1].reshape(np_, 1)
    hr, hroot = _tc_layer1(x, parts1[0], parts1[1], d0, d1, W1_root,
                           b1, W1_rel[0], W2_rel[0], W2_root, b2)
    (parts2,) = _seg_sum_sc(hr, np_, pk3, False)
    batch3 = batch.reshape(n // 1000, 1, 1000)
    return _tc_pool(hroot, parts2[0], parts2[1], d0, d1, batch3, n_graphs)

# --- scband reference (transcript-rebuilt; emitter-appended) ---
"""Pipeline reference for scband-rgcnclassifier-80642305949899 (READ-ONLY COPY).

The authoritative reference and input builder live on the scoring server;
editing this copy changes nothing except your own understanding.
"""

import jax, jax.numpy as jnp
import numpy as np

N_NODES = 10000
N_EDGES = 320000
NUM_REL = 4
IN_DIM = 128
HID_DIM = 256
OUT_DIM = 128
N_GRAPHS = 16


def rgcn_conv(x, edge_type, src, dst, W_rel, W_root, b, num_nodes):
    # PyG RGCNConv with default aggr='mean', root_weight=True, bias=True
    out = x @ W_root + b
    num_rel = W_rel.shape[0]
    for r in range(num_rel):
        xr = x @ W_rel[r]                      # transform-then-gather (math-equivalent)
        msg = jnp.take(xr, src, axis=0)        # [E, out]
        mask = (edge_type == r).astype(x.dtype)
        msg = msg * mask[:, None]
        agg = jax.ops.segment_sum(msg, dst, num_segments=num_nodes)
        cnt = jax.ops.segment_sum(mask, dst, num_segments=num_nodes)
        out = out + agg / jnp.clip(cnt, 1.0)[:, None]
    return out


def setup_inputs(seed: int = 0) -> dict:
    key = jax.random.key(seed)
    ks = jax.random.split(key, 10)
    x = jax.random.normal(ks[0], (N_NODES, IN_DIM), dtype=jnp.float32)
    edge_index = jax.random.randint(ks[1], (2, N_EDGES), 0, N_NODES, dtype=jnp.int32)
    batch = jnp.sort(jax.random.randint(ks[2], (N_NODES,), 0, N_GRAPHS, dtype=jnp.int32))
    s1 = 1.0 / np.sqrt(IN_DIM)
    s2 = 1.0 / np.sqrt(HID_DIM)
    W1_rel = jax.random.normal(ks[3], (NUM_REL, IN_DIM, HID_DIM), dtype=jnp.float32) * s1
    W1_root = jax.random.normal(ks[4], (IN_DIM, HID_DIM), dtype=jnp.float32) * s1
    b1 = jnp.zeros((HID_DIM,), dtype=jnp.float32)
    W2_rel = jax.random.normal(ks[5], (NUM_REL, HID_DIM, OUT_DIM), dtype=jnp.float32) * s2
    W2_root = jax.random.normal(ks[6], (HID_DIM, OUT_DIM), dtype=jnp.float32) * s2
    b2 = jnp.zeros((OUT_DIM,), dtype=jnp.float32)
    return {"x": x, "edge_index": edge_index, "batch": batch,
            "W1_rel": W1_rel, "W1_root": W1_root, "b1": b1,
            "W2_rel": W2_rel, "W2_root": W2_root, "b2": b2}


def reference(x, edge_index, batch, W1_rel, W1_root, b1, W2_rel, W2_root, b2):
    src, dst = edge_index[0], edge_index[1]
    # forward sets edge_type = zeros(E)
    edge_type = jnp.zeros((edge_index.shape[1],), dtype=jnp.int32)
    h = rgcn_conv(x, edge_type, src, dst, W1_rel, W1_root, b1, N_NODES)
    h = jax.nn.relu(h)
    # dropout is identity in eval mode
    h = rgcn_conv(h, edge_type, src, dst, W2_rel, W2_root, b2, N_NODES)
    # global_mean_pool over batch ids
    sums = jax.ops.segment_sum(h, batch, num_segments=N_GRAPHS)
    cnt = jax.ops.segment_sum(jnp.ones((N_NODES,), dtype=h.dtype), batch, num_segments=N_GRAPHS)
    return sums / jnp.clip(cnt, 1.0)[:, None]

if __name__ == "__main__":
    import jax
    _d = setup_inputs()
    print(jax.jit(kernel)(*tuple(_d.values())))

</pallas_src>

<mosaic_0001>
#map = affine_map<(d0, d1) -> (0, 0)>
#map1 = affine_map<(d0, d1) -> (0, 0, 0)>
module attributes {stable_mosaic.version = 14 : i64} {
  func.func @k(%arg0: i32, %arg1: i32, %arg2: memref<10000x128xf32, #tpu.memory_space<hbm>>, %arg3: memref<32x125x80xi32, #tpu.memory_space<hbm>>, %arg4: memref<2x10240x128xf32, #tpu.memory_space<hbm>>, %arg5: memref<3x80xi32, #tpu.memory_space<vmem>>, %arg6: memref<3x80xi32, #tpu.memory_space<vmem>>, %arg7: memref<3x80xi32, #tpu.memory_space<vmem>>, %arg8: memref<3x80x128xf32, #tpu.memory_space<vmem>>, %arg9: memref<64x128xf32, #tpu.memory_space<vmem>>, %arg10: memref<80xf32, #tpu.memory_space<vmem>>, %arg11: memref<640xf32, #tpu.memory_space<vmem>>, %arg12: memref<10240x128xf32, #tpu.memory_space<vmem_shared>>, %arg13: memref<10240xf32, #tpu.memory_space<vmem_shared>>, %arg14: memref<!tpu.dma_semaphore, #tpu.memory_space<semaphore_mem>>, %arg15: memref<!tpu.dma_semaphore, #tpu.memory_space<semaphore_mem>>, %arg16: memref<!tpu.dma_semaphore, #tpu.memory_space<semaphore_mem>>, %arg17: memref<!tpu.dma_semaphore, #tpu.memory_space<semaphore_mem>>, %arg18: memref<!tpu.dma_semaphore, #tpu.memory_space<semaphore_mem>>, %arg19: memref<!tpu.dma_semaphore, #tpu.memory_space<semaphore_mem>>, %arg20: memref<!tpu.dma_semaphore, #tpu.memory_space<semaphore_mem>>, %arg21: memref<!tpu.dma_semaphore, #tpu.memory_space<semaphore_mem>>, %arg22: memref<!tpu.dma_semaphore, #tpu.memory_space<semaphore_mem>>, %arg23: memref<!tpu.dma_semaphore, #tpu.memory_space<semaphore_mem>>, %arg24: memref<!tpu.dma_semaphore, #tpu.memory_space<semaphore_mem>>, %arg25: memref<!tpu.dma_semaphore, #tpu.memory_space<semaphore_mem>>) attributes {dimension_semantics = [#tpu.dimension_semantics<core_parallel>, #tpu.dimension_semantics<subcore_parallel>], iteration_bounds = array<i64: 2, 16>, scalar_prefetch = 0 : i64, scratch_operands = 21 : i64, tpu.core_type = #tpu.core_type<sc_vector_subcore>, window_params = [{transform_indices = #map}, {transform_indices = #map1}, {transform_indices = #map1}]} {
    %mul3A = arith.constant 2 : i32
    %mul3A_0 = arith.muli %arg1, %mul3A : i32
    %add3A = arith.addi %mul3A_0, %arg0 : i32
    %broadcast_in_dim3A = arith.constant 0.000000e+00 : f32
    %broadcast_in_dim3A_1 = vector.broadcast %broadcast_in_dim3A : f32 to vector<16xf32>
    %broadcast_in_dim3A_2 = arith.constant 1.000000e+00 : f32
    %broadcast_in_dim3A_3 = vector.broadcast %broadcast_in_dim3A_2 : f32 to vector<16xf32>
    %scan3A = arith.constant 0 : i32
    %scan3A_4 = arith.constant 0 : i32
    %scan3A_5 = arith.constant 64 : i32
    %scan3A_6 = arith.addi %scan3A_4, %scan3A_5 : i32
    %scan3A_7 = arith.constant 1 : i32
    %scan3A_8 = scf.for %scan3A_338 = %scan3A_4 to %scan3A_6 step %scan3A_7 iter_args(%scan3A_339 = %scan3A) -> (i32)  : i32 {
      %swap3A_340 = arith.index_cast %scan3A_338 : i32 to index
      %swap3A_341 = arith.constant 0 : index
      %swap3A_342 = tpu.vector_load %arg9[%swap3A_340, %swap3A_341] {strides = array<i32>} : memref<64x128xf32, #tpu.memory_space<vmem>>, vector<1x16xf32>,
      %swap3A_343 = vector.shape_cast %swap3A_342 : vector<1x16xf32> to vector<16xf32>
      %swap3A_344 = vector.shape_cast %broadcast_in_dim3A_1 : vector<16xf32> to vector<1x16xf32>
      tpu.vector_store %arg9[%swap3A_340, %swap3A_341], %swap3A_344 {strides = array<i32>} : memref<64x128xf32, #tpu.memory_space<vmem>>, vector<1x16xf32>,
      %swap3A_345 = arith.index_cast %scan3A_338 : i32 to index
      %swap3A_346 = arith.constant 16 : index
      %swap3A_347 = tpu.vector_load %arg9[%swap3A_345, %swap3A_346] {strides = array<i32>} : memref<64x128xf32, #tpu.memory_space<vmem>>, vector<1x16xf32>,
      %swap3A_348 = vector.shape_cast %swap3A_347 : vector<1x16xf32> to vector<16xf32>
      %swap3A_349 = vector.shape_cast %broadcast_in_dim3A_1 : vector<16xf32> to vector<1x16xf32>
      tpu.vector_store %arg9[%swap3A_345, %swap3A_346], %swap3A_349 {strides = array<i32>} : memref<64x128xf32, #tpu.memory_space<vmem>>, vector<1x16xf32>,
      %swap3A_350 = arith.index_cast %scan3A_338 : i32 to index
      %swap3A_351 = arith.constant 32 : index
      %swap3A_352 = tpu.vector_load %arg9[%swap3A_350, %swap3A_351] {strides = array<i32>} : memref<64x128xf32, #tpu.memory_space<vmem>>, vector<1x16xf32>,
      %swap3A_353 = vector.shape_cast %swap3A_352 : vector<1x16xf32> to vector<16xf32>
      %swap3A_354 = vector.shape_cast %broadcast_in_dim3A_1 : vector<16xf32> to vector<1x16xf32>
      tpu.vector_store %arg9[%swap3A_350, %swap3A_351], %swap3A_354 {strides = array<i32>} : memref<64x128xf32, #tpu.memory_space<vmem>>, vector<1x16xf32>,
      %swap3A_355 = arith.index_cast %scan3A_338 : i32 to index
      %swap3A_356 = arith.constant 48 : index
      %swap3A_357 = tpu.vector_load %arg9[%swap3A_355, %swap3A_356] {strides = array<i32>} : memref<64x128xf32, #tpu.memory_space<vmem>>, vector<1x16xf32>,
      %swap3A_358 = vector.shape_cast %swap3A_357 : vector<1x16xf32> to vector<16xf32>
      %swap3A_359 = vector.shape_cast %broadcast_in_dim3A_1 : vector<16xf32> to vector<1x16xf32>
      tpu.vector_store %arg9[%swap3A_355, %swap3A_356], %swap3A_359 {strides = array<i32>} : memref<64x128xf32, #tpu.memory_space<vmem>>, vector<1x16xf32>,
      %swap3A_360 = arith.index_cast %scan3A_338 : i32 to index
      %swap3A_361 = arith.constant 64 : index
      %swap3A_362 = tpu.vector_load %arg9[%swap3A_360, %swap3A_361] {strides = array<i32>} : memref<64x128xf32, #tpu.memory_space<vmem>>, vector<1x16xf32>,
      %swap3A_363 = vector.shape_cast %swap3A_362 : vector<1x16xf32> to vector<16xf32>
      %swap3A_364 = vector.shape_cast %broadcast_in_dim3A_1 : vector<16xf32> to vector<1x16xf32>
      tpu.vector_store %arg9[%swap3A_360, %swap3A_361], %swap3A_364 {strides = array<i32>} : memref<64x128xf32, #tpu.memory_space<vmem>>, vector<1x16xf32>,
      %swap3A_365 = arith.index_cast %scan3A_338 : i32 to index
      %swap3A_366 = arith.constant 80 : index
      %swap3A_367 = tpu.vector_load %arg9[%swap3A_365, %swap3A_366] {strides = array<i32>} : memref<64x128xf32, #tpu.memory_space<vmem>>, vector<1x16xf32>,
      %swap3A_368 = vector.shape_cast %swap3A_367 : vector<1x16xf32> to vector<16xf32>
      %swap3A_369 = vector.shape_cast %broadcast_in_dim3A_1 : vector<16xf32> to vector<1x16xf32>
      tpu.vector_store %arg9[%swap3A_365, %swap3A_366], %swap3A_369 {strides = array<i32>} : memref<64x128xf32, #tpu.memory_space<vmem>>, vector<1x16xf32>,
      %swap3A_370 = arith.index_cast %scan3A_338 : i32 to index
      %swap3A_371 = arith.constant 96 : index
      %swap3A_372 = tpu.vector_load %arg9[%swap3A_370, %swap3A_371] {strides = array<i32>} : memref<64x128xf32, #tpu.memory_space<vmem>>, vector<1x16xf32>,
      %swap3A_373 = vector.shape_cast %swap3A_372 : vector<1x16xf32> to vector<16xf32>
      %swap3A_374 = vector.shape_cast %broadcast_in_dim3A_1 : vector<16xf32> to vector<1x16xf32>
      tpu.vector_store %arg9[%swap3A_370, %swap3A_371], %swap3A_374 {strides = array<i32>} : memref<64x128xf32, #tpu.memory_space<vmem>>, vector<1x16xf32>,
      %swap3A_375 = arith.index_cast %scan3A_338 : i32 to index
      %swap3A_376 = arith.constant 112 : index
      %swap3A_377 = tpu.vector_load %arg9[%swap3A_375, %swap3A_376] {strides = array<i32>} : memref<64x128xf32, #tpu.memory_space<vmem>>, vector<1x16xf32>,
      %swap3A_378 = vector.shape_cast %swap3A_377 : vector<1x16xf32> to vector<16xf32>
      %swap3A_379 = vector.shape_cast %broadcast_in_dim3A_1 : vector<16xf32> to vector<1x16xf32>
      tpu.vector_store %arg9[%swap3A_375, %swap3A_376], %swap3A_379 {strides = array<i32>} : memref<64x128xf32, #tpu.memory_space<vmem>>, vector<1x16xf32>,
      %scan3A_380 = arith.constant 0 : i32
      scf.yield %scan3A_380 : i32
    }
    %scan3A_9 = arith.constant 64 : i32
    %scan3A_10 = arith.constant 0 : i32
    %scan3A_11 = arith.constant 0 : i32
    %scan3A_12 = arith.constant 40 : i32
    %scan3A_13 = arith.addi %scan3A_11, %scan3A_12 : i32
    %scan3A_14 = arith.constant 1 : i32
    %scan3A_15 = scf.for %scan3A_338 = %scan3A_11 to %scan3A_13 step %scan3A_14 iter_args(%scan3A_339 = %scan3A_10) -> (i32)  : i32 {
      %mul3A_340 = arith.constant 16 : i32
      %mul3A_341 = arith.muli %scan3A_338, %mul3A_340 : i32
      %swap3A_342 = arith.index_cast %mul3A_341 : i32 to index
      %swap3A_343 = tpu.vector_load %arg11[%swap3A_342] {strides = array<i32>} : memref<640xf32, #tpu.memory_space<vmem>>, vector<16xf32>,
      %swap3A_344 = vector.shape_cast %swap3A_343 : vector<16xf32> to vector<16xf32>
      %swap3A_345 = vector.shape_cast %broadcast_in_dim3A_1 : vector<16xf32> to vector<16xf32>
      tpu.vector_store %arg11[%swap3A_342], %swap3A_345 {strides = array<i32>} : memref<640xf32, #tpu.memory_space<vmem>>, vector<16xf32>,
      %scan3A_346 = arith.constant 0 : i32
      scf.yield %scan3A_346 : i32
    }
    %scan3A_16 = arith.constant 40 : i32
    %swap3A = arith.constant 0 : index
    %swap3A_17 = tpu.vector_load %arg10[%swap3A] {strides = array<i32>} : memref<80xf32, #tpu.memory_space<vmem>>, vector<16xf32>,
    %swap3A_18 = vector.shape_cast %swap3A_17 : vector<16xf32> to vector<16xf32>
    %swap3A_19 = vector.shape_cast %broadcast_in_dim3A_3 : vector<16xf32> to vector<16xf32>
    tpu.vector_store %arg10[%swap3A], %swap3A_19 {strides = array<i32>} : memref<80xf32, #tpu.memory_space<vmem>>, vector<16xf32>,
    %swap3A_20 = arith.constant 16 : index
    %swap3A_21 = tpu.vector_load %arg10[%swap3A_20] {strides = array<i32>} : memref<80xf32, #tpu.memory_space<vmem>>, vector<16xf32>,
    %swap3A_22 = vector.shape_cast %swap3A_21 : vector<16xf32> to vector<16xf32>
    %swap3A_23 = vector.shape_cast %broadcast_in_dim3A_3 : vector<16xf32> to vector<16xf32>
    tpu.vector_store %arg10[%swap3A_20], %swap3A_23 {strides = array<i32>} : memref<80xf32, #tpu.memory_space<vmem>>, vector<16xf32>,
    %swap3A_24 = arith.constant 32 : index
    %swap3A_25 = tpu.vector_load %arg10[%swap3A_24] {strides = array<i32>} : memref<80xf32, #tpu.memory_space<vmem>>, vector<16xf32>,
    %swap3A_26 = vector.shape_cast %swap3A_25 : vector<16xf32> to vector<16xf32>
    %swap3A_27 = vector.shape_cast %broadcast_in_dim3A_3 : vector<16xf32> to vector<16xf32>
    tpu.vector_store %arg10[%swap3A_24], %swap3A_27 {strides = array<i32>} : memref<80xf32, #tpu.memory_space<vmem>>, vector<16xf32>,
    %swap3A_28 = arith.constant 48 : index
    %swap3A_29 = tpu.vector_load %arg10[%swap3A_28] {strides = array<i32>} : memref<80xf32, #tpu.memory_space<vmem>>, vector<16xf32>,
    %swap3A_30 = vector.shape_cast %swap3A_29 : vector<16xf32> to vector<16xf32>
    %swap3A_31 = vector.shape_cast %broadcast_in_dim3A_3 : vector<16xf32> to vector<16xf32>
    tpu.vector_store %arg10[%swap3A_28], %swap3A_31 {strides = array<i32>} : memref<80xf32, #tpu.memory_space<vmem>>, vector<16xf32>,
    %swap3A_32 = arith.constant 64 : index
    %swap3A_33 = tpu.vector_load %arg10[%swap3A_32] {strides = array<i32>} : memref<80xf32, #tpu.memory_space<vmem>>, vector<16xf32>,
    %swap3A_34 = vector.shape_cast %swap3A_33 : vector<16xf32> to vector<16xf32>
    %swap3A_35 = vector.shape_cast %broadcast_in_dim3A_3 : vector<16xf32> to vector<16xf32>
    tpu.vector_store %arg10[%swap3A_32], %swap3A_35 {strides = array<i32>} : memref<80xf32, #tpu.memory_space<vmem>>, vector<16xf32>,
    %mul3A_36 = arith.constant 640 : i32
    %mul3A_37 = arith.muli %arg1, %mul3A_36 : i32
    %add3A_38 = arith.constant 0 : i32
    %add3A_39 = arith.addi %mul3A_37, %add3A_38 : i32
    "tpu.region"() ({
      %run_scoped3A = tpu.sem_alloc : memref<!tpu.dma_semaphore, #tpu.memory_space<semaphore_mem>>
      %dma_start3A_338 = arith.constant 0 : i32
      %dma_start3A_339 = tpu.memref_slice %arg12[%add3A_39, %dma_start3A_338] : memref<10240x128xf32, #tpu.memory_space<vmem_shared>> -> memref<64x128xf32, #tpu.memory_space<vmem_shared>>
      %dma_start3A_340 = arith.constant 0 : i32
      %dma_start3A_341 = tpu.memref_slice %arg12[%add3A_39, %dma_start3A_340] : memref<10240x128xf32, #tpu.memory_space<vmem_shared>> -> memref<64x128xf32, #tpu.memory_space<vmem_shared>>
      tpu.enqueue_dma source(%arg9 : memref<64x128xf32, #tpu.memory_space<vmem>>) target(%dma_start3A_341 : memref<64x128xf32, #tpu.memory_space<vmem_shared>>) target_semaphore(%run_scoped3A : memref<!tpu.dma_semaphore, #tpu.memory_space<semaphore_mem>>)
      %dma_wait3A_342 = arith.constant 0 : i32
      %dma_wait3A_343 = tpu.memref_slice %arg12[%add3A_39, %dma_wait3A_342] : memref<10240x128xf32, #tpu.memory_space<vmem_shared>> -> memref<64x128xf32, #tpu.memory_space<vmem_shared>>
      %dma_wait3A_344 = arith.constant 0 : i32
      %dma_wait3A_345 = tpu.memref_slice %arg12[%add3A_39, %dma_wait3A_344] : memref<10240x128xf32, #tpu.memory_space<vmem_shared>> -> memref<64x128xf32, #tpu.memory_space<vmem_shared>>
      tpu.wait_dma2 semaphore(%run_scoped3A : memref<!tpu.dma_semaphore, #tpu.memory_space<semaphore_mem>>) src(%arg9 : memref<64x128xf32, #tpu.memory_space<vmem>>) dst(%dma_wait3A_345 : memref<64x128xf32, #tpu.memory_space<vmem_shared>>)
      tpu.yield
    }) : () -> ()
    %mul3A_40 = arith.constant 640 : i32
    %mul3A_41 = arith.muli %arg1, %mul3A_40 : i32
    %add3A_42 = arith.constant 64 : i32
    %add3A_43 = arith.addi %mul3A_41, %add3A_42 : i32
    "tpu.region"() ({
      %run_scoped3A = tpu.sem_alloc : memref<!tpu.dma_semaphore, #tpu.memory_space<semaphore_mem>>
      %dma_start3A_338 = arith.constant 0 : i32
      %dma_start3A_339 = tpu.memref_slice %arg12[%add3A_43, %dma_start3A_338] : memref<10240x128xf32, #tpu.memory_space<vmem_shared>> -> memref<64x128xf32, #tpu.memory_space<vmem_shared>>
      %dma_start3A_340 = arith.constant 0 : i32
      %dma_start3A_341 = tpu.memref_slice %arg12[%add3A_43, %dma_start3A_340] : memref<10240x128xf32, #tpu.memory_space<vmem_shared>> -> memref<64x128xf32, #tpu.memory_space<vmem_shared>>
      tpu.enqueue_dma source(%arg9 : memref<64x128xf32, #tpu.memory_space<vmem>>) target(%dma_start3A_341 : memref<64x128xf32, #tpu.memory_space<vmem_shared>>) target_semaphore(%run_scoped3A : memref<!tpu.dma_semaphore, #tpu.memory_space<semaphore_mem>>)
      %dma_wait3A_342 = arith.constant 0 : i32
      %dma_wait3A_343 = tpu.memref_slice %arg12[%add3A_43, %dma_wait3A_342] : memref<10240x128xf32, #tpu.memory_space<vmem_shared>> -> memref<64x128xf32, #tpu.memory_space<vmem_shared>>
      %dma_wait3A_344 = arith.constant 0 : i32
      %dma_wait3A_345 = tpu.memref_slice %arg12[%add3A_43, %dma_wait3A_344] : memref<10240x128xf32, #tpu.memory_space<vmem_shared>> -> memref<64x128xf32, #tpu.memory_space<vmem_shared>>
      tpu.wait_dma2 semaphore(%run_scoped3A : memref<!tpu.dma_semaphore, #tpu.memory_space<semaphore_mem>>) src(%arg9 : memref<64x128xf32, #tpu.memory_space<vmem>>) dst(%dma_wait3A_345 : memref<64x128xf32, #tpu.memory_space<vmem_shared>>)
      tpu.yield
    }) : () -> ()
    %mul3A_44 = arith.constant 640 : i32
    %mul3A_45 = arith.muli %arg1, %mul3A_44 : i32
    %add3A_46 = arith.constant 128 : i32
    %add3A_47 = arith.addi %mul3A_45, %add3A_46 : i32
    "tpu.region"() ({
      %run_scoped3A = tpu.sem_alloc : memref<!tpu.dma_semaphore, #tpu.memory_space<semaphore_mem>>
      %dma_start3A_338 = arith.constant 0 : i32
      %dma_start3A_339 = tpu.memref_slice %arg12[%add3A_47, %dma_start3A_338] : memref<10240x128xf32, #tpu.memory_space<vmem_shared>> -> memref<64x128xf32, #tpu.memory_space<vmem_shared>>
      %dma_start3A_340 = arith.constant 0 : i32
      %dma_start3A_341 = tpu.memref_slice %arg12[%add3A_47, %dma_start3A_340] : memref<10240x128xf32, #tpu.memory_space<vmem_shared>> -> memref<64x128xf32, #tpu.memory_space<vmem_shared>>
      tpu.enqueue_dma source(%arg9 : memref<64x128xf32, #tpu.memory_space<vmem>>) target(%dma_start3A_341 : memref<64x128xf32, #tpu.memory_space<vmem_shared>>) target_semaphore(%run_scoped3A : memref<!tpu.dma_semaphore, #tpu.memory_space<semaphore_mem>>)
      %dma_wait3A_342 = arith.constant 0 : i32
      %dma_wait3A_343 = tpu.memref_slice %arg12[%add3A_47, %dma_wait3A_342] : memref<10240x128xf32, #tpu.memory_space<vmem_shared>> -> memref<64x128xf32, #tpu.memory_space<vmem_shared>>
      %dma_wait3A_344 = arith.constant 0 : i32
      %dma_wait3A_345 = tpu.memref_slice %arg12[%add3A_47, %dma_wait3A_344] : memref<10240x128xf32, #tpu.memory_space<vmem_shared>> -> memref<64x128xf32, #tpu.memory_space<vmem_shared>>
      tpu.wait_dma2 semaphore(%run_scoped3A : memref<!tpu.dma_semaphore, #tpu.memory_space<semaphore_mem>>) src(%arg9 : memref<64x128xf32, #tpu.memory_space<vmem>>) dst(%dma_wait3A_345 : memref<64x128xf32, #tpu.memory_space<vmem_shared>>)
      tpu.yield
    }) : () -> ()
    %mul3A_48 = arith.constant 640 : i32
    %mul3A_49 = arith.muli %arg1, %mul3A_48 : i32
    %add3A_50 = arith.constant 192 : i32
    %add3A_51 = arith.addi %mul3A_49, %add3A_50 : i32
    "tpu.region"() ({
      %run_scoped3A = tpu.sem_alloc : memref<!tpu.dma_semaphore, #tpu.memory_space<semaphore_mem>>
      %dma_start3A_338 = arith.constant 0 : i32
      %dma_start3A_339 = tpu.memref_slice %arg12[%add3A_51, %dma_start3A_338] : memref<10240x128xf32, #tpu.memory_space<vmem_shared>> -> memref<64x128xf32, #tpu.memory_space<vmem_shared>>
      %dma_start3A_340 = arith.constant 0 : i32
      %dma_start3A_341 = tpu.memref_slice %arg12[%add3A_51, %dma_start3A_340] : memref<10240x128xf32, #tpu.memory_space<vmem_shared>> -> memref<64x128xf32, #tpu.memory_space<vmem_shared>>
      tpu.enqueue_dma source(%arg9 : memref<64x128xf32, #tpu.memory_space<vmem>>) target(%dma_start3A_341 : memref<64x128xf32, #tpu.memory_space<vmem_shared>>) target_semaphore(%run_scoped3A : memref<!tpu.dma_semaphore, #tpu.memory_space<semaphore_mem>>)
      %dma_wait3A_342 = arith.constant 0 : i32
      %dma_wait3A_343 = tpu.memref_slice %arg12[%add3A_51, %dma_wait3A_342] : memref<10240x128xf32, #tpu.memory_space<vmem_shared>> -> memref<64x128xf32, #tpu.memory_space<vmem_shared>>
      %dma_wait3A_344 = arith.constant 0 : i32
      %dma_wait3A_345 = tpu.memref_slice %arg12[%add3A_51, %dma_wait3A_344] : memref<10240x128xf32, #tpu.memory_space<vmem_shared>> -> memref<64x128xf32, #tpu.memory_space<vmem_shared>>
      tpu.wait_dma2 semaphore(%run_scoped3A : memref<!tpu.dma_semaphore, #tpu.memory_space<semaphore_mem>>) src(%arg9 : memref<64x128xf32, #tpu.memory_space<vmem>>) dst(%dma_wait3A_345 : memref<64x128xf32, #tpu.memory_space<vmem_shared>>)
      tpu.yield
    }) : () -> ()
    %mul3A_52 = arith.constant 640 : i32
    %mul3A_53 = arith.muli %arg1, %mul3A_52 : i32
    %add3A_54 = arith.constant 256 : i32
    %add3A_55 = arith.addi %mul3A_53, %add3A_54 : i32
    "tpu.region"() ({
      %run_scoped3A = tpu.sem_alloc : memref<!tpu.dma_semaphore, #tpu.memory_space<semaphore_mem>>
      %dma_start3A_338 = arith.constant 0 : i32
      %dma_start3A_339 = tpu.memref_slice %arg12[%add3A_55, %dma_start3A_338] : memref<10240x128xf32, #tpu.memory_space<vmem_shared>> -> memref<64x128xf32, #tpu.memory_space<vmem_shared>>
      %dma_start3A_340 = arith.constant 0 : i32
      %dma_start3A_341 = tpu.memref_slice %arg12[%add3A_55, %dma_start3A_340] : memref<10240x128xf32, #tpu.memory_space<vmem_shared>> -> memref<64x128xf32, #tpu.memory_space<vmem_shared>>
      tpu.enqueue_dma source(%arg9 : memref<64x128xf32, #tpu.memory_space<vmem>>) target(%dma_start3A_341 : memref<64x128xf32, #tpu.memory_space<vmem_shared>>) target_semaphore(%run_scoped3A : memref<!tpu.dma_semaphore, #tpu.memory_space<semaphore_mem>>)
      %dma_wait3A_342 = arith.constant 0 : i32
      %dma_wait3A_343 = tpu.memref_slice %arg12[%add3A_55, %dma_wait3A_342] : memref<10240x128xf32, #tpu.memory_space<vmem_shared>> -> memref<64x128xf32, #tpu.memory_space<vmem_shared>>
      %dma_wait3A_344 = arith.constant 0 : i32
      %dma_wait3A_345 = tpu.memref_slice %arg12[%add3A_55, %dma_wait3A_344] : memref<10240x128xf32, #tpu.memory_space<vmem_shared>> -> memref<64x128xf32, #tpu.memory_space<vmem_shared>>
      tpu.wait_dma2 semaphore(%run_scoped3A : memref<!tpu.dma_semaphore, #tpu.memory_space<semaphore_mem>>) src(%arg9 : memref<64x128xf32, #tpu.memory_space<vmem>>) dst(%dma_wait3A_345 : memref<64x128xf32, #tpu.memory_space<vmem_shared>>)
      tpu.yield
    }) : () -> ()
    %mul3A_56 = arith.constant 640 : i32
    %mul3A_57 = arith.muli %arg1, %mul3A_56 : i32
    %add3A_58 = arith.constant 320 : i32
    %add3A_59 = arith.addi %mul3A_57, %add3A_58 : i32
    "tpu.region"() ({
      %run_scoped3A = tpu.sem_alloc : memref<!tpu.dma_semaphore, #tpu.memory_space<semaphore_mem>>
      %dma_start3A_338 = arith.constant 0 : i32
      %dma_start3A_339 = tpu.memref_slice %arg12[%add3A_59, %dma_start3A_338] : memref<10240x128xf32, #tpu.memory_space<vmem_shared>> -> memref<64x128xf32, #tpu.memory_space<vmem_shared>>
      %dma_start3A_340 = arith.constant 0 : i32
      %dma_start3A_341 = tpu.memref_slice %arg12[%add3A_59, %dma_start3A_340] : memref<10240x128xf32, #tpu.memory_space<vmem_shared>> -> memref<64x128xf32, #tpu.memory_space<vmem_shared>>
      tpu.enqueue_dma source(%arg9 : memref<64x128xf32, #tpu.memory_space<vmem>>) target(%dma_start3A_341 : memref<64x128xf32, #tpu.memory_space<vmem_shared>>) target_semaphore(%run_scoped3A : memref<!tpu.dma_semaphore, #tpu.memory_space<semaphore_mem>>)
      %dma_wait3A_342 = arith.constant 0 : i32
      %dma_wait3A_343 = tpu.memref_slice %arg12[%add3A_59, %dma_wait3A_342] : memref<10240x128xf32, #tpu.memory_space<vmem_shared>> -> memref<64x128xf32, #tpu.memory_space<vmem_shared>>
      %dma_wait3A_344 = arith.constant 0 : i32
      %dma_wait3A_345 = tpu.memref_slice %arg12[%add3A_59, %dma_wait3A_344] : memref<10240x128xf32, #tpu.memory_space<vmem_shared>> -> memref<64x128xf32, #tpu.memory_space<vmem_shared>>
      tpu.wait_dma2 semaphore(%run_scoped3A : memref<!tpu.dma_semaphore, #tpu.memory_space<semaphore_mem>>) src(%arg9 : memref<64x128xf32, #tpu.memory_space<vmem>>) dst(%dma_wait3A_345 : memref<64x128xf32, #tpu.memory_space<vmem_shared>>)
      tpu.yield
    }) : () -> ()
    %mul3A_60 = arith.constant 640 : i32
    %mul3A_61 = arith.muli %arg1, %mul3A_60 : i32
    %add3A_62 = arith.constant 384 : i32
    %add3A_63 = arith.addi %mul3A_61, %add3A_62 : i32
    "tpu.region"() ({
      %run_scoped3A = tpu.sem_alloc : memref<!tpu.dma_semaphore, #tpu.memory_space<semaphore_mem>>
      %dma_start3A_338 = arith.constant 0 : i32
      %dma_start3A_339 = tpu.memref_slice %arg12[%add3A_63, %dma_start3A_338] : memref<10240x128xf32, #tpu.memory_space<vmem_shared>> -> memref<64x128xf32, #tpu.memory_space<vmem_shared>>
      %dma_start3A_340 = arith.constant 0 : i32
      %dma_start3A_341 = tpu.memref_slice %arg12[%add3A_63, %dma_start3A_340] : memref<10240x128xf32, #tpu.memory_space<vmem_shared>> -> memref<64x128xf32, #tpu.memory_space<vmem_shared>>
      tpu.enqueue_dma source(%arg9 : memref<64x128xf32, #tpu.memory_space<vmem>>) target(%dma_start3A_341 : memref<64x128xf32, #tpu.memory_space<vmem_shared>>) target_semaphore(%run_scoped3A : memref<!tpu.dma_semaphore, #tpu.memory_space<semaphore_mem>>)
      %dma_wait3A_342 = arith.constant 0 : i32
      %dma_wait3A_343 = tpu.memref_slice %arg12[%add3A_63, %dma_wait3A_342] : memref<10240x128xf32, #tpu.memory_space<vmem_shared>> -> memref<64x128xf32, #tpu.memory_space<vmem_shared>>
      %dma_wait3A_344 = arith.constant 0 : i32
      %dma_wait3A_345 = tpu.memref_slice %arg12[%add3A_63, %dma_wait3A_344] : memref<10240x128xf32, #tpu.memory_space<vmem_shared>> -> memref<64x128xf32, #tpu.memory_space<vmem_shared>>
      tpu.wait_dma2 semaphore(%run_scoped3A : memref<!tpu.dma_semaphore, #tpu.memory_space<semaphore_mem>>) src(%arg9 : memref<64x128xf32, #tpu.memory_space<vmem>>) dst(%dma_wait3A_345 : memref<64x128xf32, #tpu.memory_space<vmem_shared>>)
      tpu.yield
    }) : () -> ()
    %mul3A_64 = arith.constant 640 : i32
    %mul3A_65 = arith.muli %arg1, %mul3A_64 : i32
    %add3A_66 = arith.constant 448 : i32
    %add3A_67 = arith.addi %mul3A_65, %add3A_66 : i32
    "tpu.region"() ({
      %run_scoped3A = tpu.sem_alloc : memref<!tpu.dma_semaphore, #tpu.memory_space<semaphore_mem>>
      %dma_start3A_338 = arith.constant 0 : i32
      %dma_start3A_339 = tpu.memref_slice %arg12[%add3A_67, %dma_start3A_338] : memref<10240x128xf32, #tpu.memory_space<vmem_shared>> -> memref<64x128xf32, #tpu.memory_space<vmem_shared>>
      %dma_start3A_340 = arith.constant 0 : i32
      %dma_start3A_341 = tpu.memref_slice %arg12[%add3A_67, %dma_start3A_340] : memref<10240x128xf32, #tpu.memory_space<vmem_shared>> -> memref<64x128xf32, #tpu.memory_space<vmem_shared>>
      tpu.enqueue_dma source(%arg9 : memref<64x128xf32, #tpu.memory_space<vmem>>) target(%dma_start3A_341 : memref<64x128xf32, #tpu.memory_space<vmem_shared>>) target_semaphore(%run_scoped3A : memref<!tpu.dma_semaphore, #tpu.memory_space<semaphore_mem>>)
      %dma_wait3A_342 = arith.constant 0 : i32
      %dma_wait3A_343 = tpu.memref_slice %arg12[%add3A_67, %dma_wait3A_342] : memref<10240x128xf32, #tpu.memory_space<vmem_shared>> -> memref<64x128xf32, #tpu.memory_space<vmem_shared>>
      %dma_wait3A_344 = arith.constant 0 : i32
      %dma_wait3A_345 = tpu.memref_slice %arg12[%add3A_67, %dma_wait3A_344] : memref<10240x128xf32, #tpu.memory_space<vmem_shared>> -> memref<64x128xf32, #tpu.memory_space<vmem_shared>>
      tpu.wait_dma2 semaphore(%run_scoped3A : memref<!tpu.dma_semaphore, #tpu.memory_space<semaphore_mem>>) src(%arg9 : memref<64x128xf32, #tpu.memory_space<vmem>>) dst(%dma_wait3A_345 : memref<64x128xf32, #tpu.memory_space<vmem_shared>>)
      tpu.yield
    }) : () -> ()
    %mul3A_68 = arith.constant 640 : i32
    %mul3A_69 = arith.muli %arg1, %mul3A_68 : i32
    %add3A_70 = arith.constant 512 : i32
    %add3A_71 = arith.addi %mul3A_69, %add3A_70 : i32
    "tpu.region"() ({
      %run_scoped3A = tpu.sem_alloc : memref<!tpu.dma_semaphore, #tpu.memory_space<semaphore_mem>>
      %dma_start3A_338 = arith.constant 0 : i32
      %dma_start3A_339 = tpu.memref_slice %arg12[%add3A_71, %dma_start3A_338] : memref<10240x128xf32, #tpu.memory_space<vmem_shared>> -> memref<64x128xf32, #tpu.memory_space<vmem_shared>>
      %dma_start3A_340 = arith.constant 0 : i32
      %dma_start3A_341 = tpu.memref_slice %arg12[%add3A_71, %dma_start3A_340] : memref<10240x128xf32, #tpu.memory_space<vmem_shared>> -> memref<64x128xf32, #tpu.memory_space<vmem_shared>>
      tpu.enqueue_dma source(%arg9 : memref<64x128xf32, #tpu.memory_space<vmem>>) target(%dma_start3A_341 : memref<64x128xf32, #tpu.memory_space<vmem_shared>>) target_semaphore(%run_scoped3A : memref<!tpu.dma_semaphore, #tpu.memory_space<semaphore_mem>>)
      %dma_wait3A_342 = arith.constant 0 : i32
      %dma_wait3A_343 = tpu.memref_slice %arg12[%add3A_71, %dma_wait3A_342] : memref<10240x128xf32, #tpu.memory_space<vmem_shared>> -> memref<64x128xf32, #tpu.memory_space<vmem_shared>>
      %dma_wait3A_344 = arith.constant 0 : i32
      %dma_wait3A_345 = tpu.memref_slice %arg12[%add3A_71, %dma_wait3A_344] : memref<10240x128xf32, #tpu.memory_space<vmem_shared>> -> memref<64x128xf32, #tpu.memory_space<vmem_shared>>
      tpu.wait_dma2 semaphore(%run_scoped3A : memref<!tpu.dma_semaphore, #tpu.memory_space<semaphore_mem>>) src(%arg9 : memref<64x128xf32, #tpu.memory_space<vmem>>) dst(%dma_wait3A_345 : memref<64x128xf32, #tpu.memory_space<vmem_shared>>)
      tpu.yield
    }) : () -> ()
    %mul3A_72 = arith.constant 640 : i32
    %mul3A_73 = arith.muli %arg1, %mul3A_72 : i32
    %add3A_74 = arith.constant 576 : i32
    %add3A_75 = arith.addi %mul3A_73, %add3A_74 : i32
    "tpu.region"() ({
      %run_scoped3A = tpu.sem_alloc : memref<!tpu.dma_semaphore, #tpu.memory_space<semaphore_mem>>
      %dma_start3A_338 = arith.constant 0 : i32
      %dma_start3A_339 = tpu.memref_slice %arg12[%add3A_75, %dma_start3A_338] : memref<10240x128xf32, #tpu.memory_space<vmem_shared>> -> memref<64x128xf32, #tpu.memory_space<vmem_shared>>
      %dma_start3A_340 = arith.constant 0 : i32
      %dma_start3A_341 = tpu.memref_slice %arg12[%add3A_75, %dma_start3A_340] : memref<10240x128xf32, #tpu.memory_space<vmem_shared>> -> memref<64x128xf32, #tpu.memory_space<vmem_shared>>
      tpu.enqueue_dma source(%arg9 : memref<64x128xf32, #tpu.memory_space<vmem>>) target(%dma_start3A_341 : memref<64x128xf32, #tpu.memory_space<vmem_shared>>) target_semaphore(%run_scoped3A : memref<!tpu.dma_semaphore, #tpu.memory_space<semaphore_mem>>)
      %dma_wait3A_342 = arith.constant 0 : i32
      %dma_wait3A_343 = tpu.memref_slice %arg12[%add3A_75, %dma_wait3A_342] : memref<10240x128xf32, #tpu.memory_space<vmem_shared>> -> memref<64x128xf32, #tpu.memory_space<vmem_shared>>
      %dma_wait3A_344 = arith.constant 0 : i32
      %dma_wait3A_345 = tpu.memref_slice %arg12[%add3A_75, %dma_wait3A_344] : memref<10240x128xf32, #tpu.memory_space<vmem_shared>> -> memref<64x128xf32, #tpu.memory_space<vmem_shared>>
      tpu.wait_dma2 semaphore(%run_scoped3A : memref<!tpu.dma_semaphore, #tpu.memory_space<semaphore_mem>>) src(%arg9 : memref<64x128xf32, #tpu.memory_space<vmem>>) dst(%dma_wait3A_345 : memref<64x128xf32, #tpu.memory_space<vmem_shared>>)
      tpu.yield
    }) : () -> ()
    %barrier3A = arith.constant 0 : index
    tpu.barrier barrier_id(%barrier3A)
    %dma_start3A = arith.constant 0 : i32
    %dma_start3A_76 = arith.constant 0 : i32
    %dma_start3A_77 = arith.constant 0 : i32
    %dma_start3A_78 = tpu.memref_slice %arg5[%dma_start3A_76, %dma_start3A_77] : memref<3x80xi32, #tpu.memory_space<vmem>> -> memref<1x80xi32, #tpu.memory_space<vmem>>
    %dma_start3A_79 = tpu.memref_squeeze %dma_start3A_78 : memref<1x80xi32, #tpu.memory_space<vmem>> -> memref<80xi32, #tpu.memory_space<vmem>>
    %dma_start3A_80 = arith.constant 0 : i32
    %dma_start3A_81 = tpu.memref_slice %arg3[%add3A, %dma_start3A, %dma_start3A_80] : memref<32x125x80xi32, #tpu.memory_space<hbm>> -> memref<1x1x80xi32, #tpu.memory_space<hbm>>
    %dma_start3A_82 = tpu.memref_squeeze %dma_start3A_81 : memref<1x1x80xi32, #tpu.memory_space<hbm>> -> memref<80xi32, #tpu.memory_space<hbm>>
    %dma_start3A_83 = arith.constant 0 : i32
    %dma_start3A_84 = tpu.memref_slice %arg5[%dma_start3A_76, %dma_start3A_83] : memref<3x80xi32, #tpu.memory_space<vmem>> -> memref<1x80xi32, #tpu.memory_space<vmem>>
    %dma_start3A_85 = tpu.memref_squeeze %dma_start3A_84 : memref<1x80xi32, #tpu.memory_space<vmem>> -> memref<80xi32, #tpu.memory_space<vmem>>
    %dma_start3A_86 = arith.constant 0 : i32
    %dma_start3A_87 = tpu.memref_slice %arg3[%add3A, %dma_start3A, %dma_start3A_86] : memref<32x125x80xi32, #tpu.memory_space<hbm>> -> memref<1x1x80xi32, #tpu.memory_space<hbm>>
    %dma_start3A_88 = tpu.memref_squeeze %dma_start3A_87 : memref<1x1x80xi32, #tpu.memory_space<hbm>> -> memref<80xi32, #tpu.memory_space<hbm>>
    tpu.enqueue_dma source(%dma_start3A_88 : memref<80xi32, #tpu.memory_space<hbm>>) target(%dma_start3A_85 : memref<80xi32, #tpu.memory_space<vmem>>) target_semaphore(%arg14 : memref<!tpu.dma_semaphore, #tpu.memory_space<semaphore_mem>>)
    %dma_start3A_89 = arith.constant 1 : i32
    %dma_start3A_90 = arith.constant 1 : i32
    %dma_start3A_91 = arith.constant 0 : i32
    %dma_start3A_92 = tpu.memref_slice %arg5[%dma_start3A_90, %dma_start3A_91] : memref<3x80xi32, #tpu.memory_space<vmem>> -> memref<1x80xi32, #tpu.memory_space<vmem>>
    %dma_start3A_93 = tpu.memref_squeeze %dma_start3A_92 : memref<1x80xi32, #tpu.memory_space<vmem>> -> memref<80xi32, #tpu.memory_space<vmem>>
    %dma_start3A_94 = arith.constant 0 : i32
    %dma_start3A_95 = tpu.memref_slice %arg3[%add3A, %dma_start3A_89, %dma_start3A_94] : memref<32x125x80xi32, #tpu.memory_space<hbm>> -> memref<1x1x80xi32, #tpu.memory_space<hbm>>
    %dma_start3A_96 = tpu.memref_squeeze %dma_start3A_95 : memref<1x1x80xi32, #tpu.memory_space<hbm>> -> memref<80xi32, #tpu.memory_space<hbm>>
    %dma_start3A_97 = arith.constant 0 : i32
    %dma_start3A_98 = tpu.memref_slice %arg5[%dma_start3A_90, %dma_start3A_97] : memref<3x80xi32, #tpu.memory_space<vmem>> -> memref<1x80xi32, #tpu.memory_space<vmem>>
    %dma_start3A_99 = tpu.memref_squeeze %dma_start3A_98 : memref<1x80xi32, #tpu.memory_space<vmem>> -> memref<80xi32, #tpu.memory_space<vmem>>
    %dma_start3A_100 = arith.constant 0 : i32
    %dma_start3A_101 = tpu.memref_slice %arg3[%add3A, %dma_start3A_89, %dma_start3A_100] : memref<32x125x80xi32, #tpu.memory_space<hbm>> -> memref<1x1x80xi32, #tpu.memory_space<hbm>>
    %dma_start3A_102 = tpu.memref_squeeze %dma_start3A_101 : memref<1x1x80xi32, #tpu.memory_space<hbm>> -> memref<80xi32, #tpu.memory_space<hbm>>
    tpu.enqueue_dma source(%dma_start3A_102 : memref<80xi32, #tpu.memory_space<hbm>>) target(%dma_start3A_99 : memref<80xi32, #tpu.memory_space<vmem>>) target_semaphore(%arg15 : memref<!tpu.dma_semaphore, #tpu.memory_space<semaphore_mem>>)
    %dma_start3A_103 = arith.constant 2 : i32
    %dma_start3A_104 = arith.constant 2 : i32
    %dma_start3A_105 = arith.constant 0 : i32
    %dma_start3A_106 = tpu.memref_slice %arg5[%dma_start3A_104, %dma_start3A_105] : memref<3x80xi32, #tpu.memory_space<vmem>> -> memref<1x80xi32, #tpu.memory_space<vmem>>
    %dma_start3A_107 = tpu.memref_squeeze %dma_start3A_106 : memref<1x80xi32, #tpu.memory_space<vmem>> -> memref<80xi32, #tpu.memory_space<vmem>>
    %dma_start3A_108 = arith.constant 0 : i32
    %dma_start3A_109 = tpu.memref_slice %arg3[%add3A, %dma_start3A_103, %dma_start3A_108] : memref<32x125x80xi32, #tpu.memory_space<hbm>> -> memref<1x1x80xi32, #tpu.memory_space<hbm>>
    %dma_start3A_110 = tpu.memref_squeeze %dma_start3A_109 : memref<1x1x80xi32, #tpu.memory_space<hbm>> -> memref<80xi32, #tpu.memory_space<hbm>>
    %dma_start3A_111 = arith.constant 0 : i32
    %dma_start3A_112 = tpu.memref_slice %arg5[%dma_start3A_104, %dma_start3A_111] : memref<3x80xi32, #tpu.memory_space<vmem>> -> memref<1x80xi32, #tpu.memory_space<vmem>>
    %dma_start3A_113 = tpu.memref_squeeze %dma_start3A_112 : memref<1x80xi32, #tpu.memory_space<vmem>> -> memref<80xi32, #tpu.memory_space<vmem>>
    %dma_start3A_114 = arith.constant 0 : i32
    %dma_start3A_115 = tpu.memref_slice %arg3[%add3A, %dma_start3A_103, %dma_start3A_114] : memref<32x125x80xi32, #tpu.memory_space<hbm>> -> memref<1x1x80xi32, #tpu.memory_space<hbm>>
    %dma_start3A_116 = tpu.memref_squeeze %dma_start3A_115 : memref<1x1x80xi32, #tpu.memory_space<hbm>> -> memref<80xi32, #tpu.memory_space<hbm>>
    tpu.enqueue_dma source(%dma_start3A_116 : memref<80xi32, #tpu.memory_space<hbm>>) target(%dma_start3A_113 : memref<80xi32, #tpu.memory_space<vmem>>) target_semaphore(%arg16 : memref<!tpu.dma_semaphore, #tpu.memory_space<semaphore_mem>>)
    %dma_wait3A = arith.constant 0 : i32
    %dma_wait3A_117 = arith.constant 0 : i32
    %dma_wait3A_118 = arith.constant 0 : i32
    %dma_wait3A_119 = tpu.memref_slice %arg5[%dma_wait3A_117, %dma_wait3A_118] : memref<3x80xi32, #tpu.memory_space<vmem>> -> memref<1x80xi32, #tpu.memory_space<vmem>>
    %dma_wait3A_120 = tpu.memref_squeeze %dma_wait3A_119 : memref<1x80xi32, #tpu.memory_space<vmem>> -> memref<80xi32, #tpu.memory_space<vmem>>
    %dma_wait3A_121 = arith.constant 0 : i32
    %dma_wait3A_122 = tpu.memref_slice %arg3[%add3A, %dma_wait3A, %dma_wait3A_121] : memref<32x125x80xi32, #tpu.memory_space<hbm>> -> memref<1x1x80xi32, #tpu.memory_space<hbm>>
    %dma_wait3A_123 = tpu.memref_squeeze %dma_wait3A_122 : memref<1x1x80xi32, #tpu.memory_space<hbm>> -> memref<80xi32, #tpu.memory_space<hbm>>
    %dma_wait3A_124 = arith.constant 0 : i32
    %dma_wait3A_125 = tpu.memref_slice %arg5[%dma_wait3A_117, %dma_wait3A_124] : memref<3x80xi32, #tpu.memory_space<vmem>> -> memref<1x80xi32, #tpu.memory_space<vmem>>
    %dma_wait3A_126 = tpu.memref_squeeze %dma_wait3A_125 : memref<1x80xi32, #tpu.memory_space<vmem>> -> memref<80xi32, #tpu.memory_space<vmem>>
    %dma_wait3A_127 = arith.constant 0 : i32
    %dma_wait3A_128 = tpu.memref_slice %arg3[%add3A, %dma_wait3A, %dma_wait3A_127] : memref<32x125x80xi32, #tpu.memory_space<hbm>> -> memref<1x1x80xi32, #tpu.memory_space<hbm>>
    %dma_wait3A_129 = tpu.memref_squeeze %dma_wait3A_128 : memref<1x1x80xi32, #tpu.memory_space<hbm>> -> memref<80xi32, #tpu.memory_space<hbm>>
    tpu.wait_dma2 semaphore(%arg14 : memref<!tpu.dma_semaphore, #tpu.memory_space<semaphore_mem>>) src(%dma_wait3A_129 : memref<80xi32, #tpu.memory_space<hbm>>) dst(%dma_wait3A_126 : memref<80xi32, #tpu.memory_space<vmem>>)
    %get3A = arith.constant 0 : i32
    %get3A_130 = arith.index_cast %get3A : i32 to index
    %get3A_131 = arith.constant 0 : index
    %get3A_132 = tpu.vector_load %arg5[%get3A_130, %get3A_131] {strides = array<i32>} : memref<3x80xi32, #tpu.memory_space<vmem>>, vector<1x16xi32>,
    %get3A_133 = vector.shape_cast %get3A_132 : vector<1x16xi32> to vector<16xi32>
    %and3A = arith.constant 65535 : i32
    %and3A_134 = vector.broadcast %and3A : i32 to vector<16xi32>
    %and3A_135 = arith.andi %get3A_133, %and3A_134 : vector<16xi32>
    %swap3A_136 = arith.constant 0 : i32
    %swap3A_137 = arith.index_cast %swap3A_136 : i32 to index
    %swap3A_138 = arith.constant 0 : index
    %swap3A_139 = tpu.vector_load %arg6[%swap3A_137, %swap3A_138] {strides = array<i32>} : memref<3x80xi32, #tpu.memory_space<vmem>>, vector<1x16xi32>,
    %swap3A_140 = vector.shape_cast %swap3A_139 : vector<1x16xi32> to vector<16xi32>
    %swap3A_141 = vector.shape_cast %and3A_135 : vector<16xi32> to vector<1x16xi32>
    tpu.vector_store %arg6[%swap3A_137, %swap3A_138], %swap3A_141 {strides = array<i32>} : memref<3x80xi32, #tpu.memory_space<vmem>>, vector<1x16xi32>,
    %shift_right_logical3A = arith.constant 16 : i32
    %shift_right_logical3A_142 = vector.broadcast %shift_right_logical3A : i32 to vector<16xi32>
    %shift_right_logical3A_143 = arith.shrui %get3A_133, %shift_right_logical3A_142 : vector<16xi32>
    %swap3A_144 = arith.constant 0 : i32
    %swap3A_145 = arith.index_cast %swap3A_144 : i32 to index
    %swap3A_146 = arith.constant 0 : index
    %swap3A_147 = tpu.vector_load %arg7[%swap3A_145, %swap3A_146] {strides = array<i32>} : memref<3x80xi32, #tpu.memory_space<vmem>>, vector<1x16xi32>,
    %swap3A_148 = vector.shape_cast %swap3A_147 : vector<1x16xi32> to vector<16xi32>
    %swap3A_149 = vector.shape_cast %shift_right_logical3A_143 : vector<16xi32> to vector<1x16xi32>
    tpu.vector_store %arg7[%swap3A_145, %swap3A_146], %swap3A_149 {strides = array<i32>} : memref<3x80xi32, #tpu.memory_space<vmem>>, vector<1x16xi32>,
    %get3A_150 = arith.constant 0 : i32
    %get3A_151 = arith.index_cast %get3A_150 : i32 to index
    %get3A_152 = arith.constant 16 : index
    %get3A_153 = tpu.vector_load %arg5[%get3A_151, %get3A_152] {strides = array<i32>} : memref<3x80xi32, #tpu.memory_space<vmem>>, vector<1x16xi32>,
    %get3A_154 = vector.shape_cast %get3A_153 : vector<1x16xi32> to vector<16xi32>
    %and3A_155 = arith.constant 65535 : i32
    %and3A_156 = vector.broadcast %and3A_155 : i32 to vector<16xi32>
    %and3A_157 = arith.andi %get3A_154, %and3A_156 : vector<16xi32>
    %swap3A_158 = arith.constant 0 : i32
    %swap3A_159 = arith.index_cast %swap3A_158 : i32 to index
    %swap3A_160 = arith.constant 16 : index
    %swap3A_161 = tpu.vector_load %arg6[%swap3A_159, %swap3A_160] {strides = array<i32>} : memref<3x80xi32, #tpu.memory_space<vmem>>, vector<1x16xi32>,
    %swap3A_162 = vector.shape_cast %swap3A_161 : vector<1x16xi32> to vector<16xi32>
    %swap3A_163 = vector.shape_cast %and3A_157 : vector<16xi32> to vector<1x16xi32>
    tpu.vector_store %arg6[%swap3A_159, %swap3A_160], %swap3A_163 {strides = array<i32>} : memref<3x80xi32, #tpu.memory_space<vmem>>, vector<1x16xi32>,
    %shift_right_logical3A_164 = arith.constant 16 : i32
    %shift_right_logical3A_165 = vector.broadcast %shift_right_logical3A_164 : i32 to vector<16xi32>
    %shift_right_logical3A_166 = arith.shrui %get3A_154, %shift_right_logical3A_165 : vector<16xi32>
    %swap3A_167 = arith.constant 0 : i32
    %swap3A_168 = arith.index_cast %swap3A_167 : i32 to index
    %swap3A_169 = arith.constant 16 : index
    %swap3A_170 = tpu.vector_load %arg7[%swap3A_168, %swap3A_169] {strides = array<i32>} : memref<3x80xi32, #tpu.memory_space<vmem>>, vector<1x16xi32>,
    %swap3A_171 = vector.shape_cast %swap3A_170 : vector<1x16xi32> to vector<16xi32>
    %swap3A_172 = vector.shape_cast %shift_right_logical3A_166 : vector<16xi32> to vector<1x16xi32>
    tpu.vector_store %arg7[%swap3A_168, %swap3A_169], %swap3A_172 {strides = array<i32>} : memref<3x80xi32, #tpu.memory_space<vmem>>, vector<1x16xi32>,
    %get3A_173 = arith.constant 0 : i32
    %get3A_174 = arith.index_cast %get3A_173 : i32 to index
    %get3A_175 = arith.constant 32 : index
    %get3A_176 = tpu.vector_load %arg5[%get3A_174, %get3A_175] {strides = array<i32>} : memref<3x80xi32, #tpu.memory_space<vmem>>, vector<1x16xi32>,
    %get3A_177 = vector.shape_cast %get3A_176 : vector<1x16xi32> to vector<16xi32>
    %and3A_178 = arith.constant 65535 : i32
    %and3A_179 = vector.broadcast %and3A_178 : i32 to vector<16xi32>
    %and3A_180 = arith.andi %get3A_177, %and3A_179 : vector<16xi32>
    %swap3A_181 = arith.constant 0 : i32
    %swap3A_182 = arith.index_cast %swap3A_181 : i32 to index
    %swap3A_183 = arith.constant 32 : index
    %swap3A_184 = tpu.vector_load %arg6[%swap3A_182, %swap3A_183] {strides = array<i32>} : memref<3x80xi32, #tpu.memory_space<vmem>>, vector<1x16xi32>,
    %swap3A_185 = vector.shape_cast %swap3A_184 : vector<1x16xi32> to vector<16xi32>
    %swap3A_186 = vector.shape_cast %and3A_180 : vector<16xi32> to vector<1x16xi32>
    tpu.vector_store %arg6[%swap3A_182, %swap3A_183], %swap3A_186 {strides = array<i32>} : memref<3x80xi32, #tpu.memory_space<vmem>>, vector<1x16xi32>,
    %shift_right_logical3A_187 = arith.constant 16 : i32
    %shift_right_logical3A_188 = vector.broadcast %shift_right_logical3A_187 : i32 to vector<16xi32>
    %shift_right_logical3A_189 = arith.shrui %get3A_177, %shift_right_logical3A_188 : vector<16xi32>
    %swap3A_190 = arith.constant 0 : i32
    %swap3A_191 = arith.index_cast %swap3A_190 : i32 to index
    %swap3A_192 = arith.constant 32 : index
    %swap3A_193 = tpu.vector_load %arg7[%swap3A_191, %swap3A_192] {strides = array<i32>} : memref<3x80xi32, #tpu.memory_space<vmem>>, vector<1x16xi32>,
    %swap3A_194 = vector.shape_cast %swap3A_193 : vector<1x16xi32> to vector<16xi32>
    %swap3A_195 = vector.shape_cast %shift_right_logical3A_189 : vector<16xi32> to vector<1x16xi32>
    tpu.vector_store %arg7[%swap3A_191, %swap3A_192], %swap3A_195 {strides = array<i32>} : memref<3x80xi32, #tpu.memory_space<vmem>>, vector<1x16xi32>,
    %get3A_196 = arith.constant 0 : i32
    %get3A_197 = arith.index_cast %get3A_196 : i32 to index
    %get3A_198 = arith.constant 48 : index
    %get3A_199 = tpu.vector_load %arg5[%get3A_197, %get3A_198] {strides = array<i32>} : memref<3x80xi32, #tpu.memory_space<vmem>>, vector<1x16xi32>,
    %get3A_200 = vector.shape_cast %get3A_199 : vector<1x16xi32> to vector<16xi32>
    %and3A_201 = arith.constant 65535 : i32
    %and3A_202 = vector.broadcast %and3A_201 : i32 to vector<16xi32>
    %and3A_203 = arith.andi %get3A_200, %and3A_202 : vector<16xi32>
    %swap3A_204 = arith.constant 0 : i32
    %swap3A_205 = arith.index_cast %swap3A_204 : i32 to index
    %swap3A_206 = arith.constant 48 : index
    %swap3A_207 = tpu.vector_load %arg6[%swap3A_205, %swap3A_206] {strides = array<i32>} : memref<3x80xi32, #tpu.memory_space<vmem>>, vector<1x16xi32>,
    %swap3A_208 = vector.shape_cast %swap3A_207 : vector<1x16xi32> to vector<16xi32>
    %swap3A_209 = vector.shape_cast %and3A_203 : vector<16xi32> to vector<1x16xi32>
    tpu.vector_store %arg6[%swap3A_205, %swap3A_206], %swap3A_209 {strides = array<i32>} : memref<3x80xi32, #tpu.memory_space<vmem>>, vector<1x16xi32>,
    %shift_right_logical3A_210 = arith.constant 16 : i32
    %shift_right_logical3A_211 = vector.broadcast %shift_right_logical3A_210 : i32 to vector<16xi32>
    %shift_right_logical3A_212 = arith.shrui %get3A_200, %shift_right_logical3A_211 : vector<16xi32>
    %swap3A_213 = arith.constant 0 : i32
    %swap3A_214 = arith.index_cast %swap3A_213 : i32 to index
    %swap3A_215 = arith.constant 48 : index
    %swap3A_216 = tpu.vector_load %arg7[%swap3A_214, %swap3A_215] {strides = array<i32>} : memref<3x80xi32, #tpu.memory_space<vmem>>, vector<1x16xi32>,
    %swap3A_217 = vector.shape_cast %swap3A_216 : vector<1x16xi32> to vector<16xi32>
    %swap3A_218 = vector.shape_cast %shift_right_logical3A_212 : vector<16xi32> to vector<1x16xi32>
    tpu.vector_store %arg7[%swap3A_214, %swap3A_215], %swap3A_218 {strides = array<i32>} : memref<3x80xi32, #tpu.memory_space<vmem>>, vector<1x16xi32>,
    %get3A_219 = arith.constant 0 : i32
    %get3A_220 = arith.index_cast %get3A_219 : i32 to index
    %get3A_221 = arith.constant 64 : index
    %get3A_222 = tpu.vector_load %arg5[%get3A_220, %get3A_221] {strides = array<i32>} : memref<3x80xi32, #tpu.memory_space<vmem>>, vector<1x16xi32>,
    %get3A_223 = vector.shape_cast %get3A_222 : vector<1x16xi32> to vector<16xi32>
    %and3A_224 = arith.constant 65535 : i32
    %and3A_225 = vector.broadcast %and3A_224 : i32 to vector<16xi32>
    %and3A_226 = arith.andi %get3A_223, %and3A_225 : vector<16xi32>
    %swap3A_227 = arith.constant 0 : i32
    %swap3A_228 = arith.index_cast %swap3A_227 : i32 to index
    %swap3A_229 = arith.constant 64 : index
    %swap3A_230 = tpu.vector_load %arg6[%swap3A_228, %swap3A_229] {strides = array<i32>} : memref<3x80xi32, #tpu.memory_space<vmem>>, vector<1x16xi32>,
    %swap3A_231 = vector.shape_cast %swap3A_230 : vector<1x16xi32> to vector<16xi32>
    %swap3A_232 = vector.shape_cast %and3A_226 : vector<16xi32> to vector<1x16xi32>
    tpu.vector_store %arg6[%swap3A_228, %swap3A_229], %swap3A_232 {strides = array<i32>} : memref<3x80xi32, #tpu.memory_space<vmem>>, vector<1x16xi32>,
    %shift_right_logical3A_233 = arith.constant 16 : i32
    %shift_right_logical3A_234 = vector.broadcast %shift_right_logical3A_233 : i32 to vector<16xi32>
    %shift_right_logical3A_235 = arith.shrui %get3A_223, %shift_right_logical3A_234 : vector<16xi32>
    %swap3A_236 = arith.constant 0 : i32
    %swap3A_237 = arith.index_cast %swap3A_236 : i32 to index
    %swap3A_238 = arith.constant 64 : index
    %swap3A_239 = tpu.vector_load %arg7[%swap3A_237, %swap3A_238] {strides = array<i32>} : memref<3x80xi32, #tpu.memory_space<vmem>>, vector<1x16xi32>,
    %swap3A_240 = vector.shape_cast %swap3A_239 : vector<1x16xi32> to vector<16xi32>
    %swap3A_241 = vector.shape_cast %shift_right_logical3A_235 : vector<16xi32> to vector<1x16xi32>
    tpu.vector_store %arg7[%swap3A_237, %swap3A_238], %swap3A_241 {strides = array<i32>} : memref<3x80xi32, #tpu.memory_space<vmem>>, vector<1x16xi32>,
    %dma_start3A_242 = arith.constant 0 : i32
    %dma_start3A_243 = arith.constant 0 : i32
    %dma_start3A_244 = arith.constant 0 : i32
    %dma_start3A_245 = arith.constant 0 : i32
    %dma_start3A_246 = tpu.memref_slice %arg8[%dma_start3A_243, %dma_start3A_244, %dma_start3A_245] : memref<3x80x128xf32, #tpu.memory_space<vmem>> -> memref<1x80x128xf32, #tpu.memory_space<vmem>>
    %dma_start3A_247 = tpu.memref_squeeze %dma_start3A_246 : memref<1x80x128xf32, #tpu.memory_space<vmem>> -> memref<80x128xf32, #tpu.memory_space<vmem>>
    %dma_start3A_248 = arith.constant 0 : i32
    %dma_start3A_249 = tpu.memref_slice %arg6[%dma_start3A_242, %dma_start3A_248] : memref<3x80xi32, #tpu.memory_space<vmem>> -> memref<1x80xi32, #tpu.memory_space<vmem>>
    %dma_start3A_250 = tpu.memref_squeeze %dma_start3A_249 : memref<1x80xi32, #tpu.memory_space<vmem>> -> memref<80xi32, #tpu.memory_space<vmem>>
    %dma_start3A_251 = arith.constant 0 : i32
    %dma_start3A_252 = arith.constant 0 : i32
    %dma_start3A_253 = tpu.memref_slice %arg2[%dma_start3A_251, %dma_start3A_252] : memref<10000x128xf32, #tpu.memory_space<hbm>> -> memref<10000x128xf32, #tpu.memory_space<hbm>>
    tpu.enqueue_indirect_dma source(%dma_start3A_253 : memref<10000x128xf32, #tpu.memory_space<hbm>>) target(%dma_start3A_247 : memref<80x128xf32, #tpu.memory_space<vmem>>) offsets(%dma_start3A_250 : memref<80xi32, #tpu.memory_space<vmem>>) semaphore(%arg17 : memref<!tpu.dma_semaphore, #tpu.memory_space<semaphore_mem>>)
    %scan3A_254 = arith.constant 0 : i32
    %scan3A_255 = arith.constant 0 : i32
    %scan3A_256 = arith.constant 42 : i32
    %scan3A_257 = arith.addi %scan3A_255, %scan3A_256 : i32
    %scan3A_258 = arith.constant 1 : i32
    %scan3A_259 = scf.for %scan3A_338 = %scan3A_255 to %scan3A_257 step %scan3A_258 iter_args(%scan3A_339 = %scan3A_254) -> (i32)  : i32 {
      %mul3A_340 = arith.constant 3 : i32
      %mul3A_341 = arith.muli %mul3A_340, %scan3A_338 : i32
      %add3A_342 = arith.constant 0 : i32
      %add3A_343 = arith.addi %mul3A_341, %add3A_342 : i32
      %add3A_344 = arith.constant 1 : i32
      %add3A_345 = arith.addi %add3A_343, %add3A_344 : i32
      %lt3A = arith.constant 125 : i32
      %lt3A_346 = arith.cmpi slt, %add3A_345, %lt3A : i32
      %convert_element_type3A = arith.extui %lt3A_346 : i1 to i32
      %cond3A = arith.constant 0 : i32
      %cond3A_347 = arith.cmpi ne, %convert_element_type3A, %cond3A : i32
      scf.if %cond3A_347 {
        %add3A_407 = arith.constant 1 : i32
        %add3A_408 = arith.addi %add3A_343, %add3A_407 : i32
        %ge3A = arith.constant 3 : i32
        %ge3A_409 = arith.cmpi sge, %add3A_408, %ge3A : i32
        %convert_element_type3A_410 = arith.extui %ge3A_409 : i1 to i32
        %cond3A_411 = arith.constant 0 : i32
        %cond3A_412 = arith.cmpi ne, %convert_element_type3A_410, %cond3A_411 : i32
        scf.if %cond3A_412 {
          %dma_wait3A_553 = arith.constant 1 : i32
          %dma_wait3A_554 = arith.constant 1 : i32
          %dma_wait3A_555 = arith.constant 0 : i32
          %dma_wait3A_556 = arith.constant 0 : i32
          %dma_wait3A_557 = tpu.memref_slice %arg8[%dma_wait3A_553, %dma_wait3A_555, %dma_wait3A_556] : memref<3x80x128xf32, #tpu.memory_space<vmem>> -> memref<1x80x128xf32, #tpu.memory_space<vmem>>
          %dma_wait3A_558 = tpu.memref_squeeze %dma_wait3A_557 : memref<1x80x128xf32, #tpu.memory_space<vmem>> -> memref<80x128xf32, #tpu.memory_space<vmem>>
          %dma_wait3A_559 = arith.constant 0 : i32
          %dma_wait3A_560 = tpu.memref_slice %arg7[%dma_wait3A_554, %dma_wait3A_559] : memref<3x80xi32, #tpu.memory_space<vmem>> -> memref<1x80xi32, #tpu.memory_space<vmem>>
          %dma_wait3A_561 = tpu.memref_squeeze %dma_wait3A_560 : memref<1x80xi32, #tpu.memory_space<vmem>> -> memref<80xi32, #tpu.memory_space<vmem>>
          %dma_wait3A_562 = arith.constant 0 : i32
          %dma_wait3A_563 = arith.constant 0 : i32
          %dma_wait3A_564 = tpu.memref_slice %arg12[%dma_wait3A_562, %dma_wait3A_563] : memref<10240x128xf32, #tpu.memory_space<vmem_shared>> -> memref<10240x128xf32, #tpu.memory_space<vmem_shared>>
          tpu.wait_indirect_dma semaphore(%arg21 : memref<!tpu.dma_semaphore, #tpu.memory_space<semaphore_mem>>) src(%dma_wait3A_558 : memref<80x128xf32, #tpu.memory_space<vmem>>) dst(%dma_wait3A_564 : memref<10240x128xf32, #tpu.memory_space<vmem_shared>>)
        } else {
        }
        %dma_wait3A_413 = arith.constant 1 : i32
        %dma_wait3A_414 = arith.constant 0 : i32
        %dma_wait3A_415 = tpu.memref_slice %arg5[%dma_wait3A_413, %dma_wait3A_414] : memref<3x80xi32, #tpu.memory_space<vmem>> -> memref<1x80xi32, #tpu.memory_space<vmem>>
        %dma_wait3A_416 = tpu.memref_squeeze %dma_wait3A_415 : memref<1x80xi32, #tpu.memory_space<vmem>> -> memref<80xi32, #tpu.memory_space<vmem>>
        %dma_wait3A_417 = arith.constant 0 : i32
        %dma_wait3A_418 = tpu.memref_slice %arg3[%add3A, %add3A_408, %dma_wait3A_417] : memref<32x125x80xi32, #tpu.memory_space<hbm>> -> memref<1x1x80xi32, #tpu.memory_space<hbm>>
        %dma_wait3A_419 = tpu.memref_squeeze %dma_wait3A_418 : memref<1x1x80xi32, #tpu.memory_space<hbm>> -> memref<80xi32, #tpu.memory_space<hbm>>
        %dma_wait3A_420 = arith.constant 0 : i32
        %dma_wait3A_421 = tpu.memref_slice %arg5[%dma_wait3A_413, %dma_wait3A_420] : memref<3x80xi32, #tpu.memory_space<vmem>> -> memref<1x80xi32, #tpu.memory_space<vmem>>
        %dma_wait3A_422 = tpu.memref_squeeze %dma_wait3A_421 : memref<1x80xi32, #tpu.memory_space<vmem>> -> memref<80xi32, #tpu.memory_space<vmem>>
        %dma_wait3A_423 = arith.constant 0 : i32
        %dma_wait3A_424 = tpu.memref_slice %arg3[%add3A, %add3A_408, %dma_wait3A_423] : memref<32x125x80xi32, #tpu.memory_space<hbm>> -> memref<1x1x80xi32, #tpu.memory_space<hbm>>
        %dma_wait3A_425 = tpu.memref_squeeze %dma_wait3A_424 : memref<1x1x80xi32, #tpu.memory_space<hbm>> -> memref<80xi32, #tpu.memory_space<hbm>>
        tpu.wait_dma2 semaphore(%arg15 : memref<!tpu.dma_semaphore, #tpu.memory_space<semaphore_mem>>) src(%dma_wait3A_425 : memref<80xi32, #tpu.memory_space<hbm>>) dst(%dma_wait3A_422 : memref<80xi32, #tpu.memory_space<vmem>>)
        %get3A_426 = arith.constant 1 : i32
        %get3A_427 = arith.index_cast %get3A_426 : i32 to index
        %get3A_428 = arith.constant 0 : index
        %get3A_429 = tpu.vector_load %arg5[%get3A_427, %get3A_428] {strides = array<i32>} : memref<3x80xi32, #tpu.memory_space<vmem>>, vector<1x16xi32>,
        %get3A_430 = vector.shape_cast %get3A_429 : vector<1x16xi32> to vector<16xi32>
        %and3A_431 = arith.constant 65535 : i32
        %and3A_432 = vector.broadcast %and3A_431 : i32 to vector<16xi32>
        %and3A_433 = arith.andi %get3A_430, %and3A_432 : vector<16xi32>
        %swap3A_434 = arith.constant 1 : i32
        %swap3A_435 = arith.index_cast %swap3A_434 : i32 to index
        %swap3A_436 = arith.constant 0 : index
        %swap3A_437 = tpu.vector_load %arg6[%swap3A_435, %swap3A_436] {strides = array<i32>} : memref<3x80xi32, #tpu.memory_space<vmem>>, vector<1x16xi32>,
        %swap3A_438 = vector.shape_cast %swap3A_437 : vector<1x16xi32> to vector<16xi32>
        %swap3A_439 = vector.shape_cast %and3A_433 : vector<16xi32> to vector<1x16xi32>
        tpu.vector_store %arg6[%swap3A_435, %swap3A_436], %swap3A_439 {strides = array<i32>} : memref<3x80xi32, #tpu.memory_space<vmem>>, vector<1x16xi32>,
        %shift_right_logical3A_440 = arith.constant 16 : i32
        %shift_right_logical3A_441 = vector.broadcast %shift_right_logical3A_440 : i32 to vector<16xi32>
        %shift_right_logical3A_442 = arith.shrui %get3A_430, %shift_right_logical3A_441 : vector<16xi32>
        %swap3A_443 = arith.constant 1 : i32
        %swap3A_444 = arith.index_cast %swap3A_443 : i32 to index
        %swap3A_445 = arith.constant 0 : index
        %swap3A_446 = tpu.vector_load %arg7[%swap3A_444, %swap3A_445] {strides = array<i32>} : memref<3x80xi32, #tpu.memory_space<vmem>>, vector<1x16xi32>,
        %swap3A_447 = vector.shape_cast %swap3A_446 : vector<1x16xi32> to vector<16xi32>
        %swap3A_448 = vector.shape_cast %shift_right_logical3A_442 : vector<16xi32> to vector<1x16xi32>
        tpu.vector_store %arg7[%swap3A_444, %swap3A_445], %swap3A_448 {strides = array<i32>} : memref<3x80xi32, #tpu.memory_space<vmem>>, vector<1x16xi32>,
        %get3A_449 = arith.constant 1 : i32
        %get3A_450 = arith.index_cast %get3A_449 : i32 to index
        %get3A_451 = arith.constant 16 : index
        %get3A_452 = tpu.vector_load %arg5[%get3A_450, %get3A_451] {strides = array<i32>} : memref<3x80xi32, #tpu.memory_space<vmem>>, vector<1x16xi32>,
        %get3A_453 = vector.shape_cast %get3A_452 : vector<1x16xi32> to vector<16xi32>
        %and3A_454 = arith.constant 65535 : i32
        %and3A_455 = vector.broadcast %and3A_454 : i32 to vector<16xi32>
        %and3A_456 = arith.andi %get3A_453, %and3A_455 : vector<16xi32>
        %swap3A_457 = arith.constant 1 : i32
        %swap3A_458 = arith.index_cast %swap3A_457 : i32 to index
        %swap3A_459 = arith.constant 16 : index
        %swap3A_460 = tpu.vector_load %arg6[%swap3A_458, %swap3A_459] {strides = array<i32>} : memref<3x80xi32, #tpu.memory_space<vmem>>, vector<1x16xi32>,
        %swap3A_461 = vector.shape_cast %swap3A_460 : vector<1x16xi32> to vector<16xi32>
        %swap3A_462 = vector.shape_cast %and3A_456 : vector<16xi32> to vector<1x16xi32>
        tpu.vector_store %arg6[%swap3A_458, %swap3A_459], %swap3A_462 {strides = array<i32>} : memref<3x80xi32, #tpu.memory_space<vmem>>, vector<1x16xi32>,
        %shift_right_logical3A_463 = arith.constant 16 : i32
        %shift_right_logical3A_464 = vector.broadcast %shift_right_logical3A_463 : i32 to vector<16xi32>
        %shift_right_logical3A_465 = arith.shrui %get3A_453, %shift_right_logical3A_464 : vector<16xi32>
        %swap3A_466 = arith.constant 1 : i32
        %swap3A_467 = arith.index_cast %swap3A_466 : i32 to index
        %swap3A_468 = arith.constant 16 : index
        %swap3A_469 = tpu.vector_load %arg7[%swap3A_467, %swap3A_468] {strides = array<i32>} : memref<3x80xi32, #tpu.memory_space<vmem>>, vector<1x16xi32>,
        %swap3A_470 = vector.shape_cast %swap3A_469 : vector<1x16xi32> to vector<16xi32>
        %swap3A_471 = vector.shape_cast %shift_right_logical3A_465 : vector<16xi32> to vector<1x16xi32>
        tpu.vector_store %arg7[%swap3A_467, %swap3A_468], %swap3A_471 {strides = array<i32>} : memref<3x80xi32, #tpu.memory_space<vmem>>, vector<1x16xi32>,
        %get3A_472 = arith.constant 1 : i32
        %get3A_473 = arith.index_cast %get3A_472 : i32 to index
        %get3A_474 = arith.constant 32 : index
        %get3A_475 = tpu.vector_load %arg5[%get3A_473, %get3A_474] {strides = array<i32>} : memref<3x80xi32, #tpu.memory_space<vmem>>, vector<1x16xi32>,
        %get3A_476 = vector.shape_cast %get3A_475 : vector<1x16xi32> to vector<16xi32>
        %and3A_477 = arith.constant 65535 : i32
        %and3A_478 = vector.broadcast %and3A_477 : i32 to vector<16xi32>
        %and3A_479 = arith.andi %get3A_476, %and3A_478 : vector<16xi32>
        %swap3A_480 = arith.constant 1 : i32
        %swap3A_481 = arith.index_cast %swap3A_480 : i32 to index
        %swap3A_482 = arith.constant 32 : index
        %swap3A_483 = tpu.vector_load %arg6[%swap3A_481, %swap3A_482] {strides = array<i32>} : memref<3x80xi32, #tpu.memory_space<vmem>>, vector<1x16xi32>,
        %swap3A_484 = vector.shape_cast %swap3A_483 : vector<1x16xi32> to vector<16xi32>
        %swap3A_485 = vector.shape_cast %and3A_479 : vector<16xi32> to vector<1x16xi32>
        tpu.vector_store %arg6[%swap3A_481, %swap3A_482], %swap3A_485 {strides = array<i32>} : memref<3x80xi32, #tpu.memory_space<vmem>>, vector<1x16xi32>,
        %shift_right_logical3A_486 = arith.constant 16 : i32
        %shift_right_logical3A_487 = vector.broadcast %shift_right_logical3A_486 : i32 to vector<16xi32>
        %shift_right_logical3A_488 = arith.shrui %get3A_476, %shift_right_logical3A_487 : vector<16xi32>
        %swap3A_489 = arith.constant 1 : i32
        %swap3A_490 = arith.index_cast %swap3A_489 : i32 to index
        %swap3A_491 = arith.constant 32 : index
        %swap3A_492 = tpu.vector_load %arg7[%swap3A_490, %swap3A_491] {strides = array<i32>} : memref<3x80xi32, #tpu.memory_space<vmem>>, vector<1x16xi32>,
        %swap3A_493 = vector.shape_cast %swap3A_492 : vector<1x16xi32> to vector<16xi32>
        %swap3A_494 = vector.shape_cast %shift_right_logical3A_488 : vector<16xi32> to vector<1x16xi32>
        tpu.vector_store %arg7[%swap3A_490, %swap3A_491], %swap3A_494 {strides = array<i32>} : memref<3x80xi32, #tpu.memory_space<vmem>>, vector<1x16xi32>,
        %get3A_495 = arith.constant 1 : i32
        %get3A_496 = arith.index_cast %get3A_495 : i32 to index
        %get3A_497 = arith.constant 48 : index
        %get3A_498 = tpu.vector_load %arg5[%get3A_496, %get3A_497] {strides = array<i32>} : memref<3x80xi32, #tpu.memory_space<vmem>>, vector<1x16xi32>,
        %get3A_499 = vector.shape_cast %get3A_498 : vector<1x16xi32> to vector<16xi32>
        %and3A_500 = arith.constant 65535 : i32
        %and3A_501 = vector.broadcast %and3A_500 : i32 to vector<16xi32>
        %and3A_502 = arith.andi %get3A_499, %and3A_501 : vector<16xi32>
        %swap3A_503 = arith.constant 1 : i32
        %swap3A_504 = arith.index_cast %swap3A_503 : i32 to index
        %swap3A_505 = arith.constant 48 : index
        %swap3A_506 = tpu.vector_load %arg6[%swap3A_504, %swap3A_505] {strides = array<i32>} : memref<3x80xi32, #tpu.memory_space<vmem>>, vector<1x16xi32>,
        %swap3A_507 = vector.shape_cast %swap3A_506 : vector<1x16xi32> to vector<16xi32>
        %swap3A_508 = vector.shape_cast %and3A_502 : vector<16xi32> to vector<1x16xi32>
        tpu.vector_store %arg6[%swap3A_504, %swap3A_505], %swap3A_508 {strides = array<i32>} : memref<3x80xi32, #tpu.memory_space<vmem>>, vector<1x16xi32>,
        %shift_right_logical3A_509 = arith.constant 16 : i32
        %shift_right_logical3A_510 = vector.broadcast %shift_right_logical3A_509 : i32 to vector<16xi32>
        %shift_right_logical3A_511 = arith.shrui %get3A_499, %shift_right_logical3A_510 : vector<16xi32>
        %swap3A_512 = arith.constant 1 : i32
        %swap3A_513 = arith.index_cast %swap3A_512 : i32 to index
        %swap3A_514 = arith.constant 48 : index
        %swap3A_515 = tpu.vector_load %arg7[%swap3A_513, %swap3A_514] {strides = array<i32>} : memref<3x80xi32, #tpu.memory_space<vmem>>, vector<1x16xi32>,
        %swap3A_516 = vector.shape_cast %swap3A_515 : vector<1x16xi32> to vector<16xi32>
        %swap3A_517 = vector.shape_cast %shift_right_logical3A_511 : vector<16xi32> to vector<1x16xi32>
        tpu.vector_store %arg7[%swap3A_513, %swap3A_514], %swap3A_517 {strides = array<i32>} : memref<3x80xi32, #tpu.memory_space<vmem>>, vector<1x16xi32>,
        %get3A_518 = arith.constant 1 : i32
        %get3A_519 = arith.index_cast %get3A_518 : i32 to index
        %get3A_520 = arith.constant 64 : index
        %get3A_521 = tpu.vector_load %arg5[%get3A_519, %get3A_520] {strides = array<i32>} : memref<3x80xi32, #tpu.memory_space<vmem>>, vector<1x16xi32>,
        %get3A_522 = vector.shape_cast %get3A_521 : vector<1x16xi32> to vector<16xi32>
        %and3A_523 = arith.constant 65535 : i32
        %and3A_524 = vector.broadcast %and3A_523 : i32 to vector<16xi32>
        %and3A_525 = arith.andi %get3A_522, %and3A_524 : vector<16xi32>
        %swap3A_526 = arith.constant 1 : i32
        %swap3A_527 = arith.index_cast %swap3A_526 : i32 to index
        %swap3A_528 = arith.constant 64 : index
        %swap3A_529 = tpu.vector_load %arg6[%swap3A_527, %swap3A_528] {strides = array<i32>} : memref<3x80xi32, #tpu.memory_space<vmem>>, vector<1x16xi32>,
        %swap3A_530 = vector.shape_cast %swap3A_529 : vector<1x16xi32> to vector<16xi32>
        %swap3A_531 = vector.shape_cast %and3A_525 : vector<16xi32> to vector<1x16xi32>
        tpu.vector_store %arg6[%swap3A_527, %swap3A_528], %swap3A_531 {strides = array<i32>} : memref<3x80xi32, #tpu.memory_space<vmem>>, vector<1x16xi32>,
        %shift_right_logical3A_532 = arith.constant 16 : i32
        %shift_right_logical3A_533 = vector.broadcast %shift_right_logical3A_532 : i32 to vector<16xi32>
        %shift_right_logical3A_534 = arith.shrui %get3A_522, %shift_right_logical3A_533 : vector<16xi32>
        %swap3A_535 = arith.constant 1 : i32
        %swap3A_536 = arith.index_cast %swap3A_535 : i32 to index
        %swap3A_537 = arith.constant 64 : index
        %swap3A_538 = tpu.vector_load %arg7[%swap3A_536, %swap3A_537] {strides = array<i32>} : memref<3x80xi32, #tpu.memory_space<vmem>>, vector<1x16xi32>,
        %swap3A_539 = vector.shape_cast %swap3A_538 : vector<1x16xi32> to vector<16xi32>
        %swap3A_540 = vector.shape_cast %shift_right_logical3A_534 : vector<16xi32> to vector<1x16xi32>
        tpu.vector_store %arg7[%swap3A_536, %swap3A_537], %swap3A_540 {strides = array<i32>} : memref<3x80xi32, #tpu.memory_space<vmem>>, vector<1x16xi32>,
        %dma_start3A_541 = arith.constant 1 : i32
        %dma_start3A_542 = arith.constant 1 : i32
        %dma_start3A_543 = arith.constant 0 : i32
        %dma_start3A_544 = arith.constant 0 : i32
        %dma_start3A_545 = tpu.memref_slice %arg8[%dma_start3A_542, %dma_start3A_543, %dma_start3A_544] : memref<3x80x128xf32, #tpu.memory_space<vmem>> -> memref<1x80x128xf32, #tpu.memory_space<vmem>>
        %dma_start3A_546 = tpu.memref_squeeze %dma_start3A_545 : memref<1x80x128xf32, #tpu.memory_space<vmem>> -> memref<80x128xf32, #tpu.memory_space<vmem>>
        %dma_start3A_547 = arith.constant 0 : i32
        %dma_start3A_548 = tpu.memref_slice %arg6[%dma_start3A_541, %dma_start3A_547] : memref<3x80xi32, #tpu.memory_space<vmem>> -> memref<1x80xi32, #tpu.memory_space<vmem>>
        %dma_start3A_549 = tpu.memref_squeeze %dma_start3A_548 : memref<1x80xi32, #tpu.memory_space<vmem>> -> memref<80xi32, #tpu.memory_space<vmem>>
        %dma_start3A_550 = arith.constant 0 : i32
        %dma_start3A_551 = arith.constant 0 : i32
        %dma_start3A_552 = tpu.memref_slice %arg2[%dma_start3A_550, %dma_start3A_551] : memref<10000x128xf32, #tpu.memory_space<hbm>> -> memref<10000x128xf32, #tpu.memory_space<hbm>>
        tpu.enqueue_indirect_dma source(%dma_start3A_552 : memref<10000x128xf32, #tpu.memory_space<hbm>>) target(%dma_start3A_546 : memref<80x128xf32, #tpu.memory_space<vmem>>) offsets(%dma_start3A_549 : memref<80xi32, #tpu.memory_space<vmem>>) semaphore(%arg18 : memref<!tpu.dma_semaphore, #tpu.memory_space<semaphore_mem>>)
      } else {
      }
      %add3A_348 = arith.constant 3 : i32
      %add3A_349 = arith.addi %add3A_343, %add3A_348 : i32
      %lt3A_350 = arith.constant 125 : i32
      %lt3A_351 = arith.cmpi slt, %add3A_349, %lt3A_350 : i32
      %convert_element_type3A_352 = arith.extui %lt3A_351 : i1 to i32
      %cond3A_353 = arith.constant 0 : i32
      %cond3A_354 = arith.cmpi ne, %convert_element_type3A_352, %cond3A_353 : i32
      scf.if %cond3A_354 {
        %add3A_407 = arith.constant 3 : i32
        %add3A_408 = arith.addi %add3A_343, %add3A_407 : i32
        %dma_start3A_409 = arith.constant 0 : i32
        %dma_start3A_410 = arith.constant 0 : i32
        %dma_start3A_411 = tpu.memref_slice %arg5[%dma_start3A_409, %dma_start3A_410] : memref<3x80xi32, #tpu.memory_space<vmem>> -> memref<1x80xi32, #tpu.memory_space<vmem>>
        %dma_start3A_412 = tpu.memref_squeeze %dma_start3A_411 : memref<1x80xi32, #tpu.memory_space<vmem>> -> memref<80xi32, #tpu.memory_space<vmem>>
        %dma_start3A_413 = arith.constant 0 : i32
        %dma_start3A_414 = tpu.memref_slice %arg3[%add3A, %add3A_408, %dma_start3A_413] : memref<32x125x80xi32, #tpu.memory_space<hbm>> -> memref<1x1x80xi32, #tpu.memory_space<hbm>>
        %dma_start3A_415 = tpu.memref_squeeze %dma_start3A_414 : memref<1x1x80xi32, #tpu.memory_space<hbm>> -> memref<80xi32, #tpu.memory_space<hbm>>
        %dma_start3A_416 = arith.constant 0 : i32
        %dma_start3A_417 = tpu.memref_slice %arg5[%dma_start3A_409, %dma_start3A_416] : memref<3x80xi32, #tpu.memory_space<vmem>> -> memref<1x80xi32, #tpu.memory_space<vmem>>
        %dma_start3A_418 = tpu.memref_squeeze %dma_start3A_417 : memref<1x80xi32, #tpu.memory_space<vmem>> -> memref<80xi32, #tpu.memory_space<vmem>>
        %dma_start3A_419 = arith.constant 0 : i32
        %dma_start3A_420 = tpu.memref_slice %arg3[%add3A, %add3A_408, %dma_start3A_419] : memref<32x125x80xi32, #tpu.memory_space<hbm>> -> memref<1x1x80xi32, #tpu.memory_space<hbm>>
        %dma_start3A_421 = tpu.memref_squeeze %dma_start3A_420 : memref<1x1x80xi32, #tpu.memory_space<hbm>> -> memref<80xi32, #tpu.memory_space<hbm>>
        tpu.enqueue_dma source(%dma_start3A_421 : memref<80xi32, #tpu.memory_space<hbm>>) target(%dma_start3A_418 : memref<80xi32, #tpu.memory_space<vmem>>) target_semaphore(%arg14 : memref<!tpu.dma_semaphore, #tpu.memory_space<semaphore_mem>>)
      } else {
      }
      %lt3A_355 = arith.constant 125 : i32
      %lt3A_356 = arith.cmpi slt, %add3A_343, %lt3A_355 : i32
      %convert_element_type3A_357 = arith.extui %lt3A_356 : i1 to i32
      %cond3A_358 = arith.constant 0 : i32
      %cond3A_359 = arith.cmpi ne, %convert_element_type3A_357, %cond3A_358 : i32
      scf.if %cond3A_359 {
        %dma_wait3A_407 = arith.constant 0 : i32
        %dma_wait3A_408 = arith.constant 0 : i32
        %dma_wait3A_409 = arith.constant 0 : i32
        %dma_wait3A_410 = arith.constant 0 : i32
        %dma_wait3A_411 = tpu.memref_slice %arg8[%dma_wait3A_408, %dma_wait3A_409, %dma_wait3A_410] : memref<3x80x128xf32, #tpu.memory_space<vmem>> -> memref<1x80x128xf32, #tpu.memory_space<vmem>>
        %dma_wait3A_412 = tpu.memref_squeeze %dma_wait3A_411 : memref<1x80x128xf32, #tpu.memory_space<vmem>> -> memref<80x128xf32, #tpu.memory_space<vmem>>
        %dma_wait3A_413 = arith.constant 0 : i32
        %dma_wait3A_414 = tpu.memref_slice %arg6[%dma_wait3A_407, %dma_wait3A_413] : memref<3x80xi32, #tpu.memory_space<vmem>> -> memref<1x80xi32, #tpu.memory_space<vmem>>
        %dma_wait3A_415 = tpu.memref_squeeze %dma_wait3A_414 : memref<1x80xi32, #tpu.memory_space<vmem>> -> memref<80xi32, #tpu.memory_space<vmem>>
        %dma_wait3A_416 = arith.constant 0 : i32
        %dma_wait3A_417 = arith.constant 0 : i32
        %dma_wait3A_418 = tpu.memref_slice %arg2[%dma_wait3A_416, %dma_wait3A_417] : memref<10000x128xf32, #tpu.memory_space<hbm>> -> memref<10000x128xf32, #tpu.memory_space<hbm>>
        tpu.wait_indirect_dma semaphore(%arg17 : memref<!tpu.dma_semaphore, #tpu.memory_space<semaphore_mem>>) src(%dma_wait3A_418 : memref<10000x128xf32, #tpu.memory_space<hbm>>) dst(%dma_wait3A_412 : memref<80x128xf32, #tpu.memory_space<vmem>>)
        %dma_start3A_419 = arith.constant 0 : i32
        %dma_start3A_420 = arith.constant 0 : i32
        %dma_start3A_421 = arith.constant 0 : i32
        %dma_start3A_422 = arith.constant 0 : i32
        %dma_start3A_423 = tpu.memref_slice %arg8[%dma_start3A_419, %dma_start3A_421, %dma_start3A_422] : memref<3x80x128xf32, #tpu.memory_space<vmem>> -> memref<1x80x128xf32, #tpu.memory_space<vmem>>
        %dma_start3A_424 = tpu.memref_squeeze %dma_start3A_423 : memref<1x80x128xf32, #tpu.memory_space<vmem>> -> memref<80x128xf32, #tpu.memory_space<vmem>>
        %dma_start3A_425 = arith.constant 0 : i32
        %dma_start3A_426 = tpu.memref_slice %arg7[%dma_start3A_420, %dma_start3A_425] : memref<3x80xi32, #tpu.memory_space<vmem>> -> memref<1x80xi32, #tpu.memory_space<vmem>>
        %dma_start3A_427 = tpu.memref_squeeze %dma_start3A_426 : memref<1x80xi32, #tpu.memory_space<vmem>> -> memref<80xi32, #tpu.memory_space<vmem>>
        %dma_start3A_428 = arith.constant 0 : i32
        %dma_start3A_429 = arith.constant 0 : i32
        %dma_start3A_430 = tpu.memref_slice %arg12[%dma_start3A_428, %dma_start3A_429] : memref<10240x128xf32, #tpu.memory_space<vmem_shared>> -> memref<10240x128xf32, #tpu.memory_space<vmem_shared>>
        tpu.enqueue_indirect_dma source(%dma_start3A_424 : memref<80x128xf32, #tpu.memory_space<vmem>>) target(%dma_start3A_430 : memref<10240x128xf32, #tpu.memory_space<vmem_shared>>) offsets(%dma_start3A_427 : memref<80xi32, #tpu.memory_space<vmem>>) semaphore(%arg20 : memref<!tpu.dma_semaphore, #tpu.memory_space<semaphore_mem>>) {add = true}
      } else {
      }
      %mul3A_360 = arith.constant 3 : i32
      %mul3A_361 = arith.muli %mul3A_360, %scan3A_338 : i32
      %add3A_362 = arith.constant 1 : i32
      %add3A_363 = arith.addi %mul3A_361, %add3A_362 : i32
      %add3A_364 = arith.constant 1 : i32
      %add3A_365 = arith.addi %add3A_363, %add3A_364 : i32
      %lt3A_366 = arith.constant 125 : i32
      %lt3A_367 = arith.cmpi slt, %add3A_365, %lt3A_366 : i32
      %convert_element_type3A_368 = arith.extui %lt3A_367 : i1 to i32
      %cond3A_369 = arith.constant 0 : i32
      %cond3A_370 = arith.cmpi ne, %convert_element_type3A_368, %cond3A_369 : i32
      scf.if %cond3A_370 {
        %add3A_407 = arith.constant 1 : i32
        %add3A_408 = arith.addi %add3A_363, %add3A_407 : i32
        %ge3A = arith.constant 3 : i32
        %ge3A_409 = arith.cmpi sge, %add3A_408, %ge3A : i32
        %convert_element_type3A_410 = arith.extui %ge3A_409 : i1 to i32
        %cond3A_411 = arith.constant 0 : i32
        %cond3A_412 = arith.cmpi ne, %convert_element_type3A_410, %cond3A_411 : i32
        scf.if %cond3A_412 {
          %dma_wait3A_553 = arith.constant 2 : i32
          %dma_wait3A_554 = arith.constant 2 : i32
          %dma_wait3A_555 = arith.constant 0 : i32
          %dma_wait3A_556 = arith.constant 0 : i32
          %dma_wait3A_557 = tpu.memref_slice %arg8[%dma_wait3A_553, %dma_wait3A_555, %dma_wait3A_556] : memref<3x80x128xf32, #tpu.memory_space<vmem>> -> memref<1x80x128xf32, #tpu.memory_space<vmem>>
          %dma_wait3A_558 = tpu.memref_squeeze %dma_wait3A_557 : memref<1x80x128xf32, #tpu.memory_space<vmem>> -> memref<80x128xf32, #tpu.memory_space<vmem>>
          %dma_wait3A_559 = arith.constant 0 : i32
          %dma_wait3A_560 = tpu.memref_slice %arg7[%dma_wait3A_554, %dma_wait3A_559] : memref<3x80xi32, #tpu.memory_space<vmem>> -> memref<1x80xi32, #tpu.memory_space<vmem>>
          %dma_wait3A_561 = tpu.memref_squeeze %dma_wait3A_560 : memref<1x80xi32, #tpu.memory_space<vmem>> -> memref<80xi32, #tpu.memory_space<vmem>>
          %dma_wait3A_562 = arith.constant 0 : i32
          %dma_wait3A_563 = arith.constant 0 : i32
          %dma_wait3A_564 = tpu.memref_slice %arg12[%dma_wait3A_562, %dma_wait3A_563] : memref<10240x128xf32, #tpu.memory_space<vmem_shared>> -> memref<10240x128xf32, #tpu.memory_space<vmem_shared>>
          tpu.wait_indirect_dma semaphore(%arg22 : memref<!tpu.dma_semaphore, #tpu.memory_space<semaphore_mem>>) src(%dma_wait3A_558 : memref<80x128xf32, #tpu.memory_space<vmem>>) dst(%dma_wait3A_564 : memref<10240x128xf32, #tpu.memory_space<vmem_shared>>)
        } else {
        }
        %dma_wait3A_413 = arith.constant 2 : i32
        %dma_wait3A_414 = arith.constant 0 : i32
        %dma_wait3A_415 = tpu.memref_slice %arg5[%dma_wait3A_413, %dma_wait3A_414] : memref<3x80xi32, #tpu.memory_space<vmem>> -> memref<1x80xi32, #tpu.memory_space<vmem>>
        %dma_wait3A_416 = tpu.memref_squeeze %dma_wait3A_415 : memref<1x80xi32, #tpu.memory_space<vmem>> -> memref<80xi32, #tpu.memory_space<vmem>>
        %dma_wait3A_417 = arith.constant 0 : i32
        %dma_wait3A_418 = tpu.memref_slice %arg3[%add3A, %add3A_408, %dma_wait3A_417] : memref<32x125x80xi32, #tpu.memory_space<hbm>> -> memref<1x1x80xi32, #tpu.memory_space<hbm>>
        %dma_wait3A_419 = tpu.memref_squeeze %dma_wait3A_418 : memref<1x1x80xi32, #tpu.memory_space<hbm>> -> memref<80xi32, #tpu.memory_space<hbm>>
        %dma_wait3A_420 = arith.constant 0 : i32
        %dma_wait3A_421 = tpu.memref_slice %arg5[%dma_wait3A_413, %dma_wait3A_420] : memref<3x80xi32, #tpu.memory_space<vmem>> -> memref<1x80xi32, #tpu.memory_space<vmem>>
        %dma_wait3A_422 = tpu.memref_squeeze %dma_wait3A_421 : memref<1x80xi32, #tpu.memory_space<vmem>> -> memref<80xi32, #tpu.memory_space<vmem>>
        %dma_wait3A_423 = arith.constant 0 : i32
        %dma_wait3A_424 = tpu.memref_slice %arg3[%add3A, %add3A_408, %dma_wait3A_423] : memref<32x125x80xi32, #tpu.memory_space<hbm>> -> memref<1x1x80xi32, #tpu.memory_space<hbm>>
        %dma_wait3A_425 = tpu.memref_squeeze %dma_wait3A_424 : memref<1x1x80xi32, #tpu.memory_space<hbm>> -> memref<80xi32, #tpu.memory_space<hbm>>
        tpu.wait_dma2 semaphore(%arg16 : memref<!tpu.dma_semaphore, #tpu.memory_space<semaphore_mem>>) src(%dma_wait3A_425 : memref<80xi32, #tpu.memory_space<hbm>>) dst(%dma_wait3A_422 : memref<80xi32, #tpu.memory_space<vmem>>)
        %get3A_426 = arith.constant 2 : i32
        %get3A_427 = arith.index_cast %get3A_426 : i32 to index
        %get3A_428 = arith.constant 0 : index
        %get3A_429 = tpu.vector_load %arg5[%get3A_427, %get3A_428] {strides = array<i32>} : memref<3x80xi32, #tpu.memory_space<vmem>>, vector<1x16xi32>,
        %get3A_430 = vector.shape_cast %get3A_429 : vector<1x16xi32> to vector<16xi32>
        %and3A_431 = arith.constant 65535 : i32
        %and3A_432 = vector.broadcast %and3A_431 : i32 to vector<16xi32>
        %and3A_433 = arith.andi %get3A_430, %and3A_432 : vector<16xi32>
        %swap3A_434 = arith.constant 2 : i32
        %swap3A_435 = arith.index_cast %swap3A_434 : i32 to index
        %swap3A_436 = arith.constant 0 : index
        %swap3A_437 = tpu.vector_load %arg6[%swap3A_435, %swap3A_436] {strides = array<i32>} : memref<3x80xi32, #tpu.memory_space<vmem>>, vector<1x16xi32>,
        %swap3A_438 = vector.shape_cast %swap3A_437 : vector<1x16xi32> to vector<16xi32>
        %swap3A_439 = vector.shape_cast %and3A_433 : vector<16xi32> to vector<1x16xi32>
        tpu.vector_store %arg6[%swap3A_435, %swap3A_436], %swap3A_439 {strides = array<i32>} : memref<3x80xi32, #tpu.memory_space<vmem>>, vector<1x16xi32>,
        %shift_right_logical3A_440 = arith.constant 16 : i32
        %shift_right_logical3A_441 = vector.broadcast %shift_right_logical3A_440 : i32 to vector<16xi32>
        %shift_right_logical3A_442 = arith.shrui %get3A_430, %shift_right_logical3A_441 : vector<16xi32>
        %swap3A_443 = arith.constant 2 : i32
        %swap3A_444 = arith.index_cast %swap3A_443 : i32 to index
        %swap3A_445 = arith.constant 0 : index
        %swap3A_446 = tpu.vector_load %arg7[%swap3A_444, %swap3A_445] {strides = array<i32>} : memref<3x80xi32, #tpu.memory_space<vmem>>, vector<1x16xi32>,
        %swap3A_447 = vector.shape_cast %swap3A_446 : vector<1x16xi32> to vector<16xi32>
        %swap3A_448 = vector.shape_cast %shift_right_logical3A_442 : vector<16xi32> to vector<1x16xi32>
        tpu.vector_store %arg7[%swap3A_444, %swap3A_445], %swap3A_448 {strides = array<i32>} : memref<3x80xi32, #tpu.memory_space<vmem>>, vector<1x16xi32>,
        %get3A_449 = arith.constant 2 : i32
        %get3A_450 = arith.index_cast %get3A_449 : i32 to index
        %get3A_451 = arith.constant 16 : index
        %get3A_452 = tpu.vector_load %arg5[%get3A_450, %get3A_451] {strides = array<i32>} : memref<3x80xi32, #tpu.memory_space<vmem>>, vector<1x16xi32>,
        %get3A_453 = vector.shape_cast %get3A_452 : vector<1x16xi32> to vector<16xi32>
        %and3A_454 = arith.constant 65535 : i32
        %and3A_455 = vector.broadcast %and3A_454 : i32 to vector<16xi32>
        %and3A_456 = arith.andi %get3A_453, %and3A_455 : vector<16xi32>
        %swap3A_457 = arith.constant 2 : i32
        %swap3A_458 = arith.index_cast %swap3A_457 : i32 to index
        %swap3A_459 = arith.constant 16 : index
        %swap3A_460 = tpu.vector_load %arg6[%swap3A_458, %swap3A_459] {strides = array<i32>} : memref<3x80xi32, #tpu.memory_space<vmem>>, vector<1x16xi32>,
        %swap3A_461 = vector.shape_cast %swap3A_460 : vector<1x16xi32> to vector<16xi32>
        %swap3A_462 = vector.shape_cast %and3A_456 : vector<16xi32> to vector<1x16xi32>
        tpu.vector_store %arg6[%swap3A_458, %swap3A_459], %swap3A_462 {strides = array<i32>} : memref<3x80xi32, #tpu.memory_space<vmem>>, vector<1x16xi32>,
        %shift_right_logical3A_463 = arith.constant 16 : i32
        %shift_right_logical3A_464 = vector.broadcast %shift_right_logical3A_463 : i32 to vector<16xi32>
        %shift_right_logical3A_465 = arith.shrui %get3A_453, %shift_right_logical3A_464 : vector<16xi32>
        %swap3A_466 = arith.constant 2 : i32
        %swap3A_467 = arith.index_cast %swap3A_466 : i32 to index
        %swap3A_468 = arith.constant 16 : index
        %swap3A_469 = tpu.vector_load %arg7[%swap3A_467, %swap3A_468] {strides = array<i32>} : memref<3x80xi32, #tpu.memory_space<vmem>>, vector<1x16xi32>,
        %swap3A_470 = vector.shape_cast %swap3A_469 : vector<1x16xi32> to vector<16xi32>
        %swap3A_471 = vector.shape_cast %shift_right_logical3A_465 : vector<16xi32> to vector<1x16xi32>
        tpu.vector_store %arg7[%swap3A_467, %swap3A_468], %swap3A_471 {strides = array<i32>} : memref<3x80xi32, #tpu.memory_space<vmem>>, vector<1x16xi32>,
        %get3A_472 = arith.constant 2 : i32
        %get3A_473 = arith.index_cast %get3A_472 : i32 to index
        %get3A_474 = arith.constant 32 : index
        %get3A_475 = tpu.vector_load %arg5[%get3A_473, %get3A_474] {strides = array<i32>} : memref<3x80xi32, #tpu.memory_space<vmem>>, vector<1x16xi32>,
        %get3A_476 = vector.shape_cast %get3A_475 : vector<1x16xi32> to vector<16xi32>
        %and3A_477 = arith.constant 65535 : i32
        %and3A_478 = vector.broadcast %and3A_477 : i32 to vector<16xi32>
        %and3A_479 = arith.andi %get3A_476, %and3A_478 : vector<16xi32>
        %swap3A_480 = arith.constant 2 : i32
        %swap3A_481 = arith.index_cast %swap3A_480 : i32 to index
        %swap3A_482 = arith.constant 32 : index
        %swap3A_483 = tpu.vector_load %arg6[%swap3A_481, %swap3A_482] {strides = array<i32>} : memref<3x80xi32, #tpu.memory_space<vmem>>, vector<1x16xi32>,
        %swap3A_484 = vector.shape_cast %swap3A_483 : vector<1x16xi32> to vector<16xi32>
        %swap3A_485 = vector.shape_cast %and3A_479 : vector<16xi32> to vector<1x16xi32>
        tpu.vector_store %arg6[%swap3A_481, %swap3A_482], %swap3A_485 {strides = array<i32>} : memref<3x80xi32, #tpu.memory_space<vmem>>, vector<1x16xi32>,
        %shift_right_logical3A_486 = arith.constant 16 : i32
        %shift_right_logical3A_487 = vector.broadcast %shift_right_logical3A_486 : i32 to vector<16xi32>
        %shift_right_logical3A_488 = arith.shrui %get3A_476, %shift_right_logical3A_487 : vector<16xi32>
        %swap3A_489 = arith.constant 2 : i32
        %swap3A_490 = arith.index_cast %swap3A_489 : i32 to index
        %swap3A_491 = arith.constant 32 : index
        %swap3A_492 = tpu.vector_load %arg7[%swap3A_490, %swap3A_491] {strides = array<i32>} : memref<3x80xi32, #tpu.memory_space<vmem>>, vector<1x16xi32>,
        %swap3A_493 = vector.shape_cast %swap3A_492 : vector<1x16xi32> to vector<16xi32>
        %swap3A_494 = vector.shape_cast %shift_right_logical3A_488 : vector<16xi32> to vector<1x16xi32>
        tpu.vector_store %arg7[%swap3A_490, %swap3A_491], %swap3A_494 {strides = array<i32>} : memref<3x80xi32, #tpu.memory_space<vmem>>, vector<1x16xi32>,
        %get3A_495 = arith.constant 2 : i32
        %get3A_496 = arith.index_cast %get3A_495 : i32 to index
        %get3A_497 = arith.constant 48 : index
        %get3A_498 = tpu.vector_load %arg5[%get3A_496, %get3A_497] {strides = array<i32>} : memref<3x80xi32, #tpu.memory_space<vmem>>, vector<1x16xi32>,
        %get3A_499 = vector.shape_cast %get3A_498 : vector<1x16xi32> to vector<16xi32>
        %and3A_500 = arith.constant 65535 : i32
        %and3A_501 = vector.broadcast %and3A_500 : i32 to vector<16xi32>
        %and3A_502 = arith.andi %get3A_499, %and3A_501 : vector<16xi32>
        %swap3A_503 = arith.constant 2 : i32
        %swap3A_504 = arith.index_cast %swap3A_503 : i32 to index
        %swap3A_505 = arith.constant 48 : index
        %swap3A_506 = tpu.vector_load %arg6[%swap3A_504, %swap3A_505] {strides = array<i32>} : memref<3x80xi32, #tpu.memory_space<vmem>>, vector<1x16xi32>,
        %swap3A_507 = vector.shape_cast %swap3A_506 : vector<1x16xi32> to vector<16xi32>
        %swap3A_508 = vector.shape_cast %and3A_502 : vector<16xi32> to vector<1x16xi32>
        tpu.vector_store %arg6[%swap3A_504, %swap3A_505], %swap3A_508 {strides = array<i32>} : memref<3x80xi32, #tpu.memory_space<vmem>>, vector<1x16xi32>,
        %shift_right_logical3A_509 = arith.constant 16 : i32
        %shift_right_logical3A_510 = vector.broadcast %shift_right_logical3A_509 : i32 to vector<16xi32>
        %shift_right_logical3A_511 = arith.shrui %get3A_499, %shift_right_logical3A_510 : vector<16xi32>
        %swap3A_512 = arith.constant 2 : i32
        %swap3A_513 = arith.index_cast %swap3A_512 : i32 to index
        %swap3A_514 = arith.constant 48 : index
        %swap3A_515 = tpu.vector_load %arg7[%swap3A_513, %swap3A_514] {strides = array<i32>} : memref<3x80xi32, #tpu.memory_space<vmem>>, vector<1x16xi32>,
        %swap3A_516 = vector.shape_cast %swap3A_515 : vector<1x16xi32> to vector<16xi32>
        %swap3A_517 = vector.shape_cast %shift_right_logical3A_511 : vector<16xi32> to vector<1x16xi32>
        tpu.vector_store %arg7[%swap3A_513, %swap3A_514], %swap3A_517 {strides = array<i32>} : memref<3x80xi32, #tpu.memory_space<vmem>>, vector<1x16xi32>,
        %get3A_518 = arith.constant 2 : i32
        %get3A_519 = arith.index_cast %get3A_518 : i32 to index
        %get3A_520 = arith.constant 64 : index
        %get3A_521 = tpu.vector_load %arg5[%get3A_519, %get3A_520] {strides = array<i32>} : memref<3x80xi32, #tpu.memory_space<vmem>>, vector<1x16xi32>,
        %get3A_522 = vector.shape_cast %get3A_521 : vector<1x16xi32> to vector<16xi32>
        %and3A_523 = arith.constant 65535 : i32
        %and3A_524 = vector.broadcast %and3A_523 : i32 to vector<16xi32>
        %and3A_525 = arith.andi %get3A_522, %and3A_524 : vector<16xi32>
        %swap3A_526 = arith.constant 2 : i32
        %swap3A_527 = arith.index_cast %swap3A_526 : i32 to index
        %swap3A_528 = arith.constant 64 : index
        %swap3A_529 = tpu.vector_load %arg6[%swap3A_527, %swap3A_528] {strides = array<i32>} : memref<3x80xi32, #tpu.memory_space<vmem>>, vector<1x16xi32>,
        %swap3A_530 = vector.shape_cast %swap3A_529 : vector<1x16xi32> to vector<16xi32>
        %swap3A_531 = vector.shape_cast %and3A_525 : vector<16xi32> to vector<1x16xi32>
        tpu.vector_store %arg6[%swap3A_527, %swap3A_528], %swap3A_531 {strides = array<i32>} : memref<3x80xi32, #tpu.memory_space<vmem>>, vector<1x16xi32>,
        %shift_right_logical3A_532 = arith.constant 16 : i32
        %shift_right_logical3A_533 = vector.broadcast %shift_right_logical3A_532 : i32 to vector<16xi32>
        %shift_right_logical3A_534 = arith.shrui %get3A_522, %shift_right_logical3A_533 : vector<16xi32>
        %swap3A_535 = arith.constant 2 : i32
        %swap3A_536 = arith.index_cast %swap3A_535 : i32 to index
        %swap3A_537 = arith.constant 64 : index
        %swap3A_538 = tpu.vector_load %arg7[%swap3A_536, %swap3A_537] {strides = array<i32>} : memref<3x80xi32, #tpu.memory_space<vmem>>, vector<1x16xi32>,
        %swap3A_539 = vector.shape_cast %swap3A_538 : vector<1x16xi32> to vector<16xi32>
        %swap3A_540 = vector.shape_cast %shift_right_logical3A_534 : vector<16xi32> to vector<1x16xi32>
        tpu.vector_store %arg7[%swap3A_536, %swap3A_537], %swap3A_540 {strides = array<i32>} : memref<3x80xi32, #tpu.memory_space<vmem>>, vector<1x16xi32>,
        %dma_start3A_541 = arith.constant 2 : i32
        %dma_start3A_542 = arith.constant 2 : i32
        %dma_start3A_543 = arith.constant 0 : i32
        %dma_start3A_544 = arith.constant 0 : i32
        %dma_start3A_545 = tpu.memref_slice %arg8[%dma_start3A_542, %dma_start3A_543, %dma_start3A_544] : memref<3x80x128xf32, #tpu.memory_space<vmem>> -> memref<1x80x128xf32, #tpu.memory_space<vmem>>
        %dma_start3A_546 = tpu.memref_squeeze %dma_start3A_545 : memref<1x80x128xf32, #tpu.memory_space<vmem>> -> memref<80x128xf32, #tpu.memory_space<vmem>>
        %dma_start3A_547 = arith.constant 0 : i32
        %dma_start3A_548 = tpu.memref_slice %arg6[%dma_start3A_541, %dma_start3A_547] : memref<3x80xi32, #tpu.memory_space<vmem>> -> memref<1x80xi32, #tpu.memory_space<vmem>>
        %dma_start3A_549 = tpu.memref_squeeze %dma_start3A_548 : memref<1x80xi32, #tpu.memory_space<vmem>> -> memref<80xi32, #tpu.memory_space<vmem>>
        %dma_start3A_550 = arith.constant 0 : i32
        %dma_start3A_551 = arith.constant 0 : i32
        %dma_start3A_552 = tpu.memref_slice %arg2[%dma_start3A_550, %dma_start3A_551] : memref<10000x128xf32, #tpu.memory_space<hbm>> -> memref<10000x128xf32, #tpu.memory_space<hbm>>
        tpu.enqueue_indirect_dma source(%dma_start3A_552 : memref<10000x128xf32, #tpu.memory_space<hbm>>) target(%dma_start3A_546 : memref<80x128xf32, #tpu.memory_space<vmem>>) offsets(%dma_start3A_549 : memref<80xi32, #tpu.memory_space<vmem>>) semaphore(%arg19 : memref<!tpu.dma_semaphore, #tpu.memory_space<semaphore_mem>>)
      } else {
      }
      %add3A_371 = arith.constant 3 : i32
      %add3A_372 = arith.addi %add3A_363, %add3A_371 : i32
      %lt3A_373 = arith.constant 125 : i32
      %lt3A_374 = arith.cmpi slt, %add3A_372, %lt3A_373 : i32
      %convert_element_type3A_375 = arith.extui %lt3A_374 : i1 to i32
      %cond3A_376 = arith.constant 0 : i32
      %cond3A_377 = arith.cmpi ne, %convert_element_type3A_375, %cond3A_376 : i32
      scf.if %cond3A_377 {
        %add3A_407 = arith.constant 3 : i32
        %add3A_408 = arith.addi %add3A_363, %add3A_407 : i32
        %dma_start3A_409 = arith.constant 1 : i32
        %dma_start3A_410 = arith.constant 0 : i32
        %dma_start3A_411 = tpu.memref_slice %arg5[%dma_start3A_409, %dma_start3A_410] : memref<3x80xi32, #tpu.memory_space<vmem>> -> memref<1x80xi32, #tpu.memory_space<vmem>>
        %dma_start3A_412 = tpu.memref_squeeze %dma_start3A_411 : memref<1x80xi32, #tpu.memory_space<vmem>> -> memref<80xi32, #tpu.memory_space<vmem>>
        %dma_start3A_413 = arith.constant 0 : i32
        %dma_start3A_414 = tpu.memref_slice %arg3[%add3A, %add3A_408, %dma_start3A_413] : memref<32x125x80xi32, #tpu.memory_space<hbm>> -> memref<1x1x80xi32, #tpu.memory_space<hbm>>
        %dma_start3A_415 = tpu.memref_squeeze %dma_start3A_414 : memref<1x1x80xi32, #tpu.memory_space<hbm>> -> memref<80xi32, #tpu.memory_space<hbm>>
        %dma_start3A_416 = arith.constant 0 : i32
        %dma_start3A_417 = tpu.memref_slice %arg5[%dma_start3A_409, %dma_start3A_416] : memref<3x80xi32, #tpu.memory_space<vmem>> -> memref<1x80xi32, #tpu.memory_space<vmem>>
        %dma_start3A_418 = tpu.memref_squeeze %dma_start3A_417 : memref<1x80xi32, #tpu.memory_space<vmem>> -> memref<80xi32, #tpu.memory_space<vmem>>
        %dma_start3A_419 = arith.constant 0 : i32
        %dma_start3A_420 = tpu.memref_slice %arg3[%add3A, %add3A_408, %dma_start3A_419] : memref<32x125x80xi32, #tpu.memory_space<hbm>> -> memref<1x1x80xi32, #tpu.memory_space<hbm>>
        %dma_start3A_421 = tpu.memref_squeeze %dma_start3A_420 : memref<1x1x80xi32, #tpu.memory_space<hbm>> -> memref<80xi32, #tpu.memory_space<hbm>>
        tpu.enqueue_dma source(%dma_start3A_421 : memref<80xi32, #tpu.memory_space<hbm>>) target(%dma_start3A_418 : memref<80xi32, #tpu.memory_space<vmem>>) target_semaphore(%arg15 : memref<!tpu.dma_semaphore, #tpu.memory_space<semaphore_mem>>)
      } else {
      }
      %lt3A_378 = arith.constant 125 : i32
      %lt3A_379 = arith.cmpi slt, %add3A_363, %lt3A_378 : i32
      %convert_element_type3A_380 = arith.extui %lt3A_379 : i1 to i32
      %cond3A_381 = arith.constant 0 : i32
      %cond3A_382 = arith.cmpi ne, %convert_element_type3A_380, %cond3A_381 : i32
      scf.if %cond3A_382 {
        %dma_wait3A_407 = arith.constant 1 : i32
        %dma_wait3A_408 = arith.constant 1 : i32
        %dma_wait3A_409 = arith.constant 0 : i32
        %dma_wait3A_410 = arith.constant 0 : i32
        %dma_wait3A_411 = tpu.memref_slice %arg8[%dma_wait3A_408, %dma_wait3A_409, %dma_wait3A_410] : memref<3x80x128xf32, #tpu.memory_space<vmem>> -> memref<1x80x128xf32, #tpu.memory_space<vmem>>
        %dma_wait3A_412 = tpu.memref_squeeze %dma_wait3A_411 : memref<1x80x128xf32, #tpu.memory_space<vmem>> -> memref<80x128xf32, #tpu.memory_space<vmem>>
        %dma_wait3A_413 = arith.constant 0 : i32
        %dma_wait3A_414 = tpu.memref_slice %arg6[%dma_wait3A_407, %dma_wait3A_413] : memref<3x80xi32, #tpu.memory_space<vmem>> -> memref<1x80xi32, #tpu.memory_space<vmem>>
        %dma_wait3A_415 = tpu.memref_squeeze %dma_wait3A_414 : memref<1x80xi32, #tpu.memory_space<vmem>> -> memref<80xi32, #tpu.memory_space<vmem>>
        %dma_wait3A_416 = arith.constant 0 : i32
        %dma_wait3A_417 = arith.constant 0 : i32
        %dma_wait3A_418 = tpu.memref_slice %arg2[%dma_wait3A_416, %dma_wait3A_417] : memref<10000x128xf32, #tpu.memory_space<hbm>> -> memref<10000x128xf32, #tpu.memory_space<hbm>>
        tpu.wait_indirect_dma semaphore(%arg18 : memref<!tpu.dma_semaphore, #tpu.memory_space<semaphore_mem>>) src(%dma_wait3A_418 : memref<10000x128xf32, #tpu.memory_space<hbm>>) dst(%dma_wait3A_412 : memref<80x128xf32, #tpu.memory_space<vmem>>)
        %dma_start3A_419 = arith.constant 1 : i32
        %dma_start3A_420 = arith.constant 1 : i32
        %dma_start3A_421 = arith.constant 0 : i32
        %dma_start3A_422 = arith.constant 0 : i32
        %dma_start3A_423 = tpu.memref_slice %arg8[%dma_start3A_419, %dma_start3A_421, %dma_start3A_422] : memref<3x80x128xf32, #tpu.memory_space<vmem>> -> memref<1x80x128xf32, #tpu.memory_space<vmem>>
        %dma_start3A_424 = tpu.memref_squeeze %dma_start3A_423 : memref<1x80x128xf32, #tpu.memory_space<vmem>> -> memref<80x128xf32, #tpu.memory_space<vmem>>
        %dma_start3A_425 = arith.constant 0 : i32
        %dma_start3A_426 = tpu.memref_slice %arg7[%dma_start3A_420, %dma_start3A_425] : memref<3x80xi32, #tpu.memory_space<vmem>> -> memref<1x80xi32, #tpu.memory_space<vmem>>
        %dma_start3A_427 = tpu.memref_squeeze %dma_start3A_426 : memref<1x80xi32, #tpu.memory_space<vmem>> -> memref<80xi32, #tpu.memory_space<vmem>>
        %dma_start3A_428 = arith.constant 0 : i32
        %dma_start3A_429 = arith.constant 0 : i32
        %dma_start3A_430 = tpu.memref_slice %arg12[%dma_start3A_428, %dma_start3A_429] : memref<10240x128xf32, #tpu.memory_space<vmem_shared>> -> memref<10240x128xf32, #tpu.memory_space<vmem_shared>>
        tpu.enqueue_indirect_dma source(%dma_start3A_424 : memref<80x128xf32, #tpu.memory_space<vmem>>) target(%dma_start3A_430 : memref<10240x128xf32, #tpu.memory_space<vmem_shared>>) offsets(%dma_start3A_427 : memref<80xi32, #tpu.memory_space<vmem>>) semaphore(%arg21 : memref<!tpu.dma_semaphore, #tpu.memory_space<semaphore_mem>>) {add = true}
      } else {
      }
      %mul3A_383 = arith.constant 3 : i32
      %mul3A_384 = arith.muli %mul3A_383, %scan3A_338 : i32
      %add3A_385 = arith.constant 2 : i32
      %add3A_386 = arith.addi %mul3A_384, %add3A_385 : i32
      %add3A_387 = arith.constant 1 : i32
      %add3A_388 = arith.addi %add3A_386, %add3A_387 : i32
      %lt3A_389 = arith.constant 125 : i32
      %lt3A_390 = arith.cmpi slt, %add3A_388, %lt3A_389 : i32
      %convert_element_type3A_391 = arith.extui %lt3A_390 : i1 to i32
      %cond3A_392 = arith.constant 0 : i32
      %cond3A_393 = arith.cmpi ne, %convert_element_type3A_391, %cond3A_392 : i32
      scf.if %cond3A_393 {
        %add3A_407 = arith.constant 1 : i32
        %add3A_408 = arith.addi %add3A_386, %add3A_407 : i32
        %ge3A = arith.constant 3 : i32
        %ge3A_409 = arith.cmpi sge, %add3A_408, %ge3A : i32
        %convert_element_type3A_410 = arith.extui %ge3A_409 : i1 to i32
        %cond3A_411 = arith.constant 0 : i32
        %cond3A_412 = arith.cmpi ne, %convert_element_type3A_410, %cond3A_411 : i32
        scf.if %cond3A_412 {
          %dma_wait3A_553 = arith.constant 0 : i32
          %dma_wait3A_554 = arith.constant 0 : i32
          %dma_wait3A_555 = arith.constant 0 : i32
          %dma_wait3A_556 = arith.constant 0 : i32
          %dma_wait3A_557 = tpu.memref_slice %arg8[%dma_wait3A_553, %dma_wait3A_555, %dma_wait3A_556] : memref<3x80x128xf32, #tpu.memory_space<vmem>> -> memref<1x80x128xf32, #tpu.memory_space<vmem>>
          %dma_wait3A_558 = tpu.memref_squeeze %dma_wait3A_557 : memref<1x80x128xf32, #tpu.memory_space<vmem>> -> memref<80x128xf32, #tpu.memory_space<vmem>>
          %dma_wait3A_559 = arith.constant 0 : i32
          %dma_wait3A_560 = tpu.memref_slice %arg7[%dma_wait3A_554, %dma_wait3A_559] : memref<3x80xi32, #tpu.memory_space<vmem>> -> memref<1x80xi32, #tpu.memory_space<vmem>>
          %dma_wait3A_561 = tpu.memref_squeeze %dma_wait3A_560 : memref<1x80xi32, #tpu.memory_space<vmem>> -> memref<80xi32, #tpu.memory_space<vmem>>
          %dma_wait3A_562 = arith.constant 0 : i32
          %dma_wait3A_563 = arith.constant 0 : i32
          %dma_wait3A_564 = tpu.memref_slice %arg12[%dma_wait3A_562, %dma_wait3A_563] : memref<10240x128xf32, #tpu.memory_space<vmem_shared>> -> memref<10240x128xf32, #tpu.memory_space<vmem_shared>>
          tpu.wait_indirect_dma semaphore(%arg20 : memref<!tpu.dma_semaphore, #tpu.memory_space<semaphore_mem>>) src(%dma_wait3A_558 : memref<80x128xf32, #tpu.memory_space<vmem>>) dst(%dma_wait3A_564 : memref<10240x128xf32, #tpu.memory_space<vmem_shared>>)
        } else {
        }
        %dma_wait3A_413 = arith.constant 0 : i32
        %dma_wait3A_414 = arith.constant 0 : i32
        %dma_wait3A_415 = tpu.memref_slice %arg5[%dma_wait3A_413, %dma_wait3A_414] : memref<3x80xi32, #tpu.memory_space<vmem>> -> memref<1x80xi32, #tpu.memory_space<vmem>>
        %dma_wait3A_416 = tpu.memref_squeeze %dma_wait3A_415 : memref<1x80xi32, #tpu.memory_space<vmem>> -> memref<80xi32, #tpu.memory_space<vmem>>
        %dma_wait3A_417 = arith.constant 0 : i32
        %dma_wait3A_418 = tpu.memref_slice %arg3[%add3A, %add3A_408, %dma_wait3A_417] : memref<32x125x80xi32, #tpu.memory_space<hbm>> -> memref<1x1x80xi32, #tpu.memory_space<hbm>>
        %dma_wait3A_419 = tpu.memref_squeeze %dma_wait3A_418 : memref<1x1x80xi32, #tpu.memory_space<hbm>> -> memref<80xi32, #tpu.memory_space<hbm>>
        %dma_wait3A_420 = arith.constant 0 : i32
        %dma_wait3A_421 = tpu.memref_slice %arg5[%dma_wait3A_413, %dma_wait3A_420] : memref<3x80xi32, #tpu.memory_space<vmem>> -> memref<1x80xi32, #tpu.memory_space<vmem>>
        %dma_wait3A_422 = tpu.memref_squeeze %dma_wait3A_421 : memref<1x80xi32, #tpu.memory_space<vmem>> -> memref<80xi32, #tpu.memory_space<vmem>>
        %dma_wait3A_423 = arith.constant 0 : i32
        %dma_wait3A_424 = tpu.memref_slice %arg3[%add3A, %add3A_408, %dma_wait3A_423] : memref<32x125x80xi32, #tpu.memory_space<hbm>> -> memref<1x1x80xi32, #tpu.memory_space<hbm>>
        %dma_wait3A_425 = tpu.memref_squeeze %dma_wait3A_424 : memref<1x1x80xi32, #tpu.memory_space<hbm>> -> memref<80xi32, #tpu.memory_space<hbm>>
        tpu.wait_dma2 semaphore(%arg14 : memref<!tpu.dma_semaphore, #tpu.memory_space<semaphore_mem>>) src(%dma_wait3A_425 : memref<80xi32, #tpu.memory_space<hbm>>) dst(%dma_wait3A_422 : memref<80xi32, #tpu.memory_space<vmem>>)
        %get3A_426 = arith.constant 0 : i32
        %get3A_427 = arith.index_cast %get3A_426 : i32 to index
        %get3A_428 = arith.constant 0 : index
        %get3A_429 = tpu.vector_load %arg5[%get3A_427, %get3A_428] {strides = array<i32>} : memref<3x80xi32, #tpu.memory_space<vmem>>, vector<1x16xi32>,
        %get3A_430 = vector.shape_cast %get3A_429 : vector<1x16xi32> to vector<16xi32>
        %and3A_431 = arith.constant 65535 : i32
        %and3A_432 = vector.broadcast %and3A_431 : i32 to vector<16xi32>
        %and3A_433 = arith.andi %get3A_430, %and3A_432 : vector<16xi32>
        %swap3A_434 = arith.constant 0 : i32
        %swap3A_435 = arith.index_cast %swap3A_434 : i32 to index
        %swap3A_436 = arith.constant 0 : index
        %swap3A_437 = tpu.vector_load %arg6[%swap3A_435, %swap3A_436] {strides = array<i32>} : memref<3x80xi32, #tpu.memory_space<vmem>>, vector<1x16xi32>,
        %swap3A_438 = vector.shape_cast %swap3A_437 : vector<1x16xi32> to vector<16xi32>
        %swap3A_439 = vector.shape_cast %and3A_433 : vector<16xi32> to vector<1x16xi32>
        tpu.vector_store %arg6[%swap3A_435, %swap3A_436], %swap3A_439 {strides = array<i32>} : memref<3x80xi32, #tpu.memory_space<vmem>>, vector<1x16xi32>,
        %shift_right_logical3A_440 = arith.constant 16 : i32
        %shift_right_logical3A_441 = vector.broadcast %shift_right_logical3A_440 : i32 to vector<16xi32>
        %shift_right_logical3A_442 = arith.shrui %get3A_430, %shift_right_logical3A_441 : vector<16xi32>
        %swap3A_443 = arith.constant 0 : i32
        %swap3A_444 = arith.index_cast %swap3A_443 : i32 to index
        %swap3A_445 = arith.constant 0 : index
        %swap3A_446 = tpu.vector_load %arg7[%swap3A_444, %swap3A_445] {strides = array<i32>} : memref<3x80xi32, #tpu.memory_space<vmem>>, vector<1x16xi32>,
        %swap3A_447 = vector.shape_cast %swap3A_446 : vector<1x16xi32> to vector<16xi32>
        %swap3A_448 = vector.shape_cast %shift_right_logical3A_442 : vector<16xi32> to vector<1x16xi32>
        tpu.vector_store %arg7[%swap3A_444, %swap3A_445], %swap3A_448 {strides = array<i32>} : memref<3x80xi32, #tpu.memory_space<vmem>>, vector<1x16xi32>,
        %get3A_449 = arith.constant 0 : i32
        %get3A_450 = arith.index_cast %get3A_449 : i32 to index
        %get3A_451 = arith.constant 16 : index
        %get3A_452 = tpu.vector_load %arg5[%get3A_450, %get3A_451] {strides = array<i32>} : memref<3x80xi32, #tpu.memory_space<vmem>>, vector<1x16xi32>,
        %get3A_453 = vector.shape_cast %get3A_452 : vector<1x16xi32> to vector<16xi32>
        %and3A_454 = arith.constant 65535 : i32
        %and3A_455 = vector.broadcast %and3A_454 : i32 to vector<16xi32>
        %and3A_456 = arith.andi %get3A_453, %and3A_455 : vector<16xi32>
        %swap3A_457 = arith.constant 0 : i32
        %swap3A_458 = arith.index_cast %swap3A_457 : i32 to index
        %swap3A_459 = arith.constant 16 : index
        %swap3A_460 = tpu.vector_load %arg6[%swap3A_458, %swap3A_459] {strides = array<i32>} : memref<3x80xi32, #tpu.memory_space<vmem>>, vector<1x16xi32>,
        %swap3A_461 = vector.shape_cast %swap3A_460 : vector<1x16xi32> to vector<16xi32>
        %swap3A_462 = vector.shape_cast %and3A_456 : vector<16xi32> to vector<1x16xi32>
        tpu.vector_store %arg6[%swap3A_458, %swap3A_459], %swap3A_462 {strides = array<i32>} : memref<3x80xi32, #tpu.memory_space<vmem>>, vector<1x16xi32>,
        %shift_right_logical3A_463 = arith.constant 16 : i32
        %shift_right_logical3A_464 = vector.broadcast %shift_right_logical3A_463 : i32 to vector<16xi32>
        %shift_right_logical3A_465 = arith.shrui %get3A_453, %shift_right_logical3A_464 : vector<16xi32>
        %swap3A_466 = arith.constant 0 : i32
        %swap3A_467 = arith.index_cast %swap3A_466 : i32 to index
        %swap3A_468 = arith.constant 16 : index
        %swap3A_469 = tpu.vector_load %arg7[%swap3A_467, %swap3A_468] {strides = array<i32>} : memref<3x80xi32, #tpu.memory_space<vmem>>, vector<1x16xi32>,
        %swap3A_470 = vector.shape_cast %swap3A_469 : vector<1x16xi32> to vector<16xi32>
        %swap3A_471 = vector.shape_cast %shift_right_logical3A_465 : vector<16xi32> to vector<1x16xi32>
        tpu.vector_store %arg7[%swap3A_467, %swap3A_468], %swap3A_471 {strides = array<i32>} : memref<3x80xi32, #tpu.memory_space<vmem>>, vector<1x16xi32>,
        %get3A_472 = arith.constant 0 : i32
        %get3A_473 = arith.index_cast %get3A_472 : i32 to index
        %get3A_474 = arith.constant 32 : index
        %get3A_475 = tpu.vector_load %arg5[%get3A_473, %get3A_474] {strides = array<i32>} : memref<3x80xi32, #tpu.memory_space<vmem>>, vector<1x16xi32>,
        %get3A_476 = vector.shape_cast %get3A_475 : vector<1x16xi32> to vector<16xi32>
        %and3A_477 = arith.constant 65535 : i32
        %and3A_478 = vector.broadcast %and3A_477 : i32 to vector<16xi32>
        %and3A_479 = arith.andi %get3A_476, %and3A_478 : vector<16xi32>
        %swap3A_480 = arith.constant 0 : i32
        %swap3A_481 = arith.index_cast %swap3A_480 : i32 to index
        %swap3A_482 = arith.constant 32 : index
        %swap3A_483 = tpu.vector_load %arg6[%swap3A_481, %swap3A_482] {strides = array<i32>} : memref<3x80xi32, #tpu.memory_space<vmem>>, vector<1x16xi32>,
        %swap3A_484 = vector.shape_cast %swap3A_483 : vector<1x16xi32> to vector<16xi32>
        %swap3A_485 = vector.shape_cast %and3A_479 : vector<16xi32> to vector<1x16xi32>
        tpu.vector_store %arg6[%swap3A_481, %swap3A_482], %swap3A_485 {strides = array<i32>} : memref<3x80xi32, #tpu.memory_space<vmem>>, vector<1x16xi32>,
        %shift_right_logical3A_486 = arith.constant 16 : i32
        %shift_right_logical3A_487 = vector.broadcast %shift_right_logical3A_486 : i32 to vector<16xi32>
        %shift_right_logical3A_488 = arith.shrui %get3A_476, %shift_right_logical3A_487 : vector<16xi32>
        %swap3A_489 = arith.constant 0 : i32
        %swap3A_490 = arith.index_cast %swap3A_489 : i32 to index
        %swap3A_491 = arith.constant 32 : index
        %swap3A_492 = tpu.vector_load %arg7[%swap3A_490, %swap3A_491] {strides = array<i32>} : memref<3x80xi32, #tpu.memory_space<vmem>>, vector<1x16xi32>,
        %swap3A_493 = vector.shape_cast %swap3A_492 : vector<1x16xi32> to vector<16xi32>
        %swap3A_494 = vector.shape_cast %shift_right_logical3A_488 : vector<16xi32> to vector<1x16xi32>
        tpu.vector_store %arg7[%swap3A_490, %swap3A_491], %swap3A_494 {strides = array<i32>} : memref<3x80xi32, #tpu.memory_space<vmem>>, vector<1x16xi32>,
        %get3A_495 = arith.constant 0 : i32
        %get3A_496 = arith.index_cast %get3A_495 : i32 to index
        %get3A_497 = arith.constant 48 : index
        %get3A_498 = tpu.vector_load %arg5[%get3A_496, %get3A_497] {strides = array<i32>} : memref<3x80xi32, #tpu.memory_space<vmem>>, vector<1x16xi32>,
        %get3A_499 = vector.shape_cast %get3A_498 : vector<1x16xi32> to vector<16xi32>
        %and3A_500 = arith.constant 65535 : i32
        %and3A_501 = vector.broadcast %and3A_500 : i32 to vector<16xi32>
        %and3A_502 = arith.andi %get3A_499, %and3A_501 : vector<16xi32>
        %swap3A_503 = arith.constant 0 : i32
        %swap3A_504 = arith.index_cast %swap3A_503 : i32 to index
        %swap3A_505 = arith.constant 48 : index
        %swap3A_506 = tpu.vector_load %arg6[%swap3A_504, %swap3A_505] {strides = array<i32>} : memref<3x80xi32, #tpu.memory_space<vmem>>, vector<1x16xi32>,
        %swap3A_507 = vector.shape_cast %swap3A_506 : vector<1x16xi32> to vector<16xi32>
        %swap3A_508 = vector.shape_cast %and3A_502 : vector<16xi32> to vector<1x16xi32>
        tpu.vector_store %arg6[%swap3A_504, %swap3A_505], %swap3A_508 {strides = array<i32>} : memref<3x80xi32, #tpu.memory_space<vmem>>, vector<1x16xi32>,
        %shift_right_logical3A_509 = arith.constant 16 : i32
        %shift_right_logical3A_510 = vector.broadcast %shift_right_logical3A_509 : i32 to vector<16xi32>
        %shift_right_logical3A_511 = arith.shrui %get3A_499, %shift_right_logical3A_510 : vector<16xi32>
        %swap3A_512 = arith.constant 0 : i32
        %swap3A_513 = arith.index_cast %swap3A_512 : i32 to index
        %swap3A_514 = arith.constant 48 : index
        %swap3A_515 = tpu.vector_load %arg7[%swap3A_513, %swap3A_514] {strides = array<i32>} : memref<3x80xi32, #tpu.memory_space<vmem>>, vector<1x16xi32>,
        %swap3A_516 = vector.shape_cast %swap3A_515 : vector<1x16xi32> to vector<16xi32>
        %swap3A_517 = vector.shape_cast %shift_right_logical3A_511 : vector<16xi32> to vector<1x16xi32>
        tpu.vector_store %arg7[%swap3A_513, %swap3A_514], %swap3A_517 {strides = array<i32>} : memref<3x80xi32, #tpu.memory_space<vmem>>, vector<1x16xi32>,
        %get3A_518 = arith.constant 0 : i32
        %get3A_519 = arith.index_cast %get3A_518 : i32 to index
        %get3A_520 = arith.constant 64 : index
        %get3A_521 = tpu.vector_load %arg5[%get3A_519, %get3A_520] {strides = array<i32>} : memref<3x80xi32, #tpu.memory_space<vmem>>, vector<1x16xi32>,
        %get3A_522 = vector.shape_cast %get3A_521 : vector<1x16xi32> to vector<16xi32>
        %and3A_523 = arith.constant 65535 : i32
        %and3A_524 = vector.broadcast %and3A_523 : i32 to vector<16xi32>
        %and3A_525 = arith.andi %get3A_522, %and3A_524 : vector<16xi32>
        %swap3A_526 = arith.constant 0 : i32
        %swap3A_527 = arith.index_cast %swap3A_526 : i32 to index
        %swap3A_528 = arith.constant 64 : index
        %swap3A_529 = tpu.vector_load %arg6[%swap3A_527, %swap3A_528] {strides = array<i32>} : memref<3x80xi32, #tpu.memory_space<vmem>>, vector<1x16xi32>,
        %swap3A_530 = vector.shape_cast %swap3A_529 : vector<1x16xi32> to vector<16xi32>
        %swap3A_531 = vector.shape_cast %and3A_525 : vector<16xi32> to vector<1x16xi32>
        tpu.vector_store %arg6[%swap3A_527, %swap3A_528], %swap3A_531 {strides = array<i32>} : memref<3x80xi32, #tpu.memory_space<vmem>>, vector<1x16xi32>,
        %shift_right_logical3A_532 = arith.constant 16 : i32
        %shift_right_logical3A_533 = vector.broadcast %shift_right_logical3A_532 : i32 to vector<16xi32>
        %shift_right_logical3A_534 = arith.shrui %get3A_522, %shift_right_logical3A_533 : vector<16xi32>
        %swap3A_535 = arith.constant 0 : i32
        %swap3A_536 = arith.index_cast %swap3A_535 : i32 to index
        %swap3A_537 = arith.constant 64 : index
        %swap3A_538 = tpu.vector_load %arg7[%swap3A_536, %swap3A_537] {strides = array<i32>} : memref<3x80xi32, #tpu.memory_space<vmem>>, vector<1x16xi32>,
        %swap3A_539 = vector.shape_cast %swap3A_538 : vector<1x16xi32> to vector<16xi32>
        %swap3A_540 = vector.shape_cast %shift_right_logical3A_534 : vector<16xi32> to vector<1x16xi32>
        tpu.vector_store %arg7[%swap3A_536, %swap3A_537], %swap3A_540 {strides = array<i32>} : memref<3x80xi32, #tpu.memory_space<vmem>>, vector<1x16xi32>,
        %dma_start3A_541 = arith.constant 0 : i32
        %dma_start3A_542 = arith.constant 0 : i32
        %dma_start3A_543 = arith.constant 0 : i32
        %dma_start3A_544 = arith.constant 0 : i32
        %dma_start3A_545 = tpu.memref_slice %arg8[%dma_start3A_542, %dma_start3A_543, %dma_start3A_544] : memref<3x80x128xf32, #tpu.memory_space<vmem>> -> memref<1x80x128xf32, #tpu.memory_space<vmem>>
        %dma_start3A_546 = tpu.memref_squeeze %dma_start3A_545 : memref<1x80x128xf32, #tpu.memory_space<vmem>> -> memref<80x128xf32, #tpu.memory_space<vmem>>
        %dma_start3A_547 = arith.constant 0 : i32
        %dma_start3A_548 = tpu.memref_slice %arg6[%dma_start3A_541, %dma_start3A_547] : memref<3x80xi32, #tpu.memory_space<vmem>> -> memref<1x80xi32, #tpu.memory_space<vmem>>
        %dma_start3A_549 = tpu.memref_squeeze %dma_start3A_548 : memref<1x80xi32, #tpu.memory_space<vmem>> -> memref<80xi32, #tpu.memory_space<vmem>>
        %dma_start3A_550 = arith.constant 0 : i32
        %dma_start3A_551 = arith.constant 0 : i32
        %dma_start3A_552 = tpu.memref_slice %arg2[%dma_start3A_550, %dma_start3A_551] : memref<10000x128xf32, #tpu.memory_space<hbm>> -> memref<10000x128xf32, #tpu.memory_space<hbm>>
        tpu.enqueue_indirect_dma source(%dma_start3A_552 : memref<10000x128xf32, #tpu.memory_space<hbm>>) target(%dma_start3A_546 : memref<80x128xf32, #tpu.memory_space<vmem>>) offsets(%dma_start3A_549 : memref<80xi32, #tpu.memory_space<vmem>>) semaphore(%arg17 : memref<!tpu.dma_semaphore, #tpu.memory_space<semaphore_mem>>)
      } else {
      }
      %add3A_394 = arith.constant 3 : i32
      %add3A_395 = arith.addi %add3A_386, %add3A_394 : i32
      %lt3A_396 = arith.constant 125 : i32
      %lt3A_397 = arith.cmpi slt, %add3A_395, %lt3A_396 : i32
      %convert_element_type3A_398 = arith.extui %lt3A_397 : i1 to i32
      %cond3A_399 = arith.constant 0 : i32
      %cond3A_400 = arith.cmpi ne, %convert_element_type3A_398, %cond3A_399 : i32
      scf.if %cond3A_400 {
        %add3A_407 = arith.constant 3 : i32
        %add3A_408 = arith.addi %add3A_386, %add3A_407 : i32
        %dma_start3A_409 = arith.constant 2 : i32
        %dma_start3A_410 = arith.constant 0 : i32
        %dma_start3A_411 = tpu.memref_slice %arg5[%dma_start3A_409, %dma_start3A_410] : memref<3x80xi32, #tpu.memory_space<vmem>> -> memref<1x80xi32, #tpu.memory_space<vmem>>
        %dma_start3A_412 = tpu.memref_squeeze %dma_start3A_411 : memref<1x80xi32, #tpu.memory_space<vmem>> -> memref<80xi32, #tpu.memory_space<vmem>>
        %dma_start3A_413 = arith.constant 0 : i32
        %dma_start3A_414 = tpu.memref_slice %arg3[%add3A, %add3A_408, %dma_start3A_413] : memref<32x125x80xi32, #tpu.memory_space<hbm>> -> memref<1x1x80xi32, #tpu.memory_space<hbm>>
        %dma_start3A_415 = tpu.memref_squeeze %dma_start3A_414 : memref<1x1x80xi32, #tpu.memory_space<hbm>> -> memref<80xi32, #tpu.memory_space<hbm>>
        %dma_start3A_416 = arith.constant 0 : i32
        %dma_start3A_417 = tpu.memref_slice %arg5[%dma_start3A_409, %dma_start3A_416] : memref<3x80xi32, #tpu.memory_space<vmem>> -> memref<1x80xi32, #tpu.memory_space<vmem>>
        %dma_start3A_418 = tpu.memref_squeeze %dma_start3A_417 : memref<1x80xi32, #tpu.memory_space<vmem>> -> memref<80xi32, #tpu.memory_space<vmem>>
        %dma_start3A_419 = arith.constant 0 : i32
        %dma_start3A_420 = tpu.memref_slice %arg3[%add3A, %add3A_408, %dma_start3A_419] : memref<32x125x80xi32, #tpu.memory_space<hbm>> -> memref<1x1x80xi32, #tpu.memory_space<hbm>>
        %dma_start3A_421 = tpu.memref_squeeze %dma_start3A_420 : memref<1x1x80xi32, #tpu.memory_space<hbm>> -> memref<80xi32, #tpu.memory_space<hbm>>
        tpu.enqueue_dma source(%dma_start3A_421 : memref<80xi32, #tpu.memory_space<hbm>>) target(%dma_start3A_418 : memref<80xi32, #tpu.memory_space<vmem>>) target_semaphore(%arg16 : memref<!tpu.dma_semaphore, #tpu.memory_space<semaphore_mem>>)
      } else {
      }
      %lt3A_401 = arith.constant 125 : i32
      %lt3A_402 = arith.cmpi slt, %add3A_386, %lt3A_401 : i32
      %convert_element_type3A_403 = arith.extui %lt3A_402 : i1 to i32
      %cond3A_404 = arith.constant 0 : i32
      %cond3A_405 = arith.cmpi ne, %convert_element_type3A_403, %cond3A_404 : i32
      scf.if %cond3A_405 {
        %dma_wait3A_407 = arith.constant 2 : i32
        %dma_wait3A_408 = arith.constant 2 : i32
        %dma_wait3A_409 = arith.constant 0 : i32
        %dma_wait3A_410 = arith.constant 0 : i32
        %dma_wait3A_411 = tpu.memref_slice %arg8[%dma_wait3A_408, %dma_wait3A_409, %dma_wait3A_410] : memref<3x80x128xf32, #tpu.memory_space<vmem>> -> memref<1x80x128xf32, #tpu.memory_space<vmem>>
        %dma_wait3A_412 = tpu.memref_squeeze %dma_wait3A_411 : memref<1x80x128xf32, #tpu.memory_space<vmem>> -> memref<80x128xf32, #tpu.memory_space<vmem>>
        %dma_wait3A_413 = arith.constant 0 : i32
        %dma_wait3A_414 = tpu.memref_slice %arg6[%dma_wait3A_407, %dma_wait3A_413] : memref<3x80xi32, #tpu.memory_space<vmem>> -> memref<1x80xi32, #tpu.memory_space<vmem>>
        %dma_wait3A_415 = tpu.memref_squeeze %dma_wait3A_414 : memref<1x80xi32, #tpu.memory_space<vmem>> -> memref<80xi32, #tpu.memory_space<vmem>>
        %dma_wait3A_416 = arith.constant 0 : i32
        %dma_wait3A_417 = arith.constant 0 : i32
        %dma_wait3A_418 = tpu.memref_slice %arg2[%dma_wait3A_416, %dma_wait3A_417] : memref<10000x128xf32, #tpu.memory_space<hbm>> -> memref<10000x128xf32, #tpu.memory_space<hbm>>
        tpu.wait_indirect_dma semaphore(%arg19 : memref<!tpu.dma_semaphore, #tpu.memory_space<semaphore_mem>>) src(%dma_wait3A_418 : memref<10000x128xf32, #tpu.memory_space<hbm>>) dst(%dma_wait3A_412 : memref<80x128xf32, #tpu.memory_space<vmem>>)
        %dma_start3A_419 = arith.constant 2 : i32
        %dma_start3A_420 = arith.constant 2 : i32
        %dma_start3A_421 = arith.constant 0 : i32
        %dma_start3A_422 = arith.constant 0 : i32
        %dma_start3A_423 = tpu.memref_slice %arg8[%dma_start3A_419, %dma_start3A_421, %dma_start3A_422] : memref<3x80x128xf32, #tpu.memory_space<vmem>> -> memref<1x80x128xf32, #tpu.memory_space<vmem>>
        %dma_start3A_424 = tpu.memref_squeeze %dma_start3A_423 : memref<1x80x128xf32, #tpu.memory_space<vmem>> -> memref<80x128xf32, #tpu.memory_space<vmem>>
        %dma_start3A_425 = arith.constant 0 : i32
        %dma_start3A_426 = tpu.memref_slice %arg7[%dma_start3A_420, %dma_start3A_425] : memref<3x80xi32, #tpu.memory_space<vmem>> -> memref<1x80xi32, #tpu.memory_space<vmem>>
        %dma_start3A_427 = tpu.memref_squeeze %dma_start3A_426 : memref<1x80xi32, #tpu.memory_space<vmem>> -> memref<80xi32, #tpu.memory_space<vmem>>
        %dma_start3A_428 = arith.constant 0 : i32
        %dma_start3A_429 = arith.constant 0 : i32
        %dma_start3A_430 = tpu.memref_slice %arg12[%dma_start3A_428, %dma_start3A_429] : memref<10240x128xf32, #tpu.memory_space<vmem_shared>> -> memref<10240x128xf32, #tpu.memory_space<vmem_shared>>
        tpu.enqueue_indirect_dma source(%dma_start3A_424 : memref<80x128xf32, #tpu.memory_space<vmem>>) target(%dma_start3A_430 : memref<10240x128xf32, #tpu.memory_space<vmem_shared>>) offsets(%dma_start3A_427 : memref<80xi32, #tpu.memory_space<vmem>>) semaphore(%arg22 : memref<!tpu.dma_semaphore, #tpu.memory_space<semaphore_mem>>) {add = true}
      } else {
      }
      %scan3A_406 = arith.constant 0 : i32
      scf.yield %scan3A_406 : i32
    }
    %scan3A_260 = arith.constant 42 : i32
    %dma_wait3A_261 = arith.constant 0 : i32
    %dma_wait3A_262 = arith.constant 0 : i32
    %dma_wait3A_263 = arith.constant 0 : i32
    %dma_wait3A_264 = arith.constant 0 : i32
    %dma_wait3A_265 = tpu.memref_slice %arg8[%dma_wait3A_261, %dma_wait3A_263, %dma_wait3A_264] : memref<3x80x128xf32, #tpu.memory_space<vmem>> -> memref<1x80x128xf32, #tpu.memory_space<vmem>>
    %dma_wait3A_266 = tpu.memref_squeeze %dma_wait3A_265 : memref<1x80x128xf32, #tpu.memory_space<vmem>> -> memref<80x128xf32, #tpu.memory_space<vmem>>
    %dma_wait3A_267 = arith.constant 0 : i32
    %dma_wait3A_268 = tpu.memref_slice %arg7[%dma_wait3A_262, %dma_wait3A_267] : memref<3x80xi32, #tpu.memory_space<vmem>> -> memref<1x80xi32, #tpu.memory_space<vmem>>
    %dma_wait3A_269 = tpu.memref_squeeze %dma_wait3A_268 : memref<1x80xi32, #tpu.memory_space<vmem>> -> memref<80xi32, #tpu.memory_space<vmem>>
    %dma_wait3A_270 = arith.constant 0 : i32
    %dma_wait3A_271 = arith.constant 0 : i32
    %dma_wait3A_272 = tpu.memref_slice %arg12[%dma_wait3A_270, %dma_wait3A_271] : memref<10240x128xf32, #tpu.memory_space<vmem_shared>> -> memref<10240x128xf32, #tpu.memory_space<vmem_shared>>
    tpu.wait_indirect_dma semaphore(%arg20 : memref<!tpu.dma_semaphore, #tpu.memory_space<semaphore_mem>>) src(%dma_wait3A_266 : memref<80x128xf32, #tpu.memory_space<vmem>>) dst(%dma_wait3A_272 : memref<10240x128xf32, #tpu.memory_space<vmem_shared>>)
    %dma_wait3A_273 = arith.constant 1 : i32
    %dma_wait3A_274 = arith.constant 1 : i32
    %dma_wait3A_275 = arith.constant 0 : i32
    %dma_wait3A_276 = arith.constant 0 : i32
    %dma_wait3A_277 = tpu.memref_slice %arg8[%dma_wait3A_273, %dma_wait3A_275, %dma_wait3A_276] : memref<3x80x128xf32, #tpu.memory_space<vmem>> -> memref<1x80x128xf32, #tpu.memory_space<vmem>>
    %dma_wait3A_278 = tpu.memref_squeeze %dma_wait3A_277 : memref<1x80x128xf32, #tpu.memory_space<vmem>> -> memref<80x128xf32, #tpu.memory_space<vmem>>
    %dma_wait3A_279 = arith.constant 0 : i32
    %dma_wait3A_280 = tpu.memref_slice %arg7[%dma_wait3A_274, %dma_wait3A_279] : memref<3x80xi32, #tpu.memory_space<vmem>> -> memref<1x80xi32, #tpu.memory_space<vmem>>
    %dma_wait3A_281 = tpu.memref_squeeze %dma_wait3A_280 : memref<1x80xi32, #tpu.memory_space<vmem>> -> memref<80xi32, #tpu.memory_space<vmem>>
    %dma_wait3A_282 = arith.constant 0 : i32
    %dma_wait3A_283 = arith.constant 0 : i32
    %dma_wait3A_284 = tpu.memref_slice %arg12[%dma_wait3A_282, %dma_wait3A_283] : memref<10240x128xf32, #tpu.memory_space<vmem_shared>> -> memref<10240x128xf32, #tpu.memory_space<vmem_shared>>
    tpu.wait_indirect_dma semaphore(%arg21 : memref<!tpu.dma_semaphore, #tpu.memory_space<semaphore_mem>>) src(%dma_wait3A_278 : memref<80x128xf32, #tpu.memory_space<vmem>>) dst(%dma_wait3A_284 : memref<10240x128xf32, #tpu.memory_space<vmem_shared>>)
    %dma_wait3A_285 = arith.constant 2 : i32
    %dma_wait3A_286 = arith.constant 2 : i32
    %dma_wait3A_287 = arith.constant 0 : i32
    %dma_wait3A_288 = arith.constant 0 : i32
    %dma_wait3A_289 = tpu.memref_slice %arg8[%dma_wait3A_285, %dma_wait3A_287, %dma_wait3A_288] : memref<3x80x128xf32, #tpu.memory_space<vmem>> -> memref<1x80x128xf32, #tpu.memory_space<vmem>>
    %dma_wait3A_290 = tpu.memref_squeeze %dma_wait3A_289 : memref<1x80x128xf32, #tpu.memory_space<vmem>> -> memref<80x128xf32, #tpu.memory_space<vmem>>
    %dma_wait3A_291 = arith.constant 0 : i32
    %dma_wait3A_292 = tpu.memref_slice %arg7[%dma_wait3A_286, %dma_wait3A_291] : memref<3x80xi32, #tpu.memory_space<vmem>> -> memref<1x80xi32, #tpu.memory_space<vmem>>
    %dma_wait3A_293 = tpu.memref_squeeze %dma_wait3A_292 : memref<1x80xi32, #tpu.memory_space<vmem>> -> memref<80xi32, #tpu.memory_space<vmem>>
    %dma_wait3A_294 = arith.constant 0 : i32
    %dma_wait3A_295 = arith.constant 0 : i32
    %dma_wait3A_296 = tpu.memref_slice %arg12[%dma_wait3A_294, %dma_wait3A_295] : memref<10240x128xf32, #tpu.memory_space<vmem_shared>> -> memref<10240x128xf32, #tpu.memory_space<vmem_shared>>
    tpu.wait_indirect_dma semaphore(%arg22 : memref<!tpu.dma_semaphore, #tpu.memory_space<semaphore_mem>>) src(%dma_wait3A_290 : memref<80x128xf32, #tpu.memory_space<vmem>>) dst(%dma_wait3A_296 : memref<10240x128xf32, #tpu.memory_space<vmem_shared>>)
    %barrier3A_297 = arith.constant 0 : index
    tpu.barrier barrier_id(%barrier3A_297)
    %mul3A_298 = arith.constant 640 : i32
    %mul3A_299 = arith.muli %arg1, %mul3A_298 : i32
    %add3A_300 = arith.constant 0 : i32
    %add3A_301 = arith.addi %mul3A_299, %add3A_300 : i32
    "tpu.region"() ({
      %run_scoped3A = tpu.sem_alloc : memref<!tpu.dma_semaphore, #tpu.memory_space<semaphore_mem>>
      %dma_start3A_338 = arith.constant 0 : i32
      %dma_start3A_339 = tpu.memref_slice %arg12[%add3A_301, %dma_start3A_338] : memref<10240x128xf32, #tpu.memory_space<vmem_shared>> -> memref<64x128xf32, #tpu.memory_space<vmem_shared>>
      %dma_start3A_340 = arith.constant 0 : i32
      %dma_start3A_341 = tpu.memref_slice %arg12[%add3A_301, %dma_start3A_340] : memref<10240x128xf32, #tpu.memory_space<vmem_shared>> -> memref<64x128xf32, #tpu.memory_space<vmem_shared>>
      tpu.enqueue_dma source(%dma_start3A_341 : memref<64x128xf32, #tpu.memory_space<vmem_shared>>) target(%arg9 : memref<64x128xf32, #tpu.memory_space<vmem>>) target_semaphore(%run_scoped3A : memref<!tpu.dma_semaphore, #tpu.memory_space<semaphore_mem>>)
      %dma_wait3A_342 = arith.constant 0 : i32
      %dma_wait3A_343 = tpu.memref_slice %arg12[%add3A_301, %dma_wait3A_342] : memref<10240x128xf32, #tpu.memory_space<vmem_shared>> -> memref<64x128xf32, #tpu.memory_space<vmem_shared>>
      %dma_wait3A_344 = arith.constant 0 : i32
      %dma_wait3A_345 = tpu.memref_slice %arg12[%add3A_301, %dma_wait3A_344] : memref<10240x128xf32, #tpu.memory_space<vmem_shared>> -> memref<64x128xf32, #tpu.memory_space<vmem_shared>>
      tpu.wait_dma2 semaphore(%run_scoped3A : memref<!tpu.dma_semaphore, #tpu.memory_space<semaphore_mem>>) src(%dma_wait3A_345 : memref<64x128xf32, #tpu.memory_space<vmem_shared>>) dst(%arg9 : memref<64x128xf32, #tpu.memory_space<vmem>>)
      tpu.yield
    }) : () -> ()
    "tpu.region"() ({
      %run_scoped3A = tpu.sem_alloc : memref<!tpu.dma_semaphore, #tpu.memory_space<semaphore_mem>>
      %dma_start3A_338 = arith.constant 0 : i32
      %dma_start3A_339 = tpu.memref_slice %arg4[%arg0, %add3A_301, %dma_start3A_338] : memref<2x10240x128xf32, #tpu.memory_space<hbm>> -> memref<1x64x128xf32, #tpu.memory_space<hbm>>
      %dma_start3A_340 = tpu.memref_squeeze %dma_start3A_339 : memref<1x64x128xf32, #tpu.memory_space<hbm>> -> memref<64x128xf32, #tpu.memory_space<hbm>>
      %dma_start3A_341 = arith.constant 0 : i32
      %dma_start3A_342 = tpu.memref_slice %arg4[%arg0, %add3A_301, %dma_start3A_341] : memref<2x10240x128xf32, #tpu.memory_space<hbm>> -> memref<1x64x128xf32, #tpu.memory_space<hbm>>
      %dma_start3A_343 = tpu.memref_squeeze %dma_start3A_342 : memref<1x64x128xf32, #tpu.memory_space<hbm>> -> memref<64x128xf32, #tpu.memory_space<hbm>>
      tpu.enqueue_dma source(%arg9 : memref<64x128xf32, #tpu.memory_space<vmem>>) target(%dma_start3A_343 : memref<64x128xf32, #tpu.memory_space<hbm>>) target_semaphore(%run_scoped3A : memref<!tpu.dma_semaphore, #tpu.memory_space<semaphore_mem>>)
      %dma_wait3A_344 = arith.constant 0 : i32
      %dma_wait3A_345 = tpu.memref_slice %arg4[%arg0, %add3A_301, %dma_wait3A_344] : memref<2x10240x128xf32, #tpu.memory_space<hbm>> -> memref<1x64x128xf32, #tpu.memory_space<hbm>>
      %dma_wait3A_346 = tpu.memref_squeeze %dma_wait3A_345 : memref<1x64x128xf32, #tpu.memory_space<hbm>> -> memref<64x128xf32, #tpu.memory_space<hbm>>
      %dma_wait3A_347 = arith.constant 0 : i32
      %dma_wait3A_348 = tpu.memref_slice %arg4[%arg0, %add3A_301, %dma_wait3A_347] : memref<2x10240x128xf32, #tpu.memory_space<hbm>> -> memref<1x64x128xf32, #tpu.memory_space<hbm>>
      %dma_wait3A_349 = tpu.memref_squeeze %dma_wait3A_348 : memref<1x64x128xf32, #tpu.memory_space<hbm>> -> memref<64x128xf32, #tpu.memory_space<hbm>>
      tpu.wait_dma2 semaphore(%run_scoped3A : memref<!tpu.dma_semaphore, #tpu.memory_space<semaphore_mem>>) src(%arg9 : memref<64x128xf32, #tpu.memory_space<vmem>>) dst(%dma_wait3A_349 : memref<64x128xf32, #tpu.memory_space<hbm>>)
      tpu.yield
    }) : () -> ()
    %mul3A_302 = arith.constant 640 : i32
    %mul3A_303 = arith.muli %arg1, %mul3A_302 : i32
    %add3A_304 = arith.constant 64 : i32
    %add3A_305 = arith.addi %mul3A_303, %add3A_304 : i32
    "tpu.region"() ({
      %run_scoped3A = tpu.sem_alloc : memref<!tpu.dma_semaphore, #tpu.memory_space<semaphore_mem>>
      %dma_start3A_338 = arith.constant 0 : i32
      %dma_start3A_339 = tpu.memref_slice %arg12[%add3A_305, %dma_start3A_338] : memref<10240x128xf32, #tpu.memory_space<vmem_shared>> -> memref<64x128xf32, #tpu.memory_space<vmem_shared>>
      %dma_start3A_340 = arith.constant 0 : i32
      %dma_start3A_341 = tpu.memref_slice %arg12[%add3A_305, %dma_start3A_340] : memref<10240x128xf32, #tpu.memory_space<vmem_shared>> -> memref<64x128xf32, #tpu.memory_space<vmem_shared>>
      tpu.enqueue_dma source(%dma_start3A_341 : memref<64x128xf32, #tpu.memory_space<vmem_shared>>) target(%arg9 : memref<64x128xf32, #tpu.memory_space<vmem>>) target_semaphore(%run_scoped3A : memref<!tpu.dma_semaphore, #tpu.memory_space<semaphore_mem>>)
      %dma_wait3A_342 = arith.constant 0 : i32
      %dma_wait3A_343 = tpu.memref_slice %arg12[%add3A_305, %dma_wait3A_342] : memref<10240x128xf32, #tpu.memory_space<vmem_shared>> -> memref<64x128xf32, #tpu.memory_space<vmem_shared>>
      %dma_wait3A_344 = arith.constant 0 : i32
      %dma_wait3A_345 = tpu.memref_slice %arg12[%add3A_305, %dma_wait3A_344] : memref<10240x128xf32, #tpu.memory_space<vmem_shared>> -> memref<64x128xf32, #tpu.memory_space<vmem_shared>>
      tpu.wait_dma2 semaphore(%run_scoped3A : memref<!tpu.dma_semaphore, #tpu.memory_space<semaphore_mem>>) src(%dma_wait3A_345 : memref<64x128xf32, #tpu.memory_space<vmem_shared>>) dst(%arg9 : memref<64x128xf32, #tpu.memory_space<vmem>>)
      tpu.yield
    }) : () -> ()
    "tpu.region"() ({
      %run_scoped3A = tpu.sem_alloc : memref<!tpu.dma_semaphore, #tpu.memory_space<semaphore_mem>>
      %dma_start3A_338 = arith.constant 0 : i32
      %dma_start3A_339 = tpu.memref_slice %arg4[%arg0, %add3A_305, %dma_start3A_338] : memref<2x10240x128xf32, #tpu.memory_space<hbm>> -> memref<1x64x128xf32, #tpu.memory_space<hbm>>
      %dma_start3A_340 = tpu.memref_squeeze %dma_start3A_339 : memref<1x64x128xf32, #tpu.memory_space<hbm>> -> memref<64x128xf32, #tpu.memory_space<hbm>>
      %dma_start3A_341 = arith.constant 0 : i32
      %dma_start3A_342 = tpu.memref_slice %arg4[%arg0, %add3A_305, %dma_start3A_341] : memref<2x10240x128xf32, #tpu.memory_space<hbm>> -> memref<1x64x128xf32, #tpu.memory_space<hbm>>
      %dma_start3A_343 = tpu.memref_squeeze %dma_start3A_342 : memref<1x64x128xf32, #tpu.memory_space<hbm>> -> memref<64x128xf32, #tpu.memory_space<hbm>>
      tpu.enqueue_dma source(%arg9 : memref<64x128xf32, #tpu.memory_space<vmem>>) target(%dma_start3A_343 : memref<64x128xf32, #tpu.memory_space<hbm>>) target_semaphore(%run_scoped3A : memref<!tpu.dma_semaphore, #tpu.memory_space<semaphore_mem>>)
      %dma_wait3A_344 = arith.constant 0 : i32
      %dma_wait3A_345 = tpu.memref_slice %arg4[%arg0, %add3A_305, %dma_wait3A_344] : memref<2x10240x128xf32, #tpu.memory_space<hbm>> -> memref<1x64x128xf32, #tpu.memory_space<hbm>>
      %dma_wait3A_346 = tpu.memref_squeeze %dma_wait3A_345 : memref<1x64x128xf32, #tpu.memory_space<hbm>> -> memref<64x128xf32, #tpu.memory_space<hbm>>
      %dma_wait3A_347 = arith.constant 0 : i32
      %dma_wait3A_348 = tpu.memref_slice %arg4[%arg0, %add3A_305, %dma_wait3A_347] : memref<2x10240x128xf32, #tpu.memory_space<hbm>> -> memref<1x64x128xf32, #tpu.memory_space<hbm>>
      %dma_wait3A_349 = tpu.memref_squeeze %dma_wait3A_348 : memref<1x64x128xf32, #tpu.memory_space<hbm>> -> memref<64x128xf32, #tpu.memory_space<hbm>>
      tpu.wait_dma2 semaphore(%run_scoped3A : memref<!tpu.dma_semaphore, #tpu.memory_space<semaphore_mem>>) src(%arg9 : memref<64x128xf32, #tpu.memory_space<vmem>>) dst(%dma_wait3A_349 : memref<64x128xf32, #tpu.memory_space<hbm>>)
      tpu.yield
    }) : () -> ()
    %mul3A_306 = arith.constant 640 : i32
    %mul3A_307 = arith.muli %arg1, %mul3A_306 : i32
    %add3A_308 = arith.constant 128 : i32
    %add3A_309 = arith.addi %mul3A_307, %add3A_308 : i32
    "tpu.region"() ({
      %run_scoped3A = tpu.sem_alloc : memref<!tpu.dma_semaphore, #tpu.memory_space<semaphore_mem>>
      %dma_start3A_338 = arith.constant 0 : i32
      %dma_start3A_339 = tpu.memref_slice %arg12[%add3A_309, %dma_start3A_338] : memref<10240x128xf32, #tpu.memory_space<vmem_shared>> -> memref<64x128xf32, #tpu.memory_space<vmem_shared>>
      %dma_start3A_340 = arith.constant 0 : i32
      %dma_start3A_341 = tpu.memref_slice %arg12[%add3A_309, %dma_start3A_340] : memref<10240x128xf32, #tpu.memory_space<vmem_shared>> -> memref<64x128xf32, #tpu.memory_space<vmem_shared>>
      tpu.enqueue_dma source(%dma_start3A_341 : memref<64x128xf32, #tpu.memory_space<vmem_shared>>) target(%arg9 : memref<64x128xf32, #tpu.memory_space<vmem>>) target_semaphore(%run_scoped3A : memref<!tpu.dma_semaphore, #tpu.memory_space<semaphore_mem>>)
      %dma_wait3A_342 = arith.constant 0 : i32
      %dma_wait3A_343 = tpu.memref_slice %arg12[%add3A_309, %dma_wait3A_342] : memref<10240x128xf32, #tpu.memory_space<vmem_shared>> -> memref<64x128xf32, #tpu.memory_space<vmem_shared>>
      %dma_wait3A_344 = arith.constant 0 : i32
      %dma_wait3A_345 = tpu.memref_slice %arg12[%add3A_309, %dma_wait3A_344] : memref<10240x128xf32, #tpu.memory_space<vmem_shared>> -> memref<64x128xf32, #tpu.memory_space<vmem_shared>>
      tpu.wait_dma2 semaphore(%run_scoped3A : memref<!tpu.dma_semaphore, #tpu.memory_space<semaphore_mem>>) src(%dma_wait3A_345 : memref<64x128xf32, #tpu.memory_space<vmem_shared>>) dst(%arg9 : memref<64x128xf32, #tpu.memory_space<vmem>>)
      tpu.yield
    }) : () -> ()
    "tpu.region"() ({
      %run_scoped3A = tpu.sem_alloc : memref<!tpu.dma_semaphore, #tpu.memory_space<semaphore_mem>>
      %dma_start3A_338 = arith.constant 0 : i32
      %dma_start3A_339 = tpu.memref_slice %arg4[%arg0, %add3A_309, %dma_start3A_338] : memref<2x10240x128xf32, #tpu.memory_space<hbm>> -> memref<1x64x128xf32, #tpu.memory_space<hbm>>
      %dma_start3A_340 = tpu.memref_squeeze %dma_start3A_339 : memref<1x64x128xf32, #tpu.memory_space<hbm>> -> memref<64x128xf32, #tpu.memory_space<hbm>>
      %dma_start3A_341 = arith.constant 0 : i32
      %dma_start3A_342 = tpu.memref_slice %arg4[%arg0, %add3A_309, %dma_start3A_341] : memref<2x10240x128xf32, #tpu.memory_space<hbm>> -> memref<1x64x128xf32, #tpu.memory_space<hbm>>
      %dma_start3A_343 = tpu.memref_squeeze %dma_start3A_342 : memref<1x64x128xf32, #tpu.memory_space<hbm>> -> memref<64x128xf32, #tpu.memory_space<hbm>>
      tpu.enqueue_dma source(%arg9 : memref<64x128xf32, #tpu.memory_space<vmem>>) target(%dma_start3A_343 : memref<64x128xf32, #tpu.memory_space<hbm>>) target_semaphore(%run_scoped3A : memref<!tpu.dma_semaphore, #tpu.memory_space<semaphore_mem>>)
      %dma_wait3A_344 = arith.constant 0 : i32
      %dma_wait3A_345 = tpu.memref_slice %arg4[%arg0, %add3A_309, %dma_wait3A_344] : memref<2x10240x128xf32, #tpu.memory_space<hbm>> -> memref<1x64x128xf32, #tpu.memory_space<hbm>>
      %dma_wait3A_346 = tpu.memref_squeeze %dma_wait3A_345 : memref<1x64x128xf32, #tpu.memory_space<hbm>> -> memref<64x128xf32, #tpu.memory_space<hbm>>
      %dma_wait3A_347 = arith.constant 0 : i32
      %dma_wait3A_348 = tpu.memref_slice %arg4[%arg0, %add3A_309, %dma_wait3A_347] : memref<2x10240x128xf32, #tpu.memory_space<hbm>> -> memref<1x64x128xf32, #tpu.memory_space<hbm>>
      %dma_wait3A_349 = tpu.memref_squeeze %dma_wait3A_348 : memref<1x64x128xf32, #tpu.memory_space<hbm>> -> memref<64x128xf32, #tpu.memory_space<hbm>>
      tpu.wait_dma2 semaphore(%run_scoped3A : memref<!tpu.dma_semaphore, #tpu.memory_space<semaphore_mem>>) src(%arg9 : memref<64x128xf32, #tpu.memory_space<vmem>>) dst(%dma_wait3A_349 : memref<64x128xf32, #tpu.memory_space<hbm>>)
      tpu.yield
    }) : () -> ()
    %mul3A_310 = arith.constant 640 : i32
    %mul3A_311 = arith.muli %arg1, %mul3A_310 : i32
    %add3A_312 = arith.constant 192 : i32
    %add3A_313 = arith.addi %mul3A_311, %add3A_312 : i32
    "tpu.region"() ({
      %run_scoped3A = tpu.sem_alloc : memref<!tpu.dma_semaphore, #tpu.memory_space<semaphore_mem>>
      %dma_start3A_338 = arith.constant 0 : i32
      %dma_start3A_339 = tpu.memref_slice %arg12[%add3A_313, %dma_start3A_338] : memref<10240x128xf32, #tpu.memory_space<vmem_shared>> -> memref<64x128xf32, #tpu.memory_space<vmem_shared>>
      %dma_start3A_340 = arith.constant 0 : i32
      %dma_start3A_341 = tpu.memref_slice %arg12[%add3A_313, %dma_start3A_340] : memref<10240x128xf32, #tpu.memory_space<vmem_shared>> -> memref<64x128xf32, #tpu.memory_space<vmem_shared>>
      tpu.enqueue_dma source(%dma_start3A_341 : memref<64x128xf32, #tpu.memory_space<vmem_shared>>) target(%arg9 : memref<64x128xf32, #tpu.memory_space<vmem>>) target_semaphore(%run_scoped3A : memref<!tpu.dma_semaphore, #tpu.memory_space<semaphore_mem>>)
      %dma_wait3A_342 = arith.constant 0 : i32
      %dma_wait3A_343 = tpu.memref_slice %arg12[%add3A_313, %dma_wait3A_342] : memref<10240x128xf32, #tpu.memory_space<vmem_shared>> -> memref<64x128xf32, #tpu.memory_space<vmem_shared>>
      %dma_wait3A_344 = arith.constant 0 : i32
      %dma_wait3A_345 = tpu.memref_slice %arg12[%add3A_313, %dma_wait3A_344] : memref<10240x128xf32, #tpu.memory_space<vmem_shared>> -> memref<64x128xf32, #tpu.memory_space<vmem_shared>>
      tpu.wait_dma2 semaphore(%run_scoped3A : memref<!tpu.dma_semaphore, #tpu.memory_space<semaphore_mem>>) src(%dma_wait3A_345 : memref<64x128xf32, #tpu.memory_space<vmem_shared>>) dst(%arg9 : memref<64x128xf32, #tpu.memory_space<vmem>>)
      tpu.yield
    }) : () -> ()
    "tpu.region"() ({
      %run_scoped3A = tpu.sem_alloc : memref<!tpu.dma_semaphore, #tpu.memory_space<semaphore_mem>>
      %dma_start3A_338 = arith.constant 0 : i32
      %dma_start3A_339 = tpu.memref_slice %arg4[%arg0, %add3A_313, %dma_start3A_338] : memref<2x10240x128xf32, #tpu.memory_space<hbm>> -> memref<1x64x128xf32, #tpu.memory_space<hbm>>
      %dma_start3A_340 = tpu.memref_squeeze %dma_start3A_339 : memref<1x64x128xf32, #tpu.memory_space<hbm>> -> memref<64x128xf32, #tpu.memory_space<hbm>>
      %dma_start3A_341 = arith.constant 0 : i32
      %dma_start3A_342 = tpu.memref_slice %arg4[%arg0, %add3A_313, %dma_start3A_341] : memref<2x10240x128xf32, #tpu.memory_space<hbm>> -> memref<1x64x128xf32, #tpu.memory_space<hbm>>
      %dma_start3A_343 = tpu.memref_squeeze %dma_start3A_342 : memref<1x64x128xf32, #tpu.memory_space<hbm>> -> memref<64x128xf32, #tpu.memory_space<hbm>>
      tpu.enqueue_dma source(%arg9 : memref<64x128xf32, #tpu.memory_space<vmem>>) target(%dma_start3A_343 : memref<64x128xf32, #tpu.memory_space<hbm>>) target_semaphore(%run_scoped3A : memref<!tpu.dma_semaphore, #tpu.memory_space<semaphore_mem>>)
      %dma_wait3A_344 = arith.constant 0 : i32
      %dma_wait3A_345 = tpu.memref_slice %arg4[%arg0, %add3A_313, %dma_wait3A_344] : memref<2x10240x128xf32, #tpu.memory_space<hbm>> -> memref<1x64x128xf32, #tpu.memory_space<hbm>>
      %dma_wait3A_346 = tpu.memref_squeeze %dma_wait3A_345 : memref<1x64x128xf32, #tpu.memory_space<hbm>> -> memref<64x128xf32, #tpu.memory_space<hbm>>
      %dma_wait3A_347 = arith.constant 0 : i32
      %dma_wait3A_348 = tpu.memref_slice %arg4[%arg0, %add3A_313, %dma_wait3A_347] : memref<2x10240x128xf32, #tpu.memory_space<hbm>> -> memref<1x64x128xf32, #tpu.memory_space<hbm>>
      %dma_wait3A_349 = tpu.memref_squeeze %dma_wait3A_348 : memref<1x64x128xf32, #tpu.memory_space<hbm>> -> memref<64x128xf32, #tpu.memory_space<hbm>>
      tpu.wait_dma2 semaphore(%run_scoped3A : memref<!tpu.dma_semaphore, #tpu.memory_space<semaphore_mem>>) src(%arg9 : memref<64x128xf32, #tpu.memory_space<vmem>>) dst(%dma_wait3A_349 : memref<64x128xf32, #tpu.memory_space<hbm>>)
      tpu.yield
    }) : () -> ()
    %mul3A_314 = arith.constant 640 : i32
    %mul3A_315 = arith.muli %arg1, %mul3A_314 : i32
    %add3A_316 = arith.constant 256 : i32
    %add3A_317 = arith.addi %mul3A_315, %add3A_316 : i32
    "tpu.region"() ({
      %run_scoped3A = tpu.sem_alloc : memref<!tpu.dma_semaphore, #tpu.memory_space<semaphore_mem>>
      %dma_start3A_338 = arith.constant 0 : i32
      %dma_start3A_339 = tpu.memref_slice %arg12[%add3A_317, %dma_start3A_338] : memref<10240x128xf32, #tpu.memory_space<vmem_shared>> -> memref<64x128xf32, #tpu.memory_space<vmem_shared>>
      %dma_start3A_340 = arith.constant 0 : i32
      %dma_start3A_341 = tpu.memref_slice %arg12[%add3A_317, %dma_start3A_340] : memref<10240x128xf32, #tpu.memory_space<vmem_shared>> -> memref<64x128xf32, #tpu.memory_space<vmem_shared>>
      tpu.enqueue_dma source(%dma_start3A_341 : memref<64x128xf32, #tpu.memory_space<vmem_shared>>) target(%arg9 : memref<64x128xf32, #tpu.memory_space<vmem>>) target_semaphore(%run_scoped3A : memref<!tpu.dma_semaphore, #tpu.memory_space<semaphore_mem>>)
      %dma_wait3A_342 = arith.constant 0 : i32
      %dma_wait3A_343 = tpu.memref_slice %arg12[%add3A_317, %dma_wait3A_342] : memref<10240x128xf32, #tpu.memory_space<vmem_shared>> -> memref<64x128xf32, #tpu.memory_space<vmem_shared>>
      %dma_wait3A_344 = arith.constant 0 : i32
      %dma_wait3A_345 = tpu.memref_slice %arg12[%add3A_317, %dma_wait3A_344] : memref<10240x128xf32, #tpu.memory_space<vmem_shared>> -> memref<64x128xf32, #tpu.memory_space<vmem_shared>>
      tpu.wait_dma2 semaphore(%run_scoped3A : memref<!tpu.dma_semaphore, #tpu.memory_space<semaphore_mem>>) src(%dma_wait3A_345 : memref<64x128xf32, #tpu.memory_space<vmem_shared>>) dst(%arg9 : memref<64x128xf32, #tpu.memory_space<vmem>>)
      tpu.yield
    }) : () -> ()
    "tpu.region"() ({
      %run_scoped3A = tpu.sem_alloc : memref<!tpu.dma_semaphore, #tpu.memory_space<semaphore_mem>>
      %dma_start3A_338 = arith.constant 0 : i32
      %dma_start3A_339 = tpu.memref_slice %arg4[%arg0, %add3A_317, %dma_start3A_338] : memref<2x10240x128xf32, #tpu.memory_space<hbm>> -> memref<1x64x128xf32, #tpu.memory_space<hbm>>
      %dma_start3A_340 = tpu.memref_squeeze %dma_start3A_339 : memref<1x64x128xf32, #tpu.memory_space<hbm>> -> memref<64x128xf32, #tpu.memory_space<hbm>>
      %dma_start3A_341 = arith.constant 0 : i32
      %dma_start3A_342 = tpu.memref_slice %arg4[%arg0, %add3A_317, %dma_start3A_341] : memref<2x10240x128xf32, #tpu.memory_space<hbm>> -> memref<1x64x128xf32, #tpu.memory_space<hbm>>
      %dma_start3A_343 = tpu.memref_squeeze %dma_start3A_342 : memref<1x64x128xf32, #tpu.memory_space<hbm>> -> memref<64x128xf32, #tpu.memory_space<hbm>>
      tpu.enqueue_dma source(%arg9 : memref<64x128xf32, #tpu.memory_space<vmem>>) target(%dma_start3A_343 : memref<64x128xf32, #tpu.memory_space<hbm>>) target_semaphore(%run_scoped3A : memref<!tpu.dma_semaphore, #tpu.memory_space<semaphore_mem>>)
      %dma_wait3A_344 = arith.constant 0 : i32
      %dma_wait3A_345 = tpu.memref_slice %arg4[%arg0, %add3A_317, %dma_wait3A_344] : memref<2x10240x128xf32, #tpu.memory_space<hbm>> -> memref<1x64x128xf32, #tpu.memory_space<hbm>>
      %dma_wait3A_346 = tpu.memref_squeeze %dma_wait3A_345 : memref<1x64x128xf32, #tpu.memory_space<hbm>> -> memref<64x128xf32, #tpu.memory_space<hbm>>
      %dma_wait3A_347 = arith.constant 0 : i32
      %dma_wait3A_348 = tpu.memref_slice %arg4[%arg0, %add3A_317, %dma_wait3A_347] : memref<2x10240x128xf32, #tpu.memory_space<hbm>> -> memref<1x64x128xf32, #tpu.memory_space<hbm>>
      %dma_wait3A_349 = tpu.memref_squeeze %dma_wait3A_348 : memref<1x64x128xf32, #tpu.memory_space<hbm>> -> memref<64x128xf32, #tpu.memory_space<hbm>>
      tpu.wait_dma2 semaphore(%run_scoped3A : memref<!tpu.dma_semaphore, #tpu.memory_space<semaphore_mem>>) src(%arg9 : memref<64x128xf32, #tpu.memory_space<vmem>>) dst(%dma_wait3A_349 : memref<64x128xf32, #tpu.memory_space<hbm>>)
      tpu.yield
    }) : () -> ()
    %mul3A_318 = arith.constant 640 : i32
    %mul3A_319 = arith.muli %arg1, %mul3A_318 : i32
    %add3A_320 = arith.constant 320 : i32
    %add3A_321 = arith.addi %mul3A_319, %add3A_320 : i32
    "tpu.region"() ({
      %run_scoped3A = tpu.sem_alloc : memref<!tpu.dma_semaphore, #tpu.memory_space<semaphore_mem>>
      %dma_start3A_338 = arith.constant 0 : i32
      %dma_start3A_339 = tpu.memref_slice %arg12[%add3A_321, %dma_start3A_338] : memref<10240x128xf32, #tpu.memory_space<vmem_shared>> -> memref<64x128xf32, #tpu.memory_space<vmem_shared>>
      %dma_start3A_340 = arith.constant 0 : i32
      %dma_start3A_341 = tpu.memref_slice %arg12[%add3A_321, %dma_start3A_340] : memref<10240x128xf32, #tpu.memory_space<vmem_shared>> -> memref<64x128xf32, #tpu.memory_space<vmem_shared>>
      tpu.enqueue_dma source(%dma_start3A_341 : memref<64x128xf32, #tpu.memory_space<vmem_shared>>) target(%arg9 : memref<64x128xf32, #tpu.memory_space<vmem>>) target_semaphore(%run_scoped3A : memref<!tpu.dma_semaphore, #tpu.memory_space<semaphore_mem>>)
      %dma_wait3A_342 = arith.constant 0 : i32
      %dma_wait3A_343 = tpu.memref_slice %arg12[%add3A_321, %dma_wait3A_342] : memref<10240x128xf32, #tpu.memory_space<vmem_shared>> -> memref<64x128xf32, #tpu.memory_space<vmem_shared>>
      %dma_wait3A_344 = arith.constant 0 : i32
      %dma_wait3A_345 = tpu.memref_slice %arg12[%add3A_321, %dma_wait3A_344] : memref<10240x128xf32, #tpu.memory_space<vmem_shared>> -> memref<64x128xf32, #tpu.memory_space<vmem_shared>>
      tpu.wait_dma2 semaphore(%run_scoped3A : memref<!tpu.dma_semaphore, #tpu.memory_space<semaphore_mem>>) src(%dma_wait3A_345 : memref<64x128xf32, #tpu.memory_space<vmem_shared>>) dst(%arg9 : memref<64x128xf32, #tpu.memory_space<vmem>>)
      tpu.yield
    }) : () -> ()
    "tpu.region"() ({
      %run_scoped3A = tpu.sem_alloc : memref<!tpu.dma_semaphore, #tpu.memory_space<semaphore_mem>>
      %dma_start3A_338 = arith.constant 0 : i32
      %dma_start3A_339 = tpu.memref_slice %arg4[%arg0, %add3A_321, %dma_start3A_338] : memref<2x10240x128xf32, #tpu.memory_space<hbm>> -> memref<1x64x128xf32, #tpu.memory_space<hbm>>
      %dma_start3A_340 = tpu.memref_squeeze %dma_start3A_339 : memref<1x64x128xf32, #tpu.memory_space<hbm>> -> memref<64x128xf32, #tpu.memory_space<hbm>>
      %dma_start3A_341 = arith.constant 0 : i32
      %dma_start3A_342 = tpu.memref_slice %arg4[%arg0, %add3A_321, %dma_start3A_341] : memref<2x10240x128xf32, #tpu.memory_space<hbm>> -> memref<1x64x128xf32, #tpu.memory_space<hbm>>
      %dma_start3A_343 = tpu.memref_squeeze %dma_start3A_342 : memref<1x64x128xf32, #tpu.memory_space<hbm>> -> memref<64x128xf32, #tpu.memory_space<hbm>>
      tpu.enqueue_dma source(%arg9 : memref<64x128xf32, #tpu.memory_space<vmem>>) target(%dma_start3A_343 : memref<64x128xf32, #tpu.memory_space<hbm>>) target_semaphore(%run_scoped3A : memref<!tpu.dma_semaphore, #tpu.memory_space<semaphore_mem>>)
      %dma_wait3A_344 = arith.constant 0 : i32
      %dma_wait3A_345 = tpu.memref_slice %arg4[%arg0, %add3A_321, %dma_wait3A_344] : memref<2x10240x128xf32, #tpu.memory_space<hbm>> -> memref<1x64x128xf32, #tpu.memory_space<hbm>>
      %dma_wait3A_346 = tpu.memref_squeeze %dma_wait3A_345 : memref<1x64x128xf32, #tpu.memory_space<hbm>> -> memref<64x128xf32, #tpu.memory_space<hbm>>
      %dma_wait3A_347 = arith.constant 0 : i32
      %dma_wait3A_348 = tpu.memref_slice %arg4[%arg0, %add3A_321, %dma_wait3A_347] : memref<2x10240x128xf32, #tpu.memory_space<hbm>> -> memref<1x64x128xf32, #tpu.memory_space<hbm>>
      %dma_wait3A_349 = tpu.memref_squeeze %dma_wait3A_348 : memref<1x64x128xf32, #tpu.memory_space<hbm>> -> memref<64x128xf32, #tpu.memory_space<hbm>>
      tpu.wait_dma2 semaphore(%run_scoped3A : memref<!tpu.dma_semaphore, #tpu.memory_space<semaphore_mem>>) src(%arg9 : memref<64x128xf32, #tpu.memory_space<vmem>>) dst(%dma_wait3A_349 : memref<64x128xf32, #tpu.memory_space<hbm>>)
      tpu.yield
    }) : () -> ()
    %mul3A_322 = arith.constant 640 : i32
    %mul3A_323 = arith.muli %arg1, %mul3A_322 : i32
    %add3A_324 = arith.constant 384 : i32
    %add3A_325 = arith.addi %mul3A_323, %add3A_324 : i32
    "tpu.region"() ({
      %run_scoped3A = tpu.sem_alloc : memref<!tpu.dma_semaphore, #tpu.memory_space<semaphore_mem>>
      %dma_start3A_338 = arith.constant 0 : i32
      %dma_start3A_339 = tpu.memref_slice %arg12[%add3A_325, %dma_start3A_338] : memref<10240x128xf32, #tpu.memory_space<vmem_shared>> -> memref<64x128xf32, #tpu.memory_space<vmem_shared>>
      %dma_start3A_340 = arith.constant 0 : i32
      %dma_start3A_341 = tpu.memref_slice %arg12[%add3A_325, %dma_start3A_340] : memref<10240x128xf32, #tpu.memory_space<vmem_shared>> -> memref<64x128xf32, #tpu.memory_space<vmem_shared>>
      tpu.enqueue_dma source(%dma_start3A_341 : memref<64x128xf32, #tpu.memory_space<vmem_shared>>) target(%arg9 : memref<64x128xf32, #tpu.memory_space<vmem>>) target_semaphore(%run_scoped3A : memref<!tpu.dma_semaphore, #tpu.memory_space<semaphore_mem>>)
      %dma_wait3A_342 = arith.constant 0 : i32
      %dma_wait3A_343 = tpu.memref_slice %arg12[%add3A_325, %dma_wait3A_342] : memref<10240x128xf32, #tpu.memory_space<vmem_shared>> -> memref<64x128xf32, #tpu.memory_space<vmem_shared>>
      %dma_wait3A_344 = arith.constant 0 : i32
      %dma_wait3A_345 = tpu.memref_slice %arg12[%add3A_325, %dma_wait3A_344] : memref<10240x128xf32, #tpu.memory_space<vmem_shared>> -> memref<64x128xf32, #tpu.memory_space<vmem_shared>>
      tpu.wait_dma2 semaphore(%run_scoped3A : memref<!tpu.dma_semaphore, #tpu.memory_space<semaphore_mem>>) src(%dma_wait3A_345 : memref<64x128xf32, #tpu.memory_space<vmem_shared>>) dst(%arg9 : memref<64x128xf32, #tpu.memory_space<vmem>>)
      tpu.yield
    }) : () -> ()
    "tpu.region"() ({
      %run_scoped3A = tpu.sem_alloc : memref<!tpu.dma_semaphore, #tpu.memory_space<semaphore_mem>>
      %dma_start3A_338 = arith.constant 0 : i32
      %dma_start3A_339 = tpu.memref_slice %arg4[%arg0, %add3A_325, %dma_start3A_338] : memref<2x10240x128xf32, #tpu.memory_space<hbm>> -> memref<1x64x128xf32, #tpu.memory_space<hbm>>
      %dma_start3A_340 = tpu.memref_squeeze %dma_start3A_339 : memref<1x64x128xf32, #tpu.memory_space<hbm>> -> memref<64x128xf32, #tpu.memory_space<hbm>>
      %dma_start3A_341 = arith.constant 0 : i32
      %dma_start3A_342 = tpu.memref_slice %arg4[%arg0, %add3A_325, %dma_start3A_341] : memref<2x10240x128xf32, #tpu.memory_space<hbm>> -> memref<1x64x128xf32, #tpu.memory_space<hbm>>
      %dma_start3A_343 = tpu.memref_squeeze %dma_start3A_342 : memref<1x64x128xf32, #tpu.memory_space<hbm>> -> memref<64x128xf32, #tpu.memory_space<hbm>>
      tpu.enqueue_dma source(%arg9 : memref<64x128xf32, #tpu.memory_space<vmem>>) target(%dma_start3A_343 : memref<64x128xf32, #tpu.memory_space<hbm>>) target_semaphore(%run_scoped3A : memref<!tpu.dma_semaphore, #tpu.memory_space<semaphore_mem>>)
      %dma_wait3A_344 = arith.constant 0 : i32
      %dma_wait3A_345 = tpu.memref_slice %arg4[%arg0, %add3A_325, %dma_wait3A_344] : memref<2x10240x128xf32, #tpu.memory_space<hbm>> -> memref<1x64x128xf32, #tpu.memory_space<hbm>>
      %dma_wait3A_346 = tpu.memref_squeeze %dma_wait3A_345 : memref<1x64x128xf32, #tpu.memory_space<hbm>> -> memref<64x128xf32, #tpu.memory_space<hbm>>
      %dma_wait3A_347 = arith.constant 0 : i32
      %dma_wait3A_348 = tpu.memref_slice %arg4[%arg0, %add3A_325, %dma_wait3A_347] : memref<2x10240x128xf32, #tpu.memory_space<hbm>> -> memref<1x64x128xf32, #tpu.memory_space<hbm>>
      %dma_wait3A_349 = tpu.memref_squeeze %dma_wait3A_348 : memref<1x64x128xf32, #tpu.memory_space<hbm>> -> memref<64x128xf32, #tpu.memory_space<hbm>>
      tpu.wait_dma2 semaphore(%run_scoped3A : memref<!tpu.dma_semaphore, #tpu.memory_space<semaphore_mem>>) src(%arg9 : memref<64x128xf32, #tpu.memory_space<vmem>>) dst(%dma_wait3A_349 : memref<64x128xf32, #tpu.memory_space<hbm>>)
      tpu.yield
    }) : () -> ()
    %mul3A_326 = arith.constant 640 : i32
    %mul3A_327 = arith.muli %arg1, %mul3A_326 : i32
    %add3A_328 = arith.constant 448 : i32
    %add3A_329 = arith.addi %mul3A_327, %add3A_328 : i32
    "tpu.region"() ({
      %run_scoped3A = tpu.sem_alloc : memref<!tpu.dma_semaphore, #tpu.memory_space<semaphore_mem>>
      %dma_start3A_338 = arith.constant 0 : i32
      %dma_start3A_339 = tpu.memref_slice %arg12[%add3A_329, %dma_start3A_338] : memref<10240x128xf32, #tpu.memory_space<vmem_shared>> -> memref<64x128xf32, #tpu.memory_space<vmem_shared>>
      %dma_start3A_340 = arith.constant 0 : i32
      %dma_start3A_341 = tpu.memref_slice %arg12[%add3A_329, %dma_start3A_340] : memref<10240x128xf32, #tpu.memory_space<vmem_shared>> -> memref<64x128xf32, #tpu.memory_space<vmem_shared>>
      tpu.enqueue_dma source(%dma_start3A_341 : memref<64x128xf32, #tpu.memory_space<vmem_shared>>) target(%arg9 : memref<64x128xf32, #tpu.memory_space<vmem>>) target_semaphore(%run_scoped3A : memref<!tpu.dma_semaphore, #tpu.memory_space<semaphore_mem>>)
      %dma_wait3A_342 = arith.constant 0 : i32
      %dma_wait3A_343 = tpu.memref_slice %arg12[%add3A_329, %dma_wait3A_342] : memref<10240x128xf32, #tpu.memory_space<vmem_shared>> -> memref<64x128xf32, #tpu.memory_space<vmem_shared>>
      %dma_wait3A_344 = arith.constant 0 : i32
      %dma_wait3A_345 = tpu.memref_slice %arg12[%add3A_329, %dma_wait3A_344] : memref<10240x128xf32, #tpu.memory_space<vmem_shared>> -> memref<64x128xf32, #tpu.memory_space<vmem_shared>>
      tpu.wait_dma2 semaphore(%run_scoped3A : memref<!tpu.dma_semaphore, #tpu.memory_space<semaphore_mem>>) src(%dma_wait3A_345 : memref<64x128xf32, #tpu.memory_space<vmem_shared>>) dst(%arg9 : memref<64x128xf32, #tpu.memory_space<vmem>>)
      tpu.yield
    }) : () -> ()
    "tpu.region"() ({
      %run_scoped3A = tpu.sem_alloc : memref<!tpu.dma_semaphore, #tpu.memory_space<semaphore_mem>>
      %dma_start3A_338 = arith.constant 0 : i32
      %dma_start3A_339 = tpu.memref_slice %arg4[%arg0, %add3A_329, %dma_start3A_338] : memref<2x10240x128xf32, #tpu.memory_space<hbm>> -> memref<1x64x128xf32, #tpu.memory_space<hbm>>
      %dma_start3A_340 = tpu.memref_squeeze %dma_start3A_339 : memref<1x64x128xf32, #tpu.memory_space<hbm>> -> memref<64x128xf32, #tpu.memory_space<hbm>>
      %dma_start3A_341 = arith.constant 0 : i32
      %dma_start3A_342 = tpu.memref_slice %arg4[%arg0, %add3A_329, %dma_start3A_341] : memref<2x10240x128xf32, #tpu.memory_space<hbm>> -> memref<1x64x128xf32, #tpu.memory_space<hbm>>
      %dma_start3A_343 = tpu.memref_squeeze %dma_start3A_342 : memref<1x64x128xf32, #tpu.memory_space<hbm>> -> memref<64x128xf32, #tpu.memory_space<hbm>>
      tpu.enqueue_dma source(%arg9 : memref<64x128xf32, #tpu.memory_space<vmem>>) target(%dma_start3A_343 : memref<64x128xf32, #tpu.memory_space<hbm>>) target_semaphore(%run_scoped3A : memref<!tpu.dma_semaphore, #tpu.memory_space<semaphore_mem>>)
      %dma_wait3A_344 = arith.constant 0 : i32
      %dma_wait3A_345 = tpu.memref_slice %arg4[%arg0, %add3A_329, %dma_wait3A_344] : memref<2x10240x128xf32, #tpu.memory_space<hbm>> -> memref<1x64x128xf32, #tpu.memory_space<hbm>>
      %dma_wait3A_346 = tpu.memref_squeeze %dma_wait3A_345 : memref<1x64x128xf32, #tpu.memory_space<hbm>> -> memref<64x128xf32, #tpu.memory_space<hbm>>
      %dma_wait3A_347 = arith.constant 0 : i32
      %dma_wait3A_348 = tpu.memref_slice %arg4[%arg0, %add3A_329, %dma_wait3A_347] : memref<2x10240x128xf32, #tpu.memory_space<hbm>> -> memref<1x64x128xf32, #tpu.memory_space<hbm>>
      %dma_wait3A_349 = tpu.memref_squeeze %dma_wait3A_348 : memref<1x64x128xf32, #tpu.memory_space<hbm>> -> memref<64x128xf32, #tpu.memory_space<hbm>>
      tpu.wait_dma2 semaphore(%run_scoped3A : memref<!tpu.dma_semaphore, #tpu.memory_space<semaphore_mem>>) src(%arg9 : memref<64x128xf32, #tpu.memory_space<vmem>>) dst(%dma_wait3A_349 : memref<64x128xf32, #tpu.memory_space<hbm>>)
      tpu.yield
    }) : () -> ()
    %mul3A_330 = arith.constant 640 : i32
    %mul3A_331 = arith.muli %arg1, %mul3A_330 : i32
    %add3A_332 = arith.constant 512 : i32
    %add3A_333 = arith.addi %mul3A_331, %add3A_332 : i32
    "tpu.region"() ({
      %run_scoped3A = tpu.sem_alloc : memref<!tpu.dma_semaphore, #tpu.memory_space<semaphore_mem>>
      %dma_start3A_338 = arith.constant 0 : i32
      %dma_start3A_339 = tpu.memref_slice %arg12[%add3A_333, %dma_start3A_338] : memref<10240x128xf32, #tpu.memory_space<vmem_shared>> -> memref<64x128xf32, #tpu.memory_space<vmem_shared>>
      %dma_start3A_340 = arith.constant 0 : i32
      %dma_start3A_341 = tpu.memref_slice %arg12[%add3A_333, %dma_start3A_340] : memref<10240x128xf32, #tpu.memory_space<vmem_shared>> -> memref<64x128xf32, #tpu.memory_space<vmem_shared>>
      tpu.enqueue_dma source(%dma_start3A_341 : memref<64x128xf32, #tpu.memory_space<vmem_shared>>) target(%arg9 : memref<64x128xf32, #tpu.memory_space<vmem>>) target_semaphore(%run_scoped3A : memref<!tpu.dma_semaphore, #tpu.memory_space<semaphore_mem>>)
      %dma_wait3A_342 = arith.constant 0 : i32
      %dma_wait3A_343 = tpu.memref_slice %arg12[%add3A_333, %dma_wait3A_342] : memref<10240x128xf32, #tpu.memory_space<vmem_shared>> -> memref<64x128xf32, #tpu.memory_space<vmem_shared>>
      %dma_wait3A_344 = arith.constant 0 : i32
      %dma_wait3A_345 = tpu.memref_slice %arg12[%add3A_333, %dma_wait3A_344] : memref<10240x128xf32, #tpu.memory_space<vmem_shared>> -> memref<64x128xf32, #tpu.memory_space<vmem_shared>>
      tpu.wait_dma2 semaphore(%run_scoped3A : memref<!tpu.dma_semaphore, #tpu.memory_space<semaphore_mem>>) src(%dma_wait3A_345 : memref<64x128xf32, #tpu.memory_space<vmem_shared>>) dst(%arg9 : memref<64x128xf32, #tpu.memory_space<vmem>>)
      tpu.yield
    }) : () -> ()
    "tpu.region"() ({
      %run_scoped3A = tpu.sem_alloc : memref<!tpu.dma_semaphore, #tpu.memory_space<semaphore_mem>>
      %dma_start3A_338 = arith.constant 0 : i32
      %dma_start3A_339 = tpu.memref_slice %arg4[%arg0, %add3A_333, %dma_start3A_338] : memref<2x10240x128xf32, #tpu.memory_space<hbm>> -> memref<1x64x128xf32, #tpu.memory_space<hbm>>
      %dma_start3A_340 = tpu.memref_squeeze %dma_start3A_339 : memref<1x64x128xf32, #tpu.memory_space<hbm>> -> memref<64x128xf32, #tpu.memory_space<hbm>>
      %dma_start3A_341 = arith.constant 0 : i32
      %dma_start3A_342 = tpu.memref_slice %arg4[%arg0, %add3A_333, %dma_start3A_341] : memref<2x10240x128xf32, #tpu.memory_space<hbm>> -> memref<1x64x128xf32, #tpu.memory_space<hbm>>
      %dma_start3A_343 = tpu.memref_squeeze %dma_start3A_342 : memref<1x64x128xf32, #tpu.memory_space<hbm>> -> memref<64x128xf32, #tpu.memory_space<hbm>>
      tpu.enqueue_dma source(%arg9 : memref<64x128xf32, #tpu.memory_space<vmem>>) target(%dma_start3A_343 : memref<64x128xf32, #tpu.memory_space<hbm>>) target_semaphore(%run_scoped3A : memref<!tpu.dma_semaphore, #tpu.memory_space<semaphore_mem>>)
      %dma_wait3A_344 = arith.constant 0 : i32
      %dma_wait3A_345 = tpu.memref_slice %arg4[%arg0, %add3A_333, %dma_wait3A_344] : memref<2x10240x128xf32, #tpu.memory_space<hbm>> -> memref<1x64x128xf32, #tpu.memory_space<hbm>>
      %dma_wait3A_346 = tpu.memref_squeeze %dma_wait3A_345 : memref<1x64x128xf32, #tpu.memory_space<hbm>> -> memref<64x128xf32, #tpu.memory_space<hbm>>
      %dma_wait3A_347 = arith.constant 0 : i32
      %dma_wait3A_348 = tpu.memref_slice %arg4[%arg0, %add3A_333, %dma_wait3A_347] : memref<2x10240x128xf32, #tpu.memory_space<hbm>> -> memref<1x64x128xf32, #tpu.memory_space<hbm>>
      %dma_wait3A_349 = tpu.memref_squeeze %dma_wait3A_348 : memref<1x64x128xf32, #tpu.memory_space<hbm>> -> memref<64x128xf32, #tpu.memory_space<hbm>>
      tpu.wait_dma2 semaphore(%run_scoped3A : memref<!tpu.dma_semaphore, #tpu.memory_space<semaphore_mem>>) src(%arg9 : memref<64x128xf32, #tpu.memory_space<vmem>>) dst(%dma_wait3A_349 : memref<64x128xf32, #tpu.memory_space<hbm>>)
      tpu.yield
    }) : () -> ()
    %mul3A_334 = arith.constant 640 : i32
    %mul3A_335 = arith.muli %arg1, %mul3A_334 : i32
    %add3A_336 = arith.constant 576 : i32
    %add3A_337 = arith.addi %mul3A_335, %add3A_336 : i32
    "tpu.region"() ({
      %run_scoped3A = tpu.sem_alloc : memref<!tpu.dma_semaphore, #tpu.memory_space<semaphore_mem>>
      %dma_start3A_338 = arith.constant 0 : i32
      %dma_start3A_339 = tpu.memref_slice %arg12[%add3A_337, %dma_start3A_338] : memref<10240x128xf32, #tpu.memory_space<vmem_shared>> -> memref<64x128xf32, #tpu.memory_space<vmem_shared>>
      %dma_start3A_340 = arith.constant 0 : i32
      %dma_start3A_341 = tpu.memref_slice %arg12[%add3A_337, %dma_start3A_340] : memref<10240x128xf32, #tpu.memory_space<vmem_shared>> -> memref<64x128xf32, #tpu.memory_space<vmem_shared>>
      tpu.enqueue_dma source(%dma_start3A_341 : memref<64x128xf32, #tpu.memory_space<vmem_shared>>) target(%arg9 : memref<64x128xf32, #tpu.memory_space<vmem>>) target_semaphore(%run_scoped3A : memref<!tpu.dma_semaphore, #tpu.memory_space<semaphore_mem>>)
      %dma_wait3A_342 = arith.constant 0 : i32
      %dma_wait3A_343 = tpu.memref_slice %arg12[%add3A_337, %dma_wait3A_342] : memref<10240x128xf32, #tpu.memory_space<vmem_shared>> -> memref<64x128xf32, #tpu.memory_space<vmem_shared>>
      %dma_wait3A_344 = arith.constant 0 : i32
      %dma_wait3A_345 = tpu.memref_slice %arg12[%add3A_337, %dma_wait3A_344] : memref<10240x128xf32, #tpu.memory_space<vmem_shared>> -> memref<64x128xf32, #tpu.memory_space<vmem_shared>>
      tpu.wait_dma2 semaphore(%run_scoped3A : memref<!tpu.dma_semaphore, #tpu.memory_space<semaphore_mem>>) src(%dma_wait3A_345 : memref<64x128xf32, #tpu.memory_space<vmem_shared>>) dst(%arg9 : memref<64x128xf32, #tpu.memory_space<vmem>>)
      tpu.yield
    }) : () -> ()
    "tpu.region"() ({
      %run_scoped3A = tpu.sem_alloc : memref<!tpu.dma_semaphore, #tpu.memory_space<semaphore_mem>>
      %dma_start3A_338 = arith.constant 0 : i32
      %dma_start3A_339 = tpu.memref_slice %arg4[%arg0, %add3A_337, %dma_start3A_338] : memref<2x10240x128xf32, #tpu.memory_space<hbm>> -> memref<1x64x128xf32, #tpu.memory_space<hbm>>
      %dma_start3A_340 = tpu.memref_squeeze %dma_start3A_339 : memref<1x64x128xf32, #tpu.memory_space<hbm>> -> memref<64x128xf32, #tpu.memory_space<hbm>>
      %dma_start3A_341 = arith.constant 0 : i32
      %dma_start3A_342 = tpu.memref_slice %arg4[%arg0, %add3A_337, %dma_start3A_341] : memref<2x10240x128xf32, #tpu.memory_space<hbm>> -> memref<1x64x128xf32, #tpu.memory_space<hbm>>
      %dma_start3A_343 = tpu.memref_squeeze %dma_start3A_342 : memref<1x64x128xf32, #tpu.memory_space<hbm>> -> memref<64x128xf32, #tpu.memory_space<hbm>>
      tpu.enqueue_dma source(%arg9 : memref<64x128xf32, #tpu.memory_space<vmem>>) target(%dma_start3A_343 : memref<64x128xf32, #tpu.memory_space<hbm>>) target_semaphore(%run_scoped3A : memref<!tpu.dma_semaphore, #tpu.memory_space<semaphore_mem>>)
      %dma_wait3A_344 = arith.constant 0 : i32
      %dma_wait3A_345 = tpu.memref_slice %arg4[%arg0, %add3A_337, %dma_wait3A_344] : memref<2x10240x128xf32, #tpu.memory_space<hbm>> -> memref<1x64x128xf32, #tpu.memory_space<hbm>>
      %dma_wait3A_346 = tpu.memref_squeeze %dma_wait3A_345 : memref<1x64x128xf32, #tpu.memory_space<hbm>> -> memref<64x128xf32, #tpu.memory_space<hbm>>
      %dma_wait3A_347 = arith.constant 0 : i32
      %dma_wait3A_348 = tpu.memref_slice %arg4[%arg0, %add3A_337, %dma_wait3A_347] : memref<2x10240x128xf32, #tpu.memory_space<hbm>> -> memref<1x64x128xf32, #tpu.memory_space<hbm>>
      %dma_wait3A_349 = tpu.memref_squeeze %dma_wait3A_348 : memref<1x64x128xf32, #tpu.memory_space<hbm>> -> memref<64x128xf32, #tpu.memory_space<hbm>>
      tpu.wait_dma2 semaphore(%run_scoped3A : memref<!tpu.dma_semaphore, #tpu.memory_space<semaphore_mem>>) src(%arg9 : memref<64x128xf32, #tpu.memory_space<vmem>>) dst(%dma_wait3A_349 : memref<64x128xf32, #tpu.memory_space<hbm>>)
      tpu.yield
    }) : () -> ()
    return
  }
}

#map = affine_map<(d0, d1) -> (0, 0)>
#map1 = affine_map<(d0, d1) -> (0, 0, 0)>
module attributes {stable_mosaic.version = 14 : i64} {
  func.func @k(%arg0: i32, %arg1: i32, %arg2: memref<10000x128xf32, #tpu.memory_space<hbm>>, %arg3: memref<32x125x80xi32, #tpu.memory_space<hbm>>, %arg4: memref<2x10240x128xf32, #tpu.memory_space<hbm>>, %arg5: memref<2x10240xf32, #tpu.memory_space<hbm>>, %arg6: memref<3x80xi32, #tpu.memory_space<vmem>>, %arg7: memref<3x80xi32, #tpu.memory_space<vmem>>, %arg8: memref<3x80xi32, #tpu.memory_space<vmem>>, %arg9: memref<3x80x128xf32, #tpu.memory_space<vmem>>, %arg10: memref<64x128xf32, #tpu.memory_space<vmem>>, %arg11: memref<80xf32, #tpu.memory_space<vmem>>, %arg12: memref<640xf32, #tpu.memory_space<vmem>>, %arg13: memref<10240x128xf32, #tpu.memory_space<vmem_shared>>, %arg14: memref<10240xf32, #tpu.memory_space<vmem_shared>>, %arg15: memref<!tpu.dma_semaphore, #tpu.memory_space<semaphore_mem>>, %arg16: memref<!tpu.dma_semaphore, #tpu.memory_space<semaphore_mem>>, %arg17: memref<!tpu.dma_semaphore, #tpu.memory_space<semaphore_mem>>, %arg18: memref<!tpu.dma_semaphore, #tpu.memory_space<semaphore_mem>>, %arg19: memref<!tpu.dma_semaphore, #tpu.memory_space<semaphore_mem>>, %arg20: memref<!tpu.dma_semaphore, #tpu.memory_space<semaphore_mem>>, %arg21: memref<!tpu.dma_semaphore, #tpu.memory_space<semaphore_mem>>, %arg22: memref<!tpu.dma_semaphore, #tpu.memory_space<semaphore_mem>>, %arg23: memref<!tpu.dma_semaphore, #tpu.memory_space<semaphore_mem>>, %arg24: memref<!tpu.dma_semaphore, #tpu.memory_space<semaphore_mem>>, %arg25: memref<!tpu.dma_semaphore, #tpu.memory_space<semaphore_mem>>, %arg26: memref<!tpu.dma_semaphore, #tpu.memory_space<semaphore_mem>>) attributes {dimension_semantics = [#tpu.dimension_semantics<core_parallel>, #tpu.dimension_semantics<subcore_parallel>], iteration_bounds = array<i64: 2, 16>, scalar_prefetch = 0 : i64, scratch_operands = 21 : i64, tpu.core_type = #tpu.core_type<sc_vector_subcore>, window_params = [{transform_indices = #map}, {transform_indices = #map1}, {transform_indices = #map1}, {transform_indices = #map}]} {
    %mul3A = arith.constant 2 : i32
    %mul3A_0 = arith.muli %arg1, %mul3A : i32
    %add3A = arith.addi %mul3A_0, %arg0 : i32
    %broadcast_in_dim3A = arith.constant 0.000000e+00 : f32
    %broadcast_in_dim3A_1 = vector.broadcast %broadcast_in_dim3A : f32 to vector<16xf32>
    %broadcast_in_dim3A_2 = arith.constant 1.000000e+00 : f32
    %broadcast_in_dim3A_3 = vector.broadcast %broadcast_in_dim3A_2 : f32 to vector<16xf32>
    %scan3A = arith.constant 0 : i32
    %scan3A_4 = arith.constant 0 : i32
    %scan3A_5 = arith.constant 64 : i32
    %scan3A_6 = arith.addi %scan3A_4, %scan3A_5 : i32
    %scan3A_7 = arith.constant 1 : i32
    %scan3A_8 = scf.for %scan3A_362 = %scan3A_4 to %scan3A_6 step %scan3A_7 iter_args(%scan3A_363 = %scan3A) -> (i32)  : i32 {
      %swap3A_364 = arith.index_cast %scan3A_362 : i32 to index
      %swap3A_365 = arith.constant 0 : index
      %swap3A_366 = tpu.vector_load %arg10[%swap3A_364, %swap3A_365] {strides = array<i32>} : memref<64x128xf32, #tpu.memory_space<vmem>>, vector<1x16xf32>,
      %swap3A_367 = vector.shape_cast %swap3A_366 : vector<1x16xf32> to vector<16xf32>
      %swap3A_368 = vector.shape_cast %broadcast_in_dim3A_1 : vector<16xf32> to vector<1x16xf32>
      tpu.vector_store %arg10[%swap3A_364, %swap3A_365], %swap3A_368 {strides = array<i32>} : memref<64x128xf32, #tpu.memory_space<vmem>>, vector<1x16xf32>,
      %swap3A_369 = arith.index_cast %scan3A_362 : i32 to index
      %swap3A_370 = arith.constant 16 : index
      %swap3A_371 = tpu.vector_load %arg10[%swap3A_369, %swap3A_370] {strides = array<i32>} : memref<64x128xf32, #tpu.memory_space<vmem>>, vector<1x16xf32>,
      %swap3A_372 = vector.shape_cast %swap3A_371 : vector<1x16xf32> to vector<16xf32>
      %swap3A_373 = vector.shape_cast %broadcast_in_dim3A_1 : vector<16xf32> to vector<1x16xf32>
      tpu.vector_store %arg10[%swap3A_369, %swap3A_370], %swap3A_373 {strides = array<i32>} : memref<64x128xf32, #tpu.memory_space<vmem>>, vector<1x16xf32>,
      %swap3A_374 = arith.index_cast %scan3A_362 : i32 to index
      %swap3A_375 = arith.constant 32 : index
      %swap3A_376 = tpu.vector_load %arg10[%swap3A_374, %swap3A_375] {strides = array<i32>} : memref<64x128xf32, #tpu.memory_space<vmem>>, vector<1x16xf32>,
      %swap3A_377 = vector.shape_cast %swap3A_376 : vector<1x16xf32> to vector<16xf32>
      %swap3A_378 = vector.shape_cast %broadcast_in_dim3A_1 : vector<16xf32> to vector<1x16xf32>
      tpu.vector_store %arg10[%swap3A_374, %swap3A_375], %swap3A_378 {strides = array<i32>} : memref<64x128xf32, #tpu.memory_space<vmem>>, vector<1x16xf32>,
      %swap3A_379 = arith.index_cast %scan3A_362 : i32 to index
      %swap3A_380 = arith.constant 48 : index
      %swap3A_381 = tpu.vector_load %arg10[%swap3A_379, %swap3A_380] {strides = array<i32>} : memref<64x128xf32, #tpu.memory_space<vmem>>, vector<1x16xf32>,
      %swap3A_382 = vector.shape_cast %swap3A_381 : vector<1x16xf32> to vector<16xf32>
      %swap3A_383 = vector.shape_cast %broadcast_in_dim3A_1 : vector<16xf32> to vector<1x16xf32>
      tpu.vector_store %arg10[%swap3A_379, %swap3A_380], %swap3A_383 {strides = array<i32>} : memref<64x128xf32, #tpu.memory_space<vmem>>, vector<1x16xf32>,
      %swap3A_384 = arith.index_cast %scan3A_362 : i32 to index
      %swap3A_385 = arith.constant 64 : index
      %swap3A_386 = tpu.vector_load %arg10[%swap3A_384, %swap3A_385] {strides = array<i32>} : memref<64x128xf32, #tpu.memory_space<vmem>>, vector<1x16xf32>,
      %swap3A_387 = vector.shape_cast %swap3A_386 : vector<1x16xf32> to vector<16xf32>
      %swap3A_388 = vector.shape_cast %broadcast_in_dim3A_1 : vector<16xf32> to vector<1x16xf32>
      tpu.vector_store %arg10[%swap3A_384, %swap3A_385], %swap3A_388 {strides = array<i32>} : memref<64x128xf32, #tpu.memory_space<vmem>>, vector<1x16xf32>,
      %swap3A_389 = arith.index_cast %scan3A_362 : i32 to index
      %swap3A_390 = arith.constant 80 : index
      %swap3A_391 = tpu.vector_load %arg10[%swap3A_389, %swap3A_390] {strides = array<i32>} : memref<64x128xf32, #tpu.memory_space<vmem>>, vector<1x16xf32>,
      %swap3A_392 = vector.shape_cast %swap3A_391 : vector<1x16xf32> to vector<16xf32>
      %swap3A_393 = vector.shape_cast %broadcast_in_dim3A_1 : vector<16xf32> to vector<1x16xf32>
      tpu.vector_store %arg10[%swap3A_389, %swap3A_390], %swap3A_393 {strides = array<i32>} : memref<64x128xf32, #tpu.memory_space<vmem>>, vector<1x16xf32>,
      %swap3A_394 = arith.index_cast %scan3A_362 : i32 to index
      %swap3A_395 = arith.constant 96 : index
      %swap3A_396 = tpu.vector_load %arg10[%swap3A_394, %swap3A_395] {strides = array<i32>} : memref<64x128xf32, #tpu.memory_space<vmem>>, vector<1x16xf32>,
      %swap3A_397 = vector.shape_cast %swap3A_396 : vector<1x16xf32> to vector<16xf32>
      %swap3A_398 = vector.shape_cast %broadcast_in_dim3A_1 : vector<16xf32> to vector<1x16xf32>
      tpu.vector_store %arg10[%swap3A_394, %swap3A_395], %swap3A_398 {strides = array<i32>} : memref<64x128xf32, #tpu.memory_space<vmem>>, vector<1x16xf32>,
      %swap3A_399 = arith.index_cast %scan3A_362 : i32 to index
      %swap3A_400 = arith.constant 112 : index
      %swap3A_401 = tpu.vector_load %arg10[%swap3A_399, %swap3A_400] {strides = array<i32>} : memref<64x128xf32, #tpu.memory_space<vmem>>, vector<1x16xf32>,
      %swap3A_402 = vector.shape_cast %swap3A_401 : vector<1x16xf32> to vector<16xf32>
      %swap3A_403 = vector.shape_cast %broadcast_in_dim3A_1 : vector<16xf32> to vector<1x16xf32>
      tpu.vector_store %arg10[%swap3A_399, %swap3A_400], %swap3A_403 {strides = array<i32>} : memref<64x128xf32, #tpu.memory_space<vmem>>, vector<1x16xf32>,
      %scan3A_404 = arith.constant 0 : i32
      scf.yield %scan3A_404 : i32
    }
    %scan3A_9 = arith.constant 64 : i32
    %scan3A_10 = arith.constant 0 : i32
    %scan3A_11 = arith.constant 0 : i32
    %scan3A_12 = arith.constant 40 : i32
    %scan3A_13 = arith.addi %scan3A_11, %scan3A_12 : i32
    %scan3A_14 = arith.constant 1 : i32
    %scan3A_15 = scf.for %scan3A_362 = %scan3A_11 to %scan3A_13 step %scan3A_14 iter_args(%scan3A_363 = %scan3A_10) -> (i32)  : i32 {
      %mul3A_364 = arith.constant 16 : i32
      %mul3A_365 = arith.muli %scan3A_362, %mul3A_364 : i32
      %swap3A_366 = arith.index_cast %mul3A_365 : i32 to index
      %swap3A_367 = tpu.vector_load %arg12[%swap3A_366] {strides = array<i32>} : memref<640xf32, #tpu.memory_space<vmem>>, vector<16xf32>,
      %swap3A_368 = vector.shape_cast %swap3A_367 : vector<16xf32> to vector<16xf32>
      %swap3A_369 = vector.shape_cast %broadcast_in_dim3A_1 : vector<16xf32> to vector<16xf32>
      tpu.vector_store %arg12[%swap3A_366], %swap3A_369 {strides = array<i32>} : memref<640xf32, #tpu.memory_space<vmem>>, vector<16xf32>,
      %scan3A_370 = arith.constant 0 : i32
      scf.yield %scan3A_370 : i32
    }
    %scan3A_16 = arith.constant 40 : i32
    %swap3A = arith.constant 0 : index
    %swap3A_17 = tpu.vector_load %arg11[%swap3A] {strides = array<i32>} : memref<80xf32, #tpu.memory_space<vmem>>, vector<16xf32>,
    %swap3A_18 = vector.shape_cast %swap3A_17 : vector<16xf32> to vector<16xf32>
    %swap3A_19 = vector.shape_cast %broadcast_in_dim3A_3 : vector<16xf32> to vector<16xf32>
    tpu.vector_store %arg11[%swap3A], %swap3A_19 {strides = array<i32>} : memref<80xf32, #tpu.memory_space<vmem>>, vector<16xf32>,
    %swap3A_20 = arith.constant 16 : index
    %swap3A_21 = tpu.vector_load %arg11[%swap3A_20] {strides = array<i32>} : memref<80xf32, #tpu.memory_space<vmem>>, vector<16xf32>,
    %swap3A_22 = vector.shape_cast %swap3A_21 : vector<16xf32> to vector<16xf32>
    %swap3A_23 = vector.shape_cast %broadcast_in_dim3A_3 : vector<16xf32> to vector<16xf32>
    tpu.vector_store %arg11[%swap3A_20], %swap3A_23 {strides = array<i32>} : memref<80xf32, #tpu.memory_space<vmem>>, vector<16xf32>,
    %swap3A_24 = arith.constant 32 : index
    %swap3A_25 = tpu.vector_load %arg11[%swap3A_24] {strides = array<i32>} : memref<80xf32, #tpu.memory_space<vmem>>, vector<16xf32>,
    %swap3A_26 = vector.shape_cast %swap3A_25 : vector<16xf32> to vector<16xf32>
    %swap3A_27 = vector.shape_cast %broadcast_in_dim3A_3 : vector<16xf32> to vector<16xf32>
    tpu.vector_store %arg11[%swap3A_24], %swap3A_27 {strides = array<i32>} : memref<80xf32, #tpu.memory_space<vmem>>, vector<16xf32>,
    %swap3A_28 = arith.constant 48 : index
    %swap3A_29 = tpu.vector_load %arg11[%swap3A_28] {strides = array<i32>} : memref<80xf32, #tpu.memory_space<vmem>>, vector<16xf32>,
    %swap3A_30 = vector.shape_cast %swap3A_29 : vector<16xf32> to vector<16xf32>
    %swap3A_31 = vector.shape_cast %broadcast_in_dim3A_3 : vector<16xf32> to vector<16xf32>
    tpu.vector_store %arg11[%swap3A_28], %swap3A_31 {strides = array<i32>} : memref<80xf32, #tpu.memory_space<vmem>>, vector<16xf32>,
    %swap3A_32 = arith.constant 64 : index
    %swap3A_33 = tpu.vector_load %arg11[%swap3A_32] {strides = array<i32>} : memref<80xf32, #tpu.memory_space<vmem>>, vector<16xf32>,
    %swap3A_34 = vector.shape_cast %swap3A_33 : vector<16xf32> to vector<16xf32>
    %swap3A_35 = vector.shape_cast %broadcast_in_dim3A_3 : vector<16xf32> to vector<16xf32>
    tpu.vector_store %arg11[%swap3A_32], %swap3A_35 {strides = array<i32>} : memref<80xf32, #tpu.memory_space<vmem>>, vector<16xf32>,
    %mul3A_36 = arith.constant 640 : i32
    %mul3A_37 = arith.muli %arg1, %mul3A_36 : i32
    %add3A_38 = arith.constant 0 : i32
    %add3A_39 = arith.addi %mul3A_37, %add3A_38 : i32
    "tpu.region"() ({
      %run_scoped3A = tpu.sem_alloc : memref<!tpu.dma_semaphore, #tpu.memory_space<semaphore_mem>>
      %dma_start3A_362 = arith.constant 0 : i32
      %dma_start3A_363 = tpu.memref_slice %arg13[%add3A_39, %dma_start3A_362] : memref<10240x128xf32, #tpu.memory_space<vmem_shared>> -> memref<64x128xf32, #tpu.memory_space<vmem_shared>>
      %dma_start3A_364 = arith.constant 0 : i32
      %dma_start3A_365 = tpu.memref_slice %arg13[%add3A_39, %dma_start3A_364] : memref<10240x128xf32, #tpu.memory_space<vmem_shared>> -> memref<64x128xf32, #tpu.memory_space<vmem_shared>>
      tpu.enqueue_dma source(%arg10 : memref<64x128xf32, #tpu.memory_space<vmem>>) target(%dma_start3A_365 : memref<64x128xf32, #tpu.memory_space<vmem_shared>>) target_semaphore(%run_scoped3A : memref<!tpu.dma_semaphore, #tpu.memory_space<semaphore_mem>>)
      %dma_wait3A_366 = arith.constant 0 : i32
      %dma_wait3A_367 = tpu.memref_slice %arg13[%add3A_39, %dma_wait3A_366] : memref<10240x128xf32, #tpu.memory_space<vmem_shared>> -> memref<64x128xf32, #tpu.memory_space<vmem_shared>>
      %dma_wait3A_368 = arith.constant 0 : i32
      %dma_wait3A_369 = tpu.memref_slice %arg13[%add3A_39, %dma_wait3A_368] : memref<10240x128xf32, #tpu.memory_space<vmem_shared>> -> memref<64x128xf32, #tpu.memory_space<vmem_shared>>
      tpu.wait_dma2 semaphore(%run_scoped3A : memref<!tpu.dma_semaphore, #tpu.memory_space<semaphore_mem>>) src(%arg10 : memref<64x128xf32, #tpu.memory_space<vmem>>) dst(%dma_wait3A_369 : memref<64x128xf32, #tpu.memory_space<vmem_shared>>)
      tpu.yield
    }) : () -> ()
    %mul3A_40 = arith.constant 640 : i32
    %mul3A_41 = arith.muli %arg1, %mul3A_40 : i32
    %add3A_42 = arith.constant 64 : i32
    %add3A_43 = arith.addi %mul3A_41, %add3A_42 : i32
    "tpu.region"() ({
      %run_scoped3A = tpu.sem_alloc : memref<!tpu.dma_semaphore, #tpu.memory_space<semaphore_mem>>
      %dma_start3A_362 = arith.constant 0 : i32
      %dma_start3A_363 = tpu.memref_slice %arg13[%add3A_43, %dma_start3A_362] : memref<10240x128xf32, #tpu.memory_space<vmem_shared>> -> memref<64x128xf32, #tpu.memory_space<vmem_shared>>
      %dma_start3A_364 = arith.constant 0 : i32
      %dma_start3A_365 = tpu.memref_slice %arg13[%add3A_43, %dma_start3A_364] : memref<10240x128xf32, #tpu.memory_space<vmem_shared>> -> memref<64x128xf32, #tpu.memory_space<vmem_shared>>
      tpu.enqueue_dma source(%arg10 : memref<64x128xf32, #tpu.memory_space<vmem>>) target(%dma_start3A_365 : memref<64x128xf32, #tpu.memory_space<vmem_shared>>) target_semaphore(%run_scoped3A : memref<!tpu.dma_semaphore, #tpu.memory_space<semaphore_mem>>)
      %dma_wait3A_366 = arith.constant 0 : i32
      %dma_wait3A_367 = tpu.memref_slice %arg13[%add3A_43, %dma_wait3A_366] : memref<10240x128xf32, #tpu.memory_space<vmem_shared>> -> memref<64x128xf32, #tpu.memory_space<vmem_shared>>
      %dma_wait3A_368 = arith.constant 0 : i32
      %dma_wait3A_369 = tpu.memref_slice %arg13[%add3A_43, %dma_wait3A_368] : memref<10240x128xf32, #tpu.memory_space<vmem_shared>> -> memref<64x128xf32, #tpu.memory_space<vmem_shared>>
      tpu.wait_dma2 semaphore(%run_scoped3A : memref<!tpu.dma_semaphore, #tpu.memory_space<semaphore_mem>>) src(%arg10 : memref<64x128xf32, #tpu.memory_space<vmem>>) dst(%dma_wait3A_369 : memref<64x128xf32, #tpu.memory_space<vmem_shared>>)
      tpu.yield
    }) : () -> ()
    %mul3A_44 = arith.constant 640 : i32
    %mul3A_45 = arith.muli %arg1, %mul3A_44 : i32
    %add3A_46 = arith.constant 128 : i32
    %add3A_47 = arith.addi %mul3A_45, %add3A_46 : i32
    "tpu.region"() ({
      %run_scoped3A = tpu.sem_alloc : memref<!tpu.dma_semaphore, #tpu.memory_space<semaphore_mem>>
      %dma_start3A_362 = arith.constant 0 : i32
      %dma_start3A_363 = tpu.memref_slice %arg13[%add3A_47, %dma_start3A_362] : memref<10240x128xf32, #tpu.memory_space<vmem_shared>> -> memref<64x128xf32, #tpu.memory_space<vmem_shared>>
      %dma_start3A_364 = arith.constant 0 : i32
      %dma_start3A_365 = tpu.memref_slice %arg13[%add3A_47, %dma_start3A_364] : memref<10240x128xf32, #tpu.memory_space<vmem_shared>> -> memref<64x128xf32, #tpu.memory_space<vmem_shared>>
      tpu.enqueue_dma source(%arg10 : memref<64x128xf32, #tpu.memory_space<vmem>>) target(%dma_start3A_365 : memref<64x128xf32, #tpu.memory_space<vmem_shared>>) target_semaphore(%run_scoped3A : memref<!tpu.dma_semaphore, #tpu.memory_space<semaphore_mem>>)
      %dma_wait3A_366 = arith.constant 0 : i32
      %dma_wait3A_367 = tpu.memref_slice %arg13[%add3A_47, %dma_wait3A_366] : memref<10240x128xf32, #tpu.memory_space<vmem_shared>> -> memref<64x128xf32, #tpu.memory_space<vmem_shared>>
      %dma_wait3A_368 = arith.constant 0 : i32
      %dma_wait3A_369 = tpu.memref_slice %arg13[%add3A_47, %dma_wait3A_368] : memref<10240x128xf32, #tpu.memory_space<vmem_shared>> -> memref<64x128xf32, #tpu.memory_space<vmem_shared>>
      tpu.wait_dma2 semaphore(%run_scoped3A : memref<!tpu.dma_semaphore, #tpu.memory_space<semaphore_mem>>) src(%arg10 : memref<64x128xf32, #tpu.memory_space<vmem>>) dst(%dma_wait3A_369 : memref<64x128xf32, #tpu.memory_space<vmem_shared>>)
      tpu.yield
    }) : () -> ()
    %mul3A_48 = arith.constant 640 : i32
    %mul3A_49 = arith.muli %arg1, %mul3A_48 : i32
    %add3A_50 = arith.constant 192 : i32
    %add3A_51 = arith.addi %mul3A_49, %add3A_50 : i32
    "tpu.region"() ({
      %run_scoped3A = tpu.sem_alloc : memref<!tpu.dma_semaphore, #tpu.memory_space<semaphore_mem>>
      %dma_start3A_362 = arith.constant 0 : i32
      %dma_start3A_363 = tpu.memref_slice %arg13[%add3A_51, %dma_start3A_362] : memref<10240x128xf32, #tpu.memory_space<vmem_shared>> -> memref<64x128xf32, #tpu.memory_space<vmem_shared>>
      %dma_start3A_364 = arith.constant 0 : i32
      %dma_start3A_365 = tpu.memref_slice %arg13[%add3A_51, %dma_start3A_364] : memref<10240x128xf32, #tpu.memory_space<vmem_shared>> -> memref<64x128xf32, #tpu.memory_space<vmem_shared>>
      tpu.enqueue_dma source(%arg10 : memref<64x128xf32, #tpu.memory_space<vmem>>) target(%dma_start3A_365 : memref<64x128xf32, #tpu.memory_space<vmem_shared>>) target_semaphore(%run_scoped3A : memref<!tpu.dma_semaphore, #tpu.memory_space<semaphore_mem>>)
      %dma_wait3A_366 = arith.constant 0 : i32
      %dma_wait3A_367 = tpu.memref_slice %arg13[%add3A_51, %dma_wait3A_366] : memref<10240x128xf32, #tpu.memory_space<vmem_shared>> -> memref<64x128xf32, #tpu.memory_space<vmem_shared>>
      %dma_wait3A_368 = arith.constant 0 : i32
      %dma_wait3A_369 = tpu.memref_slice %arg13[%add3A_51, %dma_wait3A_368] : memref<10240x128xf32, #tpu.memory_space<vmem_shared>> -> memref<64x128xf32, #tpu.memory_space<vmem_shared>>
      tpu.wait_dma2 semaphore(%run_scoped3A : memref<!tpu.dma_semaphore, #tpu.memory_space<semaphore_mem>>) src(%arg10 : memref<64x128xf32, #tpu.memory_space<vmem>>) dst(%dma_wait3A_369 : memref<64x128xf32, #tpu.memory_space<vmem_shared>>)
      tpu.yield
    }) : () -> ()
    %mul3A_52 = arith.constant 640 : i32
    %mul3A_53 = arith.muli %arg1, %mul3A_52 : i32
    %add3A_54 = arith.constant 256 : i32
    %add3A_55 = arith.addi %mul3A_53, %add3A_54 : i32
    "tpu.region"() ({
      %run_scoped3A = tpu.sem_alloc : memref<!tpu.dma_semaphore, #tpu.memory_space<semaphore_mem>>
      %dma_start3A_362 = arith.constant 0 : i32
      %dma_start3A_363 = tpu.memref_slice %arg13[%add3A_55, %dma_start3A_362] : memref<10240x128xf32, #tpu.memory_space<vmem_shared>> -> memref<64x128xf32, #tpu.memory_space<vmem_shared>>
      %dma_start3A_364 = arith.constant 0 : i32
      %dma_start3A_365 = tpu.memref_slice %arg13[%add3A_55, %dma_start3A_364] : memref<10240x128xf32, #tpu.memory_space<vmem_shared>> -> memref<64x128xf32, #tpu.memory_space<vmem_shared>>
      tpu.enqueue_dma source(%arg10 : memref<64x128xf32, #tpu.memory_space<vmem>>) target(%dma_start3A_365 : memref<64x128xf32, #tpu.memory_space<vmem_shared>>) target_semaphore(%run_scoped3A : memref<!tpu.dma_semaphore, #tpu.memory_space<semaphore_mem>>)
      %dma_wait3A_366 = arith.constant 0 : i32
      %dma_wait3A_367 = tpu.memref_slice %arg13[%add3A_55, %dma_wait3A_366] : memref<10240x128xf32, #tpu.memory_space<vmem_shared>> -> memref<64x128xf32, #tpu.memory_space<vmem_shared>>
      %dma_wait3A_368 = arith.constant 0 : i32
      %dma_wait3A_369 = tpu.memref_slice %arg13[%add3A_55, %dma_wait3A_368] : memref<10240x128xf32, #tpu.memory_space<vmem_shared>> -> memref<64x128xf32, #tpu.memory_space<vmem_shared>>
      tpu.wait_dma2 semaphore(%run_scoped3A : memref<!tpu.dma_semaphore, #tpu.memory_space<semaphore_mem>>) src(%arg10 : memref<64x128xf32, #tpu.memory_space<vmem>>) dst(%dma_wait3A_369 : memref<64x128xf32, #tpu.memory_space<vmem_shared>>)
      tpu.yield
    }) : () -> ()
    %mul3A_56 = arith.constant 640 : i32
    %mul3A_57 = arith.muli %arg1, %mul3A_56 : i32
    %add3A_58 = arith.constant 320 : i32
    %add3A_59 = arith.addi %mul3A_57, %add3A_58 : i32
    "tpu.region"() ({
      %run_scoped3A = tpu.sem_alloc : memref<!tpu.dma_semaphore, #tpu.memory_space<semaphore_mem>>
      %dma_start3A_362 = arith.constant 0 : i32
      %dma_start3A_363 = tpu.memref_slice %arg13[%add3A_59, %dma_start3A_362] : memref<10240x128xf32, #tpu.memory_space<vmem_shared>> -> memref<64x128xf32, #tpu.memory_space<vmem_shared>>
      %dma_start3A_364 = arith.constant 0 : i32
      %dma_start3A_365 = tpu.memref_slice %arg13[%add3A_59, %dma_start3A_364] : memref<10240x128xf32, #tpu.memory_space<vmem_shared>> -> memref<64x128xf32, #tpu.memory_space<vmem_shared>>
      tpu.enqueue_dma source(%arg10 : memref<64x128xf32, #tpu.memory_space<vmem>>) target(%dma_start3A_365 : memref<64x128xf32, #tpu.memory_space<vmem_shared>>) target_semaphore(%run_scoped3A : memref<!tpu.dma_semaphore, #tpu.memory_space<semaphore_mem>>)
      %dma_wait3A_366 = arith.constant 0 : i32
      %dma_wait3A_367 = tpu.memref_slice %arg13[%add3A_59, %dma_wait3A_366] : memref<10240x128xf32, #tpu.memory_space<vmem_shared>> -> memref<64x128xf32, #tpu.memory_space<vmem_shared>>
      %dma_wait3A_368 = arith.constant 0 : i32
      %dma_wait3A_369 = tpu.memref_slice %arg13[%add3A_59, %dma_wait3A_368] : memref<10240x128xf32, #tpu.memory_space<vmem_shared>> -> memref<64x128xf32, #tpu.memory_space<vmem_shared>>
      tpu.wait_dma2 semaphore(%run_scoped3A : memref<!tpu.dma_semaphore, #tpu.memory_space<semaphore_mem>>) src(%arg10 : memref<64x128xf32, #tpu.memory_space<vmem>>) dst(%dma_wait3A_369 : memref<64x128xf32, #tpu.memory_space<vmem_shared>>)
      tpu.yield
    }) : () -> ()
    %mul3A_60 = arith.constant 640 : i32
    %mul3A_61 = arith.muli %arg1, %mul3A_60 : i32
    %add3A_62 = arith.constant 384 : i32
    %add3A_63 = arith.addi %mul3A_61, %add3A_62 : i32
    "tpu.region"() ({
      %run_scoped3A = tpu.sem_alloc : memref<!tpu.dma_semaphore, #tpu.memory_space<semaphore_mem>>
      %dma_start3A_362 = arith.constant 0 : i32
      %dma_start3A_363 = tpu.memref_slice %arg13[%add3A_63, %dma_start3A_362] : memref<10240x128xf32, #tpu.memory_space<vmem_shared>> -> memref<64x128xf32, #tpu.memory_space<vmem_shared>>
      %dma_start3A_364 = arith.constant 0 : i32
      %dma_start3A_365 = tpu.memref_slice %arg13[%add3A_63, %dma_start3A_364] : memref<10240x128xf32, #tpu.memory_space<vmem_shared>> -> memref<64x128xf32, #tpu.memory_space<vmem_shared>>
      tpu.enqueue_dma source(%arg10 : memref<64x128xf32, #tpu.memory_space<vmem>>) target(%dma_start3A_365 : memref<64x128xf32, #tpu.memory_space<vmem_shared>>) target_semaphore(%run_scoped3A : memref<!tpu.dma_semaphore, #tpu.memory_space<semaphore_mem>>)
      %dma_wait3A_366 = arith.constant 0 : i32
      %dma_wait3A_367 = tpu.memref_slice %arg13[%add3A_63, %dma_wait3A_366] : memref<10240x128xf32, #tpu.memory_space<vmem_shared>> -> memref<64x128xf32, #tpu.memory_space<vmem_shared>>
      %dma_wait3A_368 = arith.constant 0 : i32
      %dma_wait3A_369 = tpu.memref_slice %arg13[%add3A_63, %dma_wait3A_368] : memref<10240x128xf32, #tpu.memory_space<vmem_shared>> -> memref<64x128xf32, #tpu.memory_space<vmem_shared>>
      tpu.wait_dma2 semaphore(%run_scoped3A : memref<!tpu.dma_semaphore, #tpu.memory_space<semaphore_mem>>) src(%arg10 : memref<64x128xf32, #tpu.memory_space<vmem>>) dst(%dma_wait3A_369 : memref<64x128xf32, #tpu.memory_space<vmem_shared>>)
      tpu.yield
    }) : () -> ()
    %mul3A_64 = arith.constant 640 : i32
    %mul3A_65 = arith.muli %arg1, %mul3A_64 : i32
    %add3A_66 = arith.constant 448 : i32
    %add3A_67 = arith.addi %mul3A_65, %add3A_66 : i32
    "tpu.region"() ({
      %run_scoped3A = tpu.sem_alloc : memref<!tpu.dma_semaphore, #tpu.memory_space<semaphore_mem>>
      %dma_start3A_362 = arith.constant 0 : i32
      %dma_start3A_363 = tpu.memref_slice %arg13[%add3A_67, %dma_start3A_362] : memref<10240x128xf32, #tpu.memory_space<vmem_shared>> -> memref<64x128xf32, #tpu.memory_space<vmem_shared>>
      %dma_start3A_364 = arith.constant 0 : i32
      %dma_start3A_365 = tpu.memref_slice %arg13[%add3A_67, %dma_start3A_364] : memref<10240x128xf32, #tpu.memory_space<vmem_shared>> -> memref<64x128xf32, #tpu.memory_space<vmem_shared>>
      tpu.enqueue_dma source(%arg10 : memref<64x128xf32, #tpu.memory_space<vmem>>) target(%dma_start3A_365 : memref<64x128xf32, #tpu.memory_space<vmem_shared>>) target_semaphore(%run_scoped3A : memref<!tpu.dma_semaphore, #tpu.memory_space<semaphore_mem>>)
      %dma_wait3A_366 = arith.constant 0 : i32
      %dma_wait3A_367 = tpu.memref_slice %arg13[%add3A_67, %dma_wait3A_366] : memref<10240x128xf32, #tpu.memory_space<vmem_shared>> -> memref<64x128xf32, #tpu.memory_space<vmem_shared>>
      %dma_wait3A_368 = arith.constant 0 : i32
      %dma_wait3A_369 = tpu.memref_slice %arg13[%add3A_67, %dma_wait3A_368] : memref<10240x128xf32, #tpu.memory_space<vmem_shared>> -> memref<64x128xf32, #tpu.memory_space<vmem_shared>>
      tpu.wait_dma2 semaphore(%run_scoped3A : memref<!tpu.dma_semaphore, #tpu.memory_space<semaphore_mem>>) src(%arg10 : memref<64x128xf32, #tpu.memory_space<vmem>>) dst(%dma_wait3A_369 : memref<64x128xf32, #tpu.memory_space<vmem_shared>>)
      tpu.yield
    }) : () -> ()
    %mul3A_68 = arith.constant 640 : i32
    %mul3A_69 = arith.muli %arg1, %mul3A_68 : i32
    %add3A_70 = arith.constant 512 : i32
    %add3A_71 = arith.addi %mul3A_69, %add3A_70 : i32
    "tpu.region"() ({
      %run_scoped3A = tpu.sem_alloc : memref<!tpu.dma_semaphore, #tpu.memory_space<semaphore_mem>>
      %dma_start3A_362 = arith.constant 0 : i32
      %dma_start3A_363 = tpu.memref_slice %arg13[%add3A_71, %dma_start3A_362] : memref<10240x128xf32, #tpu.memory_space<vmem_shared>> -> memref<64x128xf32, #tpu.memory_space<vmem_shared>>
      %dma_start3A_364 = arith.constant 0 : i32
      %dma_start3A_365 = tpu.memref_slice %arg13[%add3A_71, %dma_start3A_364] : memref<10240x128xf32, #tpu.memory_space<vmem_shared>> -> memref<64x128xf32, #tpu.memory_space<vmem_shared>>
      tpu.enqueue_dma source(%arg10 : memref<64x128xf32, #tpu.memory_space<vmem>>) target(%dma_start3A_365 : memref<64x128xf32, #tpu.memory_space<vmem_shared>>) target_semaphore(%run_scoped3A : memref<!tpu.dma_semaphore, #tpu.memory_space<semaphore_mem>>)
      %dma_wait3A_366 = arith.constant 0 : i32
      %dma_wait3A_367 = tpu.memref_slice %arg13[%add3A_71, %dma_wait3A_366] : memref<10240x128xf32, #tpu.memory_space<vmem_shared>> -> memref<64x128xf32, #tpu.memory_space<vmem_shared>>
      %dma_wait3A_368 = arith.constant 0 : i32
      %dma_wait3A_369 = tpu.memref_slice %arg13[%add3A_71, %dma_wait3A_368] : memref<10240x128xf32, #tpu.memory_space<vmem_shared>> -> memref<64x128xf32, #tpu.memory_space<vmem_shared>>
      tpu.wait_dma2 semaphore(%run_scoped3A : memref<!tpu.dma_semaphore, #tpu.memory_space<semaphore_mem>>) src(%arg10 : memref<64x128xf32, #tpu.memory_space<vmem>>) dst(%dma_wait3A_369 : memref<64x128xf32, #tpu.memory_space<vmem_shared>>)
      tpu.yield
    }) : () -> ()
    %mul3A_72 = arith.constant 640 : i32
    %mul3A_73 = arith.muli %arg1, %mul3A_72 : i32
    %add3A_74 = arith.constant 576 : i32
    %add3A_75 = arith.addi %mul3A_73, %add3A_74 : i32
    "tpu.region"() ({
      %run_scoped3A = tpu.sem_alloc : memref<!tpu.dma_semaphore, #tpu.memory_space<semaphore_mem>>
      %dma_start3A_362 = arith.constant 0 : i32
      %dma_start3A_363 = tpu.memref_slice %arg13[%add3A_75, %dma_start3A_362] : memref<10240x128xf32, #tpu.memory_space<vmem_shared>> -> memref<64x128xf32, #tpu.memory_space<vmem_shared>>
      %dma_start3A_364 = arith.constant 0 : i32
      %dma_start3A_365 = tpu.memref_slice %arg13[%add3A_75, %dma_start3A_364] : memref<10240x128xf32, #tpu.memory_space<vmem_shared>> -> memref<64x128xf32, #tpu.memory_space<vmem_shared>>
      tpu.enqueue_dma source(%arg10 : memref<64x128xf32, #tpu.memory_space<vmem>>) target(%dma_start3A_365 : memref<64x128xf32, #tpu.memory_space<vmem_shared>>) target_semaphore(%run_scoped3A : memref<!tpu.dma_semaphore, #tpu.memory_space<semaphore_mem>>)
      %dma_wait3A_366 = arith.constant 0 : i32
      %dma_wait3A_367 = tpu.memref_slice %arg13[%add3A_75, %dma_wait3A_366] : memref<10240x128xf32, #tpu.memory_space<vmem_shared>> -> memref<64x128xf32, #tpu.memory_space<vmem_shared>>
      %dma_wait3A_368 = arith.constant 0 : i32
      %dma_wait3A_369 = tpu.memref_slice %arg13[%add3A_75, %dma_wait3A_368] : memref<10240x128xf32, #tpu.memory_space<vmem_shared>> -> memref<64x128xf32, #tpu.memory_space<vmem_shared>>
      tpu.wait_dma2 semaphore(%run_scoped3A : memref<!tpu.dma_semaphore, #tpu.memory_space<semaphore_mem>>) src(%arg10 : memref<64x128xf32, #tpu.memory_space<vmem>>) dst(%dma_wait3A_369 : memref<64x128xf32, #tpu.memory_space<vmem_shared>>)
      tpu.yield
    }) : () -> ()
    %mul3A_76 = arith.constant 640 : i32
    %mul3A_77 = arith.muli %arg1, %mul3A_76 : i32
    "tpu.region"() ({
      %run_scoped3A = tpu.sem_alloc : memref<!tpu.dma_semaphore, #tpu.memory_space<semaphore_mem>>
      %dma_start3A_362 = tpu.memref_slice %arg14[%mul3A_77] : memref<10240xf32, #tpu.memory_space<vmem_shared>> -> memref<640xf32, #tpu.memory_space<vmem_shared>>
      %dma_start3A_363 = tpu.memref_slice %arg14[%mul3A_77] : memref<10240xf32, #tpu.memory_space<vmem_shared>> -> memref<640xf32, #tpu.memory_space<vmem_shared>>
      tpu.enqueue_dma source(%arg12 : memref<640xf32, #tpu.memory_space<vmem>>) target(%dma_start3A_363 : memref<640xf32, #tpu.memory_space<vmem_shared>>) target_semaphore(%run_scoped3A : memref<!tpu.dma_semaphore, #tpu.memory_space<semaphore_mem>>)
      %dma_wait3A_364 = tpu.memref_slice %arg14[%mul3A_77] : memref<10240xf32, #tpu.memory_space<vmem_shared>> -> memref<640xf32, #tpu.memory_space<vmem_shared>>
      %dma_wait3A_365 = tpu.memref_slice %arg14[%mul3A_77] : memref<10240xf32, #tpu.memory_space<vmem_shared>> -> memref<640xf32, #tpu.memory_space<vmem_shared>>
      tpu.wait_dma2 semaphore(%run_scoped3A : memref<!tpu.dma_semaphore, #tpu.memory_space<semaphore_mem>>) src(%arg12 : memref<640xf32, #tpu.memory_space<vmem>>) dst(%dma_wait3A_365 : memref<640xf32, #tpu.memory_space<vmem_shared>>)
      tpu.yield
    }) : () -> ()
    %barrier3A = arith.constant 0 : index
    tpu.barrier barrier_id(%barrier3A)
    %dma_start3A = arith.constant 0 : i32
    %dma_start3A_78 = arith.constant 0 : i32
    %dma_start3A_79 = arith.constant 0 : i32
    %dma_start3A_80 = tpu.memref_slice %arg6[%dma_start3A_78, %dma_start3A_79] : memref<3x80xi32, #tpu.memory_space<vmem>> -> memref<1x80xi32, #tpu.memory_space<vmem>>
    %dma_start3A_81 = tpu.memref_squeeze %dma_start3A_80 : memref<1x80xi32, #tpu.memory_space<vmem>> -> memref<80xi32, #tpu.memory_space<vmem>>
    %dma_start3A_82 = arith.constant 0 : i32
    %dma_start3A_83 = tpu.memref_slice %arg3[%add3A, %dma_start3A, %dma_start3A_82] : memref<32x125x80xi32, #tpu.memory_space<hbm>> -> memref<1x1x80xi32, #tpu.memory_space<hbm>>
    %dma_start3A_84 = tpu.memref_squeeze %dma_start3A_83 : memref<1x1x80xi32, #tpu.memory_space<hbm>> -> memref<80xi32, #tpu.memory_space<hbm>>
    %dma_start3A_85 = arith.constant 0 : i32
    %dma_start3A_86 = tpu.memref_slice %arg6[%dma_start3A_78, %dma_start3A_85] : memref<3x80xi32, #tpu.memory_space<vmem>> -> memref<1x80xi32, #tpu.memory_space<vmem>>
    %dma_start3A_87 = tpu.memref_squeeze %dma_start3A_86 : memref<1x80xi32, #tpu.memory_space<vmem>> -> memref<80xi32, #tpu.memory_space<vmem>>
    %dma_start3A_88 = arith.constant 0 : i32
    %dma_start3A_89 = tpu.memref_slice %arg3[%add3A, %dma_start3A, %dma_start3A_88] : memref<32x125x80xi32, #tpu.memory_space<hbm>> -> memref<1x1x80xi32, #tpu.memory_space<hbm>>
    %dma_start3A_90 = tpu.memref_squeeze %dma_start3A_89 : memref<1x1x80xi32, #tpu.memory_space<hbm>> -> memref<80xi32, #tpu.memory_space<hbm>>
    tpu.enqueue_dma source(%dma_start3A_90 : memref<80xi32, #tpu.memory_space<hbm>>) target(%dma_start3A_87 : memref<80xi32, #tpu.memory_space<vmem>>) target_semaphore(%arg15 : memref<!tpu.dma_semaphore, #tpu.memory_space<semaphore_mem>>)
    %dma_start3A_91 = arith.constant 1 : i32
    %dma_start3A_92 = arith.constant 1 : i32
    %dma_start3A_93 = arith.constant 0 : i32
    %dma_start3A_94 = tpu.memref_slice %arg6[%dma_start3A_92, %dma_start3A_93] : memref<3x80xi32, #tpu.memory_space<vmem>> -> memref<1x80xi32, #tpu.memory_space<vmem>>
    %dma_start3A_95 = tpu.memref_squeeze %dma_start3A_94 : memref<1x80xi32, #tpu.memory_space<vmem>> -> memref<80xi32, #tpu.memory_space<vmem>>
    %dma_start3A_96 = arith.constant 0 : i32
    %dma_start3A_97 = tpu.memref_slice %arg3[%add3A, %dma_start3A_91, %dma_start3A_96] : memref<32x125x80xi32, #tpu.memory_space<hbm>> -> memref<1x1x80xi32, #tpu.memory_space<hbm>>
    %dma_start3A_98 = tpu.memref_squeeze %dma_start3A_97 : memref<1x1x80xi32, #tpu.memory_space<hbm>> -> memref<80xi32, #tpu.memory_space<hbm>>
    %dma_start3A_99 = arith.constant 0 : i32
    %dma_start3A_100 = tpu.memref_slice %arg6[%dma_start3A_92, %dma_start3A_99] : memref<3x80xi32, #tpu.memory_space<vmem>> -> memref<1x80xi32, #tpu.memory_space<vmem>>
    %dma_start3A_101 = tpu.memref_squeeze %dma_start3A_100 : memref<1x80xi32, #tpu.memory_space<vmem>> -> memref<80xi32, #tpu.memory_space<vmem>>
    %dma_start3A_102 = arith.constant 0 : i32
    %dma_start3A_103 = tpu.memref_slice %arg3[%add3A, %dma_start3A_91, %dma_start3A_102] : memref<32x125x80xi32, #tpu.memory_space<hbm>> -> memref<1x1x80xi32, #tpu.memory_space<hbm>>
    %dma_start3A_104 = tpu.memref_squeeze %dma_start3A_103 : memref<1x1x80xi32, #tpu.memory_space<hbm>> -> memref<80xi32, #tpu.memory_space<hbm>>
    tpu.enqueue_dma source(%dma_start3A_104 : memref<80xi32, #tpu.memory_space<hbm>>) target(%dma_start3A_101 : memref<80xi32, #tpu.memory_space<vmem>>) target_semaphore(%arg16 : memref<!tpu.dma_semaphore, #tpu.memory_space<semaphore_mem>>)
    %dma_start3A_105 = arith.constant 2 : i32
    %dma_start3A_106 = arith.constant 2 : i32
    %dma_start3A_107 = arith.constant 0 : i32
    %dma_start3A_108 = tpu.memref_slice %arg6[%dma_start3A_106, %dma_start3A_107] : memref<3x80xi32, #tpu.memory_space<vmem>> -> memref<1x80xi32, #tpu.memory_space<vmem>>
    %dma_start3A_109 = tpu.memref_squeeze %dma_start3A_108 : memref<1x80xi32, #tpu.memory_space<vmem>> -> memref<80xi32, #tpu.memory_space<vmem>>
    %dma_start3A_110 = arith.constant 0 : i32
    %dma_start3A_111 = tpu.memref_slice %arg3[%add3A, %dma_start3A_105, %dma_start3A_110] : memref<32x125x80xi32, #tpu.memory_space<hbm>> -> memref<1x1x80xi32, #tpu.memory_space<hbm>>
    %dma_start3A_112 = tpu.memref_squeeze %dma_start3A_111 : memref<1x1x80xi32, #tpu.memory_space<hbm>> -> memref<80xi32, #tpu.memory_space<hbm>>
    %dma_start3A_113 = arith.constant 0 : i32
    %dma_start3A_114 = tpu.memref_slice %arg6[%dma_start3A_106, %dma_start3A_113] : memref<3x80xi32, #tpu.memory_space<vmem>> -> memref<1x80xi32, #tpu.memory_space<vmem>>
    %dma_start3A_115 = tpu.memref_squeeze %dma_start3A_114 : memref<1x80xi32, #tpu.memory_space<vmem>> -> memref<80xi32, #tpu.memory_space<vmem>>
    %dma_start3A_116 = arith.constant 0 : i32
    %dma_start3A_117 = tpu.memref_slice %arg3[%add3A, %dma_start3A_105, %dma_start3A_116] : memref<32x125x80xi32, #tpu.memory_space<hbm>> -> memref<1x1x80xi32, #tpu.memory_space<hbm>>
    %dma_start3A_118 = tpu.memref_squeeze %dma_start3A_117 : memref<1x1x80xi32, #tpu.memory_space<hbm>> -> memref<80xi32, #tpu.memory_space<hbm>>
    tpu.enqueue_dma source(%dma_start3A_118 : memref<80xi32, #tpu.memory_space<hbm>>) target(%dma_start3A_115 : memref<80xi32, #tpu.memory_space<vmem>>) target_semaphore(%arg17 : memref<!tpu.dma_semaphore, #tpu.memory_space<semaphore_mem>>)
    %dma_wait3A = arith.constant 0 : i32
    %dma_wait3A_119 = arith.constant 0 : i32
    %dma_wait3A_120 = arith.constant 0 : i32
    %dma_wait3A_121 = tpu.memref_slice %arg6[%dma_wait3A_119, %dma_wait3A_120] : memref<3x80xi32, #tpu.memory_space<vmem>> -> memref<1x80xi32, #tpu.memory_space<vmem>>
    %dma_wait3A_122 = tpu.memref_squeeze %dma_wait3A_121 : memref<1x80xi32, #tpu.memory_space<vmem>> -> memref<80xi32, #tpu.memory_space<vmem>>
    %dma_wait3A_123 = arith.constant 0 : i32
    %dma_wait3A_124 = tpu.memref_slice %arg3[%add3A, %dma_wait3A, %dma_wait3A_123] : memref<32x125x80xi32, #tpu.memory_space<hbm>> -> memref<1x1x80xi32, #tpu.memory_space<hbm>>
    %dma_wait3A_125 = tpu.memref_squeeze %dma_wait3A_124 : memref<1x1x80xi32, #tpu.memory_space<hbm>> -> memref<80xi32, #tpu.memory_space<hbm>>
    %dma_wait3A_126 = arith.constant 0 : i32
    %dma_wait3A_127 = tpu.memref_slice %arg6[%dma_wait3A_119, %dma_wait3A_126] : memref<3x80xi32, #tpu.memory_space<vmem>> -> memref<1x80xi32, #tpu.memory_space<vmem>>
    %dma_wait3A_128 = tpu.memref_squeeze %dma_wait3A_127 : memref<1x80xi32, #tpu.memory_space<vmem>> -> memref<80xi32, #tpu.memory_space<vmem>>
    %dma_wait3A_129 = arith.constant 0 : i32
    %dma_wait3A_130 = tpu.memref_slice %arg3[%add3A, %dma_wait3A, %dma_wait3A_129] : memref<32x125x80xi32, #tpu.memory_space<hbm>> -> memref<1x1x80xi32, #tpu.memory_space<hbm>>
    %dma_wait3A_131 = tpu.memref_squeeze %dma_wait3A_130 : memref<1x1x80xi32, #tpu.memory_space<hbm>> -> memref<80xi32, #tpu.memory_space<hbm>>
    tpu.wait_dma2 semaphore(%arg15 : memref<!tpu.dma_semaphore, #tpu.memory_space<semaphore_mem>>) src(%dma_wait3A_131 : memref<80xi32, #tpu.memory_space<hbm>>) dst(%dma_wait3A_128 : memref<80xi32, #tpu.memory_space<vmem>>)
    %get3A = arith.constant 0 : i32
    %get3A_132 = arith.index_cast %get3A : i32 to index
    %get3A_133 = arith.constant 0 : index
    %get3A_134 = tpu.vector_load %arg6[%get3A_132, %get3A_133] {strides = array<i32>} : memref<3x80xi32, #tpu.memory_space<vmem>>, vector<1x16xi32>,
    %get3A_135 = vector.shape_cast %get3A_134 : vector<1x16xi32> to vector<16xi32>
    %and3A = arith.constant 65535 : i32
    %and3A_136 = vector.broadcast %and3A : i32 to vector<16xi32>
    %and3A_137 = arith.andi %get3A_135, %and3A_136 : vector<16xi32>
    %swap3A_138 = arith.constant 0 : i32
    %swap3A_139 = arith.index_cast %swap3A_138 : i32 to index
    %swap3A_140 = arith.constant 0 : index
    %swap3A_141 = tpu.vector_load %arg7[%swap3A_139, %swap3A_140] {strides = array<i32>} : memref<3x80xi32, #tpu.memory_space<vmem>>, vector<1x16xi32>,
    %swap3A_142 = vector.shape_cast %swap3A_141 : vector<1x16xi32> to vector<16xi32>
    %swap3A_143 = vector.shape_cast %and3A_137 : vector<16xi32> to vector<1x16xi32>
    tpu.vector_store %arg7[%swap3A_139, %swap3A_140], %swap3A_143 {strides = array<i32>} : memref<3x80xi32, #tpu.memory_space<vmem>>, vector<1x16xi32>,
    %shift_right_logical3A = arith.constant 16 : i32
    %shift_right_logical3A_144 = vector.broadcast %shift_right_logical3A : i32 to vector<16xi32>
    %shift_right_logical3A_145 = arith.shrui %get3A_135, %shift_right_logical3A_144 : vector<16xi32>
    %swap3A_146 = arith.constant 0 : i32
    %swap3A_147 = arith.index_cast %swap3A_146 : i32 to index
    %swap3A_148 = arith.constant 0 : index
    %swap3A_149 = tpu.vector_load %arg8[%swap3A_147, %swap3A_148] {strides = array<i32>} : memref<3x80xi32, #tpu.memory_space<vmem>>, vector<1x16xi32>,
    %swap3A_150 = vector.shape_cast %swap3A_149 : vector<1x16xi32> to vector<16xi32>
    %swap3A_151 = vector.shape_cast %shift_right_logical3A_145 : vector<16xi32> to vector<1x16xi32>
    tpu.vector_store %arg8[%swap3A_147, %swap3A_148], %swap3A_151 {strides = array<i32>} : memref<3x80xi32, #tpu.memory_space<vmem>>, vector<1x16xi32>,
    %get3A_152 = arith.constant 0 : i32
    %get3A_153 = arith.index_cast %get3A_152 : i32 to index
    %get3A_154 = arith.constant 16 : index
    %get3A_155 = tpu.vector_load %arg6[%get3A_153, %get3A_154] {strides = array<i32>} : memref<3x80xi32, #tpu.memory_space<vmem>>, vector<1x16xi32>,
    %get3A_156 = vector.shape_cast %get3A_155 : vector<1x16xi32> to vector<16xi32>
    %and3A_157 = arith.constant 65535 : i32
    %and3A_158 = vector.broadcast %and3A_157 : i32 to vector<16xi32>
    %and3A_159 = arith.andi %get3A_156, %and3A_158 : vector<16xi32>
    %swap3A_160 = arith.constant 0 : i32
    %swap3A_161 = arith.index_cast %swap3A_160 : i32 to index
    %swap3A_162 = arith.constant 16 : index
    %swap3A_163 = tpu.vector_load %arg7[%swap3A_161, %swap3A_162] {strides = array<i32>} : memref<3x80xi32, #tpu.memory_space<vmem>>, vector<1x16xi32>,
    %swap3A_164 = vector.shape_cast %swap3A_163 : vector<1x16xi32> to vector<16xi32>
    %swap3A_165 = vector.shape_cast %and3A_159 : vector<16xi32> to vector<1x16xi32>
    tpu.vector_store %arg7[%swap3A_161, %swap3A_162], %swap3A_165 {strides = array<i32>} : memref<3x80xi32, #tpu.memory_space<vmem>>, vector<1x16xi32>,
    %shift_right_logical3A_166 = arith.constant 16 : i32
    %shift_right_logical3A_167 = vector.broadcast %shift_right_logical3A_166 : i32 to vector<16xi32>
    %shift_right_logical3A_168 = arith.shrui %get3A_156, %shift_right_logical3A_167 : vector<16xi32>
    %swap3A_169 = arith.constant 0 : i32
    %swap3A_170 = arith.index_cast %swap3A_169 : i32 to index
    %swap3A_171 = arith.constant 16 : index
    %swap3A_172 = tpu.vector_load %arg8[%swap3A_170, %swap3A_171] {strides = array<i32>} : memref<3x80xi32, #tpu.memory_space<vmem>>, vector<1x16xi32>,
    %swap3A_173 = vector.shape_cast %swap3A_172 : vector<1x16xi32> to vector<16xi32>
    %swap3A_174 = vector.shape_cast %shift_right_logical3A_168 : vector<16xi32> to vector<1x16xi32>
    tpu.vector_store %arg8[%swap3A_170, %swap3A_171], %swap3A_174 {strides = array<i32>} : memref<3x80xi32, #tpu.memory_space<vmem>>, vector<1x16xi32>,
    %get3A_175 = arith.constant 0 : i32
    %get3A_176 = arith.index_cast %get3A_175 : i32 to index
    %get3A_177 = arith.constant 32 : index
    %get3A_178 = tpu.vector_load %arg6[%get3A_176, %get3A_177] {strides = array<i32>} : memref<3x80xi32, #tpu.memory_space<vmem>>, vector<1x16xi32>,
    %get3A_179 = vector.shape_cast %get3A_178 : vector<1x16xi32> to vector<16xi32>
    %and3A_180 = arith.constant 65535 : i32
    %and3A_181 = vector.broadcast %and3A_180 : i32 to vector<16xi32>
    %and3A_182 = arith.andi %get3A_179, %and3A_181 : vector<16xi32>
    %swap3A_183 = arith.constant 0 : i32
    %swap3A_184 = arith.index_cast %swap3A_183 : i32 to index
    %swap3A_185 = arith.constant 32 : index
    %swap3A_186 = tpu.vector_load %arg7[%swap3A_184, %swap3A_185] {strides = array<i32>} : memref<3x80xi32, #tpu.memory_space<vmem>>, vector<1x16xi32>,
    %swap3A_187 = vector.shape_cast %swap3A_186 : vector<1x16xi32> to vector<16xi32>
    %swap3A_188 = vector.shape_cast %and3A_182 : vector<16xi32> to vector<1x16xi32>
    tpu.vector_store %arg7[%swap3A_184, %swap3A_185], %swap3A_188 {strides = array<i32>} : memref<3x80xi32, #tpu.memory_space<vmem>>, vector<1x16xi32>,
    %shift_right_logical3A_189 = arith.constant 16 : i32
    %shift_right_logical3A_190 = vector.broadcast %shift_right_logical3A_189 : i32 to vector<16xi32>
    %shift_right_logical3A_191 = arith.shrui %get3A_179, %shift_right_logical3A_190 : vector<16xi32>
    %swap3A_192 = arith.constant 0 : i32
    %swap3A_193 = arith.index_cast %swap3A_192 : i32 to index
    %swap3A_194 = arith.constant 32 : index
    %swap3A_195 = tpu.vector_load %arg8[%swap3A_193, %swap3A_194] {strides = array<i32>} : memref<3x80xi32, #tpu.memory_space<vmem>>, vector<1x16xi32>,
    %swap3A_196 = vector.shape_cast %swap3A_195 : vector<1x16xi32> to vector<16xi32>
    %swap3A_197 = vector.shape_cast %shift_right_logical3A_191 : vector<16xi32> to vector<1x16xi32>
    tpu.vector_store %arg8[%swap3A_193, %swap3A_194], %swap3A_197 {strides = array<i32>} : memref<3x80xi32, #tpu.memory_space<vmem>>, vector<1x16xi32>,
    %get3A_198 = arith.constant 0 : i32
    %get3A_199 = arith.index_cast %get3A_198 : i32 to index
    %get3A_200 = arith.constant 48 : index
    %get3A_201 = tpu.vector_load %arg6[%get3A_199, %get3A_200] {strides = array<i32>} : memref<3x80xi32, #tpu.memory_space<vmem>>, vector<1x16xi32>,
    %get3A_202 = vector.shape_cast %get3A_201 : vector<1x16xi32> to vector<16xi32>
    %and3A_203 = arith.constant 65535 : i32
    %and3A_204 = vector.broadcast %and3A_203 : i32 to vector<16xi32>
    %and3A_205 = arith.andi %get3A_202, %and3A_204 : vector<16xi32>
    %swap3A_206 = arith.constant 0 : i32
    %swap3A_207 = arith.index_cast %swap3A_206 : i32 to index
    %swap3A_208 = arith.constant 48 : index
    %swap3A_209 = tpu.vector_load %arg7[%swap3A_207, %swap3A_208] {strides = array<i32>} : memref<3x80xi32, #tpu.memory_space<vmem>>, vector<1x16xi32>,
    %swap3A_210 = vector.shape_cast %swap3A_209 : vector<1x16xi32> to vector<16xi32>
    %swap3A_211 = vector.shape_cast %and3A_205 : vector<16xi32> to vector<1x16xi32>
    tpu.vector_store %arg7[%swap3A_207, %swap3A_208], %swap3A_211 {strides = array<i32>} : memref<3x80xi32, #tpu.memory_space<vmem>>, vector<1x16xi32>,
    %shift_right_logical3A_212 = arith.constant 16 : i32
    %shift_right_logical3A_213 = vector.broadcast %shift_right_logical3A_212 : i32 to vector<16xi32>
    %shift_right_logical3A_214 = arith.shrui %get3A_202, %shift_right_logical3A_213 : vector<16xi32>
    %swap3A_215 = arith.constant 0 : i32
    %swap3A_216 = arith.index_cast %swap3A_215 : i32 to index
    %swap3A_217 = arith.constant 48 : index
    %swap3A_218 = tpu.vector_load %arg8[%swap3A_216, %swap3A_217] {strides = array<i32>} : memref<3x80xi32, #tpu.memory_space<vmem>>, vector<1x16xi32>,
    %swap3A_219 = vector.shape_cast %swap3A_218 : vector<1x16xi32> to vector<16xi32>
    %swap3A_220 = vector.shape_cast %shift_right_logical3A_214 : vector<16xi32> to vector<1x16xi32>
    tpu.vector_store %arg8[%swap3A_216, %swap3A_217], %swap3A_220 {strides = array<i32>} : memref<3x80xi32, #tpu.memory_space<vmem>>, vector<1x16xi32>,
    %get3A_221 = arith.constant 0 : i32
    %get3A_222 = arith.index_cast %get3A_221 : i32 to index
    %get3A_223 = arith.constant 64 : index
    %get3A_224 = tpu.vector_load %arg6[%get3A_222, %get3A_223] {strides = array<i32>} : memref<3x80xi32, #tpu.memory_space<vmem>>, vector<1x16xi32>,
    %get3A_225 = vector.shape_cast %get3A_224 : vector<1x16xi32> to vector<16xi32>
    %and3A_226 = arith.constant 65535 : i32
    %and3A_227 = vector.broadcast %and3A_226 : i32 to vector<16xi32>
    %and3A_228 = arith.andi %get3A_225, %and3A_227 : vector<16xi32>
    %swap3A_229 = arith.constant 0 : i32
    %swap3A_230 = arith.index_cast %swap3A_229 : i32 to index
    %swap3A_231 = arith.constant 64 : index
    %swap3A_232 = tpu.vector_load %arg7[%swap3A_230, %swap3A_231] {strides = array<i32>} : memref<3x80xi32, #tpu.memory_space<vmem>>, vector<1x16xi32>,
    %swap3A_233 = vector.shape_cast %swap3A_232 : vector<1x16xi32> to vector<16xi32>
    %swap3A_234 = vector.shape_cast %and3A_228 : vector<16xi32> to vector<1x16xi32>
    tpu.vector_store %arg7[%swap3A_230, %swap3A_231], %swap3A_234 {strides = array<i32>} : memref<3x80xi32, #tpu.memory_space<vmem>>, vector<1x16xi32>,
    %shift_right_logical3A_235 = arith.constant 16 : i32
    %shift_right_logical3A_236 = vector.broadcast %shift_right_logical3A_235 : i32 to vector<16xi32>
    %shift_right_logical3A_237 = arith.shrui %get3A_225, %shift_right_logical3A_236 : vector<16xi32>
    %swap3A_238 = arith.constant 0 : i32
    %swap3A_239 = arith.index_cast %swap3A_238 : i32 to index
    %swap3A_240 = arith.constant 64 : index
    %swap3A_241 = tpu.vector_load %arg8[%swap3A_239, %swap3A_240] {strides = array<i32>} : memref<3x80xi32, #tpu.memory_space<vmem>>, vector<1x16xi32>,
    %swap3A_242 = vector.shape_cast %swap3A_241 : vector<1x16xi32> to vector<16xi32>
    %swap3A_243 = vector.shape_cast %shift_right_logical3A_237 : vector<16xi32> to vector<1x16xi32>
    tpu.vector_store %arg8[%swap3A_239, %swap3A_240], %swap3A_243 {strides = array<i32>} : memref<3x80xi32, #tpu.memory_space<vmem>>, vector<1x16xi32>,
    %dma_start3A_244 = arith.constant 0 : i32
    %dma_start3A_245 = arith.constant 0 : i32
    %dma_start3A_246 = arith.constant 0 : i32
    %dma_start3A_247 = arith.constant 0 : i32
    %dma_start3A_248 = tpu.memref_slice %arg9[%dma_start3A_245, %dma_start3A_246, %dma_start3A_247] : memref<3x80x128xf32, #tpu.memory_space<vmem>> -> memref<1x80x128xf32, #tpu.memory_space<vmem>>
    %dma_start3A_249 = tpu.memref_squeeze %dma_start3A_248 : memref<1x80x128xf32, #tpu.memory_space<vmem>> -> memref<80x128xf32, #tpu.memory_space<vmem>>
    %dma_start3A_250 = arith.constant 0 : i32
    %dma_start3A_251 = tpu.memref_slice %arg7[%dma_start3A_244, %dma_start3A_250] : memref<3x80xi32, #tpu.memory_space<vmem>> -> memref<1x80xi32, #tpu.memory_space<vmem>>
    %dma_start3A_252 = tpu.memref_squeeze %dma_start3A_251 : memref<1x80xi32, #tpu.memory_space<vmem>> -> memref<80xi32, #tpu.memory_space<vmem>>
    %dma_start3A_253 = arith.constant 0 : i32
    %dma_start3A_254 = arith.constant 0 : i32
    %dma_start3A_255 = tpu.memref_slice %arg2[%dma_start3A_253, %dma_start3A_254] : memref<10000x128xf32, #tpu.memory_space<hbm>> -> memref<10000x128xf32, #tpu.memory_space<hbm>>
    tpu.enqueue_indirect_dma source(%dma_start3A_255 : memref<10000x128xf32, #tpu.memory_space<hbm>>) target(%dma_start3A_249 : memref<80x128xf32, #tpu.memory_space<vmem>>) offsets(%dma_start3A_252 : memref<80xi32, #tpu.memory_space<vmem>>) semaphore(%arg18 : memref<!tpu.dma_semaphore, #tpu.memory_space<semaphore_mem>>)
    %scan3A_256 = arith.constant 0 : i32
    %scan3A_257 = arith.constant 0 : i32
    %scan3A_258 = arith.constant 42 : i32
    %scan3A_259 = arith.addi %scan3A_257, %scan3A_258 : i32
    %scan3A_260 = arith.constant 1 : i32
    %scan3A_261 = scf.for %scan3A_362 = %scan3A_257 to %scan3A_259 step %scan3A_260 iter_args(%scan3A_363 = %scan3A_256) -> (i32)  : i32 {
      %mul3A_364 = arith.constant 3 : i32
      %mul3A_365 = arith.muli %mul3A_364, %scan3A_362 : i32
      %add3A_366 = arith.constant 0 : i32
      %add3A_367 = arith.addi %mul3A_365, %add3A_366 : i32
      %add3A_368 = arith.constant 1 : i32
      %add3A_369 = arith.addi %add3A_367, %add3A_368 : i32
      %lt3A = arith.constant 125 : i32
      %lt3A_370 = arith.cmpi slt, %add3A_369, %lt3A : i32
      %convert_element_type3A = arith.extui %lt3A_370 : i1 to i32
      %cond3A = arith.constant 0 : i32
      %cond3A_371 = arith.cmpi ne, %convert_element_type3A, %cond3A : i32
      scf.if %cond3A_371 {
        %add3A_431 = arith.constant 1 : i32
        %add3A_432 = arith.addi %add3A_367, %add3A_431 : i32
        %ge3A = arith.constant 3 : i32
        %ge3A_433 = arith.cmpi sge, %add3A_432, %ge3A : i32
        %convert_element_type3A_434 = arith.extui %ge3A_433 : i1 to i32
        %cond3A_435 = arith.constant 0 : i32
        %cond3A_436 = arith.cmpi ne, %convert_element_type3A_434, %cond3A_435 : i32
        scf.if %cond3A_436 {
          %dma_wait3A_577 = arith.constant 1 : i32
          %dma_wait3A_578 = arith.constant 1 : i32
          %dma_wait3A_579 = arith.constant 0 : i32
          %dma_wait3A_580 = arith.constant 0 : i32
          %dma_wait3A_581 = tpu.memref_slice %arg9[%dma_wait3A_577, %dma_wait3A_579, %dma_wait3A_580] : memref<3x80x128xf32, #tpu.memory_space<vmem>> -> memref<1x80x128xf32, #tpu.memory_space<vmem>>
          %dma_wait3A_582 = tpu.memref_squeeze %dma_wait3A_581 : memref<1x80x128xf32, #tpu.memory_space<vmem>> -> memref<80x128xf32, #tpu.memory_space<vmem>>
          %dma_wait3A_583 = arith.constant 0 : i32
          %dma_wait3A_584 = tpu.memref_slice %arg8[%dma_wait3A_578, %dma_wait3A_583] : memref<3x80xi32, #tpu.memory_space<vmem>> -> memref<1x80xi32, #tpu.memory_space<vmem>>
          %dma_wait3A_585 = tpu.memref_squeeze %dma_wait3A_584 : memref<1x80xi32, #tpu.memory_space<vmem>> -> memref<80xi32, #tpu.memory_space<vmem>>
          %dma_wait3A_586 = arith.constant 0 : i32
          %dma_wait3A_587 = arith.constant 0 : i32
          %dma_wait3A_588 = tpu.memref_slice %arg13[%dma_wait3A_586, %dma_wait3A_587] : memref<10240x128xf32, #tpu.memory_space<vmem_shared>> -> memref<10240x128xf32, #tpu.memory_space<vmem_shared>>
          tpu.wait_indirect_dma semaphore(%arg22 : memref<!tpu.dma_semaphore, #tpu.memory_space<semaphore_mem>>) src(%dma_wait3A_582 : memref<80x128xf32, #tpu.memory_space<vmem>>) dst(%dma_wait3A_588 : memref<10240x128xf32, #tpu.memory_space<vmem_shared>>)
          %dma_wait3A_589 = arith.constant 1 : i32
          %dma_wait3A_590 = arith.constant 0 : i32
          %dma_wait3A_591 = tpu.memref_slice %arg8[%dma_wait3A_589, %dma_wait3A_590] : memref<3x80xi32, #tpu.memory_space<vmem>> -> memref<1x80xi32, #tpu.memory_space<vmem>>
          %dma_wait3A_592 = tpu.memref_squeeze %dma_wait3A_591 : memref<1x80xi32, #tpu.memory_space<vmem>> -> memref<80xi32, #tpu.memory_space<vmem>>
          %dma_wait3A_593 = arith.constant 0 : i32
          %dma_wait3A_594 = tpu.memref_slice %arg14[%dma_wait3A_593] : memref<10240xf32, #tpu.memory_space<vmem_shared>> -> memref<10240xf32, #tpu.memory_space<vmem_shared>>
          tpu.wait_indirect_dma semaphore(%arg25 : memref<!tpu.dma_semaphore, #tpu.memory_space<semaphore_mem>>) src(%arg11 : memref<80xf32, #tpu.memory_space<vmem>>) dst(%dma_wait3A_594 : memref<10240xf32, #tpu.memory_space<vmem_shared>>)
        } else {
        }
        %dma_wait3A_437 = arith.constant 1 : i32
        %dma_wait3A_438 = arith.constant 0 : i32
        %dma_wait3A_439 = tpu.memref_slice %arg6[%dma_wait3A_437, %dma_wait3A_438] : memref<3x80xi32, #tpu.memory_space<vmem>> -> memref<1x80xi32, #tpu.memory_space<vmem>>
        %dma_wait3A_440 = tpu.memref_squeeze %dma_wait3A_439 : memref<1x80xi32, #tpu.memory_space<vmem>> -> memref<80xi32, #tpu.memory_space<vmem>>
        %dma_wait3A_441 = arith.constant 0 : i32
        %dma_wait3A_442 = tpu.memref_slice %arg3[%add3A, %add3A_432, %dma_wait3A_441] : memref<32x125x80xi32, #tpu.memory_space<hbm>> -> memref<1x1x80xi32, #tpu.memory_space<hbm>>
        %dma_wait3A_443 = tpu.memref_squeeze %dma_wait3A_442 : memref<1x1x80xi32, #tpu.memory_space<hbm>> -> memref<80xi32, #tpu.memory_space<hbm>>
        %dma_wait3A_444 = arith.constant 0 : i32
        %dma_wait3A_445 = tpu.memref_slice %arg6[%dma_wait3A_437, %dma_wait3A_444] : memref<3x80xi32, #tpu.memory_space<vmem>> -> memref<1x80xi32, #tpu.memory_space<vmem>>
        %dma_wait3A_446 = tpu.memref_squeeze %dma_wait3A_445 : memref<1x80xi32, #tpu.memory_space<vmem>> -> memref<80xi32, #tpu.memory_space<vmem>>
        %dma_wait3A_447 = arith.constant 0 : i32
        %dma_wait3A_448 = tpu.memref_slice %arg3[%add3A, %add3A_432, %dma_wait3A_447] : memref<32x125x80xi32, #tpu.memory_space<hbm>> -> memref<1x1x80xi32, #tpu.memory_space<hbm>>
        %dma_wait3A_449 = tpu.memref_squeeze %dma_wait3A_448 : memref<1x1x80xi32, #tpu.memory_space<hbm>> -> memref<80xi32, #tpu.memory_space<hbm>>
        tpu.wait_dma2 semaphore(%arg16 : memref<!tpu.dma_semaphore, #tpu.memory_space<semaphore_mem>>) src(%dma_wait3A_449 : memref<80xi32, #tpu.memory_space<hbm>>) dst(%dma_wait3A_446 : memref<80xi32, #tpu.memory_space<vmem>>)
        %get3A_450 = arith.constant 1 : i32
        %get3A_451 = arith.index_cast %get3A_450 : i32 to index
        %get3A_452 = arith.constant 0 : index
        %get3A_453 = tpu.vector_load %arg6[%get3A_451, %get3A_452] {strides = array<i32>} : memref<3x80xi32, #tpu.memory_space<vmem>>, vector<1x16xi32>,
        %get3A_454 = vector.shape_cast %get3A_453 : vector<1x16xi32> to vector<16xi32>
        %and3A_455 = arith.constant 65535 : i32
        %and3A_456 = vector.broadcast %and3A_455 : i32 to vector<16xi32>
        %and3A_457 = arith.andi %get3A_454, %and3A_456 : vector<16xi32>
        %swap3A_458 = arith.constant 1 : i32
        %swap3A_459 = arith.index_cast %swap3A_458 : i32 to index
        %swap3A_460 = arith.constant 0 : index
        %swap3A_461 = tpu.vector_load %arg7[%swap3A_459, %swap3A_460] {strides = array<i32>} : memref<3x80xi32, #tpu.memory_space<vmem>>, vector<1x16xi32>,
        %swap3A_462 = vector.shape_cast %swap3A_461 : vector<1x16xi32> to vector<16xi32>
        %swap3A_463 = vector.shape_cast %and3A_457 : vector<16xi32> to vector<1x16xi32>
        tpu.vector_store %arg7[%swap3A_459, %swap3A_460], %swap3A_463 {strides = array<i32>} : memref<3x80xi32, #tpu.memory_space<vmem>>, vector<1x16xi32>,
        %shift_right_logical3A_464 = arith.constant 16 : i32
        %shift_right_logical3A_465 = vector.broadcast %shift_right_logical3A_464 : i32 to vector<16xi32>
        %shift_right_logical3A_466 = arith.shrui %get3A_454, %shift_right_logical3A_465 : vector<16xi32>
        %swap3A_467 = arith.constant 1 : i32
        %swap3A_468 = arith.index_cast %swap3A_467 : i32 to index
        %swap3A_469 = arith.constant 0 : index
        %swap3A_470 = tpu.vector_load %arg8[%swap3A_468, %swap3A_469] {strides = array<i32>} : memref<3x80xi32, #tpu.memory_space<vmem>>, vector<1x16xi32>,
        %swap3A_471 = vector.shape_cast %swap3A_470 : vector<1x16xi32> to vector<16xi32>
        %swap3A_472 = vector.shape_cast %shift_right_logical3A_466 : vector<16xi32> to vector<1x16xi32>
        tpu.vector_store %arg8[%swap3A_468, %swap3A_469], %swap3A_472 {strides = array<i32>} : memref<3x80xi32, #tpu.memory_space<vmem>>, vector<1x16xi32>,
        %get3A_473 = arith.constant 1 : i32
        %get3A_474 = arith.index_cast %get3A_473 : i32 to index
        %get3A_475 = arith.constant 16 : index
        %get3A_476 = tpu.vector_load %arg6[%get3A_474, %get3A_475] {strides = array<i32>} : memref<3x80xi32, #tpu.memory_space<vmem>>, vector<1x16xi32>,
        %get3A_477 = vector.shape_cast %get3A_476 : vector<1x16xi32> to vector<16xi32>
        %and3A_478 = arith.constant 65535 : i32
        %and3A_479 = vector.broadcast %and3A_478 : i32 to vector<16xi32>
        %and3A_480 = arith.andi %get3A_477, %and3A_479 : vector<16xi32>
        %swap3A_481 = arith.constant 1 : i32
        %swap3A_482 = arith.index_cast %swap3A_481 : i32 to index
        %swap3A_483 = arith.constant 16 : index
        %swap3A_484 = tpu.vector_load %arg7[%swap3A_482, %swap3A_483] {strides = array<i32>} : memref<3x80xi32, #tpu.memory_space<vmem>>, vector<1x16xi32>,
        %swap3A_485 = vector.shape_cast %swap3A_484 : vector<1x16xi32> to vector<16xi32>
        %swap3A_486 = vector.shape_cast %and3A_480 : vector<16xi32> to vector<1x16xi32>
        tpu.vector_store %arg7[%swap3A_482, %swap3A_483], %swap3A_486 {strides = array<i32>} : memref<3x80xi32, #tpu.memory_space<vmem>>, vector<1x16xi32>,
        %shift_right_logical3A_487 = arith.constant 16 : i32
        %shift_right_logical3A_488 = vector.broadcast %shift_right_logical3A_487 : i32 to vector<16xi32>
        %shift_right_logical3A_489 = arith.shrui %get3A_477, %shift_right_logical3A_488 : vector<16xi32>
        %swap3A_490 = arith.constant 1 : i32
        %swap3A_491 = arith.index_cast %swap3A_490 : i32 to index
        %swap3A_492 = arith.constant 16 : index
        %swap3A_493 = tpu.vector_load %arg8[%swap3A_491, %swap3A_492] {strides = array<i32>} : memref<3x80xi32, #tpu.memory_space<vmem>>, vector<1x16xi32>,
        %swap3A_494 = vector.shape_cast %swap3A_493 : vector<1x16xi32> to vector<16xi32>
        %swap3A_495 = vector.shape_cast %shift_right_logical3A_489 : vector<16xi32> to vector<1x16xi32>
        tpu.vector_store %arg8[%swap3A_491, %swap3A_492], %swap3A_495 {strides = array<i32>} : memref<3x80xi32, #tpu.memory_space<vmem>>, vector<1x16xi32>,
        %get3A_496 = arith.constant 1 : i32
        %get3A_497 = arith.index_cast %get3A_496 : i32 to index
        %get3A_498 = arith.constant 32 : index
        %get3A_499 = tpu.vector_load %arg6[%get3A_497, %get3A_498] {strides = array<i32>} : memref<3x80xi32, #tpu.memory_space<vmem>>, vector<1x16xi32>,
        %get3A_500 = vector.shape_cast %get3A_499 : vector<1x16xi32> to vector<16xi32>
        %and3A_501 = arith.constant 65535 : i32
        %and3A_502 = vector.broadcast %and3A_501 : i32 to vector<16xi32>
        %and3A_503 = arith.andi %get3A_500, %and3A_502 : vector<16xi32>
        %swap3A_504 = arith.constant 1 : i32
        %swap3A_505 = arith.index_cast %swap3A_504 : i32 to index
        %swap3A_506 = arith.constant 32 : index
        %swap3A_507 = tpu.vector_load %arg7[%swap3A_505, %swap3A_506] {strides = array<i32>} : memref<3x80xi32, #tpu.memory_space<vmem>>, vector<1x16xi32>,
        %swap3A_508 = vector.shape_cast %swap3A_507 : vector<1x16xi32> to vector<16xi32>
        %swap3A_509 = vector.shape_cast %and3A_503 : vector<16xi32> to vector<1x16xi32>
        tpu.vector_store %arg7[%swap3A_505, %swap3A_506], %swap3A_509 {strides = array<i32>} : memref<3x80xi32, #tpu.memory_space<vmem>>, vector<1x16xi32>,
        %shift_right_logical3A_510 = arith.constant 16 : i32
        %shift_right_logical3A_511 = vector.broadcast %shift_right_logical3A_510 : i32 to vector<16xi32>
        %shift_right_logical3A_512 = arith.shrui %get3A_500, %shift_right_logical3A_511 : vector<16xi32>
        %swap3A_513 = arith.constant 1 : i32
        %swap3A_514 = arith.index_cast %swap3A_513 : i32 to index
        %swap3A_515 = arith.constant 32 : index
        %swap3A_516 = tpu.vector_load %arg8[%swap3A_514, %swap3A_515] {strides = array<i32>} : memref<3x80xi32, #tpu.memory_space<vmem>>, vector<1x16xi32>,
        %swap3A_517 = vector.shape_cast %swap3A_516 : vector<1x16xi32> to vector<16xi32>
        %swap3A_518 = vector.shape_cast %shift_right_logical3A_512 : vector<16xi32> to vector<1x16xi32>
        tpu.vector_store %arg8[%swap3A_514, %swap3A_515], %swap3A_518 {strides = array<i32>} : memref<3x80xi32, #tpu.memory_space<vmem>>, vector<1x16xi32>,
        %get3A_519 = arith.constant 1 : i32
        %get3A_520 = arith.index_cast %get3A_519 : i32 to index
        %get3A_521 = arith.constant 48 : index
        %get3A_522 = tpu.vector_load %arg6[%get3A_520, %get3A_521] {strides = array<i32>} : memref<3x80xi32, #tpu.memory_space<vmem>>, vector<1x16xi32>,
        %get3A_523 = vector.shape_cast %get3A_522 : vector<1x16xi32> to vector<16xi32>
        %and3A_524 = arith.constant 65535 : i32
        %and3A_525 = vector.broadcast %and3A_524 : i32 to vector<16xi32>
        %and3A_526 = arith.andi %get3A_523, %and3A_525 : vector<16xi32>
        %swap3A_527 = arith.constant 1 : i32
        %swap3A_528 = arith.index_cast %swap3A_527 : i32 to index
        %swap3A_529 = arith.constant 48 : index
        %swap3A_530 = tpu.vector_load %arg7[%swap3A_528, %swap3A_529] {strides = array<i32>} : memref<3x80xi32, #tpu.memory_space<vmem>>, vector<1x16xi32>,
        %swap3A_531 = vector.shape_cast %swap3A_530 : vector<1x16xi32> to vector<16xi32>
        %swap3A_532 = vector.shape_cast %and3A_526 : vector<16xi32> to vector<1x16xi32>
        tpu.vector_store %arg7[%swap3A_528, %swap3A_529], %swap3A_532 {strides = array<i32>} : memref<3x80xi32, #tpu.memory_space<vmem>>, vector<1x16xi32>,
        %shift_right_logical3A_533 = arith.constant 16 : i32
        %shift_right_logical3A_534 = vector.broadcast %shift_right_logical3A_533 : i32 to vector<16xi32>
        %shift_right_logical3A_535 = arith.shrui %get3A_523, %shift_right_logical3A_534 : vector<16xi32>
        %swap3A_536 = arith.constant 1 : i32
        %swap3A_537 = arith.index_cast %swap3A_536 : i32 to index
        %swap3A_538 = arith.constant 48 : index
        %swap3A_539 = tpu.vector_load %arg8[%swap3A_537, %swap3A_538] {strides = array<i32>} : memref<3x80xi32, #tpu.memory_space<vmem>>, vector<1x16xi32>,
        %swap3A_540 = vector.shape_cast %swap3A_539 : vector<1x16xi32> to vector<16xi32>
        %swap3A_541 = vector.shape_cast %shift_right_logical3A_535 : vector<16xi32> to vector<1x16xi32>
        tpu.vector_store %arg8[%swap3A_537, %swap3A_538], %swap3A_541 {strides = array<i32>} : memref<3x80xi32, #tpu.memory_space<vmem>>, vector<1x16xi32>,
        %get3A_542 = arith.constant 1 : i32
        %get3A_543 = arith.index_cast %get3A_542 : i32 to index
        %get3A_544 = arith.constant 64 : index
        %get3A_545 = tpu.vector_load %arg6[%get3A_543, %get3A_544] {strides = array<i32>} : memref<3x80xi32, #tpu.memory_space<vmem>>, vector<1x16xi32>,
        %get3A_546 = vector.shape_cast %get3A_545 : vector<1x16xi32> to vector<16xi32>
        %and3A_547 = arith.constant 65535 : i32
        %and3A_548 = vector.broadcast %and3A_547 : i32 to vector<16xi32>
        %and3A_549 = arith.andi %get3A_546, %and3A_548 : vector<16xi32>
        %swap3A_550 = arith.constant 1 : i32
        %swap3A_551 = arith.index_cast %swap3A_550 : i32 to index
        %swap3A_552 = arith.constant 64 : index
        %swap3A_553 = tpu.vector_load %arg7[%swap3A_551, %swap3A_552] {strides = array<i32>} : memref<3x80xi32, #tpu.memory_space<vmem>>, vector<1x16xi32>,
        %swap3A_554 = vector.shape_cast %swap3A_553 : vector<1x16xi32> to vector<16xi32>
        %swap3A_555 = vector.shape_cast %and3A_549 : vector<16xi32> to vector<1x16xi32>
        tpu.vector_store %arg7[%swap3A_551, %swap3A_552], %swap3A_555 {strides = array<i32>} : memref<3x80xi32, #tpu.memory_space<vmem>>, vector<1x16xi32>,
        %shift_right_logical3A_556 = arith.constant 16 : i32
        %shift_right_logical3A_557 = vector.broadcast %shift_right_logical3A_556 : i32 to vector<16xi32>
        %shift_right_logical3A_558 = arith.shrui %get3A_546, %shift_right_logical3A_557 : vector<16xi32>
        %swap3A_559 = arith.constant 1 : i32
        %swap3A_560 = arith.index_cast %swap3A_559 : i32 to index
        %swap3A_561 = arith.constant 64 : index
        %swap3A_562 = tpu.vector_load %arg8[%swap3A_560, %swap3A_561] {strides = array<i32>} : memref<3x80xi32, #tpu.memory_space<vmem>>, vector<1x16xi32>,
        %swap3A_563 = vector.shape_cast %swap3A_562 : vector<1x16xi32> to vector<16xi32>
        %swap3A_564 = vector.shape_cast %shift_right_logical3A_558 : vector<16xi32> to vector<1x16xi32>
        tpu.vector_store %arg8[%swap3A_560, %swap3A_561], %swap3A_564 {strides = array<i32>} : memref<3x80xi32, #tpu.memory_space<vmem>>, vector<1x16xi32>,
        %dma_start3A_565 = arith.constant 1 : i32
        %dma_start3A_566 = arith.constant 1 : i32
        %dma_start3A_567 = arith.constant 0 : i32
        %dma_start3A_568 = arith.constant 0 : i32
        %dma_start3A_569 = tpu.memref_slice %arg9[%dma_start3A_566, %dma_start3A_567, %dma_start3A_568] : memref<3x80x128xf32, #tpu.memory_space<vmem>> -> memref<1x80x128xf32, #tpu.memory_space<vmem>>
        %dma_start3A_570 = tpu.memref_squeeze %dma_start3A_569 : memref<1x80x128xf32, #tpu.memory_space<vmem>> -> memref<80x128xf32, #tpu.memory_space<vmem>>
        %dma_start3A_571 = arith.constant 0 : i32
        %dma_start3A_572 = tpu.memref_slice %arg7[%dma_start3A_565, %dma_start3A_571] : memref<3x80xi32, #tpu.memory_space<vmem>> -> memref<1x80xi32, #tpu.memory_space<vmem>>
        %dma_start3A_573 = tpu.memref_squeeze %dma_start3A_572 : memref<1x80xi32, #tpu.memory_space<vmem>> -> memref<80xi32, #tpu.memory_space<vmem>>
        %dma_start3A_574 = arith.constant 0 : i32
        %dma_start3A_575 = arith.constant 0 : i32
        %dma_start3A_576 = tpu.memref_slice %arg2[%dma_start3A_574, %dma_start3A_575] : memref<10000x128xf32, #tpu.memory_space<hbm>> -> memref<10000x128xf32, #tpu.memory_space<hbm>>
        tpu.enqueue_indirect_dma source(%dma_start3A_576 : memref<10000x128xf32, #tpu.memory_space<hbm>>) target(%dma_start3A_570 : memref<80x128xf32, #tpu.memory_space<vmem>>) offsets(%dma_start3A_573 : memref<80xi32, #tpu.memory_space<vmem>>) semaphore(%arg19 : memref<!tpu.dma_semaphore, #tpu.memory_space<semaphore_mem>>)
      } else {
      }
      %add3A_372 = arith.constant 3 : i32
      %add3A_373 = arith.addi %add3A_367, %add3A_372 : i32
      %lt3A_374 = arith.constant 125 : i32
      %lt3A_375 = arith.cmpi slt, %add3A_373, %lt3A_374 : i32
      %convert_element_type3A_376 = arith.extui %lt3A_375 : i1 to i32
      %cond3A_377 = arith.constant 0 : i32
      %cond3A_378 = arith.cmpi ne, %convert_element_type3A_376, %cond3A_377 : i32
      scf.if %cond3A_378 {
        %add3A_431 = arith.constant 3 : i32
        %add3A_432 = arith.addi %add3A_367, %add3A_431 : i32
        %dma_start3A_433 = arith.constant 0 : i32
        %dma_start3A_434 = arith.constant 0 : i32
        %dma_start3A_435 = tpu.memref_slice %arg6[%dma_start3A_433, %dma_start3A_434] : memref<3x80xi32, #tpu.memory_space<vmem>> -> memref<1x80xi32, #tpu.memory_space<vmem>>
        %dma_start3A_436 = tpu.memref_squeeze %dma_start3A_435 : memref<1x80xi32, #tpu.memory_space<vmem>> -> memref<80xi32, #tpu.memory_space<vmem>>
        %dma_start3A_437 = arith.constant 0 : i32
        %dma_start3A_438 = tpu.memref_slice %arg3[%add3A, %add3A_432, %dma_start3A_437] : memref<32x125x80xi32, #tpu.memory_space<hbm>> -> memref<1x1x80xi32, #tpu.memory_space<hbm>>
        %dma_start3A_439 = tpu.memref_squeeze %dma_start3A_438 : memref<1x1x80xi32, #tpu.memory_space<hbm>> -> memref<80xi32, #tpu.memory_space<hbm>>
        %dma_start3A_440 = arith.constant 0 : i32
        %dma_start3A_441 = tpu.memref_slice %arg6[%dma_start3A_433, %dma_start3A_440] : memref<3x80xi32, #tpu.memory_space<vmem>> -> memref<1x80xi32, #tpu.memory_space<vmem>>
        %dma_start3A_442 = tpu.memref_squeeze %dma_start3A_441 : memref<1x80xi32, #tpu.memory_space<vmem>> -> memref<80xi32, #tpu.memory_space<vmem>>
        %dma_start3A_443 = arith.constant 0 : i32
        %dma_start3A_444 = tpu.memref_slice %arg3[%add3A, %add3A_432, %dma_start3A_443] : memref<32x125x80xi32, #tpu.memory_space<hbm>> -> memref<1x1x80xi32, #tpu.memory_space<hbm>>
        %dma_start3A_445 = tpu.memref_squeeze %dma_start3A_444 : memref<1x1x80xi32, #tpu.memory_space<hbm>> -> memref<80xi32, #tpu.memory_space<hbm>>
        tpu.enqueue_dma source(%dma_start3A_445 : memref<80xi32, #tpu.memory_space<hbm>>) target(%dma_start3A_442 : memref<80xi32, #tpu.memory_space<vmem>>) target_semaphore(%arg15 : memref<!tpu.dma_semaphore, #tpu.memory_space<semaphore_mem>>)
      } else {
      }
      %lt3A_379 = arith.constant 125 : i32
      %lt3A_380 = arith.cmpi slt, %add3A_367, %lt3A_379 : i32
      %convert_element_type3A_381 = arith.extui %lt3A_380 : i1 to i32
      %cond3A_382 = arith.constant 0 : i32
      %cond3A_383 = arith.cmpi ne, %convert_element_type3A_381, %cond3A_382 : i32
      scf.if %cond3A_383 {
        %dma_wait3A_431 = arith.constant 0 : i32
        %dma_wait3A_432 = arith.constant 0 : i32
        %dma_wait3A_433 = arith.constant 0 : i32
        %dma_wait3A_434 = arith.constant 0 : i32
        %dma_wait3A_435 = tpu.memref_slice %arg9[%dma_wait3A_432, %dma_wait3A_433, %dma_wait3A_434] : memref<3x80x128xf32, #tpu.memory_space<vmem>> -> memref<1x80x128xf32, #tpu.memory_space<vmem>>
        %dma_wait3A_436 = tpu.memref_squeeze %dma_wait3A_435 : memref<1x80x128xf32, #tpu.memory_space<vmem>> -> memref<80x128xf32, #tpu.memory_space<vmem>>
        %dma_wait3A_437 = arith.constant 0 : i32
        %dma_wait3A_438 = tpu.memref_slice %arg7[%dma_wait3A_431, %dma_wait3A_437] : memref<3x80xi32, #tpu.memory_space<vmem>> -> memref<1x80xi32, #tpu.memory_space<vmem>>
        %dma_wait3A_439 = tpu.memref_squeeze %dma_wait3A_438 : memref<1x80xi32, #tpu.memory_space<vmem>> -> memref<80xi32, #tpu.memory_space<vmem>>
        %dma_wait3A_440 = arith.constant 0 : i32
        %dma_wait3A_441 = arith.constant 0 : i32
        %dma_wait3A_442 = tpu.memref_slice %arg2[%dma_wait3A_440, %dma_wait3A_441] : memref<10000x128xf32, #tpu.memory_space<hbm>> -> memref<10000x128xf32, #tpu.memory_space<hbm>>
        tpu.wait_indirect_dma semaphore(%arg18 : memref<!tpu.dma_semaphore, #tpu.memory_space<semaphore_mem>>) src(%dma_wait3A_442 : memref<10000x128xf32, #tpu.memory_space<hbm>>) dst(%dma_wait3A_436 : memref<80x128xf32, #tpu.memory_space<vmem>>)
        %dma_start3A_443 = arith.constant 0 : i32
        %dma_start3A_444 = arith.constant 0 : i32
        %dma_start3A_445 = arith.constant 0 : i32
        %dma_start3A_446 = arith.constant 0 : i32
        %dma_start3A_447 = tpu.memref_slice %arg9[%dma_start3A_443, %dma_start3A_445, %dma_start3A_446] : memref<3x80x128xf32, #tpu.memory_space<vmem>> -> memref<1x80x128xf32, #tpu.memory_space<vmem>>
        %dma_start3A_448 = tpu.memref_squeeze %dma_start3A_447 : memref<1x80x128xf32, #tpu.memory_space<vmem>> -> memref<80x128xf32, #tpu.memory_space<vmem>>
        %dma_start3A_449 = arith.constant 0 : i32
        %dma_start3A_450 = tpu.memref_slice %arg8[%dma_start3A_444, %dma_start3A_449] : memref<3x80xi32, #tpu.memory_space<vmem>> -> memref<1x80xi32, #tpu.memory_space<vmem>>
        %dma_start3A_451 = tpu.memref_squeeze %dma_start3A_450 : memref<1x80xi32, #tpu.memory_space<vmem>> -> memref<80xi32, #tpu.memory_space<vmem>>
        %dma_start3A_452 = arith.constant 0 : i32
        %dma_start3A_453 = arith.constant 0 : i32
        %dma_start3A_454 = tpu.memref_slice %arg13[%dma_start3A_452, %dma_start3A_453] : memref<10240x128xf32, #tpu.memory_space<vmem_shared>> -> memref<10240x128xf32, #tpu.memory_space<vmem_shared>>
        tpu.enqueue_indirect_dma source(%dma_start3A_448 : memref<80x128xf32, #tpu.memory_space<vmem>>) target(%dma_start3A_454 : memref<10240x128xf32, #tpu.memory_space<vmem_shared>>) offsets(%dma_start3A_451 : memref<80xi32, #tpu.memory_space<vmem>>) semaphore(%arg21 : memref<!tpu.dma_semaphore, #tpu.memory_space<semaphore_mem>>) {add = true}
        %dma_start3A_455 = arith.constant 0 : i32
        %dma_start3A_456 = arith.constant 0 : i32
        %dma_start3A_457 = tpu.memref_slice %arg8[%dma_start3A_455, %dma_start3A_456] : memref<3x80xi32, #tpu.memory_space<vmem>> -> memref<1x80xi32, #tpu.memory_space<vmem>>
        %dma_start3A_458 = tpu.memref_squeeze %dma_start3A_457 : memref<1x80xi32, #tpu.memory_space<vmem>> -> memref<80xi32, #tpu.memory_space<vmem>>
        %dma_start3A_459 = arith.constant 0 : i32
        %dma_start3A_460 = tpu.memref_slice %arg14[%dma_start3A_459] : memref<10240xf32, #tpu.memory_space<vmem_shared>> -> memref<10240xf32, #tpu.memory_space<vmem_shared>>
        tpu.enqueue_indirect_dma source(%arg11 : memref<80xf32, #tpu.memory_space<vmem>>) target(%dma_start3A_460 : memref<10240xf32, #tpu.memory_space<vmem_shared>>) offsets(%dma_start3A_458 : memref<80xi32, #tpu.memory_space<vmem>>) semaphore(%arg24 : memref<!tpu.dma_semaphore, #tpu.memory_space<semaphore_mem>>) {add = true}
      } else {
      }
      %mul3A_384 = arith.constant 3 : i32
      %mul3A_385 = arith.muli %mul3A_384, %scan3A_362 : i32
      %add3A_386 = arith.constant 1 : i32
      %add3A_387 = arith.addi %mul3A_385, %add3A_386 : i32
      %add3A_388 = arith.constant 1 : i32
      %add3A_389 = arith.addi %add3A_387, %add3A_388 : i32
      %lt3A_390 = arith.constant 125 : i32
      %lt3A_391 = arith.cmpi slt, %add3A_389, %lt3A_390 : i32
      %convert_element_type3A_392 = arith.extui %lt3A_391 : i1 to i32
      %cond3A_393 = arith.constant 0 : i32
      %cond3A_394 = arith.cmpi ne, %convert_element_type3A_392, %cond3A_393 : i32
      scf.if %cond3A_394 {
        %add3A_431 = arith.constant 1 : i32
        %add3A_432 = arith.addi %add3A_387, %add3A_431 : i32
        %ge3A = arith.constant 3 : i32
        %ge3A_433 = arith.cmpi sge, %add3A_432, %ge3A : i32
        %convert_element_type3A_434 = arith.extui %ge3A_433 : i1 to i32
        %cond3A_435 = arith.constant 0 : i32
        %cond3A_436 = arith.cmpi ne, %convert_element_type3A_434, %cond3A_435 : i32
        scf.if %cond3A_436 {
          %dma_wait3A_577 = arith.constant 2 : i32
          %dma_wait3A_578 = arith.constant 2 : i32
          %dma_wait3A_579 = arith.constant 0 : i32
          %dma_wait3A_580 = arith.constant 0 : i32
          %dma_wait3A_581 = tpu.memref_slice %arg9[%dma_wait3A_577, %dma_wait3A_579, %dma_wait3A_580] : memref<3x80x128xf32, #tpu.memory_space<vmem>> -> memref<1x80x128xf32, #tpu.memory_space<vmem>>
          %dma_wait3A_582 = tpu.memref_squeeze %dma_wait3A_581 : memref<1x80x128xf32, #tpu.memory_space<vmem>> -> memref<80x128xf32, #tpu.memory_space<vmem>>
          %dma_wait3A_583 = arith.constant 0 : i32
          %dma_wait3A_584 = tpu.memref_slice %arg8[%dma_wait3A_578, %dma_wait3A_583] : memref<3x80xi32, #tpu.memory_space<vmem>> -> memref<1x80xi32, #tpu.memory_space<vmem>>
          %dma_wait3A_585 = tpu.memref_squeeze %dma_wait3A_584 : memref<1x80xi32, #tpu.memory_space<vmem>> -> memref<80xi32, #tpu.memory_space<vmem>>
          %dma_wait3A_586 = arith.constant 0 : i32
          %dma_wait3A_587 = arith.constant 0 : i32
          %dma_wait3A_588 = tpu.memref_slice %arg13[%dma_wait3A_586, %dma_wait3A_587] : memref<10240x128xf32, #tpu.memory_space<vmem_shared>> -> memref<10240x128xf32, #tpu.memory_space<vmem_shared>>
          tpu.wait_indirect_dma semaphore(%arg23 : memref<!tpu.dma_semaphore, #tpu.memory_space<semaphore_mem>>) src(%dma_wait3A_582 : memref<80x128xf32, #tpu.memory_space<vmem>>) dst(%dma_wait3A_588 : memref<10240x128xf32, #tpu.memory_space<vmem_shared>>)
          %dma_wait3A_589 = arith.constant 2 : i32
          %dma_wait3A_590 = arith.constant 0 : i32
          %dma_wait3A_591 = tpu.memref_slice %arg8[%dma_wait3A_589, %dma_wait3A_590] : memref<3x80xi32, #tpu.memory_space<vmem>> -> memref<1x80xi32, #tpu.memory_space<vmem>>
          %dma_wait3A_592 = tpu.memref_squeeze %dma_wait3A_591 : memref<1x80xi32, #tpu.memory_space<vmem>> -> memref<80xi32, #tpu.memory_space<vmem>>
          %dma_wait3A_593 = arith.constant 0 : i32
          %dma_wait3A_594 = tpu.memref_slice %arg14[%dma_wait3A_593] : memref<10240xf32, #tpu.memory_space<vmem_shared>> -> memref<10240xf32, #tpu.memory_space<vmem_shared>>
          tpu.wait_indirect_dma semaphore(%arg26 : memref<!tpu.dma_semaphore, #tpu.memory_space<semaphore_mem>>) src(%arg11 : memref<80xf32, #tpu.memory_space<vmem>>) dst(%dma_wait3A_594 : memref<10240xf32, #tpu.memory_space<vmem_shared>>)
        } else {
        }
        %dma_wait3A_437 = arith.constant 2 : i32
        %dma_wait3A_438 = arith.constant 0 : i32
        %dma_wait3A_439 = tpu.memref_slice %arg6[%dma_wait3A_437, %dma_wait3A_438] : memref<3x80xi32, #tpu.memory_space<vmem>> -> memref<1x80xi32, #tpu.memory_space<vmem>>
        %dma_wait3A_440 = tpu.memref_squeeze %dma_wait3A_439 : memref<1x80xi32, #tpu.memory_space<vmem>> -> memref<80xi32, #tpu.memory_space<vmem>>
        %dma_wait3A_441 = arith.constant 0 : i32
        %dma_wait3A_442 = tpu.memref_slice %arg3[%add3A, %add3A_432, %dma_wait3A_441] : memref<32x125x80xi32, #tpu.memory_space<hbm>> -> memref<1x1x80xi32, #tpu.memory_space<hbm>>
        %dma_wait3A_443 = tpu.memref_squeeze %dma_wait3A_442 : memref<1x1x80xi32, #tpu.memory_space<hbm>> -> memref<80xi32, #tpu.memory_space<hbm>>
        %dma_wait3A_444 = arith.constant 0 : i32
        %dma_wait3A_445 = tpu.memref_slice %arg6[%dma_wait3A_437, %dma_wait3A_444] : memref<3x80xi32, #tpu.memory_space<vmem>> -> memref<1x80xi32, #tpu.memory_space<vmem>>
        %dma_wait3A_446 = tpu.memref_squeeze %dma_wait3A_445 : memref<1x80xi32, #tpu.memory_space<vmem>> -> memref<80xi32, #tpu.memory_space<vmem>>
        %dma_wait3A_447 = arith.constant 0 : i32
        %dma_wait3A_448 = tpu.memref_slice %arg3[%add3A, %add3A_432, %dma_wait3A_447] : memref<32x125x80xi32, #tpu.memory_space<hbm>> -> memref<1x1x80xi32, #tpu.memory_space<hbm>>
        %dma_wait3A_449 = tpu.memref_squeeze %dma_wait3A_448 : memref<1x1x80xi32, #tpu.memory_space<hbm>> -> memref<80xi32, #tpu.memory_space<hbm>>
        tpu.wait_dma2 semaphore(%arg17 : memref<!tpu.dma_semaphore, #tpu.memory_space<semaphore_mem>>) src(%dma_wait3A_449 : memref<80xi32, #tpu.memory_space<hbm>>) dst(%dma_wait3A_446 : memref<80xi32, #tpu.memory_space<vmem>>)
        %get3A_450 = arith.constant 2 : i32
        %get3A_451 = arith.index_cast %get3A_450 : i32 to index
        %get3A_452 = arith.constant 0 : index
        %get3A_453 = tpu.vector_load %arg6[%get3A_451, %get3A_452] {strides = array<i32>} : memref<3x80xi32, #tpu.memory_space<vmem>>, vector<1x16xi32>,
        %get3A_454 = vector.shape_cast %get3A_453 : vector<1x16xi32> to vector<16xi32>
        %and3A_455 = arith.constant 65535 : i32
        %and3A_456 = vector.broadcast %and3A_455 : i32 to vector<16xi32>
        %and3A_457 = arith.andi %get3A_454, %and3A_456 : vector<16xi32>
        %swap3A_458 = arith.constant 2 : i32
        %swap3A_459 = arith.index_cast %swap3A_458 : i32 to index
        %swap3A_460 = arith.constant 0 : index
        %swap3A_461 = tpu.vector_load %arg7[%swap3A_459, %swap3A_460] {strides = array<i32>} : memref<3x80xi32, #tpu.memory_space<vmem>>, vector<1x16xi32>,
        %swap3A_462 = vector.shape_cast %swap3A_461 : vector<1x16xi32> to vector<16xi32>
        %swap3A_463 = vector.shape_cast %and3A_457 : vector<16xi32> to vector<1x16xi32>
        tpu.vector_store %arg7[%swap3A_459, %swap3A_460], %swap3A_463 {strides = array<i32>} : memref<3x80xi32, #tpu.memory_space<vmem>>, vector<1x16xi32>,
        %shift_right_logical3A_464 = arith.constant 16 : i32
        %shift_right_logical3A_465 = vector.broadcast %shift_right_logical3A_464 : i32 to vector<16xi32>
        %shift_right_logical3A_466 = arith.shrui %get3A_454, %shift_right_logical3A_465 : vector<16xi32>
        %swap3A_467 = arith.constant 2 : i32
        %swap3A_468 = arith.index_cast %swap3A_467 : i32 to index
        %swap3A_469 = arith.constant 0 : index
        %swap3A_470 = tpu.vector_load %arg8[%swap3A_468, %swap3A_469] {strides = array<i32>} : memref<3x80xi32, #tpu.memory_space<vmem>>, vector<1x16xi32>,
        %swap3A_471 = vector.shape_cast %swap3A_470 : vector<1x16xi32> to vector<16xi32>
        %swap3A_472 = vector.shape_cast %shift_right_logical3A_466 : vector<16xi32> to vector<1x16xi32>
        tpu.vector_store %arg8[%swap3A_468, %swap3A_469], %swap3A_472 {strides = array<i32>} : memref<3x80xi32, #tpu.memory_space<vmem>>, vector<1x16xi32>,
        %get3A_473 = arith.constant 2 : i32
        %get3A_474 = arith.index_cast %get3A_473 : i32 to index
        %get3A_475 = arith.constant 16 : index
        %get3A_476 = tpu.vector_load %arg6[%get3A_474, %get3A_475] {strides = array<i32>} : memref<3x80xi32, #tpu.memory_space<vmem>>, vector<1x16xi32>,
        %get3A_477 = vector.shape_cast %get3A_476 : vector<1x16xi32> to vector<16xi32>
        %and3A_478 = arith.constant 65535 : i32
        %and3A_479 = vector.broadcast %and3A_478 : i32 to vector<16xi32>
        %and3A_480 = arith.andi %get3A_477, %and3A_479 : vector<16xi32>
        %swap3A_481 = arith.constant 2 : i32
        %swap3A_482 = arith.index_cast %swap3A_481 : i32 to index
        %swap3A_483 = arith.constant 16 : index
        %swap3A_484 = tpu.vector_load %arg7[%swap3A_482, %swap3A_483] {strides = array<i32>} : memref<3x80xi32, #tpu.memory_space<vmem>>, vector<1x16xi32>,
        %swap3A_485 = vector.shape_cast %swap3A_484 : vector<1x16xi32> to vector<16xi32>
        %swap3A_486 = vector.shape_cast %and3A_480 : vector<16xi32> to vector<1x16xi32>
        tpu.vector_store %arg7[%swap3A_482, %swap3A_483], %swap3A_486 {strides = array<i32>} : memref<3x80xi32, #tpu.memory_space<vmem>>, vector<1x16xi32>,
        %shift_right_logical3A_487 = arith.constant 16 : i32
        %shift_right_logical3A_488 = vector.broadcast %shift_right_logical3A_487 : i32 to vector<16xi32>
        %shift_right_logical3A_489 = arith.shrui %get3A_477, %shift_right_logical3A_488 : vector<16xi32>
        %swap3A_490 = arith.constant 2 : i32
        %swap3A_491 = arith.index_cast %swap3A_490 : i32 to index
        %swap3A_492 = arith.constant 16 : index
        %swap3A_493 = tpu.vector_load %arg8[%swap3A_491, %swap3A_492] {strides = array<i32>} : memref<3x80xi32, #tpu.memory_space<vmem>>, vector<1x16xi32>,
        %swap3A_494 = vector.shape_cast %swap3A_493 : vector<1x16xi32> to vector<16xi32>
        %swap3A_495 = vector.shape_cast %shift_right_logical3A_489 : vector<16xi32> to vector<1x16xi32>
        tpu.vector_store %arg8[%swap3A_491, %swap3A_492], %swap3A_495 {strides = array<i32>} : memref<3x80xi32, #tpu.memory_space<vmem>>, vector<1x16xi32>,
        %get3A_496 = arith.constant 2 : i32
        %get3A_497 = arith.index_cast %get3A_496 : i32 to index
        %get3A_498 = arith.constant 32 : index
        %get3A_499 = tpu.vector_load %arg6[%get3A_497, %get3A_498] {strides = array<i32>} : memref<3x80xi32, #tpu.memory_space<vmem>>, vector<1x16xi32>,
        %get3A_500 = vector.shape_cast %get3A_499 : vector<1x16xi32> to vector<16xi32>
        %and3A_501 = arith.constant 65535 : i32
        %and3A_502 = vector.broadcast %and3A_501 : i32 to vector<16xi32>
        %and3A_503 = arith.andi %get3A_500, %and3A_502 : vector<16xi32>
        %swap3A_504 = arith.constant 2 : i32
        %swap3A_505 = arith.index_cast %swap3A_504 : i32 to index
        %swap3A_506 = arith.constant 32 : index
        %swap3A_507 = tpu.vector_load %arg7[%swap3A_505, %swap3A_506] {strides = array<i32>} : memref<3x80xi32, #tpu.memory_space<vmem>>, vector<1x16xi32>,
        %swap3A_508 = vector.shape_cast %swap3A_507 : vector<1x16xi32> to vector<16xi32>
        %swap3A_509 = vector.shape_cast %and3A_503 : vector<16xi32> to vector<1x16xi32>
        tpu.vector_store %arg7[%swap3A_505, %swap3A_506], %swap3A_509 {strides = array<i32>} : memref<3x80xi32, #tpu.memory_space<vmem>>, vector<1x16xi32>,
        %shift_right_logical3A_510 = arith.constant 16 : i32
        %shift_right_logical3A_511 = vector.broadcast %shift_right_logical3A_510 : i32 to vector<16xi32>
        %shift_right_logical3A_512 = arith.shrui %get3A_500, %shift_right_logical3A_511 : vector<16xi32>
        %swap3A_513 = arith.constant 2 : i32
        %swap3A_514 = arith.index_cast %swap3A_513 : i32 to index
        %swap3A_515 = arith.constant 32 : index
        %swap3A_516 = tpu.vector_load %arg8[%swap3A_514, %swap3A_515] {strides = array<i32>} : memref<3x80xi32, #tpu.memory_space<vmem>>, vector<1x16xi32>,
        %swap3A_517 = vector.shape_cast %swap3A_516 : vector<1x16xi32> to vector<16xi32>
        %swap3A_518 = vector.shape_cast %shift_right_logical3A_512 : vector<16xi32> to vector<1x16xi32>
        tpu.vector_store %arg8[%swap3A_514, %swap3A_515], %swap3A_518 {strides = array<i32>} : memref<3x80xi32, #tpu.memory_space<vmem>>, vector<1x16xi32>,
        %get3A_519 = arith.constant 2 : i32
        %get3A_520 = arith.index_cast %get3A_519 : i32 to index
        %get3A_521 = arith.constant 48 : index
        %get3A_522 = tpu.vector_load %arg6[%get3A_520, %get3A_521] {strides = array<i32>} : memref<3x80xi32, #tpu.memory_space<vmem>>, vector<1x16xi32>,
        %get3A_523 = vector.shape_cast %get3A_522 : vector<1x16xi32> to vector<16xi32>
        %and3A_524 = arith.constant 65535 : i32
        %and3A_525 = vector.broadcast %and3A_524 : i32 to vector<16xi32>
        %and3A_526 = arith.andi %get3A_523, %and3A_525 : vector<16xi32>
        %swap3A_527 = arith.constant 2 : i32
        %swap3A_528 = arith.index_cast %swap3A_527 : i32 to index
        %swap3A_529 = arith.constant 48 : index
        %swap3A_530 = tpu.vector_load %arg7[%swap3A_528, %swap3A_529] {strides = array<i32>} : memref<3x80xi32, #tpu.memory_space<vmem>>, vector<1x16xi32>,
        %swap3A_531 = vector.shape_cast %swap3A_530 : vector<1x16xi32> to vector<16xi32>
        %swap3A_532 = vector.shape_cast %and3A_526 : vector<16xi32> to vector<1x16xi32>
        tpu.vector_store %arg7[%swap3A_528, %swap3A_529], %swap3A_532 {strides = array<i32>} : memref<3x80xi32, #tpu.memory_space<vmem>>, vector<1x16xi32>,
        %shift_right_logical3A_533 = arith.constant 16 : i32
        %shift_right_logical3A_534 = vector.broadcast %shift_right_logical3A_533 : i32 to vector<16xi32>
        %shift_right_logical3A_535 = arith.shrui %get3A_523, %shift_right_logical3A_534 : vector<16xi32>
        %swap3A_536 = arith.constant 2 : i32
        %swap3A_537 = arith.index_cast %swap3A_536 : i32 to index
        %swap3A_538 = arith.constant 48 : index
        %swap3A_539 = tpu.vector_load %arg8[%swap3A_537, %swap3A_538] {strides = array<i32>} : memref<3x80xi32, #tpu.memory_space<vmem>>, vector<1x16xi32>,
        %swap3A_540 = vector.shape_cast %swap3A_539 : vector<1x16xi32> to vector<16xi32>
        %swap3A_541 = vector.shape_cast %shift_right_logical3A_535 : vector<16xi32> to vector<1x16xi32>
        tpu.vector_store %arg8[%swap3A_537, %swap3A_538], %swap3A_541 {strides = array<i32>} : memref<3x80xi32, #tpu.memory_space<vmem>>, vector<1x16xi32>,
        %get3A_542 = arith.constant 2 : i32
        %get3A_543 = arith.index_cast %get3A_542 : i32 to index
        %get3A_544 = arith.constant 64 : index
        %get3A_545 = tpu.vector_load %arg6[%get3A_543, %get3A_544] {strides = array<i32>} : memref<3x80xi32, #tpu.memory_space<vmem>>, vector<1x16xi32>,
        %get3A_546 = vector.shape_cast %get3A_545 : vector<1x16xi32> to vector<16xi32>
        %and3A_547 = arith.constant 65535 : i32
        %and3A_548 = vector.broadcast %and3A_547 : i32 to vector<16xi32>
        %and3A_549 = arith.andi %get3A_546, %and3A_548 : vector<16xi32>
        %swap3A_550 = arith.constant 2 : i32
        %swap3A_551 = arith.index_cast %swap3A_550 : i32 to index
        %swap3A_552 = arith.constant 64 : index
        %swap3A_553 = tpu.vector_load %arg7[%swap3A_551, %swap3A_552] {strides = array<i32>} : memref<3x80xi32, #tpu.memory_space<vmem>>, vector<1x16xi32>,
        %swap3A_554 = vector.shape_cast %swap3A_553 : vector<1x16xi32> to vector<16xi32>
        %swap3A_555 = vector.shape_cast %and3A_549 : vector<16xi32> to vector<1x16xi32>
        tpu.vector_store %arg7[%swap3A_551, %swap3A_552], %swap3A_555 {strides = array<i32>} : memref<3x80xi32, #tpu.memory_space<vmem>>, vector<1x16xi32>,
        %shift_right_logical3A_556 = arith.constant 16 : i32
        %shift_right_logical3A_557 = vector.broadcast %shift_right_logical3A_556 : i32 to vector<16xi32>
        %shift_right_logical3A_558 = arith.shrui %get3A_546, %shift_right_logical3A_557 : vector<16xi32>
        %swap3A_559 = arith.constant 2 : i32
        %swap3A_560 = arith.index_cast %swap3A_559 : i32 to index
        %swap3A_561 = arith.constant 64 : index
        %swap3A_562 = tpu.vector_load %arg8[%swap3A_560, %swap3A_561] {strides = array<i32>} : memref<3x80xi32, #tpu.memory_space<vmem>>, vector<1x16xi32>,
        %swap3A_563 = vector.shape_cast %swap3A_562 : vector<1x16xi32> to vector<16xi32>
        %swap3A_564 = vector.shape_cast %shift_right_logical3A_558 : vector<16xi32> to vector<1x16xi32>
        tpu.vector_store %arg8[%swap3A_560, %swap3A_561], %swap3A_564 {strides = array<i32>} : memref<3x80xi32, #tpu.memory_space<vmem>>, vector<1x16xi32>,
        %dma_start3A_565 = arith.constant 2 : i32
        %dma_start3A_566 = arith.constant 2 : i32
        %dma_start3A_567 = arith.constant 0 : i32
        %dma_start3A_568 = arith.constant 0 : i32
        %dma_start3A_569 = tpu.memref_slice %arg9[%dma_start3A_566, %dma_start3A_567, %dma_start3A_568] : memref<3x80x128xf32, #tpu.memory_space<vmem>> -> memref<1x80x128xf32, #tpu.memory_space<vmem>>
        %dma_start3A_570 = tpu.memref_squeeze %dma_start3A_569 : memref<1x80x128xf32, #tpu.memory_space<vmem>> -> memref<80x128xf32, #tpu.memory_space<vmem>>
        %dma_start3A_571 = arith.constant 0 : i32
        %dma_start3A_572 = tpu.memref_slice %arg7[%dma_start3A_565, %dma_start3A_571] : memref<3x80xi32, #tpu.memory_space<vmem>> -> memref<1x80xi32, #tpu.memory_space<vmem>>
        %dma_start3A_573 = tpu.memref_squeeze %dma_start3A_572 : memref<1x80xi32, #tpu.memory_space<vmem>> -> memref<80xi32, #tpu.memory_space<vmem>>
        %dma_start3A_574 = arith.constant 0 : i32
        %dma_start3A_575 = arith.constant 0 : i32
        %dma_start3A_576 = tpu.memref_slice %arg2[%dma_start3A_574, %dma_start3A_575] : memref<10000x128xf32, #tpu.memory_space<hbm>> -> memref<10000x128xf32, #tpu.memory_space<hbm>>
        tpu.enqueue_indirect_dma source(%dma_start3A_576 : memref<10000x128xf32, #tpu.memory_space<hbm>>) target(%dma_start3A_570 : memref<80x128xf32, #tpu.memory_space<vmem>>) offsets(%dma_start3A_573 : memref<80xi32, #tpu.memory_space<vmem>>) semaphore(%arg20 : memref<!tpu.dma_semaphore, #tpu.memory_space<semaphore_mem>>)
      } else {
      }
      %add3A_395 = arith.constant 3 : i32
      %add3A_396 = arith.addi %add3A_387, %add3A_395 : i32
      %lt3A_397 = arith.constant 125 : i32
      %lt3A_398 = arith.cmpi slt, %add3A_396, %lt3A_397 : i32
      %convert_element_type3A_399 = arith.extui %lt3A_398 : i1 to i32
      %cond3A_400 = arith.constant 0 : i32
      %cond3A_401 = arith.cmpi ne, %convert_element_type3A_399, %cond3A_400 : i32
      scf.if %cond3A_401 {
        %add3A_431 = arith.constant 3 : i32
        %add3A_432 = arith.addi %add3A_387, %add3A_431 : i32
        %dma_start3A_433 = arith.constant 1 : i32
        %dma_start3A_434 = arith.constant 0 : i32
        %dma_start3A_435 = tpu.memref_slice %arg6[%dma_start3A_433, %dma_start3A_434] : memref<3x80xi32, #tpu.memory_space<vmem>> -> memref<1x80xi32, #tpu.memory_space<vmem>>
        %dma_start3A_436 = tpu.memref_squeeze %dma_start3A_435 : memref<1x80xi32, #tpu.memory_space<vmem>> -> memref<80xi32, #tpu.memory_space<vmem>>
        %dma_start3A_437 = arith.constant 0 : i32
        %dma_start3A_438 = tpu.memref_slice %arg3[%add3A, %add3A_432, %dma_start3A_437] : memref<32x125x80xi32, #tpu.memory_space<hbm>> -> memref<1x1x80xi32, #tpu.memory_space<hbm>>
        %dma_start3A_439 = tpu.memref_squeeze %dma_start3A_438 : memref<1x1x80xi32, #tpu.memory_space<hbm>> -> memref<80xi32, #tpu.memory_space<hbm>>
        %dma_start3A_440 = arith.constant 0 : i32
        %dma_start3A_441 = tpu.memref_slice %arg6[%dma_start3A_433, %dma_start3A_440] : memref<3x80xi32, #tpu.memory_space<vmem>> -> memref<1x80xi32, #tpu.memory_space<vmem>>
        %dma_start3A_442 = tpu.memref_squeeze %dma_start3A_441 : memref<1x80xi32, #tpu.memory_space<vmem>> -> memref<80xi32, #tpu.memory_space<vmem>>
        %dma_start3A_443 = arith.constant 0 : i32
        %dma_start3A_444 = tpu.memref_slice %arg3[%add3A, %add3A_432, %dma_start3A_443] : memref<32x125x80xi32, #tpu.memory_space<hbm>> -> memref<1x1x80xi32, #tpu.memory_space<hbm>>
        %dma_start3A_445 = tpu.memref_squeeze %dma_start3A_444 : memref<1x1x80xi32, #tpu.memory_space<hbm>> -> memref<80xi32, #tpu.memory_space<hbm>>
        tpu.enqueue_dma source(%dma_start3A_445 : memref<80xi32, #tpu.memory_space<hbm>>) target(%dma_start3A_442 : memref<80xi32, #tpu.memory_space<vmem>>) target_semaphore(%arg16 : memref<!tpu.dma_semaphore, #tpu.memory_space<semaphore_mem>>)
      } else {
      }
      %lt3A_402 = arith.constant 125 : i32
      %lt3A_403 = arith.cmpi slt, %add3A_387, %lt3A_402 : i32
      %convert_element_type3A_404 = arith.extui %lt3A_403 : i1 to i32
      %cond3A_405 = arith.constant 0 : i32
      %cond3A_406 = arith.cmpi ne, %convert_element_type3A_404, %cond3A_405 : i32
      scf.if %cond3A_406 {
        %dma_wait3A_431 = arith.constant 1 : i32
        %dma_wait3A_432 = arith.constant 1 : i32
        %dma_wait3A_433 = arith.constant 0 : i32
        %dma_wait3A_434 = arith.constant 0 : i32
        %dma_wait3A_435 = tpu.memref_slice %arg9[%dma_wait3A_432, %dma_wait3A_433, %dma_wait3A_434] : memref<3x80x128xf32, #tpu.memory_space<vmem>> -> memref<1x80x128xf32, #tpu.memory_space<vmem>>
        %dma_wait3A_436 = tpu.memref_squeeze %dma_wait3A_435 : memref<1x80x128xf32, #tpu.memory_space<vmem>> -> memref<80x128xf32, #tpu.memory_space<vmem>>
        %dma_wait3A_437 = arith.constant 0 : i32
        %dma_wait3A_438 = tpu.memref_slice %arg7[%dma_wait3A_431, %dma_wait3A_437] : memref<3x80xi32, #tpu.memory_space<vmem>> -> memref<1x80xi32, #tpu.memory_space<vmem>>
        %dma_wait3A_439 = tpu.memref_squeeze %dma_wait3A_438 : memref<1x80xi32, #tpu.memory_space<vmem>> -> memref<80xi32, #tpu.memory_space<vmem>>
        %dma_wait3A_440 = arith.constant 0 : i32
        %dma_wait3A_441 = arith.constant 0 : i32
        %dma_wait3A_442 = tpu.memref_slice %arg2[%dma_wait3A_440, %dma_wait3A_441] : memref<10000x128xf32, #tpu.memory_space<hbm>> -> memref<10000x128xf32, #tpu.memory_space<hbm>>
        tpu.wait_indirect_dma semaphore(%arg19 : memref<!tpu.dma_semaphore, #tpu.memory_space<semaphore_mem>>) src(%dma_wait3A_442 : memref<10000x128xf32, #tpu.memory_space<hbm>>) dst(%dma_wait3A_436 : memref<80x128xf32, #tpu.memory_space<vmem>>)
        %dma_start3A_443 = arith.constant 1 : i32
        %dma_start3A_444 = arith.constant 1 : i32
        %dma_start3A_445 = arith.constant 0 : i32
        %dma_start3A_446 = arith.constant 0 : i32
        %dma_start3A_447 = tpu.memref_slice %arg9[%dma_start3A_443, %dma_start3A_445, %dma_start3A_446] : memref<3x80x128xf32, #tpu.memory_space<vmem>> -> memref<1x80x128xf32, #tpu.memory_space<vmem>>
        %dma_start3A_448 = tpu.memref_squeeze %dma_start3A_447 : memref<1x80x128xf32, #tpu.memory_space<vmem>> -> memref<80x128xf32, #tpu.memory_space<vmem>>
        %dma_start3A_449 = arith.constant 0 : i32
        %dma_start3A_450 = tpu.memref_slice %arg8[%dma_start3A_444, %dma_start3A_449] : memref<3x80xi32, #tpu.memory_space<vmem>> -> memref<1x80xi32, #tpu.memory_space<vmem>>
        %dma_start3A_451 = tpu.memref_squeeze %dma_start3A_450 : memref<1x80xi32, #tpu.memory_space<vmem>> -> memref<80xi32, #tpu.memory_space<vmem>>
        %dma_start3A_452 = arith.constant 0 : i32
        %dma_start3A_453 = arith.constant 0 : i32
        %dma_start3A_454 = tpu.memref_slice %arg13[%dma_start3A_452, %dma_start3A_453] : memref<10240x128xf32, #tpu.memory_space<vmem_shared>> -> memref<10240x128xf32, #tpu.memory_space<vmem_shared>>
        tpu.enqueue_indirect_dma source(%dma_start3A_448 : memref<80x128xf32, #tpu.memory_space<vmem>>) target(%dma_start3A_454 : memref<10240x128xf32, #tpu.memory_space<vmem_shared>>) offsets(%dma_start3A_451 : memref<80xi32, #tpu.memory_space<vmem>>) semaphore(%arg22 : memref<!tpu.dma_semaphore, #tpu.memory_space<semaphore_mem>>) {add = true}
        %dma_start3A_455 = arith.constant 1 : i32
        %dma_start3A_456 = arith.constant 0 : i32
        %dma_start3A_457 = tpu.memref_slice %arg8[%dma_start3A_455, %dma_start3A_456] : memref<3x80xi32, #tpu.memory_space<vmem>> -> memref<1x80xi32, #tpu.memory_space<vmem>>
        %dma_start3A_458 = tpu.memref_squeeze %dma_start3A_457 : memref<1x80xi32, #tpu.memory_space<vmem>> -> memref<80xi32, #tpu.memory_space<vmem>>
        %dma_start3A_459 = arith.constant 0 : i32
        %dma_start3A_460 = tpu.memref_slice %arg14[%dma_start3A_459] : memref<10240xf32, #tpu.memory_space<vmem_shared>> -> memref<10240xf32, #tpu.memory_space<vmem_shared>>
        tpu.enqueue_indirect_dma source(%arg11 : memref<80xf32, #tpu.memory_space<vmem>>) target(%dma_start3A_460 : memref<10240xf32, #tpu.memory_space<vmem_shared>>) offsets(%dma_start3A_458 : memref<80xi32, #tpu.memory_space<vmem>>) semaphore(%arg25 : memref<!tpu.dma_semaphore, #tpu.memory_space<semaphore_mem>>) {add = true}
      } else {
      }
      %mul3A_407 = arith.constant 3 : i32
      %mul3A_408 = arith.muli %mul3A_407, %scan3A_362 : i32
      %add3A_409 = arith.constant 2 : i32
      %add3A_410 = arith.addi %mul3A_408, %add3A_409 : i32
      %add3A_411 = arith.constant 1 : i32
      %add3A_412 = arith.addi %add3A_410, %add3A_411 : i32
      %lt3A_413 = arith.constant 125 : i32
      %lt3A_414 = arith.cmpi slt, %add3A_412, %lt3A_413 : i32
      %convert_element_type3A_415 = arith.extui %lt3A_414 : i1 to i32
      %cond3A_416 = arith.constant 0 : i32
      %cond3A_417 = arith.cmpi ne, %convert_element_type3A_415, %cond3A_416 : i32
      scf.if %cond3A_417 {
        %add3A_431 = arith.constant 1 : i32
        %add3A_432 = arith.addi %add3A_410, %add3A_431 : i32
        %ge3A = arith.constant 3 : i32
        %ge3A_433 = arith.cmpi sge, %add3A_432, %ge3A : i32
        %convert_element_type3A_434 = arith.extui %ge3A_433 : i1 to i32
        %cond3A_435 = arith.constant 0 : i32
        %cond3A_436 = arith.cmpi ne, %convert_element_type3A_434, %cond3A_435 : i32
        scf.if %cond3A_436 {
          %dma_wait3A_577 = arith.constant 0 : i32
          %dma_wait3A_578 = arith.constant 0 : i32
          %dma_wait3A_579 = arith.constant 0 : i32
          %dma_wait3A_580 = arith.constant 0 : i32
          %dma_wait3A_581 = tpu.memref_slice %arg9[%dma_wait3A_577, %dma_wait3A_579, %dma_wait3A_580] : memref<3x80x128xf32, #tpu.memory_space<vmem>> -> memref<1x80x128xf32, #tpu.memory_space<vmem>>
          %dma_wait3A_582 = tpu.memref_squeeze %dma_wait3A_581 : memref<1x80x128xf32, #tpu.memory_space<vmem>> -> memref<80x128xf32, #tpu.memory_space<vmem>>
          %dma_wait3A_583 = arith.constant 0 : i32
          %dma_wait3A_584 = tpu.memref_slice %arg8[%dma_wait3A_578, %dma_wait3A_583] : memref<3x80xi32, #tpu.memory_space<vmem>> -> memref<1x80xi32, #tpu.memory_space<vmem>>
          %dma_wait3A_585 = tpu.memref_squeeze %dma_wait3A_584 : memref<1x80xi32, #tpu.memory_space<vmem>> -> memref<80xi32, #tpu.memory_space<vmem>>
          %dma_wait3A_586 = arith.constant 0 : i32
          %dma_wait3A_587 = arith.constant 0 : i32
          %dma_wait3A_588 = tpu.memref_slice %arg13[%dma_wait3A_586, %dma_wait3A_587] : memref<10240x128xf32, #tpu.memory_space<vmem_shared>> -> memref<10240x128xf32, #tpu.memory_space<vmem_shared>>
          tpu.wait_indirect_dma semaphore(%arg21 : memref<!tpu.dma_semaphore, #tpu.memory_space<semaphore_mem>>) src(%dma_wait3A_582 : memref<80x128xf32, #tpu.memory_space<vmem>>) dst(%dma_wait3A_588 : memref<10240x128xf32, #tpu.memory_space<vmem_shared>>)
          %dma_wait3A_589 = arith.constant 0 : i32
          %dma_wait3A_590 = arith.constant 0 : i32
          %dma_wait3A_591 = tpu.memref_slice %arg8[%dma_wait3A_589, %dma_wait3A_590] : memref<3x80xi32, #tpu.memory_space<vmem>> -> memref<1x80xi32, #tpu.memory_space<vmem>>
          %dma_wait3A_592 = tpu.memref_squeeze %dma_wait3A_591 : memref<1x80xi32, #tpu.memory_space<vmem>> -> memref<80xi32, #tpu.memory_space<vmem>>
          %dma_wait3A_593 = arith.constant 0 : i32
          %dma_wait3A_594 = tpu.memref_slice %arg14[%dma_wait3A_593] : memref<10240xf32, #tpu.memory_space<vmem_shared>> -> memref<10240xf32, #tpu.memory_space<vmem_shared>>
          tpu.wait_indirect_dma semaphore(%arg24 : memref<!tpu.dma_semaphore, #tpu.memory_space<semaphore_mem>>) src(%arg11 : memref<80xf32, #tpu.memory_space<vmem>>) dst(%dma_wait3A_594 : memref<10240xf32, #tpu.memory_space<vmem_shared>>)
        } else {
        }
        %dma_wait3A_437 = arith.constant 0 : i32
        %dma_wait3A_438 = arith.constant 0 : i32
        %dma_wait3A_439 = tpu.memref_slice %arg6[%dma_wait3A_437, %dma_wait3A_438] : memref<3x80xi32, #tpu.memory_space<vmem>> -> memref<1x80xi32, #tpu.memory_space<vmem>>
        %dma_wait3A_440 = tpu.memref_squeeze %dma_wait3A_439 : memref<1x80xi32, #tpu.memory_space<vmem>> -> memref<80xi32, #tpu.memory_space<vmem>>
        %dma_wait3A_441 = arith.constant 0 : i32
        %dma_wait3A_442 = tpu.memref_slice %arg3[%add3A, %add3A_432, %dma_wait3A_441] : memref<32x125x80xi32, #tpu.memory_space<hbm>> -> memref<1x1x80xi32, #tpu.memory_space<hbm>>
        %dma_wait3A_443 = tpu.memref_squeeze %dma_wait3A_442 : memref<1x1x80xi32, #tpu.memory_space<hbm>> -> memref<80xi32, #tpu.memory_space<hbm>>
        %dma_wait3A_444 = arith.constant 0 : i32
        %dma_wait3A_445 = tpu.memref_slice %arg6[%dma_wait3A_437, %dma_wait3A_444] : memref<3x80xi32, #tpu.memory_space<vmem>> -> memref<1x80xi32, #tpu.memory_space<vmem>>
        %dma_wait3A_446 = tpu.memref_squeeze %dma_wait3A_445 : memref<1x80xi32, #tpu.memory_space<vmem>> -> memref<80xi32, #tpu.memory_space<vmem>>
        %dma_wait3A_447 = arith.constant 0 : i32
        %dma_wait3A_448 = tpu.memref_slice %arg3[%add3A, %add3A_432, %dma_wait3A_447] : memref<32x125x80xi32, #tpu.memory_space<hbm>> -> memref<1x1x80xi32, #tpu.memory_space<hbm>>
        %dma_wait3A_449 = tpu.memref_squeeze %dma_wait3A_448 : memref<1x1x80xi32, #tpu.memory_space<hbm>> -> memref<80xi32, #tpu.memory_space<hbm>>
        tpu.wait_dma2 semaphore(%arg15 : memref<!tpu.dma_semaphore, #tpu.memory_space<semaphore_mem>>) src(%dma_wait3A_449 : memref<80xi32, #tpu.memory_space<hbm>>) dst(%dma_wait3A_446 : memref<80xi32, #tpu.memory_space<vmem>>)
        %get3A_450 = arith.constant 0 : i32
        %get3A_451 = arith.index_cast %get3A_450 : i32 to index
        %get3A_452 = arith.constant 0 : index
        %get3A_453 = tpu.vector_load %arg6[%get3A_451, %get3A_452] {strides = array<i32>} : memref<3x80xi32, #tpu.memory_space<vmem>>, vector<1x16xi32>,
        %get3A_454 = vector.shape_cast %get3A_453 : vector<1x16xi32> to vector<16xi32>
        %and3A_455 = arith.constant 65535 : i32
        %and3A_456 = vector.broadcast %and3A_455 : i32 to vector<16xi32>
        %and3A_457 = arith.andi %get3A_454, %and3A_456 : vector<16xi32>
        %swap3A_458 = arith.constant 0 : i32
        %swap3A_459 = arith.index_cast %swap3A_458 : i32 to index
        %swap3A_460 = arith.constant 0 : index
        %swap3A_461 = tpu.vector_load %arg7[%swap3A_459, %swap3A_460] {strides = array<i32>} : memref<3x80xi32, #tpu.memory_space<vmem>>, vector<1x16xi32>,
        %swap3A_462 = vector.shape_cast %swap3A_461 : vector<1x16xi32> to vector<16xi32>
        %swap3A_463 = vector.shape_cast %and3A_457 : vector<16xi32> to vector<1x16xi32>
        tpu.vector_store %arg7[%swap3A_459, %swap3A_460], %swap3A_463 {strides = array<i32>} : memref<3x80xi32, #tpu.memory_space<vmem>>, vector<1x16xi32>,
        %shift_right_logical3A_464 = arith.constant 16 : i32
        %shift_right_logical3A_465 = vector.broadcast %shift_right_logical3A_464 : i32 to vector<16xi32>
        %shift_right_logical3A_466 = arith.shrui %get3A_454, %shift_right_logical3A_465 : vector<16xi32>
        %swap3A_467 = arith.constant 0 : i32
        %swap3A_468 = arith.index_cast %swap3A_467 : i32 to index
        %swap3A_469 = arith.constant 0 : index
        %swap3A_470 = tpu.vector_load %arg8[%swap3A_468, %swap3A_469] {strides = array<i32>} : memref<3x80xi32, #tpu.memory_space<vmem>>, vector<1x16xi32>,
        %swap3A_471 = vector.shape_cast %swap3A_470 : vector<1x16xi32> to vector<16xi32>
        %swap3A_472 = vector.shape_cast %shift_right_logical3A_466 : vector<16xi32> to vector<1x16xi32>
        tpu.vector_store %arg8[%swap3A_468, %swap3A_469], %swap3A_472 {strides = array<i32>} : memref<3x80xi32, #tpu.memory_space<vmem>>, vector<1x16xi32>,
        %get3A_473 = arith.constant 0 : i32
        %get3A_474 = arith.index_cast %get3A_473 : i32 to index
        %get3A_475 = arith.constant 16 : index
        %get3A_476 = tpu.vector_load %arg6[%get3A_474, %get3A_475] {strides = array<i32>} : memref<3x80xi32, #tpu.memory_space<vmem>>, vector<1x16xi32>,
        %get3A_477 = vector.shape_cast %get3A_476 : vector<1x16xi32> to vector<16xi32>
        %and3A_478 = arith.constant 65535 : i32
        %and3A_479 = vector.broadcast %and3A_478 : i32 to vector<16xi32>
        %and3A_480 = arith.andi %get3A_477, %and3A_479 : vector<16xi32>
        %swap3A_481 = arith.constant 0 : i32
        %swap3A_482 = arith.index_cast %swap3A_481 : i32 to index
        %swap3A_483 = arith.constant 16 : index
        %swap3A_484 = tpu.vector_load %arg7[%swap3A_482, %swap3A_483] {strides = array<i32>} : memref<3x80xi32, #tpu.memory_space<vmem>>, vector<1x16xi32>,
        %swap3A_485 = vector.shape_cast %swap3A_484 : vector<1x16xi32> to vector<16xi32>
        %swap3A_486 = vector.shape_cast %and3A_480 : vector<16xi32> to vector<1x16xi32>
        tpu.vector_store %arg7[%swap3A_482, %swap3A_483], %swap3A_486 {strides = array<i32>} : memref<3x80xi32, #tpu.memory_space<vmem>>, vector<1x16xi32>,
        %shift_right_logical3A_487 = arith.constant 16 : i32
        %shift_right_logical3A_488 = vector.broadcast %shift_right_logical3A_487 : i32 to vector<16xi32>
        %shift_right_logical3A_489 = arith.shrui %get3A_477, %shift_right_logical3A_488 : vector<16xi32>
        %swap3A_490 = arith.constant 0 : i32
        %swap3A_491 = arith.index_cast %swap3A_490 : i32 to index
        %swap3A_492 = arith.constant 16 : index
        %swap3A_493 = tpu.vector_load %arg8[%swap3A_491, %swap3A_492] {strides = array<i32>} : memref<3x80xi32, #tpu.memory_space<vmem>>, vector<1x16xi32>,
        %swap3A_494 = vector.shape_cast %swap3A_493 : vector<1x16xi32> to vector<16xi32>
        %swap3A_495 = vector.shape_cast %shift_right_logical3A_489 : vector<16xi32> to vector<1x16xi32>
        tpu.vector_store %arg8[%swap3A_491, %swap3A_492], %swap3A_495 {strides = array<i32>} : memref<3x80xi32, #tpu.memory_space<vmem>>, vector<1x16xi32>,
        %get3A_496 = arith.constant 0 : i32
        %get3A_497 = arith.index_cast %get3A_496 : i32 to index
        %get3A_498 = arith.constant 32 : index
        %get3A_499 = tpu.vector_load %arg6[%get3A_497, %get3A_498] {strides = array<i32>} : memref<3x80xi32, #tpu.memory_space<vmem>>, vector<1x16xi32>,
        %get3A_500 = vector.shape_cast %get3A_499 : vector<1x16xi32> to vector<16xi32>
        %and3A_501 = arith.constant 65535 : i32
        %and3A_502 = vector.broadcast %and3A_501 : i32 to vector<16xi32>
        %and3A_503 = arith.andi %get3A_500, %and3A_502 : vector<16xi32>
        %swap3A_504 = arith.constant 0 : i32
        %swap3A_505 = arith.index_cast %swap3A_504 : i32 to index
        %swap3A_506 = arith.constant 32 : index
        %swap3A_507 = tpu.vector_load %arg7[%swap3A_505, %swap3A_506] {strides = array<i32>} : memref<3x80xi32, #tpu.memory_space<vmem>>, vector<1x16xi32>,
        %swap3A_508 = vector.shape_cast %swap3A_507 : vector<1x16xi32> to vector<16xi32>
        %swap3A_509 = vector.shape_cast %and3A_503 : vector<16xi32> to vector<1x16xi32>
        tpu.vector_store %arg7[%swap3A_505, %swap3A_506], %swap3A_509 {strides = array<i32>} : memref<3x80xi32, #tpu.memory_space<vmem>>, vector<1x16xi32>,
        %shift_right_logical3A_510 = arith.constant 16 : i32
        %shift_right_logical3A_511 = vector.broadcast %shift_right_logical3A_510 : i32 to vector<16xi32>
        %shift_right_logical3A_512 = arith.shrui %get3A_500, %shift_right_logical3A_511 : vector<16xi32>
        %swap3A_513 = arith.constant 0 : i32
        %swap3A_514 = arith.index_cast %swap3A_513 : i32 to index
        %swap3A_515 = arith.constant 32 : index
        %swap3A_516 = tpu.vector_load %arg8[%swap3A_514, %swap3A_515] {strides = array<i32>} : memref<3x80xi32, #tpu.memory_space<vmem>>, vector<1x16xi32>,
        %swap3A_517 = vector.shape_cast %swap3A_516 : vector<1x16xi32> to vector<16xi32>
        %swap3A_518 = vector.shape_cast %shift_right_logical3A_512 : vector<16xi32> to vector<1x16xi32>
        tpu.vector_store %arg8[%swap3A_514, %swap3A_515], %swap3A_518 {strides = array<i32>} : memref<3x80xi32, #tpu.memory_space<vmem>>, vector<1x16xi32>,
        %get3A_519 = arith.constant 0 : i32
        %get3A_520 = arith.index_cast %get3A_519 : i32 to index
        %get3A_521 = arith.constant 48 : index
        %get3A_522 = tpu.vector_load %arg6[%get3A_520, %get3A_521] {strides = array<i32>} : memref<3x80xi32, #tpu.memory_space<vmem>>, vector<1x16xi32>,
        %get3A_523 = vector.shape_cast %get3A_522 : vector<1x16xi32> to vector<16xi32>
        %and3A_524 = arith.constant 65535 : i32
        %and3A_525 = vector.broadcast %and3A_524 : i32 to vector<16xi32>
        %and3A_526 = arith.andi %get3A_523, %and3A_525 : vector<16xi32>
        %swap3A_527 = arith.constant 0 : i32
        %swap3A_528 = arith.index_cast %swap3A_527 : i32 to index
        %swap3A_529 = arith.constant 48 : index
        %swap3A_530 = tpu.vector_load %arg7[%swap3A_528, %swap3A_529] {strides = array<i32>} : memref<3x80xi32, #tpu.memory_space<vmem>>, vector<1x16xi32>,
        %swap3A_531 = vector.shape_cast %swap3A_530 : vector<1x16xi32> to vector<16xi32>
        %swap3A_532 = vector.shape_cast %and3A_526 : vector<16xi32> to vector<1x16xi32>
        tpu.vector_store %arg7[%swap3A_528, %swap3A_529], %swap3A_532 {strides = array<i32>} : memref<3x80xi32, #tpu.memory_space<vmem>>, vector<1x16xi32>,
        %shift_right_logical3A_533 = arith.constant 16 : i32
        %shift_right_logical3A_534 = vector.broadcast %shift_right_logical3A_533 : i32 to vector<16xi32>
        %shift_right_logical3A_535 = arith.shrui %get3A_523, %shift_right_logical3A_534 : vector<16xi32>
        %swap3A_536 = arith.constant 0 : i32
        %swap3A_537 = arith.index_cast %swap3A_536 : i32 to index
        %swap3A_538 = arith.constant 48 : index
        %swap3A_539 = tpu.vector_load %arg8[%swap3A_537, %swap3A_538] {strides = array<i32>} : memref<3x80xi32, #tpu.memory_space<vmem>>, vector<1x16xi32>,
        %swap3A_540 = vector.shape_cast %swap3A_539 : vector<1x16xi32> to vector<16xi32>
        %swap3A_541 = vector.shape_cast %shift_right_logical3A_535 : vector<16xi32> to vector<1x16xi32>
        tpu.vector_store %arg8[%swap3A_537, %swap3A_538], %swap3A_541 {strides = array<i32>} : memref<3x80xi32, #tpu.memory_space<vmem>>, vector<1x16xi32>,
        %get3A_542 = arith.constant 0 : i32
        %get3A_543 = arith.index_cast %get3A_542 : i32 to index
        %get3A_544 = arith.constant 64 : index
        %get3A_545 = tpu.vector_load %arg6[%get3A_543, %get3A_544] {strides = array<i32>} : memref<3x80xi32, #tpu.memory_space<vmem>>, vector<1x16xi32>,
        %get3A_546 = vector.shape_cast %get3A_545 : vector<1x16xi32> to vector<16xi32>
        %and3A_547 = arith.constant 65535 : i32
        %and3A_548 = vector.broadcast %and3A_547 : i32 to vector<16xi32>
        %and3A_549 = arith.andi %get3A_546, %and3A_548 : vector<16xi32>
        %swap3A_550 = arith.constant 0 : i32
        %swap3A_551 = arith.index_cast %swap3A_550 : i32 to index
        %swap3A_552 = arith.constant 64 : index
        %swap3A_553 = tpu.vector_load %arg7[%swap3A_551, %swap3A_552] {strides = array<i32>} : memref<3x80xi32, #tpu.memory_space<vmem>>, vector<1x16xi32>,
        %swap3A_554 = vector.shape_cast %swap3A_553 : vector<1x16xi32> to vector<16xi32>
        %swap3A_555 = vector.shape_cast %and3A_549 : vector<16xi32> to vector<1x16xi32>
        tpu.vector_store %arg7[%swap3A_551, %swap3A_552], %swap3A_555 {strides = array<i32>} : memref<3x80xi32, #tpu.memory_space<vmem>>, vector<1x16xi32>,
        %shift_right_logical3A_556 = arith.constant 16 : i32
        %shift_right_logical3A_557 = vector.broadcast %shift_right_logical3A_556 : i32 to vector<16xi32>
        %shift_right_logical3A_558 = arith.shrui %get3A_546, %shift_right_logical3A_557 : vector<16xi32>
        %swap3A_559 = arith.constant 0 : i32
        %swap3A_560 = arith.index_cast %swap3A_559 : i32 to index
        %swap3A_561 = arith.constant 64 : index
        %swap3A_562 = tpu.vector_load %arg8[%swap3A_560, %swap3A_561] {strides = array<i32>} : memref<3x80xi32, #tpu.memory_space<vmem>>, vector<1x16xi32>,
        %swap3A_563 = vector.shape_cast %swap3A_562 : vector<1x16xi32> to vector<16xi32>
        %swap3A_564 = vector.shape_cast %shift_right_logical3A_558 : vector<16xi32> to vector<1x16xi32>
        tpu.vector_store %arg8[%swap3A_560, %swap3A_561], %swap3A_564 {strides = array<i32>} : memref<3x80xi32, #tpu.memory_space<vmem>>, vector<1x16xi32>,
        %dma_start3A_565 = arith.constant 0 : i32
        %dma_start3A_566 = arith.constant 0 : i32
        %dma_start3A_567 = arith.constant 0 : i32
        %dma_start3A_568 = arith.constant 0 : i32
        %dma_start3A_569 = tpu.memref_slice %arg9[%dma_start3A_566, %dma_start3A_567, %dma_start3A_568] : memref<3x80x128xf32, #tpu.memory_space<vmem>> -> memref<1x80x128xf32, #tpu.memory_space<vmem>>
        %dma_start3A_570 = tpu.memref_squeeze %dma_start3A_569 : memref<1x80x128xf32, #tpu.memory_space<vmem>> -> memref<80x128xf32, #tpu.memory_space<vmem>>
        %dma_start3A_571 = arith.constant 0 : i32
        %dma_start3A_572 = tpu.memref_slice %arg7[%dma_start3A_565, %dma_start3A_571] : memref<3x80xi32, #tpu.memory_space<vmem>> -> memref<1x80xi32, #tpu.memory_space<vmem>>
        %dma_start3A_573 = tpu.memref_squeeze %dma_start3A_572 : memref<1x80xi32, #tpu.memory_space<vmem>> -> memref<80xi32, #tpu.memory_space<vmem>>
        %dma_start3A_574 = arith.constant 0 : i32
        %dma_start3A_575 = arith.constant 0 : i32
        %dma_start3A_576 = tpu.memref_slice %arg2[%dma_start3A_574, %dma_start3A_575] : memref<10000x128xf32, #tpu.memory_space<hbm>> -> memref<10000x128xf32, #tpu.memory_space<hbm>>
        tpu.enqueue_indirect_dma source(%dma_start3A_576 : memref<10000x128xf32, #tpu.memory_space<hbm>>) target(%dma_start3A_570 : memref<80x128xf32, #tpu.memory_space<vmem>>) offsets(%dma_start3A_573 : memref<80xi32, #tpu.memory_space<vmem>>) semaphore(%arg18 : memref<!tpu.dma_semaphore, #tpu.memory_space<semaphore_mem>>)
      } else {
      }
      %add3A_418 = arith.constant 3 : i32
      %add3A_419 = arith.addi %add3A_410, %add3A_418 : i32
      %lt3A_420 = arith.constant 125 : i32
      %lt3A_421 = arith.cmpi slt, %add3A_419, %lt3A_420 : i32
      %convert_element_type3A_422 = arith.extui %lt3A_421 : i1 to i32
      %cond3A_423 = arith.constant 0 : i32
      %cond3A_424 = arith.cmpi ne, %convert_element_type3A_422, %cond3A_423 : i32
      scf.if %cond3A_424 {
        %add3A_431 = arith.constant 3 : i32
        %add3A_432 = arith.addi %add3A_410, %add3A_431 : i32
        %dma_start3A_433 = arith.constant 2 : i32
        %dma_start3A_434 = arith.constant 0 : i32
        %dma_start3A_435 = tpu.memref_slice %arg6[%dma_start3A_433, %dma_start3A_434] : memref<3x80xi32, #tpu.memory_space<vmem>> -> memref<1x80xi32, #tpu.memory_space<vmem>>
        %dma_start3A_436 = tpu.memref_squeeze %dma_start3A_435 : memref<1x80xi32, #tpu.memory_space<vmem>> -> memref<80xi32, #tpu.memory_space<vmem>>
        %dma_start3A_437 = arith.constant 0 : i32
        %dma_start3A_438 = tpu.memref_slice %arg3[%add3A, %add3A_432, %dma_start3A_437] : memref<32x125x80xi32, #tpu.memory_space<hbm>> -> memref<1x1x80xi32, #tpu.memory_space<hbm>>
        %dma_start3A_439 = tpu.memref_squeeze %dma_start3A_438 : memref<1x1x80xi32, #tpu.memory_space<hbm>> -> memref<80xi32, #tpu.memory_space<hbm>>
        %dma_start3A_440 = arith.constant 0 : i32
        %dma_start3A_441 = tpu.memref_slice %arg6[%dma_start3A_433, %dma_start3A_440] : memref<3x80xi32, #tpu.memory_space<vmem>> -> memref<1x80xi32, #tpu.memory_space<vmem>>
        %dma_start3A_442 = tpu.memref_squeeze %dma_start3A_441 : memref<1x80xi32, #tpu.memory_space<vmem>> -> memref<80xi32, #tpu.memory_space<vmem>>
        %dma_start3A_443 = arith.constant 0 : i32
        %dma_start3A_444 = tpu.memref_slice %arg3[%add3A, %add3A_432, %dma_start3A_443] : memref<32x125x80xi32, #tpu.memory_space<hbm>> -> memref<1x1x80xi32, #tpu.memory_space<hbm>>
        %dma_start3A_445 = tpu.memref_squeeze %dma_start3A_444 : memref<1x1x80xi32, #tpu.memory_space<hbm>> -> memref<80xi32, #tpu.memory_space<hbm>>
        tpu.enqueue_dma source(%dma_start3A_445 : memref<80xi32, #tpu.memory_space<hbm>>) target(%dma_start3A_442 : memref<80xi32, #tpu.memory_space<vmem>>) target_semaphore(%arg17 : memref<!tpu.dma_semaphore, #tpu.memory_space<semaphore_mem>>)
      } else {
      }
      %lt3A_425 = arith.constant 125 : i32
      %lt3A_426 = arith.cmpi slt, %add3A_410, %lt3A_425 : i32
      %convert_element_type3A_427 = arith.extui %lt3A_426 : i1 to i32
      %cond3A_428 = arith.constant 0 : i32
      %cond3A_429 = arith.cmpi ne, %convert_element_type3A_427, %cond3A_428 : i32
      scf.if %cond3A_429 {
        %dma_wait3A_431 = arith.constant 2 : i32
        %dma_wait3A_432 = arith.constant 2 : i32
        %dma_wait3A_433 = arith.constant 0 : i32
        %dma_wait3A_434 = arith.constant 0 : i32
        %dma_wait3A_435 = tpu.memref_slice %arg9[%dma_wait3A_432, %dma_wait3A_433, %dma_wait3A_434] : memref<3x80x128xf32, #tpu.memory_space<vmem>> -> memref<1x80x128xf32, #tpu.memory_space<vmem>>
        %dma_wait3A_436 = tpu.memref_squeeze %dma_wait3A_435 : memref<1x80x128xf32, #tpu.memory_space<vmem>> -> memref<80x128xf32, #tpu.memory_space<vmem>>
        %dma_wait3A_437 = arith.constant 0 : i32
        %dma_wait3A_438 = tpu.memref_slice %arg7[%dma_wait3A_431, %dma_wait3A_437] : memref<3x80xi32, #tpu.memory_space<vmem>> -> memref<1x80xi32, #tpu.memory_space<vmem>>
        %dma_wait3A_439 = tpu.memref_squeeze %dma_wait3A_438 : memref<1x80xi32, #tpu.memory_space<vmem>> -> memref<80xi32, #tpu.memory_space<vmem>>
        %dma_wait3A_440 = arith.constant 0 : i32
        %dma_wait3A_441 = arith.constant 0 : i32
        %dma_wait3A_442 = tpu.memref_slice %arg2[%dma_wait3A_440, %dma_wait3A_441] : memref<10000x128xf32, #tpu.memory_space<hbm>> -> memref<10000x128xf32, #tpu.memory_space<hbm>>
        tpu.wait_indirect_dma semaphore(%arg20 : memref<!tpu.dma_semaphore, #tpu.memory_space<semaphore_mem>>) src(%dma_wait3A_442 : memref<10000x128xf32, #tpu.memory_space<hbm>>) dst(%dma_wait3A_436 : memref<80x128xf32, #tpu.memory_space<vmem>>)
        %dma_start3A_443 = arith.constant 2 : i32
        %dma_start3A_444 = arith.constant 2 : i32
        %dma_start3A_445 = arith.constant 0 : i32
        %dma_start3A_446 = arith.constant 0 : i32
        %dma_start3A_447 = tpu.memref_slice %arg9[%dma_start3A_443, %dma_start3A_445, %dma_start3A_446] : memref<3x80x128xf32, #tpu.memory_space<vmem>> -> memref<1x80x128xf32, #tpu.memory_space<vmem>>
        %dma_start3A_448 = tpu.memref_squeeze %dma_start3A_447 : memref<1x80x128xf32, #tpu.memory_space<vmem>> -> memref<80x128xf32, #tpu.memory_space<vmem>>
        %dma_start3A_449 = arith.constant 0 : i32
        %dma_start3A_450 = tpu.memref_slice %arg8[%dma_start3A_444, %dma_start3A_449] : memref<3x80xi32, #tpu.memory_space<vmem>> -> memref<1x80xi32, #tpu.memory_space<vmem>>
        %dma_start3A_451 = tpu.memref_squeeze %dma_start3A_450 : memref<1x80xi32, #tpu.memory_space<vmem>> -> memref<80xi32, #tpu.memory_space<vmem>>
        %dma_start3A_452 = arith.constant 0 : i32
        %dma_start3A_453 = arith.constant 0 : i32
        %dma_start3A_454 = tpu.memref_slice %arg13[%dma_start3A_452, %dma_start3A_453] : memref<10240x128xf32, #tpu.memory_space<vmem_shared>> -> memref<10240x128xf32, #tpu.memory_space<vmem_shared>>
        tpu.enqueue_indirect_dma source(%dma_start3A_448 : memref<80x128xf32, #tpu.memory_space<vmem>>) target(%dma_start3A_454 : memref<10240x128xf32, #tpu.memory_space<vmem_shared>>) offsets(%dma_start3A_451 : memref<80xi32, #tpu.memory_space<vmem>>) semaphore(%arg23 : memref<!tpu.dma_semaphore, #tpu.memory_space<semaphore_mem>>) {add = true}
        %dma_start3A_455 = arith.constant 2 : i32
        %dma_start3A_456 = arith.constant 0 : i32
        %dma_start3A_457 = tpu.memref_slice %arg8[%dma_start3A_455, %dma_start3A_456] : memref<3x80xi32, #tpu.memory_space<vmem>> -> memref<1x80xi32, #tpu.memory_space<vmem>>
        %dma_start3A_458 = tpu.memref_squeeze %dma_start3A_457 : memref<1x80xi32, #tpu.memory_space<vmem>> -> memref<80xi32, #tpu.memory_space<vmem>>
        %dma_start3A_459 = arith.constant 0 : i32
        %dma_start3A_460 = tpu.memref_slice %arg14[%dma_start3A_459] : memref<10240xf32, #tpu.memory_space<vmem_shared>> -> memref<10240xf32, #tpu.memory_space<vmem_shared>>
        tpu.enqueue_indirect_dma source(%arg11 : memref<80xf32, #tpu.memory_space<vmem>>) target(%dma_start3A_460 : memref<10240xf32, #tpu.memory_space<vmem_shared>>) offsets(%dma_start3A_458 : memref<80xi32, #tpu.memory_space<vmem>>) semaphore(%arg26 : memref<!tpu.dma_semaphore, #tpu.memory_space<semaphore_mem>>) {add = true}
      } else {
      }
      %scan3A_430 = arith.constant 0 : i32
      scf.yield %scan3A_430 : i32
    }
    %scan3A_262 = arith.constant 42 : i32
    %dma_wait3A_263 = arith.constant 0 : i32
    %dma_wait3A_264 = arith.constant 0 : i32
    %dma_wait3A_265 = arith.constant 0 : i32
    %dma_wait3A_266 = arith.constant 0 : i32
    %dma_wait3A_267 = tpu.memref_slice %arg9[%dma_wait3A_263, %dma_wait3A_265, %dma_wait3A_266] : memref<3x80x128xf32, #tpu.memory_space<vmem>> -> memref<1x80x128xf32, #tpu.memory_space<vmem>>
    %dma_wait3A_268 = tpu.memref_squeeze %dma_wait3A_267 : memref<1x80x128xf32, #tpu.memory_space<vmem>> -> memref<80x128xf32, #tpu.memory_space<vmem>>
    %dma_wait3A_269 = arith.constant 0 : i32
    %dma_wait3A_270 = tpu.memref_slice %arg8[%dma_wait3A_264, %dma_wait3A_269] : memref<3x80xi32, #tpu.memory_space<vmem>> -> memref<1x80xi32, #tpu.memory_space<vmem>>
    %dma_wait3A_271 = tpu.memref_squeeze %dma_wait3A_270 : memref<1x80xi32, #tpu.memory_space<vmem>> -> memref<80xi32, #tpu.memory_space<vmem>>
    %dma_wait3A_272 = arith.constant 0 : i32
    %dma_wait3A_273 = arith.constant 0 : i32
    %dma_wait3A_274 = tpu.memref_slice %arg13[%dma_wait3A_272, %dma_wait3A_273] : memref<10240x128xf32, #tpu.memory_space<vmem_shared>> -> memref<10240x128xf32, #tpu.memory_space<vmem_shared>>
    tpu.wait_indirect_dma semaphore(%arg21 : memref<!tpu.dma_semaphore, #tpu.memory_space<semaphore_mem>>) src(%dma_wait3A_268 : memref<80x128xf32, #tpu.memory_space<vmem>>) dst(%dma_wait3A_274 : memref<10240x128xf32, #tpu.memory_space<vmem_shared>>)
    %dma_wait3A_275 = arith.constant 0 : i32
    %dma_wait3A_276 = arith.constant 0 : i32
    %dma_wait3A_277 = tpu.memref_slice %arg8[%dma_wait3A_275, %dma_wait3A_276] : memref<3x80xi32, #tpu.memory_space<vmem>> -> memref<1x80xi32, #tpu.memory_space<vmem>>
    %dma_wait3A_278 = tpu.memref_squeeze %dma_wait3A_277 : memref<1x80xi32, #tpu.memory_space<vmem>> -> memref<80xi32, #tpu.memory_space<vmem>>
    %dma_wait3A_279 = arith.constant 0 : i32
    %dma_wait3A_280 = tpu.memref_slice %arg14[%dma_wait3A_279] : memref<10240xf32, #tpu.memory_space<vmem_shared>> -> memref<10240xf32, #tpu.memory_space<vmem_shared>>
    tpu.wait_indirect_dma semaphore(%arg24 : memref<!tpu.dma_semaphore, #tpu.memory_space<semaphore_mem>>) src(%arg11 : memref<80xf32, #tpu.memory_space<vmem>>) dst(%dma_wait3A_280 : memref<10240xf32, #tpu.memory_space<vmem_shared>>)
    %dma_wait3A_281 = arith.constant 1 : i32
    %dma_wait3A_282 = arith.constant 1 : i32
    %dma_wait3A_283 = arith.constant 0 : i32
    %dma_wait3A_284 = arith.constant 0 : i32
    %dma_wait3A_285 = tpu.memref_slice %arg9[%dma_wait3A_281, %dma_wait3A_283, %dma_wait3A_284] : memref<3x80x128xf32, #tpu.memory_space<vmem>> -> memref<1x80x128xf32, #tpu.memory_space<vmem>>
    %dma_wait3A_286 = tpu.memref_squeeze %dma_wait3A_285 : memref<1x80x128xf32, #tpu.memory_space<vmem>> -> memref<80x128xf32, #tpu.memory_space<vmem>>
    %dma_wait3A_287 = arith.constant 0 : i32
    %dma_wait3A_288 = tpu.memref_slice %arg8[%dma_wait3A_282, %dma_wait3A_287] : memref<3x80xi32, #tpu.memory_space<vmem>> -> memref<1x80xi32, #tpu.memory_space<vmem>>
    %dma_wait3A_289 = tpu.memref_squeeze %dma_wait3A_288 : memref<1x80xi32, #tpu.memory_space<vmem>> -> memref<80xi32, #tpu.memory_space<vmem>>
    %dma_wait3A_290 = arith.constant 0 : i32
    %dma_wait3A_291 = arith.constant 0 : i32
    %dma_wait3A_292 = tpu.memref_slice %arg13[%dma_wait3A_290, %dma_wait3A_291] : memref<10240x128xf32, #tpu.memory_space<vmem_shared>> -> memref<10240x128xf32, #tpu.memory_space<vmem_shared>>
    tpu.wait_indirect_dma semaphore(%arg22 : memref<!tpu.dma_semaphore, #tpu.memory_space<semaphore_mem>>) src(%dma_wait3A_286 : memref<80x128xf32, #tpu.memory_space<vmem>>) dst(%dma_wait3A_292 : memref<10240x128xf32, #tpu.memory_space<vmem_shared>>)
    %dma_wait3A_293 = arith.constant 1 : i32
    %dma_wait3A_294 = arith.constant 0 : i32
    %dma_wait3A_295 = tpu.memref_slice %arg8[%dma_wait3A_293, %dma_wait3A_294] : memref<3x80xi32, #tpu.memory_space<vmem>> -> memref<1x80xi32, #tpu.memory_space<vmem>>
    %dma_wait3A_296 = tpu.memref_squeeze %dma_wait3A_295 : memref<1x80xi32, #tpu.memory_space<vmem>> -> memref<80xi32, #tpu.memory_space<vmem>>
    %dma_wait3A_297 = arith.constant 0 : i32
    %dma_wait3A_298 = tpu.memref_slice %arg14[%dma_wait3A_297] : memref<10240xf32, #tpu.memory_space<vmem_shared>> -> memref<10240xf32, #tpu.memory_space<vmem_shared>>
    tpu.wait_indirect_dma semaphore(%arg25 : memref<!tpu.dma_semaphore, #tpu.memory_space<semaphore_mem>>) src(%arg11 : memref<80xf32, #tpu.memory_space<vmem>>) dst(%dma_wait3A_298 : memref<10240xf32, #tpu.memory_space<vmem_shared>>)
    %dma_wait3A_299 = arith.constant 2 : i32
    %dma_wait3A_300 = arith.constant 2 : i32
    %dma_wait3A_301 = arith.constant 0 : i32
    %dma_wait3A_302 = arith.constant 0 : i32
    %dma_wait3A_303 = tpu.memref_slice %arg9[%dma_wait3A_299, %dma_wait3A_301, %dma_wait3A_302] : memref<3x80x128xf32, #tpu.memory_space<vmem>> -> memref<1x80x128xf32, #tpu.memory_space<vmem>>
    %dma_wait3A_304 = tpu.memref_squeeze %dma_wait3A_303 : memref<1x80x128xf32, #tpu.memory_space<vmem>> -> memref<80x128xf32, #tpu.memory_space<vmem>>
    %dma_wait3A_305 = arith.constant 0 : i32
    %dma_wait3A_306 = tpu.memref_slice %arg8[%dma_wait3A_300, %dma_wait3A_305] : memref<3x80xi32, #tpu.memory_space<vmem>> -> memref<1x80xi32, #tpu.memory_space<vmem>>
    %dma_wait3A_307 = tpu.memref_squeeze %dma_wait3A_306 : memref<1x80xi32, #tpu.memory_space<vmem>> -> memref<80xi32, #tpu.memory_space<vmem>>
    %dma_wait3A_308 = arith.constant 0 : i32
    %dma_wait3A_309 = arith.constant 0 : i32
    %dma_wait3A_310 = tpu.memref_slice %arg13[%dma_wait3A_308, %dma_wait3A_309] : memref<10240x128xf32, #tpu.memory_space<vmem_shared>> -> memref<10240x128xf32, #tpu.memory_space<vmem_shared>>
    tpu.wait_indirect_dma semaphore(%arg23 : memref<!tpu.dma_semaphore, #tpu.memory_space<semaphore_mem>>) src(%dma_wait3A_304 : memref<80x128xf32, #tpu.memory_space<vmem>>) dst(%dma_wait3A_310 : memref<10240x128xf32, #tpu.memory_space<vmem_shared>>)
    %dma_wait3A_311 = arith.constant 2 : i32
    %dma_wait3A_312 = arith.constant 0 : i32
    %dma_wait3A_313 = tpu.memref_slice %arg8[%dma_wait3A_311, %dma_wait3A_312] : memref<3x80xi32, #tpu.memory_space<vmem>> -> memref<1x80xi32, #tpu.memory_space<vmem>>
    %dma_wait3A_314 = tpu.memref_squeeze %dma_wait3A_313 : memref<1x80xi32, #tpu.memory_space<vmem>> -> memref<80xi32, #tpu.memory_space<vmem>>
    %dma_wait3A_315 = arith.constant 0 : i32
    %dma_wait3A_316 = tpu.memref_slice %arg14[%dma_wait3A_315] : memref<10240xf32, #tpu.memory_space<vmem_shared>> -> memref<10240xf32, #tpu.memory_space<vmem_shared>>
    tpu.wait_indirect_dma semaphore(%arg26 : memref<!tpu.dma_semaphore, #tpu.memory_space<semaphore_mem>>) src(%arg11 : memref<80xf32, #tpu.memory_space<vmem>>) dst(%dma_wait3A_316 : memref<10240xf32, #tpu.memory_space<vmem_shared>>)
    %barrier3A_317 = arith.constant 0 : index
    tpu.barrier barrier_id(%barrier3A_317)
    %mul3A_318 = arith.constant 640 : i32
    %mul3A_319 = arith.muli %arg1, %mul3A_318 : i32
    %add3A_320 = arith.constant 0 : i32
    %add3A_321 = arith.addi %mul3A_319, %add3A_320 : i32
    "tpu.region"() ({
      %run_scoped3A = tpu.sem_alloc : memref<!tpu.dma_semaphore, #tpu.memory_space<semaphore_mem>>
      %dma_start3A_362 = arith.constant 0 : i32
      %dma_start3A_363 = tpu.memref_slice %arg13[%add3A_321, %dma_start3A_362] : memref<10240x128xf32, #tpu.memory_space<vmem_shared>> -> memref<64x128xf32, #tpu.memory_space<vmem_shared>>
      %dma_start3A_364 = arith.constant 0 : i32
      %dma_start3A_365 = tpu.memref_slice %arg13[%add3A_321, %dma_start3A_364] : memref<10240x128xf32, #tpu.memory_space<vmem_shared>> -> memref<64x128xf32, #tpu.memory_space<vmem_shared>>
      tpu.enqueue_dma source(%dma_start3A_365 : memref<64x128xf32, #tpu.memory_space<vmem_shared>>) target(%arg10 : memref<64x128xf32, #tpu.memory_space<vmem>>) target_semaphore(%run_scoped3A : memref<!tpu.dma_semaphore, #tpu.memory_space<semaphore_mem>>)
      %dma_wait3A_366 = arith.constant 0 : i32
      %dma_wait3A_367 = tpu.memref_slice %arg13[%add3A_321, %dma_wait3A_366] : memref<10240x128xf32, #tpu.memory_space<vmem_shared>> -> memref<64x128xf32, #tpu.memory_space<vmem_shared>>
      %dma_wait3A_368 = arith.constant 0 : i32
      %dma_wait3A_369 = tpu.memref_slice %arg13[%add3A_321, %dma_wait3A_368] : memref<10240x128xf32, #tpu.memory_space<vmem_shared>> -> memref<64x128xf32, #tpu.memory_space<vmem_shared>>
      tpu.wait_dma2 semaphore(%run_scoped3A : memref<!tpu.dma_semaphore, #tpu.memory_space<semaphore_mem>>) src(%dma_wait3A_369 : memref<64x128xf32, #tpu.memory_space<vmem_shared>>) dst(%arg10 : memref<64x128xf32, #tpu.memory_space<vmem>>)
      tpu.yield
    }) : () -> ()
    "tpu.region"() ({
      %run_scoped3A = tpu.sem_alloc : memref<!tpu.dma_semaphore, #tpu.memory_space<semaphore_mem>>
      %dma_start3A_362 = arith.constant 0 : i32
      %dma_start3A_363 = tpu.memref_slice %arg4[%arg0, %add3A_321, %dma_start3A_362] : memref<2x10240x128xf32, #tpu.memory_space<hbm>> -> memref<1x64x128xf32, #tpu.memory_space<hbm>>
      %dma_start3A_364 = tpu.memref_squeeze %dma_start3A_363 : memref<1x64x128xf32, #tpu.memory_space<hbm>> -> memref<64x128xf32, #tpu.memory_space<hbm>>
      %dma_start3A_365 = arith.constant 0 : i32
      %dma_start3A_366 = tpu.memref_slice %arg4[%arg0, %add3A_321, %dma_start3A_365] : memref<2x10240x128xf32, #tpu.memory_space<hbm>> -> memref<1x64x128xf32, #tpu.memory_space<hbm>>
      %dma_start3A_367 = tpu.memref_squeeze %dma_start3A_366 : memref<1x64x128xf32, #tpu.memory_space<hbm>> -> memref<64x128xf32, #tpu.memory_space<hbm>>
      tpu.enqueue_dma source(%arg10 : memref<64x128xf32, #tpu.memory_space<vmem>>) target(%dma_start3A_367 : memref<64x128xf32, #tpu.memory_space<hbm>>) target_semaphore(%run_scoped3A : memref<!tpu.dma_semaphore, #tpu.memory_space<semaphore_mem>>)
      %dma_wait3A_368 = arith.constant 0 : i32
      %dma_wait3A_369 = tpu.memref_slice %arg4[%arg0, %add3A_321, %dma_wait3A_368] : memref<2x10240x128xf32, #tpu.memory_space<hbm>> -> memref<1x64x128xf32, #tpu.memory_space<hbm>>
      %dma_wait3A_370 = tpu.memref_squeeze %dma_wait3A_369 : memref<1x64x128xf32, #tpu.memory_space<hbm>> -> memref<64x128xf32, #tpu.memory_space<hbm>>
      %dma_wait3A_371 = arith.constant 0 : i32
      %dma_wait3A_372 = tpu.memref_slice %arg4[%arg0, %add3A_321, %dma_wait3A_371] : memref<2x10240x128xf32, #tpu.memory_space<hbm>> -> memref<1x64x128xf32, #tpu.memory_space<hbm>>
      %dma_wait3A_373 = tpu.memref_squeeze %dma_wait3A_372 : memref<1x64x128xf32, #tpu.memory_space<hbm>> -> memref<64x128xf32, #tpu.memory_space<hbm>>
      tpu.wait_dma2 semaphore(%run_scoped3A : memref<!tpu.dma_semaphore, #tpu.memory_space<semaphore_mem>>) src(%arg10 : memref<64x128xf32, #tpu.memory_space<vmem>>) dst(%dma_wait3A_373 : memref<64x128xf32, #tpu.memory_space<hbm>>)
      tpu.yield
    }) : () -> ()
    %mul3A_322 = arith.constant 640 : i32
    %mul3A_323 = arith.muli %arg1, %mul3A_322 : i32
    %add3A_324 = arith.constant 64 : i32
    %add3A_325 = arith.addi %mul3A_323, %add3A_324 : i32
    "tpu.region"() ({
      %run_scoped3A = tpu.sem_alloc : memref<!tpu.dma_semaphore, #tpu.memory_space<semaphore_mem>>
      %dma_start3A_362 = arith.constant 0 : i32
      %dma_start3A_363 = tpu.memref_slice %arg13[%add3A_325, %dma_start3A_362] : memref<10240x128xf32, #tpu.memory_space<vmem_shared>> -> memref<64x128xf32, #tpu.memory_space<vmem_shared>>
      %dma_start3A_364 = arith.constant 0 : i32
      %dma_start3A_365 = tpu.memref_slice %arg13[%add3A_325, %dma_start3A_364] : memref<10240x128xf32, #tpu.memory_space<vmem_shared>> -> memref<64x128xf32, #tpu.memory_space<vmem_shared>>
      tpu.enqueue_dma source(%dma_start3A_365 : memref<64x128xf32, #tpu.memory_space<vmem_shared>>) target(%arg10 : memref<64x128xf32, #tpu.memory_space<vmem>>) target_semaphore(%run_scoped3A : memref<!tpu.dma_semaphore, #tpu.memory_space<semaphore_mem>>)
      %dma_wait3A_366 = arith.constant 0 : i32
      %dma_wait3A_367 = tpu.memref_slice %arg13[%add3A_325, %dma_wait3A_366] : memref<10240x128xf32, #tpu.memory_space<vmem_shared>> -> memref<64x128xf32, #tpu.memory_space<vmem_shared>>
      %dma_wait3A_368 = arith.constant 0 : i32
      %dma_wait3A_369 = tpu.memref_slice %arg13[%add3A_325, %dma_wait3A_368] : memref<10240x128xf32, #tpu.memory_space<vmem_shared>> -> memref<64x128xf32, #tpu.memory_space<vmem_shared>>
      tpu.wait_dma2 semaphore(%run_scoped3A : memref<!tpu.dma_semaphore, #tpu.memory_space<semaphore_mem>>) src(%dma_wait3A_369 : memref<64x128xf32, #tpu.memory_space<vmem_shared>>) dst(%arg10 : memref<64x128xf32, #tpu.memory_space<vmem>>)
      tpu.yield
    }) : () -> ()
    "tpu.region"() ({
      %run_scoped3A = tpu.sem_alloc : memref<!tpu.dma_semaphore, #tpu.memory_space<semaphore_mem>>
      %dma_start3A_362 = arith.constant 0 : i32
      %dma_start3A_363 = tpu.memref_slice %arg4[%arg0, %add3A_325, %dma_start3A_362] : memref<2x10240x128xf32, #tpu.memory_space<hbm>> -> memref<1x64x128xf32, #tpu.memory_space<hbm>>
      %dma_start3A_364 = tpu.memref_squeeze %dma_start3A_363 : memref<1x64x128xf32, #tpu.memory_space<hbm>> -> memref<64x128xf32, #tpu.memory_space<hbm>>
      %dma_start3A_365 = arith.constant 0 : i32
      %dma_start3A_366 = tpu.memref_slice %arg4[%arg0, %add3A_325, %dma_start3A_365] : memref<2x10240x128xf32, #tpu.memory_space<hbm>> -> memref<1x64x128xf32, #tpu.memory_space<hbm>>
      %dma_start3A_367 = tpu.memref_squeeze %dma_start3A_366 : memref<1x64x128xf32, #tpu.memory_space<hbm>> -> memref<64x128xf32, #tpu.memory_space<hbm>>
      tpu.enqueue_dma source(%arg10 : memref<64x128xf32, #tpu.memory_space<vmem>>) target(%dma_start3A_367 : memref<64x128xf32, #tpu.memory_space<hbm>>) target_semaphore(%run_scoped3A : memref<!tpu.dma_semaphore, #tpu.memory_space<semaphore_mem>>)
      %dma_wait3A_368 = arith.constant 0 : i32
      %dma_wait3A_369 = tpu.memref_slice %arg4[%arg0, %add3A_325, %dma_wait3A_368] : memref<2x10240x128xf32, #tpu.memory_space<hbm>> -> memref<1x64x128xf32, #tpu.memory_space<hbm>>
      %dma_wait3A_370 = tpu.memref_squeeze %dma_wait3A_369 : memref<1x64x128xf32, #tpu.memory_space<hbm>> -> memref<64x128xf32, #tpu.memory_space<hbm>>
      %dma_wait3A_371 = arith.constant 0 : i32
      %dma_wait3A_372 = tpu.memref_slice %arg4[%arg0, %add3A_325, %dma_wait3A_371] : memref<2x10240x128xf32, #tpu.memory_space<hbm>> -> memref<1x64x128xf32, #tpu.memory_space<hbm>>
      %dma_wait3A_373 = tpu.memref_squeeze %dma_wait3A_372 : memref<1x64x128xf32, #tpu.memory_space<hbm>> -> memref<64x128xf32, #tpu.memory_space<hbm>>
      tpu.wait_dma2 semaphore(%run_scoped3A : memref<!tpu.dma_semaphore, #tpu.memory_space<semaphore_mem>>) src(%arg10 : memref<64x128xf32, #tpu.memory_space<vmem>>) dst(%dma_wait3A_373 : memref<64x128xf32, #tpu.memory_space<hbm>>)
      tpu.yield
    }) : () -> ()
    %mul3A_326 = arith.constant 640 : i32
    %mul3A_327 = arith.muli %arg1, %mul3A_326 : i32
    %add3A_328 = arith.constant 128 : i32
    %add3A_329 = arith.addi %mul3A_327, %add3A_328 : i32
    "tpu.region"() ({
      %run_scoped3A = tpu.sem_alloc : memref<!tpu.dma_semaphore, #tpu.memory_space<semaphore_mem>>
      %dma_start3A_362 = arith.constant 0 : i32
      %dma_start3A_363 = tpu.memref_slice %arg13[%add3A_329, %dma_start3A_362] : memref<10240x128xf32, #tpu.memory_space<vmem_shared>> -> memref<64x128xf32, #tpu.memory_space<vmem_shared>>
      %dma_start3A_364 = arith.constant 0 : i32
      %dma_start3A_365 = tpu.memref_slice %arg13[%add3A_329, %dma_start3A_364] : memref<10240x128xf32, #tpu.memory_space<vmem_shared>> -> memref<64x128xf32, #tpu.memory_space<vmem_shared>>
      tpu.enqueue_dma source(%dma_start3A_365 : memref<64x128xf32, #tpu.memory_space<vmem_shared>>) target(%arg10 : memref<64x128xf32, #tpu.memory_space<vmem>>) target_semaphore(%run_scoped3A : memref<!tpu.dma_semaphore, #tpu.memory_space<semaphore_mem>>)
      %dma_wait3A_366 = arith.constant 0 : i32
      %dma_wait3A_367 = tpu.memref_slice %arg13[%add3A_329, %dma_wait3A_366] : memref<10240x128xf32, #tpu.memory_space<vmem_shared>> -> memref<64x128xf32, #tpu.memory_space<vmem_shared>>
      %dma_wait3A_368 = arith.constant 0 : i32
      %dma_wait3A_369 = tpu.memref_slice %arg13[%add3A_329, %dma_wait3A_368] : memref<10240x128xf32, #tpu.memory_space<vmem_shared>> -> memref<64x128xf32, #tpu.memory_space<vmem_shared>>
      tpu.wait_dma2 semaphore(%run_scoped3A : memref<!tpu.dma_semaphore, #tpu.memory_space<semaphore_mem>>) src(%dma_wait3A_369 : memref<64x128xf32, #tpu.memory_space<vmem_shared>>) dst(%arg10 : memref<64x128xf32, #tpu.memory_space<vmem>>)
      tpu.yield
    }) : () -> ()
    "tpu.region"() ({
      %run_scoped3A = tpu.sem_alloc : memref<!tpu.dma_semaphore, #tpu.memory_space<semaphore_mem>>
      %dma_start3A_362 = arith.constant 0 : i32
      %dma_start3A_363 = tpu.memref_slice %arg4[%arg0, %add3A_329, %dma_start3A_362] : memref<2x10240x128xf32, #tpu.memory_space<hbm>> -> memref<1x64x128xf32, #tpu.memory_space<hbm>>
      %dma_start3A_364 = tpu.memref_squeeze %dma_start3A_363 : memref<1x64x128xf32, #tpu.memory_space<hbm>> -> memref<64x128xf32, #tpu.memory_space<hbm>>
      %dma_start3A_365 = arith.constant 0 : i32
      %dma_start3A_366 = tpu.memref_slice %arg4[%arg0, %add3A_329, %dma_start3A_365] : memref<2x10240x128xf32, #tpu.memory_space<hbm>> -> memref<1x64x128xf32, #tpu.memory_space<hbm>>
      %dma_start3A_367 = tpu.memref_squeeze %dma_start3A_366 : memref<1x64x128xf32, #tpu.memory_space<hbm>> -> memref<64x128xf32, #tpu.memory_space<hbm>>
      tpu.enqueue_dma source(%arg10 : memref<64x128xf32, #tpu.memory_space<vmem>>) target(%dma_start3A_367 : memref<64x128xf32, #tpu.memory_space<hbm>>) target_semaphore(%run_scoped3A : memref<!tpu.dma_semaphore, #tpu.memory_space<semaphore_mem>>)
      %dma_wait3A_368 = arith.constant 0 : i32
      %dma_wait3A_369 = tpu.memref_slice %arg4[%arg0, %add3A_329, %dma_wait3A_368] : memref<2x10240x128xf32, #tpu.memory_space<hbm>> -> memref<1x64x128xf32, #tpu.memory_space<hbm>>
      %dma_wait3A_370 = tpu.memref_squeeze %dma_wait3A_369 : memref<1x64x128xf32, #tpu.memory_space<hbm>> -> memref<64x128xf32, #tpu.memory_space<hbm>>
      %dma_wait3A_371 = arith.constant 0 : i32
      %dma_wait3A_372 = tpu.memref_slice %arg4[%arg0, %add3A_329, %dma_wait3A_371] : memref<2x10240x128xf32, #tpu.memory_space<hbm>> -> memref<1x64x128xf32, #tpu.memory_space<hbm>>
      %dma_wait3A_373 = tpu.memref_squeeze %dma_wait3A_372 : memref<1x64x128xf32, #tpu.memory_space<hbm>> -> memref<64x128xf32, #tpu.memory_space<hbm>>
      tpu.wait_dma2 semaphore(%run_scoped3A : memref<!tpu.dma_semaphore, #tpu.memory_space<semaphore_mem>>) src(%arg10 : memref<64x128xf32, #tpu.memory_space<vmem>>) dst(%dma_wait3A_373 : memref<64x128xf32, #tpu.memory_space<hbm>>)
      tpu.yield
    }) : () -> ()
    %mul3A_330 = arith.constant 640 : i32
    %mul3A_331 = arith.muli %arg1, %mul3A_330 : i32
    %add3A_332 = arith.constant 192 : i32
    %add3A_333 = arith.addi %mul3A_331, %add3A_332 : i32
    "tpu.region"() ({
      %run_scoped3A = tpu.sem_alloc : memref<!tpu.dma_semaphore, #tpu.memory_space<semaphore_mem>>
      %dma_start3A_362 = arith.constant 0 : i32
      %dma_start3A_363 = tpu.memref_slice %arg13[%add3A_333, %dma_start3A_362] : memref<10240x128xf32, #tpu.memory_space<vmem_shared>> -> memref<64x128xf32, #tpu.memory_space<vmem_shared>>
      %dma_start3A_364 = arith.constant 0 : i32
      %dma_start3A_365 = tpu.memref_slice %arg13[%add3A_333, %dma_start3A_364] : memref<10240x128xf32, #tpu.memory_space<vmem_shared>> -> memref<64x128xf32, #tpu.memory_space<vmem_shared>>
      tpu.enqueue_dma source(%dma_start3A_365 : memref<64x128xf32, #tpu.memory_space<vmem_shared>>) target(%arg10 : memref<64x128xf32, #tpu.memory_space<vmem>>) target_semaphore(%run_scoped3A : memref<!tpu.dma_semaphore, #tpu.memory_space<semaphore_mem>>)
      %dma_wait3A_366 = arith.constant 0 : i32
      %dma_wait3A_367 = tpu.memref_slice %arg13[%add3A_333, %dma_wait3A_366] : memref<10240x128xf32, #tpu.memory_space<vmem_shared>> -> memref<64x128xf32, #tpu.memory_space<vmem_shared>>
      %dma_wait3A_368 = arith.constant 0 : i32
      %dma_wait3A_369 = tpu.memref_slice %arg13[%add3A_333, %dma_wait3A_368] : memref<10240x128xf32, #tpu.memory_space<vmem_shared>> -> memref<64x128xf32, #tpu.memory_space<vmem_shared>>
      tpu.wait_dma2 semaphore(%run_scoped3A : memref<!tpu.dma_semaphore, #tpu.memory_space<semaphore_mem>>) src(%dma_wait3A_369 : memref<64x128xf32, #tpu.memory_space<vmem_shared>>) dst(%arg10 : memref<64x128xf32, #tpu.memory_space<vmem>>)
      tpu.yield
    }) : () -> ()
    "tpu.region"() ({
      %run_scoped3A = tpu.sem_alloc : memref<!tpu.dma_semaphore, #tpu.memory_space<semaphore_mem>>
      %dma_start3A_362 = arith.constant 0 : i32
      %dma_start3A_363 = tpu.memref_slice %arg4[%arg0, %add3A_333, %dma_start3A_362] : memref<2x10240x128xf32, #tpu.memory_space<hbm>> -> memref<1x64x128xf32, #tpu.memory_space<hbm>>
      %dma_start3A_364 = tpu.memref_squeeze %dma_start3A_363 : memref<1x64x128xf32, #tpu.memory_space<hbm>> -> memref<64x128xf32, #tpu.memory_space<hbm>>
      %dma_start3A_365 = arith.constant 0 : i32
      %dma_start3A_366 = tpu.memref_slice %arg4[%arg0, %add3A_333, %dma_start3A_365] : memref<2x10240x128xf32, #tpu.memory_space<hbm>> -> memref<1x64x128xf32, #tpu.memory_space<hbm>>
      %dma_start3A_367 = tpu.memref_squeeze %dma_start3A_366 : memref<1x64x128xf32, #tpu.memory_space<hbm>> -> memref<64x128xf32, #tpu.memory_space<hbm>>
      tpu.enqueue_dma source(%arg10 : memref<64x128xf32, #tpu.memory_space<vmem>>) target(%dma_start3A_367 : memref<64x128xf32, #tpu.memory_space<hbm>>) target_semaphore(%run_scoped3A : memref<!tpu.dma_semaphore, #tpu.memory_space<semaphore_mem>>)
      %dma_wait3A_368 = arith.constant 0 : i32
      %dma_wait3A_369 = tpu.memref_slice %arg4[%arg0, %add3A_333, %dma_wait3A_368] : memref<2x10240x128xf32, #tpu.memory_space<hbm>> -> memref<1x64x128xf32, #tpu.memory_space<hbm>>
      %dma_wait3A_370 = tpu.memref_squeeze %dma_wait3A_369 : memref<1x64x128xf32, #tpu.memory_space<hbm>> -> memref<64x128xf32, #tpu.memory_space<hbm>>
      %dma_wait3A_371 = arith.constant 0 : i32
      %dma_wait3A_372 = tpu.memref_slice %arg4[%arg0, %add3A_333, %dma_wait3A_371] : memref<2x10240x128xf32, #tpu.memory_space<hbm>> -> memref<1x64x128xf32, #tpu.memory_space<hbm>>
      %dma_wait3A_373 = tpu.memref_squeeze %dma_wait3A_372 : memref<1x64x128xf32, #tpu.memory_space<hbm>> -> memref<64x128xf32, #tpu.memory_space<hbm>>
      tpu.wait_dma2 semaphore(%run_scoped3A : memref<!tpu.dma_semaphore, #tpu.memory_space<semaphore_mem>>) src(%arg10 : memref<64x128xf32, #tpu.memory_space<vmem>>) dst(%dma_wait3A_373 : memref<64x128xf32, #tpu.memory_space<hbm>>)
      tpu.yield
    }) : () -> ()
    %mul3A_334 = arith.constant 640 : i32
    %mul3A_335 = arith.muli %arg1, %mul3A_334 : i32
    %add3A_336 = arith.constant 256 : i32
    %add3A_337 = arith.addi %mul3A_335, %add3A_336 : i32
    "tpu.region"() ({
      %run_scoped3A = tpu.sem_alloc : memref<!tpu.dma_semaphore, #tpu.memory_space<semaphore_mem>>
      %dma_start3A_362 = arith.constant 0 : i32
      %dma_start3A_363 = tpu.memref_slice %arg13[%add3A_337, %dma_start3A_362] : memref<10240x128xf32, #tpu.memory_space<vmem_shared>> -> memref<64x128xf32, #tpu.memory_space<vmem_shared>>
      %dma_start3A_364 = arith.constant 0 : i32
      %dma_start3A_365 = tpu.memref_slice %arg13[%add3A_337, %dma_start3A_364] : memref<10240x128xf32, #tpu.memory_space<vmem_shared>> -> memref<64x128xf32, #tpu.memory_space<vmem_shared>>
      tpu.enqueue_dma source(%dma_start3A_365 : memref<64x128xf32, #tpu.memory_space<vmem_shared>>) target(%arg10 : memref<64x128xf32, #tpu.memory_space<vmem>>) target_semaphore(%run_scoped3A : memref<!tpu.dma_semaphore, #tpu.memory_space<semaphore_mem>>)
      %dma_wait3A_366 = arith.constant 0 : i32
      %dma_wait3A_367 = tpu.memref_slice %arg13[%add3A_337, %dma_wait3A_366] : memref<10240x128xf32, #tpu.memory_space<vmem_shared>> -> memref<64x128xf32, #tpu.memory_space<vmem_shared>>
      %dma_wait3A_368 = arith.constant 0 : i32
      %dma_wait3A_369 = tpu.memref_slice %arg13[%add3A_337, %dma_wait3A_368] : memref<10240x128xf32, #tpu.memory_space<vmem_shared>> -> memref<64x128xf32, #tpu.memory_space<vmem_shared>>
      tpu.wait_dma2 semaphore(%run_scoped3A : memref<!tpu.dma_semaphore, #tpu.memory_space<semaphore_mem>>) src(%dma_wait3A_369 : memref<64x128xf32, #tpu.memory_space<vmem_shared>>) dst(%arg10 : memref<64x128xf32, #tpu.memory_space<vmem>>)
      tpu.yield
    }) : () -> ()
    "tpu.region"() ({
      %run_scoped3A = tpu.sem_alloc : memref<!tpu.dma_semaphore, #tpu.memory_space<semaphore_mem>>
      %dma_start3A_362 = arith.constant 0 : i32
      %dma_start3A_363 = tpu.memref_slice %arg4[%arg0, %add3A_337, %dma_start3A_362] : memref<2x10240x128xf32, #tpu.memory_space<hbm>> -> memref<1x64x128xf32, #tpu.memory_space<hbm>>
      %dma_start3A_364 = tpu.memref_squeeze %dma_start3A_363 : memref<1x64x128xf32, #tpu.memory_space<hbm>> -> memref<64x128xf32, #tpu.memory_space<hbm>>
      %dma_start3A_365 = arith.constant 0 : i32
      %dma_start3A_366 = tpu.memref_slice %arg4[%arg0, %add3A_337, %dma_start3A_365] : memref<2x10240x128xf32, #tpu.memory_space<hbm>> -> memref<1x64x128xf32, #tpu.memory_space<hbm>>
      %dma_start3A_367 = tpu.memref_squeeze %dma_start3A_366 : memref<1x64x128xf32, #tpu.memory_space<hbm>> -> memref<64x128xf32, #tpu.memory_space<hbm>>
      tpu.enqueue_dma source(%arg10 : memref<64x128xf32, #tpu.memory_space<vmem>>) target(%dma_start3A_367 : memref<64x128xf32, #tpu.memory_space<hbm>>) target_semaphore(%run_scoped3A : memref<!tpu.dma_semaphore, #tpu.memory_space<semaphore_mem>>)
      %dma_wait3A_368 = arith.constant 0 : i32
      %dma_wait3A_369 = tpu.memref_slice %arg4[%arg0, %add3A_337, %dma_wait3A_368] : memref<2x10240x128xf32, #tpu.memory_space<hbm>> -> memref<1x64x128xf32, #tpu.memory_space<hbm>>
      %dma_wait3A_370 = tpu.memref_squeeze %dma_wait3A_369 : memref<1x64x128xf32, #tpu.memory_space<hbm>> -> memref<64x128xf32, #tpu.memory_space<hbm>>
      %dma_wait3A_371 = arith.constant 0 : i32
      %dma_wait3A_372 = tpu.memref_slice %arg4[%arg0, %add3A_337, %dma_wait3A_371] : memref<2x10240x128xf32, #tpu.memory_space<hbm>> -> memref<1x64x128xf32, #tpu.memory_space<hbm>>
      %dma_wait3A_373 = tpu.memref_squeeze %dma_wait3A_372 : memref<1x64x128xf32, #tpu.memory_space<hbm>> -> memref<64x128xf32, #tpu.memory_space<hbm>>
      tpu.wait_dma2 semaphore(%run_scoped3A : memref<!tpu.dma_semaphore, #tpu.memory_space<semaphore_mem>>) src(%arg10 : memref<64x128xf32, #tpu.memory_space<vmem>>) dst(%dma_wait3A_373 : memref<64x128xf32, #tpu.memory_space<hbm>>)
      tpu.yield
    }) : () -> ()
    %mul3A_338 = arith.constant 640 : i32
    %mul3A_339 = arith.muli %arg1, %mul3A_338 : i32
    %add3A_340 = arith.constant 320 : i32
    %add3A_341 = arith.addi %mul3A_339, %add3A_340 : i32
    "tpu.region"() ({
      %run_scoped3A = tpu.sem_alloc : memref<!tpu.dma_semaphore, #tpu.memory_space<semaphore_mem>>
      %dma_start3A_362 = arith.constant 0 : i32
      %dma_start3A_363 = tpu.memref_slice %arg13[%add3A_341, %dma_start3A_362] : memref<10240x128xf32, #tpu.memory_space<vmem_shared>> -> memref<64x128xf32, #tpu.memory_space<vmem_shared>>
      %dma_start3A_364 = arith.constant 0 : i32
      %dma_start3A_365 = tpu.memref_slice %arg13[%add3A_341, %dma_start3A_364] : memref<10240x128xf32, #tpu.memory_space<vmem_shared>> -> memref<64x128xf32, #tpu.memory_space<vmem_shared>>
      tpu.enqueue_dma source(%dma_start3A_365 : memref<64x128xf32, #tpu.memory_space<vmem_shared>>) target(%arg10 : memref<64x128xf32, #tpu.memory_space<vmem>>) target_semaphore(%run_scoped3A : memref<!tpu.dma_semaphore, #tpu.memory_space<semaphore_mem>>)
      %dma_wait3A_366 = arith.constant 0 : i32
      %dma_wait3A_367 = tpu.memref_slice %arg13[%add3A_341, %dma_wait3A_366] : memref<10240x128xf32, #tpu.memory_space<vmem_shared>> -> memref<64x128xf32, #tpu.memory_space<vmem_shared>>
      %dma_wait3A_368 = arith.constant 0 : i32
      %dma_wait3A_369 = tpu.memref_slice %arg13[%add3A_341, %dma_wait3A_368] : memref<10240x128xf32, #tpu.memory_space<vmem_shared>> -> memref<64x128xf32, #tpu.memory_space<vmem_shared>>
      tpu.wait_dma2 semaphore(%run_scoped3A : memref<!tpu.dma_semaphore, #tpu.memory_space<semaphore_mem>>) src(%dma_wait3A_369 : memref<64x128xf32, #tpu.memory_space<vmem_shared>>) dst(%arg10 : memref<64x128xf32, #tpu.memory_space<vmem>>)
      tpu.yield
    }) : () -> ()
    "tpu.region"() ({
      %run_scoped3A = tpu.sem_alloc : memref<!tpu.dma_semaphore, #tpu.memory_space<semaphore_mem>>
      %dma_start3A_362 = arith.constant 0 : i32
      %dma_start3A_363 = tpu.memref_slice %arg4[%arg0, %add3A_341, %dma_start3A_362] : memref<2x10240x128xf32, #tpu.memory_space<hbm>> -> memref<1x64x128xf32, #tpu.memory_space<hbm>>
      %dma_start3A_364 = tpu.memref_squeeze %dma_start3A_363 : memref<1x64x128xf32, #tpu.memory_space<hbm>> -> memref<64x128xf32, #tpu.memory_space<hbm>>
      %dma_start3A_365 = arith.constant 0 : i32
      %dma_start3A_366 = tpu.memref_slice %arg4[%arg0, %add3A_341, %dma_start3A_365] : memref<2x10240x128xf32, #tpu.memory_space<hbm>> -> memref<1x64x128xf32, #tpu.memory_space<hbm>>
      %dma_start3A_367 = tpu.memref_squeeze %dma_start3A_366 : memref<1x64x128xf32, #tpu.memory_space<hbm>> -> memref<64x128xf32, #tpu.memory_space<hbm>>
      tpu.enqueue_dma source(%arg10 : memref<64x128xf32, #tpu.memory_space<vmem>>) target(%dma_start3A_367 : memref<64x128xf32, #tpu.memory_space<hbm>>) target_semaphore(%run_scoped3A : memref<!tpu.dma_semaphore, #tpu.memory_space<semaphore_mem>>)
      %dma_wait3A_368 = arith.constant 0 : i32
      %dma_wait3A_369 = tpu.memref_slice %arg4[%arg0, %add3A_341, %dma_wait3A_368] : memref<2x10240x128xf32, #tpu.memory_space<hbm>> -> memref<1x64x128xf32, #tpu.memory_space<hbm>>
      %dma_wait3A_370 = tpu.memref_squeeze %dma_wait3A_369 : memref<1x64x128xf32, #tpu.memory_space<hbm>> -> memref<64x128xf32, #tpu.memory_space<hbm>>
      %dma_wait3A_371 = arith.constant 0 : i32
      %dma_wait3A_372 = tpu.memref_slice %arg4[%arg0, %add3A_341, %dma_wait3A_371] : memref<2x10240x128xf32, #tpu.memory_space<hbm>> -> memref<1x64x128xf32, #tpu.memory_space<hbm>>
      %dma_wait3A_373 = tpu.memref_squeeze %dma_wait3A_372 : memref<1x64x128xf32, #tpu.memory_space<hbm>> -> memref<64x128xf32, #tpu.memory_space<hbm>>
      tpu.wait_dma2 semaphore(%run_scoped3A : memref<!tpu.dma_semaphore, #tpu.memory_space<semaphore_mem>>) src(%arg10 : memref<64x128xf32, #tpu.memory_space<vmem>>) dst(%dma_wait3A_373 : memref<64x128xf32, #tpu.memory_space<hbm>>)
      tpu.yield
    }) : () -> ()
    %mul3A_342 = arith.constant 640 : i32
    %mul3A_343 = arith.muli %arg1, %mul3A_342 : i32
    %add3A_344 = arith.constant 384 : i32
    %add3A_345 = arith.addi %mul3A_343, %add3A_344 : i32
    "tpu.region"() ({
      %run_scoped3A = tpu.sem_alloc : memref<!tpu.dma_semaphore, #tpu.memory_space<semaphore_mem>>
      %dma_start3A_362 = arith.constant 0 : i32
      %dma_start3A_363 = tpu.memref_slice %arg13[%add3A_345, %dma_start3A_362] : memref<10240x128xf32, #tpu.memory_space<vmem_shared>> -> memref<64x128xf32, #tpu.memory_space<vmem_shared>>
      %dma_start3A_364 = arith.constant 0 : i32
      %dma_start3A_365 = tpu.memref_slice %arg13[%add3A_345, %dma_start3A_364] : memref<10240x128xf32, #tpu.memory_space<vmem_shared>> -> memref<64x128xf32, #tpu.memory_space<vmem_shared>>
      tpu.enqueue_dma source(%dma_start3A_365 : memref<64x128xf32, #tpu.memory_space<vmem_shared>>) target(%arg10 : memref<64x128xf32, #tpu.memory_space<vmem>>) target_semaphore(%run_scoped3A : memref<!tpu.dma_semaphore, #tpu.memory_space<semaphore_mem>>)
      %dma_wait3A_366 = arith.constant 0 : i32
      %dma_wait3A_367 = tpu.memref_slice %arg13[%add3A_345, %dma_wait3A_366] : memref<10240x128xf32, #tpu.memory_space<vmem_shared>> -> memref<64x128xf32, #tpu.memory_space<vmem_shared>>
      %dma_wait3A_368 = arith.constant 0 : i32
      %dma_wait3A_369 = tpu.memref_slice %arg13[%add3A_345, %dma_wait3A_368] : memref<10240x128xf32, #tpu.memory_space<vmem_shared>> -> memref<64x128xf32, #tpu.memory_space<vmem_shared>>
      tpu.wait_dma2 semaphore(%run_scoped3A : memref<!tpu.dma_semaphore, #tpu.memory_space<semaphore_mem>>) src(%dma_wait3A_369 : memref<64x128xf32, #tpu.memory_space<vmem_shared>>) dst(%arg10 : memref<64x128xf32, #tpu.memory_space<vmem>>)
      tpu.yield
    }) : () -> ()
    "tpu.region"() ({
      %run_scoped3A = tpu.sem_alloc : memref<!tpu.dma_semaphore, #tpu.memory_space<semaphore_mem>>
      %dma_start3A_362 = arith.constant 0 : i32
      %dma_start3A_363 = tpu.memref_slice %arg4[%arg0, %add3A_345, %dma_start3A_362] : memref<2x10240x128xf32, #tpu.memory_space<hbm>> -> memref<1x64x128xf32, #tpu.memory_space<hbm>>
      %dma_start3A_364 = tpu.memref_squeeze %dma_start3A_363 : memref<1x64x128xf32, #tpu.memory_space<hbm>> -> memref<64x128xf32, #tpu.memory_space<hbm>>
      %dma_start3A_365 = arith.constant 0 : i32
      %dma_start3A_366 = tpu.memref_slice %arg4[%arg0, %add3A_345, %dma_start3A_365] : memref<2x10240x128xf32, #tpu.memory_space<hbm>> -> memref<1x64x128xf32, #tpu.memory_space<hbm>>
      %dma_start3A_367 = tpu.memref_squeeze %dma_start3A_366 : memref<1x64x128xf32, #tpu.memory_space<hbm>> -> memref<64x128xf32, #tpu.memory_space<hbm>>
      tpu.enqueue_dma source(%arg10 : memref<64x128xf32, #tpu.memory_space<vmem>>) target(%dma_start3A_367 : memref<64x128xf32, #tpu.memory_space<hbm>>) target_semaphore(%run_scoped3A : memref<!tpu.dma_semaphore, #tpu.memory_space<semaphore_mem>>)
      %dma_wait3A_368 = arith.constant 0 : i32
      %dma_wait3A_369 = tpu.memref_slice %arg4[%arg0, %add3A_345, %dma_wait3A_368] : memref<2x10240x128xf32, #tpu.memory_space<hbm>> -> memref<1x64x128xf32, #tpu.memory_space<hbm>>
      %dma_wait3A_370 = tpu.memref_squeeze %dma_wait3A_369 : memref<1x64x128xf32, #tpu.memory_space<hbm>> -> memref<64x128xf32, #tpu.memory_space<hbm>>
      %dma_wait3A_371 = arith.constant 0 : i32
      %dma_wait3A_372 = tpu.memref_slice %arg4[%arg0, %add3A_345, %dma_wait3A_371] : memref<2x10240x128xf32, #tpu.memory_space<hbm>> -> memref<1x64x128xf32, #tpu.memory_space<hbm>>
      %dma_wait3A_373 = tpu.memref_squeeze %dma_wait3A_372 : memref<1x64x128xf32, #tpu.memory_space<hbm>> -> memref<64x128xf32, #tpu.memory_space<hbm>>
      tpu.wait_dma2 semaphore(%run_scoped3A : memref<!tpu.dma_semaphore, #tpu.memory_space<semaphore_mem>>) src(%arg10 : memref<64x128xf32, #tpu.memory_space<vmem>>) dst(%dma_wait3A_373 : memref<64x128xf32, #tpu.memory_space<hbm>>)
      tpu.yield
    }) : () -> ()
    %mul3A_346 = arith.constant 640 : i32
    %mul3A_347 = arith.muli %arg1, %mul3A_346 : i32
    %add3A_348 = arith.constant 448 : i32
    %add3A_349 = arith.addi %mul3A_347, %add3A_348 : i32
    "tpu.region"() ({
      %run_scoped3A = tpu.sem_alloc : memref<!tpu.dma_semaphore, #tpu.memory_space<semaphore_mem>>
      %dma_start3A_362 = arith.constant 0 : i32
      %dma_start3A_363 = tpu.memref_slice %arg13[%add3A_349, %dma_start3A_362] : memref<10240x128xf32, #tpu.memory_space<vmem_shared>> -> memref<64x128xf32, #tpu.memory_space<vmem_shared>>
      %dma_start3A_364 = arith.constant 0 : i32
      %dma_start3A_365 = tpu.memref_slice %arg13[%add3A_349, %dma_start3A_364] : memref<10240x128xf32, #tpu.memory_space<vmem_shared>> -> memref<64x128xf32, #tpu.memory_space<vmem_shared>>
      tpu.enqueue_dma source(%dma_start3A_365 : memref<64x128xf32, #tpu.memory_space<vmem_shared>>) target(%arg10 : memref<64x128xf32, #tpu.memory_space<vmem>>) target_semaphore(%run_scoped3A : memref<!tpu.dma_semaphore, #tpu.memory_space<semaphore_mem>>)
      %dma_wait3A_366 = arith.constant 0 : i32
      %dma_wait3A_367 = tpu.memref_slice %arg13[%add3A_349, %dma_wait3A_366] : memref<10240x128xf32, #tpu.memory_space<vmem_shared>> -> memref<64x128xf32, #tpu.memory_space<vmem_shared>>
      %dma_wait3A_368 = arith.constant 0 : i32
      %dma_wait3A_369 = tpu.memref_slice %arg13[%add3A_349, %dma_wait3A_368] : memref<10240x128xf32, #tpu.memory_space<vmem_shared>> -> memref<64x128xf32, #tpu.memory_space<vmem_shared>>
      tpu.wait_dma2 semaphore(%run_scoped3A : memref<!tpu.dma_semaphore, #tpu.memory_space<semaphore_mem>>) src(%dma_wait3A_369 : memref<64x128xf32, #tpu.memory_space<vmem_shared>>) dst(%arg10 : memref<64x128xf32, #tpu.memory_space<vmem>>)
      tpu.yield
    }) : () -> ()
    "tpu.region"() ({
      %run_scoped3A = tpu.sem_alloc : memref<!tpu.dma_semaphore, #tpu.memory_space<semaphore_mem>>
      %dma_start3A_362 = arith.constant 0 : i32
      %dma_start3A_363 = tpu.memref_slice %arg4[%arg0, %add3A_349, %dma_start3A_362] : memref<2x10240x128xf32, #tpu.memory_space<hbm>> -> memref<1x64x128xf32, #tpu.memory_space<hbm>>
      %dma_start3A_364 = tpu.memref_squeeze %dma_start3A_363 : memref<1x64x128xf32, #tpu.memory_space<hbm>> -> memref<64x128xf32, #tpu.memory_space<hbm>>
      %dma_start3A_365 = arith.constant 0 : i32
      %dma_start3A_366 = tpu.memref_slice %arg4[%arg0, %add3A_349, %dma_start3A_365] : memref<2x10240x128xf32, #tpu.memory_space<hbm>> -> memref<1x64x128xf32, #tpu.memory_space<hbm>>
      %dma_start3A_367 = tpu.memref_squeeze %dma_start3A_366 : memref<1x64x128xf32, #tpu.memory_space<hbm>> -> memref<64x128xf32, #tpu.memory_space<hbm>>
      tpu.enqueue_dma source(%arg10 : memref<64x128xf32, #tpu.memory_space<vmem>>) target(%dma_start3A_367 : memref<64x128xf32, #tpu.memory_space<hbm>>) target_semaphore(%run_scoped3A : memref<!tpu.dma_semaphore, #tpu.memory_space<semaphore_mem>>)
      %dma_wait3A_368 = arith.constant 0 : i32
      %dma_wait3A_369 = tpu.memref_slice %arg4[%arg0, %add3A_349, %dma_wait3A_368] : memref<2x10240x128xf32, #tpu.memory_space<hbm>> -> memref<1x64x128xf32, #tpu.memory_space<hbm>>
      %dma_wait3A_370 = tpu.memref_squeeze %dma_wait3A_369 : memref<1x64x128xf32, #tpu.memory_space<hbm>> -> memref<64x128xf32, #tpu.memory_space<hbm>>
      %dma_wait3A_371 = arith.constant 0 : i32
      %dma_wait3A_372 = tpu.memref_slice %arg4[%arg0, %add3A_349, %dma_wait3A_371] : memref<2x10240x128xf32, #tpu.memory_space<hbm>> -> memref<1x64x128xf32, #tpu.memory_space<hbm>>
      %dma_wait3A_373 = tpu.memref_squeeze %dma_wait3A_372 : memref<1x64x128xf32, #tpu.memory_space<hbm>> -> memref<64x128xf32, #tpu.memory_space<hbm>>
      tpu.wait_dma2 semaphore(%run_scoped3A : memref<!tpu.dma_semaphore, #tpu.memory_space<semaphore_mem>>) src(%arg10 : memref<64x128xf32, #tpu.memory_space<vmem>>) dst(%dma_wait3A_373 : memref<64x128xf32, #tpu.memory_space<hbm>>)
      tpu.yield
    }) : () -> ()
    %mul3A_350 = arith.constant 640 : i32
    %mul3A_351 = arith.muli %arg1, %mul3A_350 : i32
    %add3A_352 = arith.constant 512 : i32
    %add3A_353 = arith.addi %mul3A_351, %add3A_352 : i32
    "tpu.region"() ({
      %run_scoped3A = tpu.sem_alloc : memref<!tpu.dma_semaphore, #tpu.memory_space<semaphore_mem>>
      %dma_start3A_362 = arith.constant 0 : i32
      %dma_start3A_363 = tpu.memref_slice %arg13[%add3A_353, %dma_start3A_362] : memref<10240x128xf32, #tpu.memory_space<vmem_shared>> -> memref<64x128xf32, #tpu.memory_space<vmem_shared>>
      %dma_start3A_364 = arith.constant 0 : i32
      %dma_start3A_365 = tpu.memref_slice %arg13[%add3A_353, %dma_start3A_364] : memref<10240x128xf32, #tpu.memory_space<vmem_shared>> -> memref<64x128xf32, #tpu.memory_space<vmem_shared>>
      tpu.enqueue_dma source(%dma_start3A_365 : memref<64x128xf32, #tpu.memory_space<vmem_shared>>) target(%arg10 : memref<64x128xf32, #tpu.memory_space<vmem>>) target_semaphore(%run_scoped3A : memref<!tpu.dma_semaphore, #tpu.memory_space<semaphore_mem>>)
      %dma_wait3A_366 = arith.constant 0 : i32
      %dma_wait3A_367 = tpu.memref_slice %arg13[%add3A_353, %dma_wait3A_366] : memref<10240x128xf32, #tpu.memory_space<vmem_shared>> -> memref<64x128xf32, #tpu.memory_space<vmem_shared>>
      %dma_wait3A_368 = arith.constant 0 : i32
      %dma_wait3A_369 = tpu.memref_slice %arg13[%add3A_353, %dma_wait3A_368] : memref<10240x128xf32, #tpu.memory_space<vmem_shared>> -> memref<64x128xf32, #tpu.memory_space<vmem_shared>>
      tpu.wait_dma2 semaphore(%run_scoped3A : memref<!tpu.dma_semaphore, #tpu.memory_space<semaphore_mem>>) src(%dma_wait3A_369 : memref<64x128xf32, #tpu.memory_space<vmem_shared>>) dst(%arg10 : memref<64x128xf32, #tpu.memory_space<vmem>>)
      tpu.yield
    }) : () -> ()
    "tpu.region"() ({
      %run_scoped3A = tpu.sem_alloc : memref<!tpu.dma_semaphore, #tpu.memory_space<semaphore_mem>>
      %dma_start3A_362 = arith.constant 0 : i32
      %dma_start3A_363 = tpu.memref_slice %arg4[%arg0, %add3A_353, %dma_start3A_362] : memref<2x10240x128xf32, #tpu.memory_space<hbm>> -> memref<1x64x128xf32, #tpu.memory_space<hbm>>
      %dma_start3A_364 = tpu.memref_squeeze %dma_start3A_363 : memref<1x64x128xf32, #tpu.memory_space<hbm>> -> memref<64x128xf32, #tpu.memory_space<hbm>>
      %dma_start3A_365 = arith.constant 0 : i32
      %dma_start3A_366 = tpu.memref_slice %arg4[%arg0, %add3A_353, %dma_start3A_365] : memref<2x10240x128xf32, #tpu.memory_space<hbm>> -> memref<1x64x128xf32, #tpu.memory_space<hbm>>
      %dma_start3A_367 = tpu.memref_squeeze %dma_start3A_366 : memref<1x64x128xf32, #tpu.memory_space<hbm>> -> memref<64x128xf32, #tpu.memory_space<hbm>>
      tpu.enqueue_dma source(%arg10 : memref<64x128xf32, #tpu.memory_space<vmem>>) target(%dma_start3A_367 : memref<64x128xf32, #tpu.memory_space<hbm>>) target_semaphore(%run_scoped3A : memref<!tpu.dma_semaphore, #tpu.memory_space<semaphore_mem>>)
      %dma_wait3A_368 = arith.constant 0 : i32
      %dma_wait3A_369 = tpu.memref_slice %arg4[%arg0, %add3A_353, %dma_wait3A_368] : memref<2x10240x128xf32, #tpu.memory_space<hbm>> -> memref<1x64x128xf32, #tpu.memory_space<hbm>>
      %dma_wait3A_370 = tpu.memref_squeeze %dma_wait3A_369 : memref<1x64x128xf32, #tpu.memory_space<hbm>> -> memref<64x128xf32, #tpu.memory_space<hbm>>
      %dma_wait3A_371 = arith.constant 0 : i32
      %dma_wait3A_372 = tpu.memref_slice %arg4[%arg0, %add3A_353, %dma_wait3A_371] : memref<2x10240x128xf32, #tpu.memory_space<hbm>> -> memref<1x64x128xf32, #tpu.memory_space<hbm>>
      %dma_wait3A_373 = tpu.memref_squeeze %dma_wait3A_372 : memref<1x64x128xf32, #tpu.memory_space<hbm>> -> memref<64x128xf32, #tpu.memory_space<hbm>>
      tpu.wait_dma2 semaphore(%run_scoped3A : memref<!tpu.dma_semaphore, #tpu.memory_space<semaphore_mem>>) src(%arg10 : memref<64x128xf32, #tpu.memory_space<vmem>>) dst(%dma_wait3A_373 : memref<64x128xf32, #tpu.memory_space<hbm>>)
      tpu.yield
    }) : () -> ()
    %mul3A_354 = arith.constant 640 : i32
    %mul3A_355 = arith.muli %arg1, %mul3A_354 : i32
    %add3A_356 = arith.constant 576 : i32
    %add3A_357 = arith.addi %mul3A_355, %add3A_356 : i32
    "tpu.region"() ({
      %run_scoped3A = tpu.sem_alloc : memref<!tpu.dma_semaphore, #tpu.memory_space<semaphore_mem>>
      %dma_start3A_362 = arith.constant 0 : i32
      %dma_start3A_363 = tpu.memref_slice %arg13[%add3A_357, %dma_start3A_362] : memref<10240x128xf32, #tpu.memory_space<vmem_shared>> -> memref<64x128xf32, #tpu.memory_space<vmem_shared>>
      %dma_start3A_364 = arith.constant 0 : i32
      %dma_start3A_365 = tpu.memref_slice %arg13[%add3A_357, %dma_start3A_364] : memref<10240x128xf32, #tpu.memory_space<vmem_shared>> -> memref<64x128xf32, #tpu.memory_space<vmem_shared>>
      tpu.enqueue_dma source(%dma_start3A_365 : memref<64x128xf32, #tpu.memory_space<vmem_shared>>) target(%arg10 : memref<64x128xf32, #tpu.memory_space<vmem>>) target_semaphore(%run_scoped3A : memref<!tpu.dma_semaphore, #tpu.memory_space<semaphore_mem>>)
      %dma_wait3A_366 = arith.constant 0 : i32
      %dma_wait3A_367 = tpu.memref_slice %arg13[%add3A_357, %dma_wait3A_366] : memref<10240x128xf32, #tpu.memory_space<vmem_shared>> -> memref<64x128xf32, #tpu.memory_space<vmem_shared>>
      %dma_wait3A_368 = arith.constant 0 : i32
      %dma_wait3A_369 = tpu.memref_slice %arg13[%add3A_357, %dma_wait3A_368] : memref<10240x128xf32, #tpu.memory_space<vmem_shared>> -> memref<64x128xf32, #tpu.memory_space<vmem_shared>>
      tpu.wait_dma2 semaphore(%run_scoped3A : memref<!tpu.dma_semaphore, #tpu.memory_space<semaphore_mem>>) src(%dma_wait3A_369 : memref<64x128xf32, #tpu.memory_space<vmem_shared>>) dst(%arg10 : memref<64x128xf32, #tpu.memory_space<vmem>>)
      tpu.yield
    }) : () -> ()
    "tpu.region"() ({
      %run_scoped3A = tpu.sem_alloc : memref<!tpu.dma_semaphore, #tpu.memory_space<semaphore_mem>>
      %dma_start3A_362 = arith.constant 0 : i32
      %dma_start3A_363 = tpu.memref_slice %arg4[%arg0, %add3A_357, %dma_start3A_362] : memref<2x10240x128xf32, #tpu.memory_space<hbm>> -> memref<1x64x128xf32, #tpu.memory_space<hbm>>
      %dma_start3A_364 = tpu.memref_squeeze %dma_start3A_363 : memref<1x64x128xf32, #tpu.memory_space<hbm>> -> memref<64x128xf32, #tpu.memory_space<hbm>>
      %dma_start3A_365 = arith.constant 0 : i32
      %dma_start3A_366 = tpu.memref_slice %arg4[%arg0, %add3A_357, %dma_start3A_365] : memref<2x10240x128xf32, #tpu.memory_space<hbm>> -> memref<1x64x128xf32, #tpu.memory_space<hbm>>
      %dma_start3A_367 = tpu.memref_squeeze %dma_start3A_366 : memref<1x64x128xf32, #tpu.memory_space<hbm>> -> memref<64x128xf32, #tpu.memory_space<hbm>>
      tpu.enqueue_dma source(%arg10 : memref<64x128xf32, #tpu.memory_space<vmem>>) target(%dma_start3A_367 : memref<64x128xf32, #tpu.memory_space<hbm>>) target_semaphore(%run_scoped3A : memref<!tpu.dma_semaphore, #tpu.memory_space<semaphore_mem>>)
      %dma_wait3A_368 = arith.constant 0 : i32
      %dma_wait3A_369 = tpu.memref_slice %arg4[%arg0, %add3A_357, %dma_wait3A_368] : memref<2x10240x128xf32, #tpu.memory_space<hbm>> -> memref<1x64x128xf32, #tpu.memory_space<hbm>>
      %dma_wait3A_370 = tpu.memref_squeeze %dma_wait3A_369 : memref<1x64x128xf32, #tpu.memory_space<hbm>> -> memref<64x128xf32, #tpu.memory_space<hbm>>
      %dma_wait3A_371 = arith.constant 0 : i32
      %dma_wait3A_372 = tpu.memref_slice %arg4[%arg0, %add3A_357, %dma_wait3A_371] : memref<2x10240x128xf32, #tpu.memory_space<hbm>> -> memref<1x64x128xf32, #tpu.memory_space<hbm>>
      %dma_wait3A_373 = tpu.memref_squeeze %dma_wait3A_372 : memref<1x64x128xf32, #tpu.memory_space<hbm>> -> memref<64x128xf32, #tpu.memory_space<hbm>>
      tpu.wait_dma2 semaphore(%run_scoped3A : memref<!tpu.dma_semaphore, #tpu.memory_space<semaphore_mem>>) src(%arg10 : memref<64x128xf32, #tpu.memory_space<vmem>>) dst(%dma_wait3A_373 : memref<64x128xf32, #tpu.memory_space<hbm>>)
      tpu.yield
    }) : () -> ()
    %mul3A_358 = arith.constant 640 : i32
    %mul3A_359 = arith.muli %arg1, %mul3A_358 : i32
    "tpu.region"() ({
      %run_scoped3A = tpu.sem_alloc : memref<!tpu.dma_semaphore, #tpu.memory_space<semaphore_mem>>
      %dma_start3A_362 = tpu.memref_slice %arg14[%mul3A_359] : memref<10240xf32, #tpu.memory_space<vmem_shared>> -> memref<640xf32, #tpu.memory_space<vmem_shared>>
      %dma_start3A_363 = tpu.memref_slice %arg14[%mul3A_359] : memref<10240xf32, #tpu.memory_space<vmem_shared>> -> memref<640xf32, #tpu.memory_space<vmem_shared>>
      tpu.enqueue_dma source(%dma_start3A_363 : memref<640xf32, #tpu.memory_space<vmem_shared>>) target(%arg12 : memref<640xf32, #tpu.memory_space<vmem>>) target_semaphore(%run_scoped3A : memref<!tpu.dma_semaphore, #tpu.memory_space<semaphore_mem>>)
      %dma_wait3A_364 = tpu.memref_slice %arg14[%mul3A_359] : memref<10240xf32, #tpu.memory_space<vmem_shared>> -> memref<640xf32, #tpu.memory_space<vmem_shared>>
      %dma_wait3A_365 = tpu.memref_slice %arg14[%mul3A_359] : memref<10240xf32, #tpu.memory_space<vmem_shared>> -> memref<640xf32, #tpu.memory_space<vmem_shared>>
      tpu.wait_dma2 semaphore(%run_scoped3A : memref<!tpu.dma_semaphore, #tpu.memory_space<semaphore_mem>>) src(%dma_wait3A_365 : memref<640xf32, #tpu.memory_space<vmem_shared>>) dst(%arg12 : memref<640xf32, #tpu.memory_space<vmem>>)
      tpu.yield
    }) : () -> ()
    %mul3A_360 = arith.constant 640 : i32
    %mul3A_361 = arith.muli %arg1, %mul3A_360 : i32
    "tpu.region"() ({
      %run_scoped3A = tpu.sem_alloc : memref<!tpu.dma_semaphore, #tpu.memory_space<semaphore_mem>>
      %dma_start3A_362 = tpu.memref_slice %arg5[%arg0, %mul3A_361] : memref<2x10240xf32, #tpu.memory_space<hbm>> -> memref<1x640xf32, #tpu.memory_space<hbm>>
      %dma_start3A_363 = tpu.memref_squeeze %dma_start3A_362 : memref<1x640xf32, #tpu.memory_space<hbm>> -> memref<640xf32, #tpu.memory_space<hbm>>
      %dma_start3A_364 = tpu.memref_slice %arg5[%arg0, %mul3A_361] : memref<2x10240xf32, #tpu.memory_space<hbm>> -> memref<1x640xf32, #tpu.memory_space<hbm>>
      %dma_start3A_365 = tpu.memref_squeeze %dma_start3A_364 : memref<1x640xf32, #tpu.memory_space<hbm>> -> memref<640xf32, #tpu.memory_space<hbm>>
      tpu.enqueue_dma source(%arg12 : memref<640xf32, #tpu.memory_space<vmem>>) target(%dma_start3A_365 : memref<640xf32, #tpu.memory_space<hbm>>) target_semaphore(%run_scoped3A : memref<!tpu.dma_semaphore, #tpu.memory_space<semaphore_mem>>)
      %dma_wait3A_366 = tpu.memref_slice %arg5[%arg0, %mul3A_361] : memref<2x10240xf32, #tpu.memory_space<hbm>> -> memref<1x640xf32, #tpu.memory_space<hbm>>
      %dma_wait3A_367 = tpu.memref_squeeze %dma_wait3A_366 : memref<1x640xf32, #tpu.memory_space<hbm>> -> memref<640xf32, #tpu.memory_space<hbm>>
      %dma_wait3A_368 = tpu.memref_slice %arg5[%arg0, %mul3A_361] : memref<2x10240xf32, #tpu.memory_space<hbm>> -> memref<1x640xf32, #tpu.memory_space<hbm>>
      %dma_wait3A_369 = tpu.memref_squeeze %dma_wait3A_368 : memref<1x640xf32, #tpu.memory_space<hbm>> -> memref<640xf32, #tpu.memory_space<hbm>>
      tpu.wait_dma2 semaphore(%run_scoped3A : memref<!tpu.dma_semaphore, #tpu.memory_space<semaphore_mem>>) src(%arg12 : memref<640xf32, #tpu.memory_space<vmem>>) dst(%dma_wait3A_369 : memref<640xf32, #tpu.memory_space<hbm>>)
      tpu.yield
    }) : () -> ()
    return
  }
}

module attributes {stable_mosaic.version = 14 : i64} {
  func.func @body(%arg0: i32, %arg1: memref<1000x128xf32, #tpu.memory_space<vmem>>, %arg2: memref<1000x128xf32, #tpu.memory_space<vmem>>, %arg3: memref<1000x128xf32, #tpu.memory_space<vmem>>, %arg4: memref<1000x1xf32, #tpu.memory_space<vmem>>, %arg5: memref<1000x1xf32, #tpu.memory_space<vmem>>, %arg6: memref<128x256xf32, #tpu.memory_space<vmem>>, %arg7: memref<1x256xf32, #tpu.memory_space<vmem>>, %arg8: memref<128x256xf32, #tpu.memory_space<vmem>>, %arg9: memref<256x128xf32, #tpu.memory_space<vmem>>, %arg10: memref<256x128xf32, #tpu.memory_space<vmem>>, %arg11: memref<1x128xf32, #tpu.memory_space<vmem>>, %arg12: memref<1000x128xf32, #tpu.memory_space<vmem>>, %arg13: memref<1000x128xf32, #tpu.memory_space<vmem>>) attributes {dimension_semantics = [#tpu.dimension_semantics<arbitrary>], iteration_bounds = array<i64: 10>, scalar_prefetch = 0 : i64, scratch_operands = 0 : i64, tpu.core_type = #tpu.core_type<tc>, window_params = [{transform_indices = @transform_0, window_bounds = array<i64: 1000, 128>}, {transform_indices = @transform_1, window_bounds = array<i64: 1000, 128>}, {transform_indices = @transform_2, window_bounds = array<i64: 1000, 128>}, {transform_indices = @transform_3, window_bounds = array<i64: 1000, 1>}, {transform_indices = @transform_4, window_bounds = array<i64: 1000, 1>}, {pipeline_mode = #tpu.pipeline_mode<synchronous>, transform_indices = @transform_5, window_bounds = array<i64: 128, 256>}, {pipeline_mode = #tpu.pipeline_mode<synchronous>, transform_indices = @transform_6, window_bounds = array<i64: 1, 256>}, {pipeline_mode = #tpu.pipeline_mode<synchronous>, transform_indices = @transform_7, window_bounds = array<i64: 128, 256>}, {pipeline_mode = #tpu.pipeline_mode<synchronous>, transform_indices = @transform_8, window_bounds = array<i64: 256, 128>}, {pipeline_mode = #tpu.pipeline_mode<synchronous>, transform_indices = @transform_9, window_bounds = array<i64: 256, 128>}, {pipeline_mode = #tpu.pipeline_mode<synchronous>, transform_indices = @transform_10, window_bounds = array<i64: 1, 128>}, {transform_indices = @transform_11, window_bounds = array<i64: 1000, 128>}, {transform_indices = @transform_12, window_bounds = array<i64: 1000, 128>}]} {
    %get3A = arith.constant 0 : index
    %get3A_0 = arith.constant 0 : index
    %get3A_1 = vector.load %arg2[%get3A, %get3A_0] : memref<1000x128xf32, #tpu.memory_space<vmem>>, vector<1000x128xf32>
    %get3A_2 = arith.constant 0 : index
    %get3A_3 = arith.constant 0 : index
    %get3A_4 = vector.load %arg3[%get3A_2, %get3A_3] : memref<1000x128xf32, #tpu.memory_space<vmem>>, vector<1000x128xf32>
    %add3A = arith.addf %get3A_1, %get3A_4 : vector<1000x128xf32>
    %get3A_5 = arith.constant 0 : index
    %get3A_6 = arith.constant 0 : index
    %get3A_7 = vector.load %arg4[%get3A_5, %get3A_6] : memref<1000x1xf32, #tpu.memory_space<vmem>>, vector<1000x1xf32>
    %get3A_8 = arith.constant 0 : index
    %get3A_9 = arith.constant 0 : index
    %get3A_10 = vector.load %arg5[%get3A_8, %get3A_9] : memref<1000x1xf32, #tpu.memory_space<vmem>>, vector<1000x1xf32>
    %add3A_11 = arith.addf %get3A_7, %get3A_10 : vector<1000x1xf32>
    %max3A = arith.constant 1.000000e+00 : f32
    %max3A_12 = vector.broadcast %max3A : f32 to vector<1000x1xf32>
    %max3A_13 = arith.maximumf %add3A_11, %max3A_12 : vector<1000x1xf32>
    %div3A = arith.constant 1.000000e+00 : f32
    %div3A_14 = vector.broadcast %div3A : f32 to vector<1000x1xf32>
    %div3A_15 = arith.divf %div3A_14, %max3A_13 : vector<1000x1xf32>
    %get3A_16 = arith.constant 0 : index
    %get3A_17 = arith.constant 0 : index
    %get3A_18 = vector.load %arg1[%get3A_16, %get3A_17] : memref<1000x128xf32, #tpu.memory_space<vmem>>, vector<1000x128xf32>
    %get3A_19 = arith.constant 0 : index
    %get3A_20 = arith.constant 0 : index
    %get3A_21 = vector.load %arg6[%get3A_19, %get3A_20] : memref<128x256xf32, #tpu.memory_space<vmem>>, vector<128x256xf32>
    %dot_general3A = arith.constant dense<0.000000e+00> : vector<1000x256xf32>
    %dot_general3A_22 = tpu.matmul %get3A_18, %get3A_21, %dot_general3A {dimension_numbers = #tpu.dot_dimension_numbers<[1], [0], [0], [1], [0, 0, 1, 1], [], []>, transpose_lhs_hint = false} : vector<1000x128xf32>, vector<128x256xf32>, vector<1000x256xf32> -> vector<1000x256xf32>
    %mul3A = vector.broadcast %div3A_15 : vector<1000x1xf32> to vector<1000x128xf32>
    %mul3A_23 = arith.mulf %add3A, %mul3A : vector<1000x128xf32>
    %get3A_24 = arith.constant 0 : index
    %get3A_25 = arith.constant 0 : index
    %get3A_26 = vector.load %arg8[%get3A_24, %get3A_25] : memref<128x256xf32, #tpu.memory_space<vmem>>, vector<128x256xf32>
    %dot_general3A_27 = arith.constant dense<0.000000e+00> : vector<1000x256xf32>
    %dot_general3A_28 = tpu.matmul %mul3A_23, %get3A_26, %dot_general3A_27 {dimension_numbers = #tpu.dot_dimension_numbers<[1], [0], [0], [1], [0, 0, 1, 1], [], []>, transpose_lhs_hint = false} : vector<1000x128xf32>, vector<128x256xf32>, vector<1000x256xf32> -> vector<1000x256xf32>
    %add3A_29 = arith.addf %dot_general3A_22, %dot_general3A_28 : vector<1000x256xf32>
    %get3A_30 = arith.constant 0 : index
    %get3A_31 = arith.constant 0 : index
    %get3A_32 = vector.load %arg7[%get3A_30, %get3A_31] : memref<1x256xf32, #tpu.memory_space<vmem>>, vector<1x256xf32>
    %add3A_33 = vector.broadcast %get3A_32 : vector<1x256xf32> to vector<1000x256xf32>
    %add3A_34 = arith.addf %add3A_29, %add3A_33 : vector<1000x256xf32>
    %max3A_35 = arith.constant 0.000000e+00 : f32
    %max3A_36 = vector.broadcast %max3A_35 : f32 to vector<1000x256xf32>
    %max3A_37 = arith.maximumf %add3A_34, %max3A_36 : vector<1000x256xf32>
    %get3A_38 = arith.constant 0 : index
    %get3A_39 = arith.constant 0 : index
    %get3A_40 = vector.load %arg9[%get3A_38, %get3A_39] : memref<256x128xf32, #tpu.memory_space<vmem>>, vector<256x128xf32>
    %dot_general3A_41 = arith.constant dense<0.000000e+00> : vector<1000x128xf32>
    %dot_general3A_42 = tpu.matmul %max3A_37, %get3A_40, %dot_general3A_41 {dimension_numbers = #tpu.dot_dimension_numbers<[1], [0], [0], [1], [0, 0, 1, 1], [], []>, transpose_lhs_hint = false} : vector<1000x256xf32>, vector<256x128xf32>, vector<1000x128xf32> -> vector<1000x128xf32>
    %swap3A = arith.constant 0 : index
    %swap3A_43 = arith.constant 0 : index
    %swap3A_44 = vector.load %arg12[%swap3A, %swap3A_43] : memref<1000x128xf32, #tpu.memory_space<vmem>>, vector<1000x128xf32>
    tpu.vector_store %arg12[%swap3A, %swap3A_43], %dot_general3A_42 {strides = array<i32>} : memref<1000x128xf32, #tpu.memory_space<vmem>>, vector<1000x128xf32>,
    %get3A_45 = arith.constant 0 : index
    %get3A_46 = arith.constant 0 : index
    %get3A_47 = vector.load %arg10[%get3A_45, %get3A_46] : memref<256x128xf32, #tpu.memory_space<vmem>>, vector<256x128xf32>
    %dot_general3A_48 = arith.constant dense<0.000000e+00> : vector<1000x128xf32>
    %dot_general3A_49 = tpu.matmul %max3A_37, %get3A_47, %dot_general3A_48 {dimension_numbers = #tpu.dot_dimension_numbers<[1], [0], [0], [1], [0, 0, 1, 1], [], []>, transpose_lhs_hint = false} : vector<1000x256xf32>, vector<256x128xf32>, vector<1000x128xf32> -> vector<1000x128xf32>
    %get3A_50 = arith.constant 0 : index
    %get3A_51 = arith.constant 0 : index
    %get3A_52 = vector.load %arg11[%get3A_50, %get3A_51] : memref<1x128xf32, #tpu.memory_space<vmem>>, vector<1x128xf32>
    %add3A_53 = vector.broadcast %get3A_52 : vector<1x128xf32> to vector<1000x128xf32>
    %add3A_54 = arith.addf %dot_general3A_49, %add3A_53 : vector<1000x128xf32>
    %swap3A_55 = arith.constant 0 : index
    %swap3A_56 = arith.constant 0 : index
    %swap3A_57 = vector.load %arg13[%swap3A_55, %swap3A_56] : memref<1000x128xf32, #tpu.memory_space<vmem>>, vector<1000x128xf32>
    tpu.vector_store %arg13[%swap3A_55, %swap3A_56], %add3A_54 {strides = array<i32>} : memref<1000x128xf32, #tpu.memory_space<vmem>>, vector<1000x128xf32>,
    return
  }
  func.func @transform_0(%arg0: i32) -> (i32, i32) {
    %c0_i32 = arith.constant 0 : i32
    %c0_i32_0 = arith.constant 0 : i32
    return %arg0, %c0_i32 : i32, i32
  }
  func.func @transform_1(%arg0: i32) -> (i32, i32) {
    %c0_i32 = arith.constant 0 : i32
    %c0_i32_0 = arith.constant 0 : i32
    return %arg0, %c0_i32 : i32, i32
  }
  func.func @transform_2(%arg0: i32) -> (i32, i32) {
    %c0_i32 = arith.constant 0 : i32
    %c0_i32_0 = arith.constant 0 : i32
    return %arg0, %c0_i32 : i32, i32
  }
  func.func @transform_3(%arg0: i32) -> (i32, i32) {
    %c0_i32 = arith.constant 0 : i32
    %c0_i32_0 = arith.constant 0 : i32
    return %arg0, %c0_i32 : i32, i32
  }
  func.func @transform_4(%arg0: i32) -> (i32, i32) {
    %c0_i32 = arith.constant 0 : i32
    %c0_i32_0 = arith.constant 0 : i32
    return %arg0, %c0_i32 : i32, i32
  }
  func.func @transform_5(%arg0: i32) -> (i32, i32) {
    %c0_i32 = arith.constant 0 : i32
    %c0_i32_0 = arith.constant 0 : i32
    %c0_i32_1 = arith.constant 0 : i32
    return %c0_i32, %c0_i32_0 : i32, i32
  }
  func.func @transform_6(%arg0: i32) -> (i32, i32) {
    %c0_i32 = arith.constant 0 : i32
    %c0_i32_0 = arith.constant 0 : i32
    %c0_i32_1 = arith.constant 0 : i32
    return %c0_i32, %c0_i32_0 : i32, i32
  }
  func.func @transform_7(%arg0: i32) -> (i32, i32) {
    %c0_i32 = arith.constant 0 : i32
    %c0_i32_0 = arith.constant 0 : i32
    %c0_i32_1 = arith.constant 0 : i32
    return %c0_i32, %c0_i32_0 : i32, i32
  }
  func.func @transform_8(%arg0: i32) -> (i32, i32) {
    %c0_i32 = arith.constant 0 : i32
    %c0_i32_0 = arith.constant 0 : i32
    %c0_i32_1 = arith.constant 0 : i32
    return %c0_i32, %c0_i32_0 : i32, i32
  }
  func.func @transform_9(%arg0: i32) -> (i32, i32) {
    %c0_i32 = arith.constant 0 : i32
    %c0_i32_0 = arith.constant 0 : i32
    %c0_i32_1 = arith.constant 0 : i32
    return %c0_i32, %c0_i32_0 : i32, i32
  }
  func.func @transform_10(%arg0: i32) -> (i32, i32) {
    %c0_i32 = arith.constant 0 : i32
    %c0_i32_0 = arith.constant 0 : i32
    %c0_i32_1 = arith.constant 0 : i32
    return %c0_i32, %c0_i32_0 : i32, i32
  }
  func.func @transform_11(%arg0: i32) -> (i32, i32) {
    %c0_i32 = arith.constant 0 : i32
    %c0_i32_0 = arith.constant 0 : i32
    return %arg0, %c0_i32 : i32, i32
  }
  func.func @transform_12(%arg0: i32) -> (i32, i32) {
    %c0_i32 = arith.constant 0 : i32
    %c0_i32_0 = arith.constant 0 : i32
    return %arg0, %c0_i32 : i32, i32
  }
}

module attributes {stable_mosaic.version = 14 : i64} {
  func.func @body(%arg0: i32, %arg1: memref<1000x128xf32, #tpu.memory_space<vmem>>, %arg2: memref<1000x128xf32, #tpu.memory_space<vmem>>, %arg3: memref<1000x128xf32, #tpu.memory_space<vmem>>, %arg4: memref<1000x1xf32, #tpu.memory_space<vmem>>, %arg5: memref<1000x1xf32, #tpu.memory_space<vmem>>, %arg6: memref<1x1x1000xi32, #tpu.memory_space<vmem>>, %arg7: memref<16x128xf32, #tpu.memory_space<vmem>>, %arg8: memref<16x128xf32, #tpu.memory_space<vmem>>, %arg9: memref<16x128xf32, #tpu.memory_space<vmem>>) attributes {dimension_semantics = [#tpu.dimension_semantics<arbitrary>], iteration_bounds = array<i64: 10>, scalar_prefetch = 0 : i64, scratch_operands = 2 : i64, tpu.core_type = #tpu.core_type<tc>, window_params = [{transform_indices = @transform_0, window_bounds = array<i64: 1000, 128>}, {transform_indices = @transform_1, window_bounds = array<i64: 1000, 128>}, {transform_indices = @transform_2, window_bounds = array<i64: 1000, 128>}, {transform_indices = @transform_3, window_bounds = array<i64: 1000, 1>}, {transform_indices = @transform_4, window_bounds = array<i64: 1000, 1>}, {transform_indices = @transform_5, window_bounds = array<i64: 1, 1, 1000>}, {pipeline_mode = #tpu.pipeline_mode<synchronous>, transform_indices = @transform_6, window_bounds = array<i64: 16, 128>}]} {
    %get3A = arith.constant 0 : index
    %get3A_0 = arith.constant 0 : index
    %get3A_1 = vector.load %arg4[%get3A, %get3A_0] : memref<1000x1xf32, #tpu.memory_space<vmem>>, vector<1000x1xf32>
    %get3A_2 = arith.constant 0 : index
    %get3A_3 = arith.constant 0 : index
    %get3A_4 = vector.load %arg5[%get3A_2, %get3A_3] : memref<1000x1xf32, #tpu.memory_space<vmem>>, vector<1000x1xf32>
    %add3A = arith.addf %get3A_1, %get3A_4 : vector<1000x1xf32>
    %max3A = arith.constant 1.000000e+00 : f32
    %max3A_5 = vector.broadcast %max3A : f32 to vector<1000x1xf32>
    %max3A_6 = arith.maximumf %add3A, %max3A_5 : vector<1000x1xf32>
    %div3A = arith.constant 1.000000e+00 : f32
    %div3A_7 = vector.broadcast %div3A : f32 to vector<1000x1xf32>
    %div3A_8 = arith.divf %div3A_7, %max3A_6 : vector<1000x1xf32>
    %get3A_9 = arith.constant 0 : index
    %get3A_10 = arith.constant 0 : index
    %get3A_11 = vector.load %arg1[%get3A_9, %get3A_10] : memref<1000x128xf32, #tpu.memory_space<vmem>>, vector<1000x128xf32>
    %get3A_12 = arith.constant 0 : index
    %get3A_13 = arith.constant 0 : index
    %get3A_14 = vector.load %arg2[%get3A_12, %get3A_13] : memref<1000x128xf32, #tpu.memory_space<vmem>>, vector<1000x128xf32>
    %get3A_15 = arith.constant 0 : index
    %get3A_16 = arith.constant 0 : index
    %get3A_17 = vector.load %arg3[%get3A_15, %get3A_16] : memref<1000x128xf32, #tpu.memory_space<vmem>>, vector<1000x128xf32>
    %add3A_18 = arith.addf %get3A_14, %get3A_17 : vector<1000x128xf32>
    %mul3A = vector.broadcast %div3A_8 : vector<1000x1xf32> to vector<1000x128xf32>
    %mul3A_19 = arith.mulf %add3A_18, %mul3A : vector<1000x128xf32>
    %add3A_20 = arith.addf %get3A_11, %mul3A_19 : vector<1000x128xf32>
    %get3A_21 = arith.constant 0 : index
    %get3A_22 = arith.constant 0 : index
    %get3A_23 = arith.constant 0 : index
    %get3A_24 = vector.load %arg6[%get3A_21, %get3A_22, %get3A_23] : memref<1x1x1000xi32, #tpu.memory_space<vmem>>, vector<1x1x1000xi32>
    %reshape3A = vector.shape_cast %get3A_24 : vector<1x1x1000xi32> to vector<1x1000xi32>
    %iota3A = tpu.iota {dimensions = array<i32: 0>} : vector<16x1000xi32>
    %broadcast_in_dim3A = vector.shape_cast %reshape3A : vector<1x1000xi32> to vector<1x1000xi32>
    %broadcast_in_dim3A_25 = vector.broadcast %broadcast_in_dim3A : vector<1x1000xi32> to vector<16x1000xi32>
    %eq3A = arith.cmpi eq, %broadcast_in_dim3A_25, %iota3A : vector<16x1000xi32>
    %convert_element_type3A = arith.extui %eq3A : vector<16x1000xi1> to vector<16x1000xi32>
    %convert_element_type3A_26 = arith.sitofp %convert_element_type3A : vector<16x1000xi32> to vector<16x1000xf32>
    %dot_general3A = arith.constant dense<0.000000e+00> : vector<16x128xf32>
    %dot_general3A_27 = tpu.matmul %convert_element_type3A_26, %add3A_20, %dot_general3A {dimension_numbers = #tpu.dot_dimension_numbers<[1], [0], [0], [1], [0, 0, 1, 1], [], []>, transpose_lhs_hint = false} : vector<16x1000xf32>, vector<1000x128xf32>, vector<16x128xf32> -> vector<16x128xf32>
    %broadcast_in_dim3A_28 = arith.constant 1.000000e+00 : f32
    %broadcast_in_dim3A_29 = vector.broadcast %broadcast_in_dim3A_28 : f32 to vector<1000x128xf32>
    %dot_general3A_30 = arith.constant dense<0.000000e+00> : vector<16x128xf32>
    %dot_general3A_31 = tpu.matmul %convert_element_type3A_26, %broadcast_in_dim3A_29, %dot_general3A_30 {dimension_numbers = #tpu.dot_dimension_numbers<[1], [0], [0], [1], [0, 0, 1, 1], [], []>, transpose_lhs_hint = false} : vector<16x1000xf32>, vector<1000x128xf32>, vector<16x128xf32> -> vector<16x128xf32>
    %eq3A_32 = arith.constant 0 : i32
    %eq3A_33 = arith.cmpi eq, %arg0, %eq3A_32 : i32
    %convert_element_type3A_34 = arith.extui %eq3A_33 : i1 to i32
    %cond3A = arith.constant 0 : i32
    %cond3A_35 = arith.cmpi ne, %convert_element_type3A_34, %cond3A : i32
    scf.if %cond3A_35 {
      %swap3A = arith.constant 0 : index
      %swap3A_45 = arith.constant 0 : index
      %swap3A_46 = vector.load %arg8[%swap3A, %swap3A_45] : memref<16x128xf32, #tpu.memory_space<vmem>>, vector<16x128xf32>
      tpu.vector_store %arg8[%swap3A, %swap3A_45], %dot_general3A_27 {strides = array<i32>} : memref<16x128xf32, #tpu.memory_space<vmem>>, vector<16x128xf32>,
      %swap3A_47 = arith.constant 0 : index
      %swap3A_48 = arith.constant 0 : index
      %swap3A_49 = vector.load %arg9[%swap3A_47, %swap3A_48] : memref<16x128xf32, #tpu.memory_space<vmem>>, vector<16x128xf32>
      tpu.vector_store %arg9[%swap3A_47, %swap3A_48], %dot_general3A_31 {strides = array<i32>} : memref<16x128xf32, #tpu.memory_space<vmem>>, vector<16x128xf32>,
    } else {
    }
    %gt3A = arith.constant 0 : i32
    %gt3A_36 = arith.cmpi sgt, %arg0, %gt3A : i32
    %convert_element_type3A_37 = arith.extui %gt3A_36 : i1 to i32
    %cond3A_38 = arith.constant 0 : i32
    %cond3A_39 = arith.cmpi ne, %convert_element_type3A_37, %cond3A_38 : i32
    scf.if %cond3A_39 {
      %get3A_45 = arith.constant 0 : index
      %get3A_46 = arith.constant 0 : index
      %get3A_47 = vector.load %arg8[%get3A_45, %get3A_46] : memref<16x128xf32, #tpu.memory_space<vmem>>, vector<16x128xf32>
      %add3A_48 = arith.addf %get3A_47, %dot_general3A_27 : vector<16x128xf32>
      %swap3A = arith.constant 0 : index
      %swap3A_49 = arith.constant 0 : index
      %swap3A_50 = vector.load %arg8[%swap3A, %swap3A_49] : memref<16x128xf32, #tpu.memory_space<vmem>>, vector<16x128xf32>
      tpu.vector_store %arg8[%swap3A, %swap3A_49], %add3A_48 {strides = array<i32>} : memref<16x128xf32, #tpu.memory_space<vmem>>, vector<16x128xf32>,
      %get3A_51 = arith.constant 0 : index
      %get3A_52 = arith.constant 0 : index
      %get3A_53 = vector.load %arg9[%get3A_51, %get3A_52] : memref<16x128xf32, #tpu.memory_space<vmem>>, vector<16x128xf32>
      %add3A_54 = arith.addf %get3A_53, %dot_general3A_31 : vector<16x128xf32>
      %swap3A_55 = arith.constant 0 : index
      %swap3A_56 = arith.constant 0 : index
      %swap3A_57 = vector.load %arg9[%swap3A_55, %swap3A_56] : memref<16x128xf32, #tpu.memory_space<vmem>>, vector<16x128xf32>
      tpu.vector_store %arg9[%swap3A_55, %swap3A_56], %add3A_54 {strides = array<i32>} : memref<16x128xf32, #tpu.memory_space<vmem>>, vector<16x128xf32>,
    } else {
    }
    %eq3A_40 = arith.constant 9 : i32
    %eq3A_41 = arith.cmpi eq, %arg0, %eq3A_40 : i32
    %convert_element_type3A_42 = arith.extui %eq3A_41 : i1 to i32
    %cond3A_43 = arith.constant 0 : i32
    %cond3A_44 = arith.cmpi ne, %convert_element_type3A_42, %cond3A_43 : i32
    scf.if %cond3A_44 {
      %get3A_45 = arith.constant 0 : index
      %get3A_46 = arith.constant 0 : index
      %get3A_47 = vector.load %arg8[%get3A_45, %get3A_46] : memref<16x128xf32, #tpu.memory_space<vmem>>, vector<16x128xf32>
      %get3A_48 = arith.constant 0 : index
      %get3A_49 = arith.constant 0 : index
      %get3A_50 = vector.load %arg9[%get3A_48, %get3A_49] : memref<16x128xf32, #tpu.memory_space<vmem>>, vector<16x128xf32>
      %max3A_51 = arith.constant 1.000000e+00 : f32
      %max3A_52 = vector.broadcast %max3A_51 : f32 to vector<16x128xf32>
      %max3A_53 = arith.maximumf %get3A_50, %max3A_52 : vector<16x128xf32>
      %div3A_54 = arith.divf %get3A_47, %max3A_53 : vector<16x128xf32>
      %swap3A = arith.constant 0 : index
      %swap3A_55 = arith.constant 0 : index
      %swap3A_56 = vector.load %arg7[%swap3A, %swap3A_55] : memref<16x128xf32, #tpu.memory_space<vmem>>, vector<16x128xf32>
      tpu.vector_store %arg7[%swap3A, %swap3A_55], %div3A_54 {strides = array<i32>} : memref<16x128xf32, #tpu.memory_space<vmem>>, vector<16x128xf32>,
    } else {
    }
    return
  }
  func.func @transform_0(%arg0: i32) -> (i32, i32) {
    %c0_i32 = arith.constant 0 : i32
    %c0_i32_0 = arith.constant 0 : i32
    return %arg0, %c0_i32 : i32, i32
  }
  func.func @transform_1(%arg0: i32) -> (i32, i32) {
    %c0_i32 = arith.constant 0 : i32
    %c0_i32_0 = arith.constant 0 : i32
    return %arg0, %c0_i32 : i32, i32
  }
  func.func @transform_2(%arg0: i32) -> (i32, i32) {
    %c0_i32 = arith.constant 0 : i32
    %c0_i32_0 = arith.constant 0 : i32
    return %arg0, %c0_i32 : i32, i32
  }
  func.func @transform_3(%arg0: i32) -> (i32, i32) {
    %c0_i32 = arith.constant 0 : i32
    %c0_i32_0 = arith.constant 0 : i32
    return %arg0, %c0_i32 : i32, i32
  }
  func.func @transform_4(%arg0: i32) -> (i32, i32) {
    %c0_i32 = arith.constant 0 : i32
    %c0_i32_0 = arith.constant 0 : i32
    return %arg0, %c0_i32 : i32, i32
  }
  func.func @transform_5(%arg0: i32) -> (i32, i32, i32) {
    %c0_i32 = arith.constant 0 : i32
    %c0_i32_0 = arith.constant 0 : i32
    %c0_i32_1 = arith.constant 0 : i32
    return %arg0, %c0_i32, %c0_i32_0 : i32, i32, i32
  }
  func.func @transform_6(%arg0: i32) -> (i32, i32) {
    %c0_i32 = arith.constant 0 : i32
    %c0_i32_0 = arith.constant 0 : i32
    %c0_i32_1 = arith.constant 0 : i32
    return %c0_i32, %c0_i32_0 : i32, i32
  }
}

</mosaic_0001>

<sc_bundles>
// kernel: kernel.6.cloned.1.call-start
scs
__scs_entry_jumppad:
0x0: {  	(pc) =	sbr.rel $0x88, $3  }
0x1: {  	(tag) =	ssettag $0x0;
	lr =	simm.s32 $0x1  }
0x2: {  	[smem:$0x3F98] =	sst lr;
	_ =	strace $0xD0000000  }
0x3: {  	_ = 	snop  }
0x4: {  	_ = 	snop  }
0x5: {  	_ = 	snop  }
0x6: {  	_ = 	snop  }
0x7: {  	_ = 	snop  }
__scs_overlays_trampoline_lowered:
0x8: {  	[smem:$0x3FA7] =	sst s0  }
0x9: {  	[smem:$0x3FA8] =	sst s1  }
0xa: {  	[smem:$0x3FA9] =	sst s2  }
0xb: {  	[smem:$0x3FAA] =	sst s3  }
0xc: {  	[smem:$0x3FAB] =	sst s4  }
0xd: {  	[smem:$0x3FAC] =	sst s5  }
0xe: {  	[smem:$0x3FAD] =	sst s6  }
0xf: {  	[smem:$0x3FAE] =	sst s7  }
0x10: {  	[smem:$0x3FAF] =	sst s8  }
0x11: {  	[smem:$0x3FB0] =	sst s9;
	s0 =	simm.s32 @!p0 $0x0  }
0x12: {  	s1 =	sld [smem:$0x3F96];
	s0 =	simm.s32 @p0 $0x1  }
0x13: {  	[smem:$0x3FB1] =	sst s0;
	s0 =	simm.s32 @!p1 $0x0  }
0x14: {  	s2 =	sld [smem:$0x3F95];
	s0 =	simm.s32 @p1 $0x1  }
0x15: {  	[smem:$0x3FB2] =	sst s0;
	s0 =	simm.s32 @!p2 $0x0  }
0x16: {  	s3 =	sld [smem:$0x3FDB];
	s0 =	simm.s32 @p2 $0x1  }
0x17: {  	s4 =	simm.s32 $0x1BF5;
	[smem:$0x3FB4] =	sst s0  }
0x18: {  	s0 =	sld [smem:$0x3F97];
	_ =	swait.ge [sflag:s4], $0x0  }
0x19: {  	s7 =	sld [smem:$0x3F98]  }
0x1a: {  	s8 =	sadd.s32 $0xFFFFE003, lr  }
0x1b: {  	s9 =	sadd.s32 $0xFFFFFEF7, lr;
	s5 =	simm.s32 $0xFFFFFFFF;
	p2 =	slt.u32 s8, $0xFFFFF086  }
0x1c: {  	p1 =	slt.u32 s9, $0xF7A;
	s5 =	simm.s32 @!p2 $0x0  }
0x1d: {  	s5 =	simm.s32 @p1 $0x1;
	p0 =	seq.s32 s7, s2  }
0x1e: {  	s7 =	smul.u32 @!p0 $0xF7A, s2;
	p2 =	seq.s32 @!p0 s5, $0x0  }
0x1f: {  	s9 =	smul.u32 $0xF7A, s1;
	s8 =	simm.s32 @!p0 $0x1BF5;
	p2 =	por !p2, p0  }
0x20: {  	[sflag:s8] =	ssyncset.s32 @!p0 $0xFFFFF086;
	s6 =	sadd.s32 @!p0 s3, s7;
	s7 =	simm.s32 @!p0 $0x108  }
0x21: {  	s3 =	sadd.s32 s3, s9;
	s6 =	sadd.s32 @!p0 $0x88, s6;
	s7 =	simm.s32 @p2 $0x1082  }
0x22: {  	[simem:s7], [sflag:s8] =	dma.local @!p0 [hbm:s6], $0xF7A  }
0x23: {  	s9 =	sor.u32 $0xD0000000, s2;
	s6 =	simm.s32 $0x108;
	_ =	swait.ge @!p0 [sflag:s8], $0x0  }
0x24: {  	s3 =	sadd.s32 $0x88, s3;
	s6 =	simm.s32 @!p1 $0x1082;
	[sflag:s4] =	ssyncset.s32 $0xFFFFF086  }
0x25: {  	[simem:s6], [sflag:s4] =	dma.local [hbm:s3], $0xF7A  }
0x26: {  	[smem:$0x3F98] =	sst s1;
	(tag) =	ssettag s2;
	_ =	strace s9  }
0x27: {  	s1 =	sld [smem:$0x3FA8]  }
0x28: {  	s2 =	sld [smem:$0x3FA9]  }
0x29: {  	s4 =	sld [smem:$0x3FAB]  }
0x2a: {  	p0 =	seq.s32 s5, $0x0;
	s5 =	sld [smem:$0x3FAC]  }
0x2b: {  	s6 =	sld [smem:$0x3FAD]  }
0x2c: {  	s7 =	sld [smem:$0x3FAE]  }
0x2d: {  	s3 =	simm.s32 $0x108;
	s8 =	sld [smem:$0x3FAF]  }
0x2e: {  	s3 =	simm.s32 @!p0 $0x1082;
	s9 =	sld [smem:$0x3FB0]  }
0x2f: {  	lr =	sadd.s32 s0, s3;
	s0 =	sld [smem:$0x3FA7]  }
0x30: {  	s3 =	sld [smem:$0x3FAA]  }
0x31: {  	[smem:$0x3FB3] =	sst s10  }
0x32: {  	s10 =	sld [smem:$0x3FB1];
	_ =	sdelay $0x3  }
0x33: {  	p0 =	seq.s32 s10, $0x1;
	s10 =	sld [smem:$0x3FB3];
	_ =	sdelay $0x3  }
0x34: {  	[smem:$0x3FB3] =	sst s10  }
0x35: {  	s10 =	sld [smem:$0x3FB2];
	_ =	sdelay $0x3  }
0x36: {  	p1 =	seq.s32 s10, $0x1;
	s10 =	sld [smem:$0x3FB3];
	_ =	sdelay $0x3  }
0x37: {  	[smem:$0x3FB3] =	sst s10  }
0x38: {  	s10 =	sld [smem:$0x3FB4]  }
0x39: {  	_ = 	snop;
	(pc) =	sbr.ind lr, $3  }
0x3a: {  	_ = 	snop  }
0x3b: {  	_ = 	snop  }
0x3c: {  	p2 =	seq.s32 s10, $0x1;
	s10 =	sld [smem:$0x3FB3]  }
0x3d: {  	_ =	shalt  }
0x3e: {  	_ =	shalt  }
0x3f: {  	_ =	shalt  }
0x40: {  	_ =	shalt  }
0x41: {  	_ =	shalt  }
0x42: {  	_ =	shalt  }
0x43: {  	_ =	shalt  }
0x44: {  	_ =	shalt  }
0x45: {  	_ =	shalt  }
0x46: {  	_ =	shalt  }
0x47: {  	_ =	shalt  }
0x48: {  	_ =	shalt  }
0x49: {  	_ =	shalt  }
0x4a: {  	_ =	shalt  }
0x4b: {  	_ =	shalt  }
0x4c: {  	_ =	shalt  }
0x4d: {  	_ =	shalt  }
0x4e: {  	_ =	shalt  }
0x4f: {  	_ =	shalt  }
0x50: {  	_ =	shalt  }
0x51: {  	_ =	shalt  }
0x52: {  	_ =	shalt  }
0x53: {  	_ =	shalt  }
0x54: {  	_ =	shalt  }
0x55: {  	_ =	shalt  }
0x56: {  	_ =	shalt  }
0x57: {  	_ =	shalt  }
0x58: {  	_ =	shalt  }
0x59: {  	_ =	shalt  }
0x5a: {  	_ =	shalt  }
0x5b: {  	_ =	shalt  }
0x5c: {  	_ =	shalt  }
0x5d: {  	_ =	shalt  }
0x5e: {  	_ =	shalt  }
0x5f: {  	_ =	shalt  }
0x60: {  	_ =	shalt  }
0x61: {  	_ =	shalt  }
0x62: {  	_ =	shalt  }
0x63: {  	_ =	shalt  }
0x64: {  	_ =	shalt  }
0x65: {  	_ =	shalt  }
0x66: {  	_ =	shalt  }
0x67: {  	_ =	shalt  }
0x68: {  	_ =	shalt  }
0x69: {  	_ =	shalt  }
0x6a: {  	_ =	shalt  }
0x6b: {  	_ =	shalt  }
0x6c: {  	_ =	shalt  }
0x6d: {  	_ =	shalt  }
0x6e: {  	_ =	shalt  }
0x6f: {  	_ =	shalt  }
0x70: {  	_ =	shalt  }
0x71: {  	_ =	shalt  }
0x72: {  	_ =	shalt  }
0x73: {  	_ =	shalt  }
0x74: {  	_ =	shalt  }
0x75: {  	_ =	shalt  }
0x76: {  	_ =	shalt  }
0x77: {  	_ =	shalt  }
0x78: {  	_ =	shalt  }
0x79: {  	_ =	shalt  }
0x7a: {  	_ =	shalt  }
0x7b: {  	_ =	shalt  }
0x7c: {  	_ =	shalt  }
0x7d: {  	_ =	shalt  }
0x7e: {  	_ =	shalt  }
0x7f: {  	_ =	shalt  }
0x80: {  	_ =	shalt  }
0x81: {  	_ =	shalt  }
0x82: {  	_ =	shalt  }
0x83: {  	_ =	shalt  }
0x84: {  	_ =	shalt  }
0x85: {  	_ =	shalt  }
0x86: {  	_ =	shalt  }
0x87: {  	_ =	shalt  }
.Lfunc_end0:
.L_simem_size_0:
called_computation_lowered:
.L_overlay_start_0:
0x88: {  	s2 =	sld [smem:$0x3FD9]  }
0x89: {  	s3 =	sld [smem:$0x3FFE];
	_ =	sdelay $0x1  }
0x8a: {  	s1 =	srdreg.scid  }
0x8b: {  	s0 =	sand.u32 $0x1, s1  }
0x8c: {  	s17 =	sshll.u32 s0, $0xA;
	s2 =	sadd.s32 s3, s2  }
0x8d: {  	s2 =	sadd.s32 s2, s17  }
0x8e: {  	[smem:$0x3FBF] =	sst s2  }
0x8f: {  	_ = 	snop  }
0x90: {  	s2 =	sld [smem:$0x3FC9];
	(tm) =	ssettm $0x1  }
0x91: {  	s18 =	sld [smem:$0x3FFB];
	_ =	sdelay $0x3  }
0x92: {  	_ =	strace s18  }
0x93: {  	s3 =	sld [smem:$0x3FFC];
	_ =	sdelay $0x3  }
0x94: {  	_ =	strace s3  }
0x95: {  	s3 =	sld [smem:$0x3FFD];
	_ =	sdelay $0x3  }
0x96: {  	_ =	strace s3  }
0x97: {  	_ =	strace $0x8FFFFFFF  }
0x98: {  	s19 =	sld [smem:$0x3FDB];
	_ =	sdelay $0x1  }
0x99: {  	s4 =	simm.s32 $_scs_section_size  }
0x9a: {  	s5 =	simm.s32 $_size__tile_overlayer_lowered;
	s6 =	simm.s32 $_tile_overlayer_lowered  }
0x9b: {  	s22 =	simm.s32 $0x1BFF;
	s21 =	sshll.u32 s6, $0x1;
	s3 =	sadd.s32 s4, s19  }
0x9c: {  	s7 =	simm.s32 $0x0;
	s20 =	sshll.u32 s5, $0x1;
	s5 =	sadd.s32 s21, s3  }
0x9d: {  	[timem:s7], [sflag:s22] =	dma.local [hbm:s5], s20  }
0x9e: {  	_ =	swait.ge [sflag:s22], s20  }
0x9f: {  	s4 =	ssub.s32 $0x0, s20;
	[sflag:s22] =	ssyncset.done $0x0  }
0xa0: {  	[sflag:s22] =	ssyncadd.s32 s4;
	_ =	sdelay $0x1  }
0xa1: {  	s23 =	simm.s32 $0x1B8B  }
0xa2: {  	_ =	swait.ge [sflag:s23], $0x1  }
0xa3: {  	[sflag:s23] =	ssyncset.done $0x0  }
0xa4: {  	s25 =	simm.s32 $0x1B8E;
	s24 =	sld [smem:$0x3FFE];
	[sflag:s23] =	ssyncadd.s32 $0xFFFFFFFF  }
0xa5: {  	s26 =	simm.s32 $execute0_lowered;
	[smem:$0x3FD2] =	sst s25  }
0xa6: {  	s5 =	sshll.u32 s26, $0x1;
	_ =	strace $0x80000046;
	[dreg:$0x1] =	wrdreg $0xFFFFFFFF  }
0xa7: {  	s28 =	simm.s32 $_size_execute0_lowered;
	s3 =	sadd.s32 s3, s5;
	[dreg:$0x0] =	wrdreg $0x0  }
0xa8: {  	s5 =	sshll.u32 s28, $0x1;
	[dreg:$0x2] =	wrdreg s3  }
0xa9: {  	[dreg:$0x3] =	wrdreg s5  }
0xaa: {  	[dreg:$0x4] =	wrdreg $0xC0  }
0xab: {  	_ =	task [dreg:s7], $0x5FFFF  }
0xac: {  	[dreg:$0x1] =	wrdreg $0xFFFFFFFF  }
0xad: {  	[dreg:$0x0] =	wrdreg $0x60  }
0xae: {  	[dreg:$0x2] =	wrdreg s2  }
0xaf: {  	[dreg:$0x3] =	wrdreg s24  }
0xb0: {  	[dreg:$0x4] =	wrdreg $0xA1000  }
0xb1: {  	[dreg:$0x5] =	wrdreg $0x1E1000  }
0xb2: {  	[dreg:$0x6] =	wrdreg $0x9  }
0xb3: {  	_ =	task.clear_ibuf [dreg:s7], $0x7FFFF;
	_ =	strace $0x90000046  }
0xb4: {  	s29 =	simm.s32 $0x9;
	_ =	strace $0x80000048  }
0xb5: {  	_ =	swait.ge [sflag:s29], $0x1  }
0xb6: {  	[sflag:s29] =	ssyncadd.s32 $0xFFFFFFFF  }
0xb7: {  	_ =	strace $0x90000048  }
0xb8: {  	_ =	sfence  }
0xb9: {  	s30 =	sld [smem:$0x0];
	_ =	sdelay $0x2  }
0xba: {  	s31 =	sshll.u32 s1, $0xD;
	s1 =	sshrl.u32 s1, $0x2  }
0xbb: {  	s3 =	sand.u32 $0x4000, s31;
	s1 =	sadd.s32 s1, s30  }
0xbc: {  	s0 =	sor.u32 s3, s0;
	s1 =	sshll.u32 s1, $0x11  }
0xbd: {  	s0 =	sor.u32 s1, s0  }
0xbe: {  	s0 =	sadd.s32 $0x8F2B, s0  }
0xbf: {  	[sflag:s0] =	ssyncadd.remote.s32 $0x1  }
0xc0: {  	_ =	sfence.sel $0xFFFF  }
0xc1: {  	[dreg:$0x0] =	wrdreg $0xFFFFFFFF;
	(pc) =	sbr.abs _section_cstart, $3  }
0xc2: {  	[dreg:$0x1] =	wrdreg $0xFFFFFFFF  }
0xc3: {  	_ =	task.clear_ibuf [dreg:s7], $0x2FFFF;
	_ =	strace $0x9FFFFFFF  }
0xc4: {  	(tm) =	ssettm $0x7FFFFFFF  }
0xc5: {  	_ =	shalt  }
tec
execute0_lowered:
.L_overlay_start_1:
0x0: {  	(tag) =	ssettag $0x1  }
0x1: {  	s4 =	rddreg [dreg:$0x1];
	s17 =	stileid.u32  }
0x2: {  	s1 =	simm.s32 $0x0;
	s0 =	srdreg.scid;
	s31 =	simm.s32 $0x280  }
0x3: {  	s30 =	simm.s32 $0x5;
	s2 =	smul.u32 $0x500, s17;
	[smem:$0x7FF] =	sst s1  }
0x4: {  	s5 =	sand.u32 $0x1, s0;
	s0 =	smul.u32 $0x280, s17;
	s6 =	sadd.s32 $0x12E00, s4  }
0x5: {  	s15 =	smul.u32 $0x14000, s17;
	s11 =	sshll.u32 s17, $0xF;
	s7 =	ssub.s32 $0x2, s5  }
0x6: {  	s3 =	sshll.u32 s5, $0x7;
	s14 =	sshrl.u32 s7, $0x1;
	s9 =	sshll.u32 s0, $0x7  }
0x7: {  	s8 =	sor.u32 s3, s2;
	s3 =	ssub.s32 s7, s14;
	s7 =	sor.u32 $0x2000, s9  }
0x8: {  	s10 =	sadd.s32 $0x4000, s9;
	s12 =	sadd.s32 $0x6000, s9;
	s13 =	sadd.s32 $0x8000, s9  }
0x9: {  	s14 =	smul.u32 $0x140000, s5;
	s16 =	sadd.s32 $0xA000, s9;
	s18 =	sadd.s32 $0xC000, s9  }
0xa: {  	s19 =	sadd.s32 $0xE000, s9;
	s20 =	sadd.s32 $0x10000, s9;
	s5 =	sshll.u32 s5, $0xE  }
0xb: {  	s9 =	sadd.s32 $0x12000, s9;
	s2 =	sor.u32 s5, s11;
	s15 =	sadd.s32 s15, s14  }
0xc: {  	s22 =	sadd.s32 s14, s7;
	s24 =	sadd.s32 s14, s10;
	s26 =	sadd.s32 s14, s12  }
0xd: {  	s29 =	sadd.s32 s14, s13;
	s21 =	sshrl.u32 s15, $0x3;
	s23 =	sshrl.u32 s22, $0x3  }
0xe: {  	s25 =	sshrl.u32 s24, $0x3;
	s28 =	sshrl.u32 s26, $0x3;
	s11 =	sshrl.u32 s29, $0x3  }
0xf: {  	s15 =	sadd.s32 s14, s16;
	s22 =	sadd.s32 s14, s18;
	s24 =	sadd.s32 s14, s19  }
0x10: {  	s26 =	sadd.s32 s14, s20;
	s29 =	sadd.s32 s14, s9;
	s14 =	rddreg [dreg:$0x2]  }
0x11: {  	s5 =	sadd.s32 s6, s21;
	s21 =	sshrl.u32 s15, $0x3;
	s15 =	rddreg [dreg:$0x3]  }
0x12: {  	s17 =	smul.u32 $0x50000, s17;
	[dreg:$0x5] =	wrdreg s5;
	s5 =	sadd.s32 s6, s23  }
0x13: {  	s3 =	smax.u32 s3, $0x1;
	[dreg:$0x6] =	wrdreg s5;
	s5 =	sadd.s32 s6, s25  }
0x14: {  	s10 =	sadd.s32 s10, s14;
	[dreg:$0x7] =	wrdreg s5;
	s5 =	sadd.s32 s6, s28  }
0x15: {  	s12 =	sadd.s32 s12, s14;
	[dreg:$0x8] =	wrdreg s5;
	s5 =	sadd.s32 s6, s11  }
0x16: {  	s23 =	sshrl.u32 s22, $0x3;
	[dreg:$0x9] =	wrdreg s5;
	s5 =	sadd.s32 s6, s21  }
0x17: {  	s25 =	sshrl.u32 s24, $0x3;
	[dreg:$0xa] =	wrdreg s5;
	s5 =	sadd.s32 s6, s23  }
0x18: {  	s28 =	sshrl.u32 s26, $0x3;
	[dreg:$0xb] =	wrdreg s5;
	s5 =	sadd.s32 s6, s25  }
0x19: {  	s13 =	sadd.s32 s13, s14;
	[dreg:$0xc] =	wrdreg s5;
	s5 =	sadd.s32 s6, s28  }
0x1a: {  	s16 =	sadd.s32 s16, s14;
	[dreg:$0xd] =	wrdreg s5;
	s5 =	sshrl.u32 s29, $0x3  }
0x1b: {  	s18 =	sadd.s32 s18, s14;
	s11 =	rddreg [dreg:$0x0];
	s5 =	sadd.s32 s6, s5  }
0x1c: {  	s19 =	sadd.s32 s19, s14;
	s22 =	sadd.s32 s9, s14;
	[dreg:$0xe] =	wrdreg s5  }
0x1d: {  	s0 =	sadd.s32 s0, s15;
	_ =	strace $0x80000047;
	[dreg:$0xf] =	wrdreg s10  }
0x1e: {  	s9 =	simm.s32 $0x3;
	s24 =	sadd.s32 s7, s14;
	[dreg:$0x10] =	wrdreg s12  }
0x1f: {  	s7 =	simm.s32 $0x80;
	s21 =	sadd.s32 s20, s14;
	[dreg:$0x11] =	wrdreg s13  }
0x20: {  	s20 =	simm.s32 $0x0;
	s25 =	sshrl.u32 s2, $0x3;
	[dreg:$0x12] =	wrdreg s16  }
0x21: {  	s6 =	sshrl.u32 s8, $0x3;
	s8 =	sshrl.u32 s17, $0x2;
	[dreg:$0x13] =	wrdreg s18  }
0x22: {  	s17 =	sadd.s32 $0x2E00, s4;
	s5 =	sadd.s32 s6, s4;
	[dreg:$0x14] =	wrdreg s19  }
0x23: {  	s23 =	sadd.s32 s8, s14;
	s26 =	sadd.s32 s17, s25;
	[dreg:$0x15] =	wrdreg s21  }
0x24: {  	s4 =	simm.s32 $0x7E00;
	s25 =	simm.s32 $0x9E80;
	[dreg:$0x16] =	wrdreg s22  }
0x25: {  	s8 =	simm.s32 $0x2E00;
	s6 =	simm.s32 $0x480;
	[dreg:$0x17] =	wrdreg s0  }
0x26: {  	s28 =	sadd.s32 $0x62E00, s5;
	[dreg:$0x1a] =	wrdreg s3;
	s29 =	sadd.s32 $0x10, s26  }
.Ltmp0:
0x27: {  	[dreg:$0x18] =	wrdreg s26;
	s0 =	sadd.s32 $0x20, s26;
	(pc) =	sbr.rel .LBB2_1-.Ltmp0, $4  }
0x28: {  	s5 =	simm.s32 $0xD;
	s10 =	simm.s32 $0x50;
	s12 =	simm.s32 $0x600  }
0x29: {  	s16 =	simm.s32 $0x2;
	s13 =	simm.s32 $0x4;
	[dreg:$0x19] =	wrdreg s28  }
0x2a: {  	s3 =	simm.s32 $0x9E00;
	s18 =	simm.s32 $0x300;
	[dreg:$0x1b] =	wrdreg s29  }
0x2b: {  	v0 =	vimm.f32 $0.0e+00;
	v1 =	vimm.f32 $1.000000000e+00;
	s19 =	simm.s32 $0x5600;
	[dreg:$0x1c] =	wrdreg s0;
	s0 =	simm.s32 $0x400  }
.LBB2_8:
0x2c: {  	s21 =	simm.s32 $0x7  }
0x2d: {  	_ =	swait.ge [sflag:s21], $0x2800  }
0x2e: {  	[sflag:s21] =	ssyncset.done $0x0  }
0x2f: {  	s22 =	simm.s32 $0xA;
	[sflag:s21] =	ssyncadd.s32 $0xFFFFD800  }
0x30: {  	_ =	swait.ge [sflag:s22], $0x50  }
0x31: {  	[sflag:s22] =	ssyncset.done $0x0  }
0x32: {  	s23 =	simm.s32 $0x8;
	[sflag:s22] =	ssyncadd.s32 $0xFFFFFFB0  }
0x33: {  	_ =	swait.ge [sflag:s23], $0x2800  }
0x34: {  	[sflag:s23] =	ssyncset.done $0x0  }
0x35: {  	s24 =	simm.s32 $0xB;
	[sflag:s23] =	ssyncadd.s32 $0xFFFFD800  }
0x36: {  	_ =	swait.ge [sflag:s24], $0x50  }
0x37: {  	[sflag:s24] =	ssyncset.done $0x0  }
0x38: {  	s25 =	simm.s32 $0x9;
	[sflag:s24] =	ssyncadd.s32 $0xFFFFFFB0  }
0x39: {  	_ =	swait.ge [sflag:s25], $0x2800  }
0x3a: {  	[sflag:s25] =	ssyncset.done $0x0  }
0x3b: {  	s26 =	simm.s32 $0xC;
	[sflag:s25] =	ssyncadd.s32 $0xFFFFD800  }
0x3c: {  	_ =	swait.ge [sflag:s26], $0x50  }
0x3d: {  	[sflag:s26] =	ssyncset.done $0x0  }
0x3e: {  	[sflag:s26] =	ssyncadd.s32 $0xFFFFFFB0  }
0x3f: {  	[bflag:$0x0] =	sbarrier.arrive $0xFFFF  }
0x40: {  	[tilespmem:s4], [sflag:$0xD] =	stream.linear.gather [spmem:s28], $0x2000, $0x38;
	[tilespmem:$0x1E380] =	vst v63  }
0x41: {  	_ =	swait.ge [sflag:s5], $0x2000  }
0x42: {  	[sflag:s5] =	ssyncset.done $0x0  }
0x43: {  	s23 =	smov.u32 s28;
	s28 =	rddreg [dreg:$0x5];
	[sflag:s5] =	ssyncadd.s32 $0xFFFFE000  }
0x44: {  	[hbm4b:s28+s1] =	stream.linear.scatter [tilespmem:s4], [sflag:$0xD], $0x2000, $0x38;
	[tilespmem:$0x1E380] =	vst v63  }
0x45: {  	_ =	swait.ge [sflag:s5], $0x2000  }
0x46: {  	[sflag:s5] =	ssyncset.done $0x0  }
0x47: {  	[sflag:s5] =	ssyncadd.s32 $0xFFFFE000  }
0x48: {  	[tilespmem:s4], [sflag:$0xD] =	stream.linear.gather [spmem:s29], $0x2000, $0x38;
	[tilespmem:$0x1E380] =	vst v63  }
0x49: {  	_ =	swait.ge [sflag:s5], $0x2000  }
0x4a: {  	[sflag:s5] =	ssyncset.done $0x0  }
0x4b: {  	s22 =	rddreg [dreg:$0x6];
	[sflag:s5] =	ssyncadd.s32 $0xFFFFE000  }
0x4c: {  	[hbm4b:s22+s1] =	stream.linear.scatter [tilespmem:s4], [sflag:$0xD], $0x2000, $0x38;
	[tilespmem:$0x1E380] =	vst v63  }
0x4d: {  	_ =	swait.ge [sflag:s5], $0x2000  }
0x4e: {  	[sflag:s5] =	ssyncset.done $0x0  }
0x4f: {  	s25 =	rddreg [dreg:$0xf];
	[sflag:s5] =	ssyncadd.s32 $0xFFFFE000  }
0x50: {  	[tilespmem:s4], [sflag:$0xD] =	stream.linear.gather [spmem:s25], $0x2000, $0x38;
	[tilespmem:$0x1E380] =	vst v63  }
0x51: {  	_ =	swait.ge [sflag:s5], $0x2000  }
0x52: {  	[sflag:s5] =	ssyncset.done $0x0  }
0x53: {  	s26 =	rddreg [dreg:$0x7];
	[sflag:s5] =	ssyncadd.s32 $0xFFFFE000  }
0x54: {  	[hbm4b:s26+s1] =	stream.linear.scatter [tilespmem:s4], [sflag:$0xD], $0x2000, $0x38;
	[tilespmem:$0x1E380] =	vst v63  }
0x55: {  	_ =	swait.ge [sflag:s5], $0x2000  }
0x56: {  	[sflag:s5] =	ssyncset.done $0x0  }
0x57: {  	s28 =	rddreg [dreg:$0x10];
	[sflag:s5] =	ssyncadd.s32 $0xFFFFE000  }
0x58: {  	[tilespmem:s4], [sflag:$0xD] =	stream.linear.gather [spmem:s28], $0x2000, $0x38;
	[tilespmem:$0x1E380] =	vst v63  }
0x59: {  	_ =	swait.ge [sflag:s5], $0x2000  }
0x5a: {  	[sflag:s5] =	ssyncset.done $0x0  }
0x5b: {  	s24 =	smov.u32 s29;
	s29 =	rddreg [dreg:$0x8];
	[sflag:s5] =	ssyncadd.s32 $0xFFFFE000  }
0x5c: {  	[hbm4b:s29+s1] =	stream.linear.scatter [tilespmem:s4], [sflag:$0xD], $0x2000, $0x38;
	[tilespmem:$0x1E380] =	vst v63  }
0x5d: {  	_ =	swait.ge [sflag:s5], $0x2000  }
0x5e: {  	[sflag:s5] =	ssyncset.done $0x0  }
0x5f: {  	s22 =	rddreg [dreg:$0x11];
	[sflag:s5] =	ssyncadd.s32 $0xFFFFE000  }
0x60: {  	[tilespmem:s4], [sflag:$0xD] =	stream.linear.gather [spmem:s22], $0x2000, $0x38;
	[tilespmem:$0x1E380] =	vst v63  }
0x61: {  	_ =	swait.ge [sflag:s5], $0x2000  }
0x62: {  	[sflag:s5] =	ssyncset.done $0x0  }
0x63: {  	s25 =	rddreg [dreg:$0x9];
	[sflag:s5] =	ssyncadd.s32 $0xFFFFE000  }
0x64: {  	[hbm4b:s25+s1] =	stream.linear.scatter [tilespmem:s4], [sflag:$0xD], $0x2000, $0x38;
	[tilespmem:$0x1E380] =	vst v63  }
0x65: {  	_ =	swait.ge [sflag:s5], $0x2000  }
0x66: {  	[sflag:s5] =	ssyncset.done $0x0  }
0x67: {  	s26 =	rddreg [dreg:$0x12];
	[sflag:s5] =	ssyncadd.s32 $0xFFFFE000  }
0x68: {  	[tilespmem:s4], [sflag:$0xD] =	stream.linear.gather [spmem:s26], $0x2000, $0x38;
	[tilespmem:$0x1E380] =	vst v63  }
0x69: {  	_ =	swait.ge [sflag:s5], $0x2000  }
0x6a: {  	[sflag:s5] =	ssyncset.done $0x0  }
0x6b: {  	s28 =	rddreg [dreg:$0xa];
	[sflag:s5] =	ssyncadd.s32 $0xFFFFE000  }
0x6c: {  	[hbm4b:s28+s1] =	stream.linear.scatter [tilespmem:s4], [sflag:$0xD], $0x2000, $0x38;
	[tilespmem:$0x1E380] =	vst v63  }
0x6d: {  	_ =	swait.ge [sflag:s5], $0x2000  }
0x6e: {  	[sflag:s5] =	ssyncset.done $0x0  }
0x6f: {  	s29 =	rddreg [dreg:$0x13];
	[sflag:s5] =	ssyncadd.s32 $0xFFFFE000  }
0x70: {  	[tilespmem:s4], [sflag:$0xD] =	stream.linear.gather [spmem:s29], $0x2000, $0x38;
	[tilespmem:$0x1E380] =	vst v63  }
0x71: {  	_ =	swait.ge [sflag:s5], $0x2000  }
0x72: {  	[sflag:s5] =	ssyncset.done $0x0  }
0x73: {  	s22 =	rddreg [dreg:$0xb];
	[sflag:s5] =	ssyncadd.s32 $0xFFFFE000  }
0x74: {  	[hbm4b:s22+s1] =	stream.linear.scatter [tilespmem:s4], [sflag:$0xD], $0x2000, $0x38;
	[tilespmem:$0x1E380] =	vst v63  }
0x75: {  	_ =	swait.ge [sflag:s5], $0x2000  }
0x76: {  	[sflag:s5] =	ssyncset.done $0x0  }
0x77: {  	s25 =	rddreg [dreg:$0x14];
	[sflag:s5] =	ssyncadd.s32 $0xFFFFE000  }
0x78: {  	[tilespmem:s4], [sflag:$0xD] =	stream.linear.gather [spmem:s25], $0x2000, $0x38;
	[tilespmem:$0x1E380] =	vst v63  }
0x79: {  	_ =	swait.ge [sflag:s5], $0x2000  }
0x7a: {  	[sflag:s5] =	ssyncset.done $0x0  }
0x7b: {  	s26 =	rddreg [dreg:$0xc];
	[sflag:s5] =	ssyncadd.s32 $0xFFFFE000  }
0x7c: {  	[hbm4b:s26+s1] =	stream.linear.scatter [tilespmem:s4], [sflag:$0xD], $0x2000, $0x38;
	[tilespmem:$0x1E380] =	vst v63  }
0x7d: {  	_ =	swait.ge [sflag:s5], $0x2000  }
0x7e: {  	[sflag:s5] =	ssyncset.done $0x0  }
0x7f: {  	s28 =	rddreg [dreg:$0x15];
	[sflag:s5] =	ssyncadd.s32 $0xFFFFE000  }
0x80: {  	[tilespmem:s4], [sflag:$0xD] =	stream.linear.gather [spmem:s28], $0x2000, $0x38;
	[tilespmem:$0x1E380] =	vst v63  }
0x81: {  	_ =	swait.ge [sflag:s5], $0x2000  }
0x82: {  	[sflag:s5] =	ssyncset.done $0x0  }
0x83: {  	s29 =	rddreg [dreg:$0xd];
	[sflag:s5] =	ssyncadd.s32 $0xFFFFE000  }
0x84: {  	[hbm4b:s29+s1] =	stream.linear.scatter [tilespmem:s4], [sflag:$0xD], $0x2000, $0x38;
	[tilespmem:$0x1E380] =	vst v63  }
0x85: {  	_ =	swait.ge [sflag:s5], $0x2000  }
0x86: {  	[sflag:s5] =	ssyncset.done $0x0  }
0x87: {  	s22 =	rddreg [dreg:$0x16];
	[sflag:s5] =	ssyncadd.s32 $0xFFFFE000  }
0x88: {  	[tilespmem:s4], [sflag:$0xD] =	stream.linear.gather [spmem:s22], $0x2000, $0x38;
	[tilespmem:$0x1E380] =	vst v63  }
0x89: {  	_ =	swait.ge [sflag:s5], $0x2000  }
0x8a: {  	[sflag:s5] =	ssyncset.done $0x0  }
0x8b: {  	s25 =	rddreg [dreg:$0xe];
	[sflag:s5] =	ssyncadd.s32 $0xFFFFE000  }
0x8c: {  	[hbm4b:s25+s1] =	stream.linear.scatter [tilespmem:s4], [sflag:$0xD], $0x2000, $0x38;
	[tilespmem:$0x1E380] =	vst v63  }
0x8d: {  	_ =	swait.ge [sflag:s5], $0x2000  }
0x8e: {  	[sflag:s5] =	ssyncset.done $0x0  }
0x8f: {  	s22 =	simm.s32 $0x9E80;
	s26 =	rddreg [dreg:$0x17];
	[sflag:s5] =	ssyncadd.s32 $0xFFFFE000  }
0x90: {  	[tilespmem:s22], [sflag:$0xD] =	stream.linear.gather [spmem:s26], $0x280, $0x38;
	[tilespmem:$0x1E380] =	vst v63  }
0x91: {  	_ =	swait.ge [sflag:s5], $0x280  }
0x92: {  	[sflag:s5] =	ssyncset.done $0x0  }
0x93: {  	s26 =	simm.s32 $0x100;
	s28 =	rddreg [dreg:$0x19];
	[sflag:s5] =	ssyncadd.s32 $0xFFFFFD80  }
0x94: {  	[hbm4b:s28+s7] =	stream.strided.scatter [tilespmem:s22], [sflag:$0xD], $0x280, s26, s7, $0x38;
	[tilespmem:$0x1E380] =	vst v63  }
0x95: {  	_ =	swait.ge [sflag:s5], $0x280  }
0x96: {  	s20 =	sadd.s32 $0x1, s20;
	s29 =	rddreg [dreg:$0x1a]  }
0x97: {  	p0 =	sne.s32 s20, s29  }
.Ltmp1:
0x98: {  	_ = 	snop;
	(pc) =	sbr.rel @!p0 .LBB2_9-.Ltmp1, $3  }
0x99: {  	_ =	sdelay $0x1  }
0x9a: {  	[sflag:s5] =	ssyncset.done $0x0  }
0x9b: {  	s25 =	simm.s32 $0x9E80;
	[sflag:s5] =	ssyncadd.s32 $0xFFFFFD80  }
.LBB2_1:
0x9c: {  	s21 =	simm.s32 $0x0;
	s22 =	simm.s32 $0x200  }
.LBB2_2:
0x9d: {  	p0 =	sne.s32 s22, $0x7E00;
	[tilespmem:s21+$0x7E70] =	vst v0  }
0x9e: {  	[tilespmem:s21+$0x7E00] =	vst v0  }
0x9f: {  	[tilespmem:s21+$0x7E10] =	vst v0  }
.Ltmp2:
0xa0: {  	[tilespmem:s21+$0x7E20] =	vst v0;
	(pc) =	sbr.rel @p0 .LBB2_2-.Ltmp2, $4  }
0xa1: {  	[tilespmem:s21+$0x7E30] =	vst v0  }
0xa2: {  	[tilespmem:s21+$0x7E40] =	vst v0  }
0xa3: {  	[tilespmem:s21+$0x7E50] =	vst v0  }
0xa4: {  	[tilespmem:s21+$0x7E60] =	vst v0;
	s21 =	sshra.s32 s22, $0x2;
	s22 =	sadd.s32 $0x200, s22  }
0xa5: {  	[tilespmem:s21+$0x7E70] =	vst v0  }
0xa6: {  	[tilespmem:s21+$0x7E00] =	vst v0  }
0xa7: {  	[tilespmem:s21+$0x7E10] =	vst v0  }
0xa8: {  	[tilespmem:s21+$0x7E20] =	vst v0  }
0xa9: {  	[tilespmem:s21+$0x7E30] =	vst v0  }
0xaa: {  	[tilespmem:s21+$0x7E40] =	vst v0  }
0xab: {  	[tilespmem:s21+$0x7E50] =	vst v0  }
0xac: {  	[tilespmem:s21+$0x7E60] =	vst v0  }
0xad: {  	[tilespmem:$0x9E80] =	vst v0  }
0xae: {  	[tilespmem:$0x9E90] =	vst v0  }
0xaf: {  	[tilespmem:$0x9EA0] =	vst v0  }
0xb0: {  	[tilespmem:$0x9EB0] =	vst v0  }
0xb1: {  	[tilespmem:$0x9EC0] =	vst v0  }
0xb2: {  	[tilespmem:$0x9ED0] =	vst v0  }
0xb3: {  	[tilespmem:$0x9EE0] =	vst v0  }
0xb4: {  	[tilespmem:$0x9EF0] =	vst v0  }
0xb5: {  	[tilespmem:$0x9F00] =	vst v0  }
0xb6: {  	[tilespmem:$0x9F10] =	vst v0  }
0xb7: {  	[tilespmem:$0x9F20] =	vst v0  }
0xb8: {  	[tilespmem:$0x9F30] =	vst v0  }
0xb9: {  	[tilespmem:$0x9F40] =	vst v0  }
0xba: {  	[tilespmem:$0x9F50] =	vst v0  }
0xbb: {  	[tilespmem:$0x9F60] =	vst v0  }
0xbc: {  	[tilespmem:$0x9F70] =	vst v0  }
0xbd: {  	[tilespmem:$0x9F80] =	vst v0  }
0xbe: {  	[tilespmem:$0x9F90] =	vst v0  }
0xbf: {  	[tilespmem:$0x9FA0] =	vst v0  }
0xc0: {  	[tilespmem:$0x9FB0] =	vst v0  }
0xc1: {  	[tilespmem:$0x9FC0] =	vst v0  }
0xc2: {  	[tilespmem:$0x9FD0] =	vst v0  }
0xc3: {  	[tilespmem:$0x9FE0] =	vst v0  }
0xc4: {  	[tilespmem:$0x9FF0] =	vst v0  }
0xc5: {  	[tilespmem:$0xA000] =	vst v0  }
0xc6: {  	[tilespmem:$0xA010] =	vst v0  }
0xc7: {  	[tilespmem:$0xA020] =	vst v0  }
0xc8: {  	[tilespmem:$0xA030] =	vst v0  }
0xc9: {  	[tilespmem:$0xA040] =	vst v0  }
0xca: {  	[tilespmem:$0xA050] =	vst v0  }
0xcb: {  	[tilespmem:$0xA060] =	vst v0  }
0xcc: {  	[tilespmem:$0xA070] =	vst v0  }
0xcd: {  	[tilespmem:$0xA080] =	vst v0  }
0xce: {  	[tilespmem:$0xA090] =	vst v0  }
0xcf: {  	[tilespmem:$0xA0A0] =	vst v0  }
0xd0: {  	[tilespmem:$0xA0B0] =	vst v0  }
0xd1: {  	[tilespmem:$0xA0C0] =	vst v0  }
0xd2: {  	[tilespmem:$0xA0D0] =	vst v0  }
0xd3: {  	[tilespmem:$0xA0E0] =	vst v0  }
0xd4: {  	[tilespmem:$0xA0F0] =	vst v0  }
0xd5: {  	[tilespmem:$0x9E00] =	vst v1  }
0xd6: {  	[tilespmem:$0x9E10] =	vst v1  }
0xd7: {  	[tilespmem:$0x9E20] =	vst v1  }
0xd8: {  	[tilespmem:$0x9E30] =	vst v1  }
0xd9: {  	[tilespmem:$0x9E40] =	vst v1  }
0xda: {  	[spmem:s23] =	stream.linear.scatter [tilespmem:s4], [sflag:$0xD], $0x2000, $0x38;
	[tilespmem:$0x1E380] =	vst v63  }
0xdb: {  	_ =	swait.ge [sflag:s5], $0x2000  }
0xdc: {  	[sflag:s5] =	ssyncset.done $0x0  }
0xdd: {  	[sflag:s5] =	ssyncadd.s32 $0xFFFFE000  }
0xde: {  	[spmem:s24] =	stream.linear.scatter [tilespmem:s4], [sflag:$0xD], $0x2000, $0x38;
	[tilespmem:$0x1E380] =	vst v63  }
0xdf: {  	_ =	swait.ge [sflag:s5], $0x2000  }
0xe0: {  	[sflag:s5] =	ssyncset.done $0x0  }
0xe1: {  	s29 =	smov.u32 s24;
	s24 =	rddreg [dreg:$0xf];
	[sflag:s5] =	ssyncadd.s32 $0xFFFFE000  }
0xe2: {  	[spmem:s24] =	stream.linear.scatter [tilespmem:s4], [sflag:$0xD], $0x2000, $0x38;
	[tilespmem:$0x1E380] =	vst v63  }
0xe3: {  	_ =	swait.ge [sflag:s5], $0x2000  }
0xe4: {  	[sflag:s5] =	ssyncset.done $0x0  }
0xe5: {  	s26 =	rddreg [dreg:$0x10];
	[sflag:s5] =	ssyncadd.s32 $0xFFFFE000  }
0xe6: {  	[spmem:s26] =	stream.linear.scatter [tilespmem:s4], [sflag:$0xD], $0x2000, $0x38;
	[tilespmem:$0x1E380] =	vst v63  }
0xe7: {  	_ =	swait.ge [sflag:s5], $0x2000  }
0xe8: {  	[sflag:s5] =	ssyncset.done $0x0  }
0xe9: {  	s22 =	rddreg [dreg:$0x11];
	[sflag:s5] =	ssyncadd.s32 $0xFFFFE000  }
0xea: {  	[spmem:s22] =	stream.linear.scatter [tilespmem:s4], [sflag:$0xD], $0x2000, $0x38;
	[tilespmem:$0x1E380] =	vst v63  }
0xeb: {  	_ =	swait.ge [sflag:s5], $0x2000  }
0xec: {  	[sflag:s5] =	ssyncset.done $0x0  }
0xed: {  	s28 =	smov.u32 s23;
	s23 =	rddreg [dreg:$0x12];
	[sflag:s5] =	ssyncadd.s32 $0xFFFFE000  }
0xee: {  	[spmem:s23] =	stream.linear.scatter [tilespmem:s4], [sflag:$0xD], $0x2000, $0x38;
	[tilespmem:$0x1E380] =	vst v63  }
0xef: {  	_ =	swait.ge [sflag:s5], $0x2000  }
0xf0: {  	[sflag:s5] =	ssyncset.done $0x0  }
0xf1: {  	s24 =	rddreg [dreg:$0x13];
	[sflag:s5] =	ssyncadd.s32 $0xFFFFE000  }
0xf2: {  	[spmem:s24] =	stream.linear.scatter [tilespmem:s4], [sflag:$0xD], $0x2000, $0x38;
	[tilespmem:$0x1E380] =	vst v63  }
0xf3: {  	_ =	swait.ge [sflag:s5], $0x2000  }
0xf4: {  	[sflag:s5] =	ssyncset.done $0x0  }
0xf5: {  	s26 =	rddreg [dreg:$0x14];
	[sflag:s5] =	ssyncadd.s32 $0xFFFFE000  }
0xf6: {  	[spmem:s26] =	stream.linear.scatter [tilespmem:s4], [sflag:$0xD], $0x2000, $0x38;
	[tilespmem:$0x1E380] =	vst v63  }
0xf7: {  	_ =	swait.ge [sflag:s5], $0x2000  }
0xf8: {  	[sflag:s5] =	ssyncset.done $0x0  }
0xf9: {  	s22 =	rddreg [dreg:$0x15];
	[sflag:s5] =	ssyncadd.s32 $0xFFFFE000  }
0xfa: {  	[spmem:s22] =	stream.linear.scatter [tilespmem:s4], [sflag:$0xD], $0x2000, $0x38;
	[tilespmem:$0x1E380] =	vst v63  }
0xfb: {  	_ =	swait.ge [sflag:s5], $0x2000  }
0xfc: {  	[sflag:s5] =	ssyncset.done $0x0  }
0xfd: {  	s23 =	rddreg [dreg:$0x16];
	[sflag:s5] =	ssyncadd.s32 $0xFFFFE000  }
0xfe: {  	[spmem:s23] =	stream.linear.scatter [tilespmem:s4], [sflag:$0xD], $0x2000, $0x38;
	[tilespmem:$0x1E380] =	vst v63  }
0xff: {  	_ =	swait.ge [sflag:s5], $0x2000  }
0x100: {  	[sflag:s5] =	ssyncset.done $0x0  }
0x101: {  	s24 =	rddreg [dreg:$0x17];
	[sflag:s5] =	ssyncadd.s32 $0xFFFFE000  }
0x102: {  	[spmem:s24] =	stream.linear.scatter [tilespmem:s25], [sflag:$0xD], $0x280, $0x38;
	[tilespmem:$0x1E380] =	vst v63  }
0x103: {  	_ =	swait.ge [sflag:s5], $0x280  }
0x104: {  	[sflag:s5] =	ssyncset.done $0x0  }
0x105: {  	[sflag:s5] =	ssyncadd.s32 $0xFFFFFD80  }
0x106: {  	[bflag:$0x0] =	sbarrier.arrive $0xFFFF  }
0x107: {  	s21 =	simm.s32 $0x0;
	s22 =	rddreg [dreg:$0x18]  }
0x108: {  	[tilespmem:s21], [sflag:$0x1] =	stream.linear.gather [hbm4b:s22+s21], $0x80, $0x38;
	[tilespmem:$0x1E380] =	vst v63  }
0x109: {  	s26 =	rddreg [dreg:$0x1b]  }
0x10a: {  	[tilespmem:s7], [sflag:$0x2] =	stream.linear.gather [hbm4b:s26+s21], $0x80, $0x38;
	[tilespmem:$0x1E380] =	vst v63  }
0x10b: {  	s24 =	simm.s32 $0x100;
	s25 =	simm.s32 $0x1;
	s23 =	rddreg [dreg:$0x1c]  }
0x10c: {  	[tilespmem:s24], [sflag:$0x3] =	stream.linear.gather [hbm4b:s23+s21], $0x80, $0x38;
	[tilespmem:$0x1E380] =	vst v63  }
0x10d: {  	_ =	swait.ge [sflag:s25], $0x80  }
0x10e: {  	[sflag:s25] =	ssyncset.done $0x0  }
0x10f: {  	[sflag:s25] =	ssyncadd.s32 $0xFFFFFF80  }
0x110: {  	v2 =	vld [tilespmem:$0x0];
	_ =	sdelay $0x1  }
0x111: {  	v3 =	vld [tilespmem:$0x10];
	_ =	sdelay $0x1  }
0x112: {  	v4 =	vld [tilespmem:$0x20]  }
0x113: {  	v5 =	vand.u32 $0xFFFF, v2  }
0x114: {  	v63 =	vld [tilespmem:$0x30];
	v2 =	vshrl.u32 v2, $0x10;
	[tilespmem:$0x200] =	vst v5  }
0x115: {  	[tilespmem:$0x400] =	vst v2;
	v2 =	vand.u32 $0xFFFF, v3  }
0x116: {  	[tilespmem:$0x210] =	vst v2;
	v2 =	vshrl.u32 v3, $0x10;
	v3 =	vld [tilespmem:$0x40]  }
0x117: {  	[tilespmem:$0x410] =	vst v2;
	v2 =	vand.u32 $0xFFFF, v4  }
0x118: {  	[tilespmem:$0x220] =	vst v2;
	v2 =	vshrl.u32 v4, $0x10  }
0x119: {  	[tilespmem:$0x420] =	vst v2;
	v2 =	vand.u32 $0xFFFF, v63  }
.Ltmp3:
0x11a: {  	[tilespmem:$0x230] =	vst v2;
	v2 =	vshrl.u32 v63, $0x10;
	(pc) =	sbr.rel .LBB2_4-.Ltmp3, $4  }
0x11b: {  	[tilespmem:$0x430] =	vst v2;
	v2 =	vand.u32 $0xFFFF, v3  }
0x11c: {  	[tilespmem:$0x240] =	vst v2;
	v2 =	vshrl.u32 v3, $0x10  }
0x11d: {  	s22 =	simm.s32 $0x280;
	s26 =	simm.s32 $0x200;
	[tilespmem:$0x440] =	vst v2  }
0x11e: {  	[tilespmem:s12], [sflag:$0x4] =	stream.indirect.gather [hbm4b:s11+s10], $0x80, s26, s10, $0xb8;
	[tilespmem:$0x1E380] =	vst v63  }
.LBB2_6:
0x11f: {  	_ =	swait.ge [sflag:s13], $0x2800  }
0x120: {  	[sflag:s13] =	ssyncset.done $0x0  }
0x121: {  	[sflag:s13] =	ssyncadd.s32 $0xFFFFD800  }
0x122: {  	[spmem:s14] =	stream.indirect.scatter.add.f32 [tilespmem:s12], [sflag:$0x7], $0x80, s0, s10, $0xb8;
	[tilespmem:$0x1E380] =	vst v63  }
0x123: {  	_ = 	snop  }
0x124: {  	[spmem:s15] =	stream.indirect.scatter.add.f32 [tilespmem:s3], [sflag:$0xA], $0x1, s0, s10, $0xb8;
	[tilespmem:$0x1E380] =	vst v63  }
.LBB2_7:
0x125: {  	_ =	swait.ge [sflag:s30], $0x2800  }
0x126: {  	[sflag:s30] =	ssyncset.done $0x0  }
0x127: {  	[sflag:s30] =	ssyncadd.s32 $0xFFFFD800  }
0x128: {  	[spmem:s14] =	stream.indirect.scatter.add.f32 [tilespmem:s8], [sflag:$0x8], $0x80, s6, s10, $0xb8;
	[tilespmem:$0x1E380] =	vst v63  }
0x129: {  	s23 =	simm.s32 @!p0 $0x7  }
0x12a: {  	[spmem:s15] =	stream.indirect.scatter.add.f32 [tilespmem:s3], [sflag:$0xB], $0x1, s6, s10, $0xb8;
	[tilespmem:$0x1E380] =	vst v63  }
0x12b: {  	_ =	swait.ge @!p0 [sflag:s23], $0x2800  }
0x12c: {  	[sflag:s23] =	ssyncset.done @!p0 $0x0  }
0x12d: {  	[sflag:s23] =	ssyncadd.s32 @!p0 $0xFFFFD800;
	s23 =	simm.s32 @!p0 $0xA  }
0x12e: {  	_ =	swait.ge @!p0 [sflag:s23], $0x50  }
0x12f: {  	[sflag:s23] =	ssyncset.done @!p0 $0x0  }
0x130: {  	[sflag:s23] =	ssyncadd.s32 @!p0 $0xFFFFFFB0;
	s23 =	simm.s32 @!p0 $0x1  }
0x131: {  	_ =	swait.ge @!p0 [sflag:s23], $0x80  }
0x132: {  	[sflag:s23] =	ssyncset.done @!p0 $0x0  }
0x133: {  	[sflag:s23] =	ssyncadd.s32 @!p0 $0xFFFFFF80  }
0x134: {  	v2 =	vld @!p0 [tilespmem:$0x0];
	_ =	sdelay $0x1  }
0x135: {  	v3 =	vld @!p0 [tilespmem:$0x10];
	_ =	sdelay $0x1  }
0x136: {  	v4 =	vld @!p0 [tilespmem:$0x20]  }
0x137: {  	v5 =	vand.u32 @!p0 $0xFFFF, v2  }
0x138: {  	v2 =	vshrl.u32 @!p0 v2, $0x10;
	[tilespmem:$0x200] =	vst @!p0 v5;
	v5 =	vld @!p0 [tilespmem:$0x30]  }
0x139: {  	[tilespmem:$0x400] =	vst @!p0 v2;
	v2 =	vand.u32 @!p0 $0xFFFF, v3  }
0x13a: {  	[tilespmem:$0x210] =	vst @!p0 v2;
	v2 =	vshrl.u32 @!p0 v3, $0x10;
	v3 =	vld @!p0 [tilespmem:$0x40]  }
0x13b: {  	[tilespmem:$0x410] =	vst @!p0 v2;
	v2 =	vand.u32 @!p0 $0xFFFF, v4  }
0x13c: {  	[tilespmem:$0x220] =	vst @!p0 v2;
	v2 =	vshrl.u32 @!p0 v4, $0x10  }
0x13d: {  	[tilespmem:$0x420] =	vst @!p0 v2;
	v2 =	vand.u32 @!p0 $0xFFFF, v5  }
0x13e: {  	[tilespmem:$0x230] =	vst @!p0 v2;
	v2 =	vshrl.u32 @!p0 v5, $0x10  }
0x13f: {  	[tilespmem:$0x430] =	vst @!p0 v2;
	v2 =	vand.u32 @!p0 $0xFFFF, v3  }
0x140: {  	s24 =	simm.s32 @!p0 $0x200;
	p1 =	sgt.u32 @!p0 s21, $0x27;
	[tilespmem:$0x240] =	vst @!p0 v2;
	v2 =	vshrl.u32 @!p0 v3, $0x10  }
0x141: {  	s25 =	simm.s32 @!p0 $0x600;
	p1 =	por p1, p0;
	s23 =	simm.s32 @!p0 $0x50;
	[tilespmem:$0x440] =	vst @!p0 v2  }
0x142: {  	[tilespmem:s25], [sflag:$0x4] =	stream.indirect.gather @!p0 [hbm4b:s11+s23], $0x80, s24, s23, $0xb8;
	[tilespmem:$0x1E380] =	vst v63  }
0x143: {  	s24 =	sand.u32 @!p1 $0xFC00, s22  }
0x144: {  	s25 =	sand.u32 @!p1 $0x380, s22;
	s24 =	sadd.s32 @!p1 s2, s24  }
0x145: {  	s24 =	sor.u32 @!p1 s25, s24  }
0x146: {  	s26 =	simm.s32 @!p1 $0x100;
	s24 =	sshrl.u32 @!p1 s24, $0x3  }
0x147: {  	s22 =	sadd.s32 @!p0 $0x180, s22;
	s25 =	simm.s32 @!p1 $0x0;
	s24 =	sadd.s32 @!p1 s17, s24  }
0x148: {  	[tilespmem:s26], [sflag:$0x3] =	stream.linear.gather @!p1 [hbm4b:s24+s25], $0x80, $0x38;
	[tilespmem:$0x1E380] =	vst v63  }
0x149: {  	s24 =	simm.s32 @!p0 $0x6;
	p1 =	sne.s32 @!p0 s22, $0x4180  }
0x14a: {  	_ =	swait.ge @!p0 [sflag:s24], $0x2800;
	p1 =	por p0, !p1  }
.Ltmp4:
0x14b: {  	[sflag:s24] =	ssyncset.done @!p0 $0x0;
	(pc) =	sbr.rel @p1 .LBB2_8-.Ltmp4, $4  }
0x14c: {  	s25 =	simm.s32 @!p0 $0x5600;
	[sflag:s24] =	ssyncadd.s32 @!p0 $0xFFFFD800;
	s24 =	simm.s32 @!p0 $0x500  }
0x14d: {  	[spmem:s14] =	stream.indirect.scatter.add.f32 @!p0 [tilespmem:s25], [sflag:$0x9], $0x80, s24, s23, $0xb8;
	[tilespmem:$0x1E380] =	vst v63  }
0x14e: {  	s21 =	sadd.s32 @!p0 $0x1, s21;
	s25 =	simm.s32 @!p0 $0x9E00  }
0x14f: {  	[spmem:s15] =	stream.indirect.scatter.add.f32 @!p0 [tilespmem:s25], [sflag:$0xC], $0x1, s24, s23, $0xb8;
	[tilespmem:$0x1E380] =	vst v63  }
.LBB2_4:
0x150: {  	p1 =	seq.s32 s22, $0x280  }
0x151: {  	s23 =	simm.s32 @!p1 $0x8  }
0x152: {  	_ =	swait.ge @!p1 [sflag:s23], $0x2800  }
0x153: {  	[sflag:s23] =	ssyncset.done @!p1 $0x0  }
0x154: {  	[sflag:s23] =	ssyncadd.s32 @!p1 $0xFFFFD800;
	s23 =	simm.s32 @!p1 $0xB  }
0x155: {  	_ =	swait.ge @!p1 [sflag:s23], $0x50  }
0x156: {  	[sflag:s23] =	ssyncset.done @!p1 $0x0  }
0x157: {  	[sflag:s23] =	ssyncadd.s32 @!p1 $0xFFFFFFB0  }
0x158: {  	_ =	swait.ge [sflag:s16], $0x80  }
0x159: {  	[sflag:s16] =	ssyncset.done $0x0  }
0x15a: {  	[sflag:s16] =	ssyncadd.s32 $0xFFFFFF80  }
0x15b: {  	v2 =	vld [tilespmem:$0x80];
	_ =	sdelay $0x1  }
0x15c: {  	v3 =	vld [tilespmem:$0x90];
	_ =	sdelay $0x1  }
0x15d: {  	v4 =	vld [tilespmem:$0xA0]  }
0x15e: {  	v5 =	vand.u32 $0xFFFF, v2  }
0x15f: {  	v63 =	vld [tilespmem:$0xB0];
	v2 =	vshrl.u32 v2, $0x10;
	[tilespmem:$0x280] =	vst v5  }
0x160: {  	[tilespmem:$0x480] =	vst v2;
	v2 =	vand.u32 $0xFFFF, v3  }
0x161: {  	[tilespmem:$0x290] =	vst v2;
	v2 =	vshrl.u32 v3, $0x10;
	v3 =	vld [tilespmem:$0xC0]  }
0x162: {  	[tilespmem:$0x490] =	vst v2;
	v2 =	vand.u32 $0xFFFF, v4  }
0x163: {  	[tilespmem:$0x2A0] =	vst v2;
	v2 =	vshrl.u32 v4, $0x10  }
0x164: {  	p0 =	seq.s32 s22, $0x4000;
	[tilespmem:$0x4A0] =	vst v2;
	v2 =	vand.u32 $0xFFFF, v63  }
.Ltmp5:
0x165: {  	[tilespmem:$0x2B0] =	vst v2;
	v2 =	vshrl.u32 v63, $0x10;
	(pc) =	sbr.rel @p0 .LBB2_6-.Ltmp5, $4  }
0x166: {  	[tilespmem:$0x4B0] =	vst v2;
	v2 =	vand.u32 $0xFFFF, v3  }
0x167: {  	[tilespmem:$0x2C0] =	vst v2;
	v2 =	vshrl.u32 v3, $0x10  }
0x168: {  	[tilespmem:$0x4C0] =	vst v2  }
0x169: {  	[tilespmem:s8], [sflag:$0x5] =	stream.indirect.gather [hbm4b:s11+s10], $0x80, s31, s10, $0xb8;
	[tilespmem:$0x1E380] =	vst v63  }
0x16a: {  	s23 =	sadd.s32 $0xFFFFFF00, s22  }
0x16b: {  	s24 =	sand.u32 $0xFC00, s23  }
0x16c: {  	s23 =	sand.u32 $0x380, s23;
	s24 =	sadd.s32 s2, s24  }
0x16d: {  	s23 =	sor.u32 s23, s24  }
0x16e: {  	s23 =	sshrl.u32 s23, $0x3  }
0x16f: {  	s23 =	sadd.s32 s17, s23  }
0x170: {  	[tilespmem:s1], [sflag:$0x1] =	stream.linear.gather [hbm4b:s23+s1], $0x80, $0x38;
	[tilespmem:$0x1E380] =	vst v63  }
0x171: {  	_ =	swait.ge [sflag:s13], $0x2800  }
0x172: {  	[sflag:s13] =	ssyncset.done $0x0  }
0x173: {  	[sflag:s13] =	ssyncadd.s32 $0xFFFFD800  }
0x174: {  	[spmem:s14] =	stream.indirect.scatter.add.f32 [tilespmem:s12], [sflag:$0x7], $0x80, s0, s10, $0xb8;
	[tilespmem:$0x1E380] =	vst v63  }
0x175: {  	s23 =	simm.s32 @!p1 $0x9  }
0x176: {  	[spmem:s15] =	stream.indirect.scatter.add.f32 [tilespmem:s3], [sflag:$0xA], $0x1, s0, s10, $0xb8;
	[tilespmem:$0x1E380] =	vst v63  }
0x177: {  	_ =	swait.ge @!p1 [sflag:s23], $0x2800  }
0x178: {  	[sflag:s23] =	ssyncset.done @!p1 $0x0  }
0x179: {  	[sflag:s23] =	ssyncadd.s32 @!p1 $0xFFFFD800;
	s23 =	simm.s32 @!p1 $0xC  }
0x17a: {  	_ =	swait.ge @!p1 [sflag:s23], $0x50  }
0x17b: {  	[sflag:s23] =	ssyncset.done @!p1 $0x0  }
0x17c: {  	[sflag:s23] =	ssyncadd.s32 @!p1 $0xFFFFFFB0  }
0x17d: {  	_ =	swait.ge [sflag:s9], $0x80  }
0x17e: {  	[sflag:s9] =	ssyncset.done $0x0  }
0x17f: {  	[sflag:s9] =	ssyncadd.s32 $0xFFFFFF80  }
0x180: {  	v2 =	vld [tilespmem:$0x100];
	_ =	sdelay $0x1  }
0x181: {  	v3 =	vld [tilespmem:$0x110];
	_ =	sdelay $0x1  }
0x182: {  	v4 =	vld [tilespmem:$0x120]  }
0x183: {  	v5 =	vand.u32 $0xFFFF, v2  }
0x184: {  	v63 =	vld [tilespmem:$0x130];
	v2 =	vshrl.u32 v2, $0x10;
	[tilespmem:$0x300] =	vst v5  }
0x185: {  	[tilespmem:$0x500] =	vst v2;
	v2 =	vand.u32 $0xFFFF, v3  }
0x186: {  	[tilespmem:$0x310] =	vst v2;
	v2 =	vshrl.u32 v3, $0x10;
	v3 =	vld [tilespmem:$0x140]  }
0x187: {  	[tilespmem:$0x510] =	vst v2;
	v2 =	vand.u32 $0xFFFF, v4  }
0x188: {  	[tilespmem:$0x320] =	vst v2;
	v2 =	vshrl.u32 v4, $0x10  }
0x189: {  	s25 =	sadd.s32 $0xFFFFFF80, s22;
	[tilespmem:$0x520] =	vst v2;
	v2 =	vand.u32 $0xFFFF, v63  }
0x18a: {  	s26 =	sand.u32 $0xFC00, s25;
	[tilespmem:$0x330] =	vst v2;
	v2 =	vshrl.u32 v63, $0x10  }
0x18b: {  	s24 =	sadd.s32 s2, s26;
	s23 =	sand.u32 $0x380, s25;
	[tilespmem:$0x530] =	vst v2;
	v2 =	vand.u32 $0xFFFF, v3  }
.Ltmp6:
0x18c: {  	s23 =	sor.u32 s23, s24;
	[tilespmem:$0x340] =	vst v2;
	v2 =	vshrl.u32 v3, $0x10;
	(pc) =	sbr.rel .LBB2_7-.Ltmp6, $4  }
0x18d: {  	s23 =	sshrl.u32 s23, $0x3;
	[tilespmem:$0x540] =	vst v2  }
0x18e: {  	[tilespmem:s19], [sflag:$0x6] =	stream.indirect.gather [hbm4b:s11+s10], $0x80, s18, s10, $0xb8;
	[tilespmem:$0x1E380] =	vst v63  }
0x18f: {  	s23 =	sadd.s32 s17, s23  }
0x190: {  	[tilespmem:s7], [sflag:$0x2] =	stream.linear.gather [hbm4b:s23+s1], $0x80, $0x38;
	[tilespmem:$0x1E380] =	vst v63  }
.LBB2_9:
0x191: {  	_ =	sfence.sel $0x180000  }
0x192: {  	[bflag:$0x0] =	sbarrier.arrive $0xFFFF  }
0x193: {  	_ =	strace $0x90000047  }
0x194: {  	s0 =	stileid.u32;
	[bflag:$0x2] =	sbarrier.arrive $0xFFFF  }
0x195: {  	p0 =	sne.s32 s0, $0x0;
	s0 =	rddreg [dreg:$0x4]  }
0x196: {  	s0 =	sadd.s32 @!p0 $0x100000, s0  }
0x197: {  	[sflag:s0] =	ssyncadd.tile.s32 @!p0 $0x1;
	_ =	shalt  }
.Lfunc_end2:
_tile_overlayer_lowered:
.L_overlay_start_2:
0x198: {  	(tag) =	ssettag $0x2  }
0x199: {  	s0 =	rddreg [dreg:$0x0];
	s2 =	stileid.u32  }
0x19a: {  	s1 =	rddreg [dreg:$0x1];
	p0 =	sne.s32 s2, $0x0  }
0x19b: {  	s3 =	rddreg [dreg:$0x2];
	[bflag:$0x3] =	sbarrier.arrive $0xFFFF;
	s2 =	simm.s32 @!p0 $0x1C0D  }
0x19c: {  	[timem:s3], [sflag:s2] =	dma.local @!p0 [hbm:s0], s1  }
0x19d: {  	s0 =	simm.s32 @!p0 $0xD  }
0x19e: {  	_ =	swait.ge @!p0 [sflag:s0], s1  }
0x19f: {  	s1 =	ssub.s32 @!p0 $0x0, s1;
	[sflag:s0] =	ssyncset.done @!p0 $0x0  }
0x1a0: {  	[sflag:s0] =	ssyncadd.s32 @!p0 s1  }
0x1a1: {  	[bflag:$0x3] =	sbarrier.arrive $0xFFFF  }
0x1a2: {  	_ =	shalt  }

// kernel: kernel.9.cloned.1.call-start
scs
__scs_entry_jumppad:
0x0: {  	(pc) =	sbr.rel $0x88, $3  }
0x1: {  	(tag) =	ssettag $0x0;
	lr =	simm.s32 $0x1  }
0x2: {  	[smem:$0x3F98] =	sst lr;
	_ =	strace $0xD0000000  }
0x3: {  	_ = 	snop  }
0x4: {  	_ = 	snop  }
0x5: {  	_ = 	snop  }
0x6: {  	_ = 	snop  }
0x7: {  	_ = 	snop  }
__scs_overlays_trampoline_lowered:
0x8: {  	[smem:$0x3FA7] =	sst s0  }
0x9: {  	[smem:$0x3FA8] =	sst s1  }
0xa: {  	[smem:$0x3FA9] =	sst s2  }
0xb: {  	[smem:$0x3FAA] =	sst s3  }
0xc: {  	[smem:$0x3FAB] =	sst s4  }
0xd: {  	[smem:$0x3FAC] =	sst s5  }
0xe: {  	[smem:$0x3FAD] =	sst s6  }
0xf: {  	[smem:$0x3FAE] =	sst s7  }
0x10: {  	[smem:$0x3FAF] =	sst s8  }
0x11: {  	[smem:$0x3FB0] =	sst s9;
	s0 =	simm.s32 @!p0 $0x0  }
0x12: {  	s1 =	sld [smem:$0x3F96];
	s0 =	simm.s32 @p0 $0x1  }
0x13: {  	[smem:$0x3FB1] =	sst s0;
	s0 =	simm.s32 @!p1 $0x0  }
0x14: {  	s2 =	sld [smem:$0x3F95];
	s0 =	simm.s32 @p1 $0x1  }
0x15: {  	[smem:$0x3FB2] =	sst s0;
	s0 =	simm.s32 @!p2 $0x0  }
0x16: {  	s3 =	sld [smem:$0x3FDB];
	s0 =	simm.s32 @p2 $0x1  }
0x17: {  	s4 =	simm.s32 $0x1BF5;
	[smem:$0x3FB4] =	sst s0  }
0x18: {  	s0 =	sld [smem:$0x3F97];
	_ =	swait.ge [sflag:s4], $0x0  }
0x19: {  	s7 =	sld [smem:$0x3F98]  }
0x1a: {  	s8 =	sadd.s32 $0xFFFFE003, lr  }
0x1b: {  	s9 =	sadd.s32 $0xFFFFFEF7, lr;
	s5 =	simm.s32 $0xFFFFFFFF;
	p2 =	slt.u32 s8, $0xFFFFF086  }
0x1c: {  	p1 =	slt.u32 s9, $0xF7A;
	s5 =	simm.s32 @!p2 $0x0  }
0x1d: {  	s5 =	simm.s32 @p1 $0x1;
	p0 =	seq.s32 s7, s2  }
0x1e: {  	s7 =	smul.u32 @!p0 $0xF7A, s2;
	p2 =	seq.s32 @!p0 s5, $0x0  }
0x1f: {  	s9 =	smul.u32 $0xF7A, s1;
	s8 =	simm.s32 @!p0 $0x1BF5;
	p2 =	por !p2, p0  }
0x20: {  	[sflag:s8] =	ssyncset.s32 @!p0 $0xFFFFF086;
	s6 =	sadd.s32 @!p0 s3, s7;
	s7 =	simm.s32 @!p0 $0x108  }
0x21: {  	s3 =	sadd.s32 s3, s9;
	s6 =	sadd.s32 @!p0 $0x88, s6;
	s7 =	simm.s32 @p2 $0x1082  }
0x22: {  	[simem:s7], [sflag:s8] =	dma.local @!p0 [hbm:s6], $0xF7A  }
0x23: {  	s9 =	sor.u32 $0xD0000000, s2;
	s6 =	simm.s32 $0x108;
	_ =	swait.ge @!p0 [sflag:s8], $0x0  }
0x24: {  	s3 =	sadd.s32 $0x88, s3;
	s6 =	simm.s32 @!p1 $0x1082;
	[sflag:s4] =	ssyncset.s32 $0xFFFFF086  }
0x25: {  	[simem:s6], [sflag:s4] =	dma.local [hbm:s3], $0xF7A  }
0x26: {  	[smem:$0x3F98] =	sst s1;
	(tag) =	ssettag s2;
	_ =	strace s9  }
0x27: {  	s1 =	sld [smem:$0x3FA8]  }
0x28: {  	s2 =	sld [smem:$0x3FA9]  }
0x29: {  	s4 =	sld [smem:$0x3FAB]  }
0x2a: {  	p0 =	seq.s32 s5, $0x0;
	s5 =	sld [smem:$0x3FAC]  }
0x2b: {  	s6 =	sld [smem:$0x3FAD]  }
0x2c: {  	s7 =	sld [smem:$0x3FAE]  }
0x2d: {  	s3 =	simm.s32 $0x108;
	s8 =	sld [smem:$0x3FAF]  }
0x2e: {  	s3 =	simm.s32 @!p0 $0x1082;
	s9 =	sld [smem:$0x3FB0]  }
0x2f: {  	lr =	sadd.s32 s0, s3;
	s0 =	sld [smem:$0x3FA7]  }
0x30: {  	s3 =	sld [smem:$0x3FAA]  }
0x31: {  	[smem:$0x3FB3] =	sst s10  }
0x32: {  	s10 =	sld [smem:$0x3FB1];
	_ =	sdelay $0x3  }
0x33: {  	p0 =	seq.s32 s10, $0x1;
	s10 =	sld [smem:$0x3FB3];
	_ =	sdelay $0x3  }
0x34: {  	[smem:$0x3FB3] =	sst s10  }
0x35: {  	s10 =	sld [smem:$0x3FB2];
	_ =	sdelay $0x3  }
0x36: {  	p1 =	seq.s32 s10, $0x1;
	s10 =	sld [smem:$0x3FB3];
	_ =	sdelay $0x3  }
0x37: {  	[smem:$0x3FB3] =	sst s10  }
0x38: {  	s10 =	sld [smem:$0x3FB4]  }
0x39: {  	_ = 	snop;
	(pc) =	sbr.ind lr, $3  }
0x3a: {  	_ = 	snop  }
0x3b: {  	_ = 	snop  }
0x3c: {  	p2 =	seq.s32 s10, $0x1;
	s10 =	sld [smem:$0x3FB3]  }
0x3d: {  	_ =	shalt  }
0x3e: {  	_ =	shalt  }
0x3f: {  	_ =	shalt  }
0x40: {  	_ =	shalt  }
0x41: {  	_ =	shalt  }
0x42: {  	_ =	shalt  }
0x43: {  	_ =	shalt  }
0x44: {  	_ =	shalt  }
0x45: {  	_ =	shalt  }
0x46: {  	_ =	shalt  }
0x47: {  	_ =	shalt  }
0x48: {  	_ =	shalt  }
0x49: {  	_ =	shalt  }
0x4a: {  	_ =	shalt  }
0x4b: {  	_ =	shalt  }
0x4c: {  	_ =	shalt  }
0x4d: {  	_ =	shalt  }
0x4e: {  	_ =	shalt  }
0x4f: {  	_ =	shalt  }
0x50: {  	_ =	shalt  }
0x51: {  	_ =	shalt  }
0x52: {  	_ =	shalt  }
0x53: {  	_ =	shalt  }
0x54: {  	_ =	shalt  }
0x55: {  	_ =	shalt  }
0x56: {  	_ =	shalt  }
0x57: {  	_ =	shalt  }
0x58: {  	_ =	shalt  }
0x59: {  	_ =	shalt  }
0x5a: {  	_ =	shalt  }
0x5b: {  	_ =	shalt  }
0x5c: {  	_ =	shalt  }
0x5d: {  	_ =	shalt  }
0x5e: {  	_ =	shalt  }
0x5f: {  	_ =	shalt  }
0x60: {  	_ =	shalt  }
0x61: {  	_ =	shalt  }
0x62: {  	_ =	shalt  }
0x63: {  	_ =	shalt  }
0x64: {  	_ =	shalt  }
0x65: {  	_ =	shalt  }
0x66: {  	_ =	shalt  }
0x67: {  	_ =	shalt  }
0x68: {  	_ =	shalt  }
0x69: {  	_ =	shalt  }
0x6a: {  	_ =	shalt  }
0x6b: {  	_ =	shalt  }
0x6c: {  	_ =	shalt  }
0x6d: {  	_ =	shalt  }
0x6e: {  	_ =	shalt  }
0x6f: {  	_ =	shalt  }
0x70: {  	_ =	shalt  }
0x71: {  	_ =	shalt  }
0x72: {  	_ =	shalt  }
0x73: {  	_ =	shalt  }
0x74: {  	_ =	shalt  }
0x75: {  	_ =	shalt  }
0x76: {  	_ =	shalt  }
0x77: {  	_ =	shalt  }
0x78: {  	_ =	shalt  }
0x79: {  	_ =	shalt  }
0x7a: {  	_ =	shalt  }
0x7b: {  	_ =	shalt  }
0x7c: {  	_ =	shalt  }
0x7d: {  	_ =	shalt  }
0x7e: {  	_ =	shalt  }
0x7f: {  	_ =	shalt  }
0x80: {  	_ =	shalt  }
0x81: {  	_ =	shalt  }
0x82: {  	_ =	shalt  }
0x83: {  	_ =	shalt  }
0x84: {  	_ =	shalt  }
0x85: {  	_ =	shalt  }
0x86: {  	_ =	shalt  }
0x87: {  	_ =	shalt  }
.Lfunc_end0:
.L_simem_size_0:
called_computation.1_lowered:
.L_overlay_start_0:
0x88: {  	s2 =	sld [smem:$0x3FD9]  }
0x89: {  	s3 =	sld [smem:$0x3FFE];
	_ =	sdelay $0x1  }
0x8a: {  	s1 =	srdreg.scid  }
0x8b: {  	s0 =	sand.u32 $0x1, s1  }
0x8c: {  	s16 =	sshll.u32 s0, $0xA;
	s2 =	sadd.s32 s3, s2  }
0x8d: {  	s2 =	sadd.s32 s2, s16  }
0x8e: {  	[smem:$0x3FBF] =	sst s2  }
0x8f: {  	_ = 	snop  }
0x90: {  	(tm) =	ssettm $0x1  }
0x91: {  	s17 =	sld [smem:$0x3FFB];
	_ =	sdelay $0x3  }
0x92: {  	_ =	strace s17  }
0x93: {  	s2 =	sld [smem:$0x3FFC];
	_ =	sdelay $0x3  }
0x94: {  	_ =	strace s2  }
0x95: {  	s2 =	sld [smem:$0x3FFD];
	_ =	sdelay $0x3  }
0x96: {  	_ =	strace s2  }
0x97: {  	_ =	strace $0x8FFFFFFF  }
0x98: {  	s18 =	sld [smem:$0x3FDB];
	_ =	sdelay $0x1  }
0x99: {  	s19 =	simm.s32 $_scs_section_size  }
0x9a: {  	s4 =	simm.s32 $_size__tile_overlayer_lowered;
	s5 =	simm.s32 $_tile_overlayer_lowered  }
0x9b: {  	s22 =	simm.s32 $0x1BFF;
	s21 =	sshll.u32 s5, $0x1;
	s2 =	sadd.s32 s19, s18  }
0x9c: {  	s6 =	simm.s32 $0x0;
	s20 =	sshll.u32 s4, $0x1;
	s4 =	sadd.s32 s21, s2  }
0x9d: {  	[timem:s6], [sflag:s22] =	dma.local [hbm:s4], s20  }
0x9e: {  	_ =	swait.ge [sflag:s22], s20  }
0x9f: {  	s3 =	ssub.s32 $0x0, s20;
	[sflag:s22] =	ssyncset.done $0x0  }
0xa0: {  	[sflag:s22] =	ssyncadd.s32 s3;
	_ =	sdelay $0x1  }
0xa1: {  	s23 =	simm.s32 $0x1B8B  }
0xa2: {  	_ =	swait.ge [sflag:s23], $0x1  }
0xa3: {  	[sflag:s23] =	ssyncset.done $0x0  }
0xa4: {  	s25 =	simm.s32 $0x1B8E;
	s24 =	sld [smem:$0x3FFE];
	[sflag:s23] =	ssyncadd.s32 $0xFFFFFFFF  }
0xa5: {  	s26 =	simm.s32 $execute0_lowered;
	[smem:$0x3FD2] =	sst s25  }
0xa6: {  	s4 =	sshll.u32 s26, $0x1;
	_ =	strace $0x80000049;
	[dreg:$0x1] =	wrdreg $0xFFFFFFFF  }
0xa7: {  	s28 =	simm.s32 $_size_execute0_lowered;
	s2 =	sadd.s32 s2, s4;
	[dreg:$0x0] =	wrdreg $0x0  }
0xa8: {  	s4 =	sshll.u32 s28, $0x1;
	[dreg:$0x2] =	wrdreg s2  }
0xa9: {  	[dreg:$0x3] =	wrdreg s4  }
0xaa: {  	[dreg:$0x4] =	wrdreg $0xC0  }
0xab: {  	_ =	task [dreg:s6], $0x5FFFF  }
0xac: {  	[dreg:$0x1] =	wrdreg $0xFFFFFFFF  }
0xad: {  	[dreg:$0x0] =	wrdreg $0x60  }
0xae: {  	[dreg:$0x2] =	wrdreg s24  }
0xaf: {  	[dreg:$0x3] =	wrdreg $0xA1000  }
0xb0: {  	[dreg:$0x4] =	wrdreg $0x9  }
0xb1: {  	_ =	task.clear_ibuf [dreg:s6], $0x5FFFF;
	_ =	strace $0x90000049  }
0xb2: {  	s29 =	simm.s32 $0x9;
	_ =	strace $0x8000004B  }
0xb3: {  	_ =	swait.ge [sflag:s29], $0x1  }
0xb4: {  	[sflag:s29] =	ssyncadd.s32 $0xFFFFFFFF  }
0xb5: {  	_ =	strace $0x9000004B  }
0xb6: {  	_ =	sfence  }
0xb7: {  	s30 =	sld [smem:$0x0];
	_ =	sdelay $0x2  }
0xb8: {  	s31 =	sshll.u32 s1, $0xD;
	s1 =	sshrl.u32 s1, $0x2  }
0xb9: {  	s3 =	sand.u32 $0x4000, s31;
	s1 =	sadd.s32 s1, s30  }
0xba: {  	s0 =	sor.u32 s3, s0;
	s1 =	sshll.u32 s1, $0x11  }
0xbb: {  	s0 =	sor.u32 s1, s0  }
0xbc: {  	s0 =	sadd.s32 $0x8F2B, s0  }
0xbd: {  	[sflag:s0] =	ssyncadd.remote.s32 $0x1  }
0xbe: {  	_ =	sfence.sel $0xFFFF  }
0xbf: {  	[dreg:$0x0] =	wrdreg $0xFFFFFFFF;
	(pc) =	sbr.abs _section_cstart, $3  }
0xc0: {  	[dreg:$0x1] =	wrdreg $0xFFFFFFFF  }
0xc1: {  	_ =	task.clear_ibuf [dreg:s6], $0x2FFFF;
	_ =	strace $0x9FFFFFFF  }
0xc2: {  	(tm) =	ssettm $0x7FFFFFFF  }
0xc3: {  	_ =	shalt  }
tec
execute0_lowered:
.L_overlay_start_1:
0x0: {  	(tag) =	ssettag $0x1  }
0x1: {  	s0 =	rddreg [dreg:$0x0];
	s2 =	srdreg.scid  }
0x2: {  	s1 =	rddreg [dreg:$0x1];
	s19 =	stileid.u32  }
0x3: {  	s29 =	simm.s32 $0x480;
	s30 =	simm.s32 $0x300;
	s31 =	simm.s32 $0x5600  }
0x4: {  	s28 =	simm.s32 $0x0;
	s3 =	sand.u32 $0x1, s2;
	s2 =	simm.s32 $0x0  }
0x5: {  	s5 =	smul.u32 $0x14000, s19;
	s6 =	sadd.s32 $0x8A000, s0;
	s15 =	sshll.u32 s19, $0xF  }
0x6: {  	s4 =	ssub.s32 $0x2, s3;
	[smem:$0x7FF] =	sst s2;
	s14 =	smul.u32 $0x140000, s3  }
0x7: {  	s3 =	sshll.u32 s3, $0xE;
	s7 =	sshrl.u32 s4, $0x1;
	s8 =	sadd.s32 $0x4000, s5  }
0x8: {  	s9 =	sadd.s32 $0x6000, s5;
	s10 =	sadd.s32 $0x8000, s5;
	s11 =	sadd.s32 $0xA000, s5  }
0x9: {  	s12 =	sadd.s32 $0xC000, s5;
	s13 =	sadd.s32 $0xE000, s5;
	s17 =	sadd.s32 $0x10000, s5  }
0xa: {  	s18 =	sadd.s32 $0x12000, s5;
	s3 =	sor.u32 s3, s15;
	s4 =	ssub.s32 s4, s7  }
0xb: {  	s7 =	sor.u32 $0x2000, s5;
	s5 =	sadd.s32 s5, s14;
	s21 =	sadd.s32 s14, s8  }
0xc: {  	s22 =	sadd.s32 s14, s9;
	s23 =	sadd.s32 s14, s10;
	s15 =	sadd.s32 s14, s11  }
0xd: {  	s8 =	sadd.s32 s8, s1;
	s9 =	sadd.s32 s9, s1;
	s10 =	sadd.s32 s10, s1  }
0xe: {  	s16 =	sadd.s32 s14, s7;
	s5 =	sshrl.u32 s5, $0x3;
	s24 =	sshrl.u32 s22, $0x3  }
0xf: {  	s25 =	sshrl.u32 s23, $0x3;
	s4 =	smax.u32 s4, $0x1;
	s5 =	sadd.s32 s6, s5  }
0x10: {  	s16 =	sshrl.u32 s16, $0x3;
	s26 =	sadd.s32 s6, s25;
	[dreg:$0x3] =	wrdreg s5  }
0x11: {  	s25 =	smul.u32 $0x50000, s19;
	s20 =	sadd.s32 s6, s16;
	[dreg:$0x7] =	wrdreg s26  }
0x12: {  	s5 =	sshrl.u32 s21, $0x3;
	s16 =	sadd.s32 s14, s12;
	[dreg:$0x4] =	wrdreg s20  }
0x13: {  	s5 =	sadd.s32 s6, s5;
	s20 =	sadd.s32 s14, s13;
	s21 =	sshrl.u32 s16, $0x3  }
0x14: {  	s16 =	sadd.s32 $0x2E00, s0;
	[dreg:$0x5] =	wrdreg s5;
	s5 =	sadd.s32 s6, s24  }
0x15: {  	s22 =	sshrl.u32 s20, $0x3;
	[dreg:$0x6] =	wrdreg s5;
	s5 =	sshrl.u32 s15, $0x3  }
0x16: {  	s24 =	sadd.s32 s14, s17;
	s14 =	sadd.s32 s14, s18;
	s5 =	sadd.s32 s6, s5  }
0x17: {  	s20 =	sadd.s32 s7, s1;
	[dreg:$0x8] =	wrdreg s5;
	s5 =	sadd.s32 s6, s21  }
0x18: {  	s23 =	sadd.s32 s6, s22;
	[dreg:$0x9] =	wrdreg s5;
	s5 =	sshrl.u32 s24, $0x3  }
0x19: {  	s26 =	sshrl.u32 s14, $0x3;
	[dreg:$0xa] =	wrdreg s23;
	s5 =	sadd.s32 s6, s5  }
0x1a: {  	s7 =	simm.s32 $0x600;
	[dreg:$0xb] =	wrdreg s5;
	s5 =	sadd.s32 s6, s26  }
0x1b: {  	s15 =	sadd.s32 $0x62E00, s0;
	s14 =	sadd.s32 s11, s1;
	[dreg:$0xc] =	wrdreg s5  }
0x1c: {  	s22 =	sadd.s32 s13, s1;
	_ =	strace $0x8000004A;
	[dreg:$0xd] =	wrdreg s8  }
0x1d: {  	s11 =	simm.s32 $0x4;
	s13 =	simm.s32 $0x400;
	[dreg:$0xe] =	wrdreg s9  }
0x1e: {  	s23 =	sshrl.u32 s3, $0x3;
	s21 =	sadd.s32 s12, s1;
	[dreg:$0xf] =	wrdreg s10  }
0x1f: {  	s0 =	sadd.s32 s16, s23;
	s12 =	simm.s32 $0x7E00;
	[dreg:$0x10] =	wrdreg s14  }
0x20: {  	s24 =	sadd.s32 $0x10, s0;
	s6 =	sshrl.u32 s25, $0x2;
	[dreg:$0x11] =	wrdreg s21  }
0x21: {  	s25 =	sadd.s32 s17, s1;
	s26 =	sadd.s32 s18, s1;
	[dreg:$0x12] =	wrdreg s22  }
.Ltmp0:
0x22: {  	s19 =	sadd.s32 s6, s1;
	[dreg:$0x14] =	wrdreg s4;
	(pc) =	sbr.rel .LBB2_1-.Ltmp0, $4  }
0x23: {  	s6 =	simm.s32 $0x50;
	s5 =	simm.s32 $0x3;
	[dreg:$0x15] =	wrdreg s24  }
0x24: {  	[dreg:$0x13] =	wrdreg s0;
	s0 =	sadd.s32 $0x20, s0;
	s4 =	simm.s32 $0x80  }
0x25: {  	s8 =	simm.s32 $0x2;
	s9 =	simm.s32 $0x280;
	s10 =	simm.s32 $0x2E00  }
0x26: {  	v0 =	vimm.f32 $0.0e+00;
	v1 =	vimm.f32 $1.000000000e+00;
	s14 =	simm.s32 $0x5;
	[dreg:$0x16] =	wrdreg s0;
	s0 =	simm.s32 $0xA  }
.LBB2_8:
0x27: {  	s17 =	simm.s32 $0x7  }
0x28: {  	_ =	swait.ge [sflag:s17], $0x2800  }
0x29: {  	[sflag:s17] =	ssyncset.done $0x0  }
0x2a: {  	s21 =	simm.s32 $0x8;
	[sflag:s17] =	ssyncadd.s32 $0xFFFFD800  }
0x2b: {  	_ =	swait.ge [sflag:s21], $0x2800  }
0x2c: {  	[sflag:s21] =	ssyncset.done $0x0  }
0x2d: {  	s22 =	simm.s32 $0x9;
	[sflag:s21] =	ssyncadd.s32 $0xFFFFD800  }
0x2e: {  	_ =	swait.ge [sflag:s22], $0x2800  }
0x2f: {  	[sflag:s22] =	ssyncset.done $0x0  }
0x30: {  	[sflag:s22] =	ssyncadd.s32 $0xFFFFD800  }
0x31: {  	[bflag:$0x0] =	sbarrier.arrive $0xFFFF  }
0x32: {  	[tilespmem:s12], [sflag:$0xA] =	stream.linear.gather [spmem:s23], $0x2000, $0x38;
	[tilespmem:$0x1E100] =	vst v63  }
0x33: {  	_ =	swait.ge [sflag:s0], $0x2000  }
0x34: {  	[sflag:s0] =	ssyncset.done $0x0  }
0x35: {  	s19 =	smov.u32 s23;
	s23 =	rddreg [dreg:$0x3];
	[sflag:s0] =	ssyncadd.s32 $0xFFFFE000  }
0x36: {  	[hbm4b:s23+s2] =	stream.linear.scatter [tilespmem:s12], [sflag:$0xA], $0x2000, $0x38;
	[tilespmem:$0x1E100] =	vst v63  }
0x37: {  	_ =	swait.ge [sflag:s0], $0x2000  }
0x38: {  	[sflag:s0] =	ssyncset.done $0x0  }
0x39: {  	[sflag:s0] =	ssyncadd.s32 $0xFFFFE000  }
0x3a: {  	[tilespmem:s12], [sflag:$0xA] =	stream.linear.gather [spmem:s24], $0x2000, $0x38;
	[tilespmem:$0x1E100] =	vst v63  }
0x3b: {  	_ =	swait.ge [sflag:s0], $0x2000  }
0x3c: {  	[sflag:s0] =	ssyncset.done $0x0  }
0x3d: {  	s20 =	smov.u32 s24;
	s24 =	rddreg [dreg:$0x4];
	[sflag:s0] =	ssyncadd.s32 $0xFFFFE000  }
0x3e: {  	[hbm4b:s24+s2] =	stream.linear.scatter [tilespmem:s12], [sflag:$0xA], $0x2000, $0x38;
	[tilespmem:$0x1E100] =	vst v63  }
0x3f: {  	_ =	swait.ge [sflag:s0], $0x2000  }
0x40: {  	[sflag:s0] =	ssyncset.done $0x0  }
0x41: {  	s18 =	rddreg [dreg:$0xd];
	[sflag:s0] =	ssyncadd.s32 $0xFFFFE000  }
0x42: {  	[tilespmem:s12], [sflag:$0xA] =	stream.linear.gather [spmem:s18], $0x2000, $0x38;
	[tilespmem:$0x1E100] =	vst v63  }
0x43: {  	_ =	swait.ge [sflag:s0], $0x2000  }
0x44: {  	[sflag:s0] =	ssyncset.done $0x0  }
0x45: {  	s21 =	rddreg [dreg:$0x5];
	[sflag:s0] =	ssyncadd.s32 $0xFFFFE000  }
0x46: {  	[hbm4b:s21+s2] =	stream.linear.scatter [tilespmem:s12], [sflag:$0xA], $0x2000, $0x38;
	[tilespmem:$0x1E100] =	vst v63  }
0x47: {  	_ =	swait.ge [sflag:s0], $0x2000  }
0x48: {  	[sflag:s0] =	ssyncset.done $0x0  }
0x49: {  	s22 =	rddreg [dreg:$0xe];
	[sflag:s0] =	ssyncadd.s32 $0xFFFFE000  }
0x4a: {  	[tilespmem:s12], [sflag:$0xA] =	stream.linear.gather [spmem:s22], $0x2000, $0x38;
	[tilespmem:$0x1E100] =	vst v63  }
0x4b: {  	_ =	swait.ge [sflag:s0], $0x2000  }
0x4c: {  	[sflag:s0] =	ssyncset.done $0x0  }
0x4d: {  	s23 =	rddreg [dreg:$0x6];
	[sflag:s0] =	ssyncadd.s32 $0xFFFFE000  }
0x4e: {  	[hbm4b:s23+s2] =	stream.linear.scatter [tilespmem:s12], [sflag:$0xA], $0x2000, $0x38;
	[tilespmem:$0x1E100] =	vst v63  }
0x4f: {  	_ =	swait.ge [sflag:s0], $0x2000  }
0x50: {  	[sflag:s0] =	ssyncset.done $0x0  }
0x51: {  	s24 =	rddreg [dreg:$0xf];
	[sflag:s0] =	ssyncadd.s32 $0xFFFFE000  }
0x52: {  	[tilespmem:s12], [sflag:$0xA] =	stream.linear.gather [spmem:s24], $0x2000, $0x38;
	[tilespmem:$0x1E100] =	vst v63  }
0x53: {  	_ =	swait.ge [sflag:s0], $0x2000  }
0x54: {  	[sflag:s0] =	ssyncset.done $0x0  }
0x55: {  	s18 =	rddreg [dreg:$0x7];
	[sflag:s0] =	ssyncadd.s32 $0xFFFFE000  }
0x56: {  	[hbm4b:s18+s2] =	stream.linear.scatter [tilespmem:s12], [sflag:$0xA], $0x2000, $0x38;
	[tilespmem:$0x1E100] =	vst v63  }
0x57: {  	_ =	swait.ge [sflag:s0], $0x2000  }
0x58: {  	[sflag:s0] =	ssyncset.done $0x0  }
0x59: {  	s21 =	rddreg [dreg:$0x10];
	[sflag:s0] =	ssyncadd.s32 $0xFFFFE000  }
0x5a: {  	[tilespmem:s12], [sflag:$0xA] =	stream.linear.gather [spmem:s21], $0x2000, $0x38;
	[tilespmem:$0x1E100] =	vst v63  }
0x5b: {  	_ =	swait.ge [sflag:s0], $0x2000  }
0x5c: {  	[sflag:s0] =	ssyncset.done $0x0  }
0x5d: {  	s22 =	rddreg [dreg:$0x8];
	[sflag:s0] =	ssyncadd.s32 $0xFFFFE000  }
0x5e: {  	[hbm4b:s22+s2] =	stream.linear.scatter [tilespmem:s12], [sflag:$0xA], $0x2000, $0x38;
	[tilespmem:$0x1E100] =	vst v63  }
0x5f: {  	_ =	swait.ge [sflag:s0], $0x2000  }
0x60: {  	[sflag:s0] =	ssyncset.done $0x0  }
0x61: {  	s23 =	rddreg [dreg:$0x11];
	[sflag:s0] =	ssyncadd.s32 $0xFFFFE000  }
0x62: {  	[tilespmem:s12], [sflag:$0xA] =	stream.linear.gather [spmem:s23], $0x2000, $0x38;
	[tilespmem:$0x1E100] =	vst v63  }
0x63: {  	_ =	swait.ge [sflag:s0], $0x2000  }
0x64: {  	[sflag:s0] =	ssyncset.done $0x0  }
0x65: {  	s24 =	rddreg [dreg:$0x9];
	[sflag:s0] =	ssyncadd.s32 $0xFFFFE000  }
0x66: {  	[hbm4b:s24+s2] =	stream.linear.scatter [tilespmem:s12], [sflag:$0xA], $0x2000, $0x38;
	[tilespmem:$0x1E100] =	vst v63  }
0x67: {  	_ =	swait.ge [sflag:s0], $0x2000  }
0x68: {  	[sflag:s0] =	ssyncset.done $0x0  }
0x69: {  	s18 =	rddreg [dreg:$0x12];
	[sflag:s0] =	ssyncadd.s32 $0xFFFFE000  }
0x6a: {  	[tilespmem:s12], [sflag:$0xA] =	stream.linear.gather [spmem:s18], $0x2000, $0x38;
	[tilespmem:$0x1E100] =	vst v63  }
0x6b: {  	_ =	swait.ge [sflag:s0], $0x2000  }
0x6c: {  	[sflag:s0] =	ssyncset.done $0x0  }
0x6d: {  	s21 =	rddreg [dreg:$0xa];
	[sflag:s0] =	ssyncadd.s32 $0xFFFFE000  }
0x6e: {  	[hbm4b:s21+s2] =	stream.linear.scatter [tilespmem:s12], [sflag:$0xA], $0x2000, $0x38;
	[tilespmem:$0x1E100] =	vst v63  }
0x6f: {  	_ =	swait.ge [sflag:s0], $0x2000  }
0x70: {  	[sflag:s0] =	ssyncset.done $0x0  }
0x71: {  	[sflag:s0] =	ssyncadd.s32 $0xFFFFE000  }
0x72: {  	[tilespmem:s12], [sflag:$0xA] =	stream.linear.gather [spmem:s25], $0x2000, $0x38;
	[tilespmem:$0x1E100] =	vst v63  }
0x73: {  	_ =	swait.ge [sflag:s0], $0x2000  }
0x74: {  	[sflag:s0] =	ssyncset.done $0x0  }
0x75: {  	s22 =	rddreg [dreg:$0xb];
	[sflag:s0] =	ssyncadd.s32 $0xFFFFE000  }
0x76: {  	[hbm4b:s22+s2] =	stream.linear.scatter [tilespmem:s12], [sflag:$0xA], $0x2000, $0x38;
	[tilespmem:$0x1E100] =	vst v63  }
0x77: {  	_ =	swait.ge [sflag:s0], $0x2000  }
0x78: {  	[sflag:s0] =	ssyncset.done $0x0  }
0x79: {  	[sflag:s0] =	ssyncadd.s32 $0xFFFFE000  }
0x7a: {  	[tilespmem:s12], [sflag:$0xA] =	stream.linear.gather [spmem:s26], $0x2000, $0x38;
	[tilespmem:$0x1E100] =	vst v63  }
0x7b: {  	_ =	swait.ge [sflag:s0], $0x2000  }
0x7c: {  	[sflag:s0] =	ssyncset.done $0x0  }
0x7d: {  	s23 =	rddreg [dreg:$0xc];
	[sflag:s0] =	ssyncadd.s32 $0xFFFFE000  }
0x7e: {  	[hbm4b:s23+s2] =	stream.linear.scatter [tilespmem:s12], [sflag:$0xA], $0x2000, $0x38;
	[tilespmem:$0x1E100] =	vst v63  }
0x7f: {  	_ =	swait.ge [sflag:s0], $0x2000  }
0x80: {  	s28 =	sadd.s32 $0x1, s28;
	s24 =	rddreg [dreg:$0x14]  }
0x81: {  	p0 =	sne.s32 s28, s24  }
.Ltmp1:
0x82: {  	_ = 	snop;
	(pc) =	sbr.rel @!p0 .LBB2_9-.Ltmp1, $3  }
0x83: {  	_ =	sdelay $0x1  }
0x84: {  	[sflag:s0] =	ssyncset.done $0x0  }
0x85: {  	[sflag:s0] =	ssyncadd.s32 $0xFFFFE000  }
.LBB2_1:
0x86: {  	s17 =	simm.s32 $0x0;
	s18 =	simm.s32 $0x200  }
.LBB2_2:
0x87: {  	p0 =	sne.s32 s18, $0x7E00;
	[tilespmem:s17+$0x7E70] =	vst v0  }
0x88: {  	[tilespmem:s17+$0x7E00] =	vst v0  }
0x89: {  	[tilespmem:s17+$0x7E10] =	vst v0  }
.Ltmp2:
0x8a: {  	[tilespmem:s17+$0x7E20] =	vst v0;
	(pc) =	sbr.rel @p0 .LBB2_2-.Ltmp2, $4  }
0x8b: {  	[tilespmem:s17+$0x7E30] =	vst v0  }
0x8c: {  	[tilespmem:s17+$0x7E40] =	vst v0  }
0x8d: {  	[tilespmem:s17+$0x7E50] =	vst v0  }
0x8e: {  	[tilespmem:s17+$0x7E60] =	vst v0;
	s17 =	sshra.s32 s18, $0x2;
	s18 =	sadd.s32 $0x200, s18  }
0x8f: {  	[tilespmem:s17+$0x7E70] =	vst v0  }
0x90: {  	[tilespmem:s17+$0x7E00] =	vst v0  }
0x91: {  	[tilespmem:s17+$0x7E10] =	vst v0  }
0x92: {  	[tilespmem:s17+$0x7E20] =	vst v0  }
0x93: {  	[tilespmem:s17+$0x7E30] =	vst v0  }
0x94: {  	[tilespmem:s17+$0x7E40] =	vst v0  }
0x95: {  	[tilespmem:s17+$0x7E50] =	vst v0  }
0x96: {  	[tilespmem:s17+$0x7E60] =	vst v0  }
0x97: {  	[tilespmem:$0x9E80] =	vst v0  }
0x98: {  	[tilespmem:$0x9E90] =	vst v0  }
0x99: {  	[tilespmem:$0x9EA0] =	vst v0  }
0x9a: {  	[tilespmem:$0x9EB0] =	vst v0  }
0x9b: {  	[tilespmem:$0x9EC0] =	vst v0  }
0x9c: {  	[tilespmem:$0x9ED0] =	vst v0  }
0x9d: {  	[tilespmem:$0x9EE0] =	vst v0  }
0x9e: {  	[tilespmem:$0x9EF0] =	vst v0  }
0x9f: {  	[tilespmem:$0x9F00] =	vst v0  }
0xa0: {  	[tilespmem:$0x9F10] =	vst v0  }
0xa1: {  	[tilespmem:$0x9F20] =	vst v0  }
0xa2: {  	[tilespmem:$0x9F30] =	vst v0  }
0xa3: {  	[tilespmem:$0x9F40] =	vst v0  }
0xa4: {  	[tilespmem:$0x9F50] =	vst v0  }
0xa5: {  	[tilespmem:$0x9F60] =	vst v0  }
0xa6: {  	[tilespmem:$0x9F70] =	vst v0  }
0xa7: {  	[tilespmem:$0x9F80] =	vst v0  }
0xa8: {  	[tilespmem:$0x9F90] =	vst v0  }
0xa9: {  	[tilespmem:$0x9FA0] =	vst v0  }
0xaa: {  	[tilespmem:$0x9FB0] =	vst v0  }
0xab: {  	[tilespmem:$0x9FC0] =	vst v0  }
0xac: {  	[tilespmem:$0x9FD0] =	vst v0  }
0xad: {  	[tilespmem:$0x9FE0] =	vst v0  }
0xae: {  	[tilespmem:$0x9FF0] =	vst v0  }
0xaf: {  	[tilespmem:$0xA000] =	vst v0  }
0xb0: {  	[tilespmem:$0xA010] =	vst v0  }
0xb1: {  	[tilespmem:$0xA020] =	vst v0  }
0xb2: {  	[tilespmem:$0xA030] =	vst v0  }
0xb3: {  	[tilespmem:$0xA040] =	vst v0  }
0xb4: {  	[tilespmem:$0xA050] =	vst v0  }
0xb5: {  	[tilespmem:$0xA060] =	vst v0  }
0xb6: {  	[tilespmem:$0xA070] =	vst v0  }
0xb7: {  	[tilespmem:$0xA080] =	vst v0  }
0xb8: {  	[tilespmem:$0xA090] =	vst v0  }
0xb9: {  	[tilespmem:$0xA0A0] =	vst v0  }
0xba: {  	[tilespmem:$0xA0B0] =	vst v0  }
0xbb: {  	[tilespmem:$0xA0C0] =	vst v0  }
0xbc: {  	[tilespmem:$0xA0D0] =	vst v0  }
0xbd: {  	[tilespmem:$0xA0E0] =	vst v0  }
0xbe: {  	[tilespmem:$0xA0F0] =	vst v0  }
0xbf: {  	[tilespmem:$0x9E00] =	vst v1  }
0xc0: {  	[tilespmem:$0x9E10] =	vst v1  }
0xc1: {  	[tilespmem:$0x9E20] =	vst v1  }
0xc2: {  	[tilespmem:$0x9E30] =	vst v1  }
0xc3: {  	[tilespmem:$0x9E40] =	vst v1  }
0xc4: {  	[spmem:s19] =	stream.linear.scatter [tilespmem:s12], [sflag:$0xA], $0x2000, $0x38;
	[tilespmem:$0x1E100] =	vst v63  }
0xc5: {  	_ =	swait.ge [sflag:s0], $0x2000  }
0xc6: {  	[sflag:s0] =	ssyncset.done $0x0  }
0xc7: {  	[sflag:s0] =	ssyncadd.s32 $0xFFFFE000  }
0xc8: {  	[spmem:s20] =	stream.linear.scatter [tilespmem:s12], [sflag:$0xA], $0x2000, $0x38;
	[tilespmem:$0x1E100] =	vst v63  }
0xc9: {  	_ =	swait.ge [sflag:s0], $0x2000  }
0xca: {  	[sflag:s0] =	ssyncset.done $0x0  }
0xcb: {  	s21 =	rddreg [dreg:$0xd];
	[sflag:s0] =	ssyncadd.s32 $0xFFFFE000  }
0xcc: {  	[spmem:s21] =	stream.linear.scatter [tilespmem:s12], [sflag:$0xA], $0x2000, $0x38;
	[tilespmem:$0x1E100] =	vst v63  }
0xcd: {  	_ =	swait.ge [sflag:s0], $0x2000  }
0xce: {  	[sflag:s0] =	ssyncset.done $0x0  }
0xcf: {  	s22 =	rddreg [dreg:$0xe];
	[sflag:s0] =	ssyncadd.s32 $0xFFFFE000  }
0xd0: {  	[spmem:s22] =	stream.linear.scatter [tilespmem:s12], [sflag:$0xA], $0x2000, $0x38;
	[tilespmem:$0x1E100] =	vst v63  }
0xd1: {  	_ =	swait.ge [sflag:s0], $0x2000  }
0xd2: {  	[sflag:s0] =	ssyncset.done $0x0  }
0xd3: {  	s18 =	rddreg [dreg:$0xf];
	[sflag:s0] =	ssyncadd.s32 $0xFFFFE000  }
0xd4: {  	[spmem:s18] =	stream.linear.scatter [tilespmem:s12], [sflag:$0xA], $0x2000, $0x38;
	[tilespmem:$0x1E100] =	vst v63  }
0xd5: {  	_ =	swait.ge [sflag:s0], $0x2000  }
0xd6: {  	[sflag:s0] =	ssyncset.done $0x0  }
0xd7: {  	s23 =	smov.u32 s19;
	s19 =	rddreg [dreg:$0x10];
	[sflag:s0] =	ssyncadd.s32 $0xFFFFE000  }
0xd8: {  	[spmem:s19] =	stream.linear.scatter [tilespmem:s12], [sflag:$0xA], $0x2000, $0x38;
	[tilespmem:$0x1E100] =	vst v63  }
0xd9: {  	_ =	swait.ge [sflag:s0], $0x2000  }
0xda: {  	[sflag:s0] =	ssyncset.done $0x0  }
0xdb: {  	s24 =	smov.u32 s20;
	s20 =	rddreg [dreg:$0x11];
	[sflag:s0] =	ssyncadd.s32 $0xFFFFE000  }
0xdc: {  	[spmem:s20] =	stream.linear.scatter [tilespmem:s12], [sflag:$0xA], $0x2000, $0x38;
	[tilespmem:$0x1E100] =	vst v63  }
0xdd: {  	_ =	swait.ge [sflag:s0], $0x2000  }
0xde: {  	[sflag:s0] =	ssyncset.done $0x0  }
0xdf: {  	s21 =	rddreg [dreg:$0x12];
	[sflag:s0] =	ssyncadd.s32 $0xFFFFE000  }
0xe0: {  	[spmem:s21] =	stream.linear.scatter [tilespmem:s12], [sflag:$0xA], $0x2000, $0x38;
	[tilespmem:$0x1E100] =	vst v63  }
0xe1: {  	_ =	swait.ge [sflag:s0], $0x2000  }
0xe2: {  	[sflag:s0] =	ssyncset.done $0x0  }
0xe3: {  	[sflag:s0] =	ssyncadd.s32 $0xFFFFE000  }
0xe4: {  	[spmem:s25] =	stream.linear.scatter [tilespmem:s12], [sflag:$0xA], $0x2000, $0x38;
	[tilespmem:$0x1E100] =	vst v63  }
0xe5: {  	_ =	swait.ge [sflag:s0], $0x2000  }
0xe6: {  	[sflag:s0] =	ssyncset.done $0x0  }
0xe7: {  	[sflag:s0] =	ssyncadd.s32 $0xFFFFE000  }
0xe8: {  	[spmem:s26] =	stream.linear.scatter [tilespmem:s12], [sflag:$0xA], $0x2000, $0x38;
	[tilespmem:$0x1E100] =	vst v63  }
0xe9: {  	_ =	swait.ge [sflag:s0], $0x2000  }
0xea: {  	[sflag:s0] =	ssyncset.done $0x0  }
0xeb: {  	[sflag:s0] =	ssyncadd.s32 $0xFFFFE000  }
0xec: {  	[bflag:$0x0] =	sbarrier.arrive $0xFFFF  }
0xed: {  	s17 =	simm.s32 $0x0;
	s18 =	rddreg [dreg:$0x13]  }
0xee: {  	[tilespmem:s17], [sflag:$0x1] =	stream.linear.gather [hbm4b:s18+s17], $0x80, $0x38;
	[tilespmem:$0x1E100] =	vst v63  }
0xef: {  	s22 =	rddreg [dreg:$0x15]  }
0xf0: {  	[tilespmem:s4], [sflag:$0x2] =	stream.linear.gather [hbm4b:s22+s17], $0x80, $0x38;
	[tilespmem:$0x1E100] =	vst v63  }
0xf1: {  	s20 =	simm.s32 $0x100;
	s21 =	simm.s32 $0x1;
	s19 =	rddreg [dreg:$0x16]  }
0xf2: {  	[tilespmem:s20], [sflag:$0x3] =	stream.linear.gather [hbm4b:s19+s17], $0x80, $0x38;
	[tilespmem:$0x1E100] =	vst v63  }
0xf3: {  	_ =	swait.ge [sflag:s21], $0x80  }
0xf4: {  	[sflag:s21] =	ssyncset.done $0x0  }
0xf5: {  	[sflag:s21] =	ssyncadd.s32 $0xFFFFFF80  }
0xf6: {  	v2 =	vld [tilespmem:$0x0];
	_ =	sdelay $0x1  }
0xf7: {  	v3 =	vld [tilespmem:$0x10];
	_ =	sdelay $0x1  }
0xf8: {  	v4 =	vld [tilespmem:$0x20]  }
0xf9: {  	v5 =	vand.u32 $0xFFFF, v2  }
0xfa: {  	v63 =	vld [tilespmem:$0x30];
	v2 =	vshrl.u32 v2, $0x10;
	[tilespmem:$0x200] =	vst v5  }
0xfb: {  	[tilespmem:$0x400] =	vst v2;
	v2 =	vand.u32 $0xFFFF, v3  }
0xfc: {  	[tilespmem:$0x210] =	vst v2;
	v2 =	vshrl.u32 v3, $0x10;
	v3 =	vld [tilespmem:$0x40]  }
0xfd: {  	[tilespmem:$0x410] =	vst v2;
	v2 =	vand.u32 $0xFFFF, v4  }
0xfe: {  	[tilespmem:$0x220] =	vst v2;
	v2 =	vshrl.u32 v4, $0x10  }
0xff: {  	[tilespmem:$0x420] =	vst v2;
	v2 =	vand.u32 $0xFFFF, v63  }
.Ltmp3:
0x100: {  	[tilespmem:$0x230] =	vst v2;
	v2 =	vshrl.u32 v63, $0x10;
	(pc) =	sbr.rel .LBB2_4-.Ltmp3, $4  }
0x101: {  	[tilespmem:$0x430] =	vst v2;
	v2 =	vand.u32 $0xFFFF, v3  }
0x102: {  	[tilespmem:$0x240] =	vst v2;
	v2 =	vshrl.u32 v3, $0x10  }
0x103: {  	s18 =	simm.s32 $0x280;
	s22 =	simm.s32 $0x200;
	[tilespmem:$0x440] =	vst v2  }
0x104: {  	[tilespmem:s7], [sflag:$0x4] =	stream.indirect.gather [hbm4b:s15+s6], $0x80, s22, s6, $0xb8;
	[tilespmem:$0x1E100] =	vst v63  }
.LBB2_6:
0x105: {  	_ =	swait.ge [sflag:s11], $0x2800  }
0x106: {  	[sflag:s11] =	ssyncset.done $0x0  }
0x107: {  	[sflag:s11] =	ssyncadd.s32 $0xFFFFD800  }
0x108: {  	[spmem:s1] =	stream.indirect.scatter.add.f32 [tilespmem:s7], [sflag:$0x7], $0x80, s13, s6, $0xb8;
	[tilespmem:$0x1E100] =	vst v63  }
.LBB2_7:
0x109: {  	_ =	swait.ge [sflag:s14], $0x2800  }
0x10a: {  	[sflag:s14] =	ssyncset.done $0x0  }
0x10b: {  	s19 =	simm.s32 @!p0 $0x7;
	[sflag:s14] =	ssyncadd.s32 $0xFFFFD800  }
0x10c: {  	[spmem:s1] =	stream.indirect.scatter.add.f32 [tilespmem:s10], [sflag:$0x8], $0x80, s29, s6, $0xb8;
	[tilespmem:$0x1E100] =	vst v63  }
0x10d: {  	_ =	swait.ge @!p0 [sflag:s19], $0x2800  }
0x10e: {  	[sflag:s19] =	ssyncset.done @!p0 $0x0  }
0x10f: {  	[sflag:s19] =	ssyncadd.s32 @!p0 $0xFFFFD800;
	s19 =	simm.s32 @!p0 $0x1  }
0x110: {  	_ =	swait.ge @!p0 [sflag:s19], $0x80  }
0x111: {  	[sflag:s19] =	ssyncset.done @!p0 $0x0  }
0x112: {  	[sflag:s19] =	ssyncadd.s32 @!p0 $0xFFFFFF80  }
0x113: {  	v2 =	vld @!p0 [tilespmem:$0x0];
	_ =	sdelay $0x1  }
0x114: {  	v3 =	vld @!p0 [tilespmem:$0x10];
	_ =	sdelay $0x1  }
0x115: {  	v4 =	vld @!p0 [tilespmem:$0x20]  }
0x116: {  	v5 =	vand.u32 @!p0 $0xFFFF, v2  }
0x117: {  	v2 =	vshrl.u32 @!p0 v2, $0x10;
	[tilespmem:$0x200] =	vst @!p0 v5;
	v5 =	vld @!p0 [tilespmem:$0x30]  }
0x118: {  	[tilespmem:$0x400] =	vst @!p0 v2;
	v2 =	vand.u32 @!p0 $0xFFFF, v3  }
0x119: {  	[tilespmem:$0x210] =	vst @!p0 v2;
	v2 =	vshrl.u32 @!p0 v3, $0x10;
	v3 =	vld @!p0 [tilespmem:$0x40]  }
0x11a: {  	[tilespmem:$0x410] =	vst @!p0 v2;
	v2 =	vand.u32 @!p0 $0xFFFF, v4  }
0x11b: {  	[tilespmem:$0x220] =	vst @!p0 v2;
	v2 =	vshrl.u32 @!p0 v4, $0x10  }
0x11c: {  	[tilespmem:$0x420] =	vst @!p0 v2;
	v2 =	vand.u32 @!p0 $0xFFFF, v5  }
0x11d: {  	[tilespmem:$0x230] =	vst @!p0 v2;
	v2 =	vshrl.u32 @!p0 v5, $0x10  }
0x11e: {  	[tilespmem:$0x430] =	vst @!p0 v2;
	v2 =	vand.u32 @!p0 $0xFFFF, v3  }
0x11f: {  	s20 =	simm.s32 @!p0 $0x200;
	p1 =	sgt.u32 @!p0 s17, $0x27;
	[tilespmem:$0x240] =	vst @!p0 v2;
	v2 =	vshrl.u32 @!p0 v3, $0x10  }
0x120: {  	s21 =	simm.s32 @!p0 $0x600;
	p1 =	por p1, p0;
	s19 =	simm.s32 @!p0 $0x50;
	[tilespmem:$0x440] =	vst @!p0 v2  }
0x121: {  	[tilespmem:s21], [sflag:$0x4] =	stream.indirect.gather @!p0 [hbm4b:s15+s19], $0x80, s20, s19, $0xb8;
	[tilespmem:$0x1E100] =	vst v63  }
0x122: {  	s20 =	sand.u32 @!p1 $0xFC00, s18  }
0x123: {  	s21 =	sand.u32 @!p1 $0x380, s18;
	s20 =	sadd.s32 @!p1 s3, s20  }
0x124: {  	s20 =	sor.u32 @!p1 s21, s20  }
0x125: {  	s22 =	simm.s32 @!p1 $0x100;
	s20 =	sshrl.u32 @!p1 s20, $0x3  }
0x126: {  	s18 =	sadd.s32 @!p0 $0x180, s18;
	s21 =	simm.s32 @!p1 $0x0;
	s20 =	sadd.s32 @!p1 s16, s20  }
0x127: {  	[tilespmem:s22], [sflag:$0x3] =	stream.linear.gather @!p1 [hbm4b:s20+s21], $0x80, $0x38;
	[tilespmem:$0x1E100] =	vst v63  }
0x128: {  	p1 =	sne.s32 @!p0 s18, $0x4180  }
0x129: {  	p1 =	por p0, !p1  }
.Ltmp4:
0x12a: {  	s20 =	simm.s32 @!p0 $0x6;
	(pc) =	sbr.rel @p1 .LBB2_8-.Ltmp4, $4  }
0x12b: {  	_ =	swait.ge @!p0 [sflag:s20], $0x2800  }
0x12c: {  	s17 =	sadd.s32 @!p0 $0x1, s17;
	[sflag:s20] =	ssyncset.done @!p0 $0x0  }
0x12d: {  	s21 =	simm.s32 @!p0 $0x5600;
	[sflag:s20] =	ssyncadd.s32 @!p0 $0xFFFFD800;
	s20 =	simm.s32 @!p0 $0x500  }
0x12e: {  	[spmem:s1] =	stream.indirect.scatter.add.f32 @!p0 [tilespmem:s21], [sflag:$0x9], $0x80, s20, s19, $0xb8;
	[tilespmem:$0x1E100] =	vst v63  }
.LBB2_4:
0x12f: {  	p1 =	seq.s32 s18, $0x280  }
0x130: {  	s19 =	simm.s32 @!p1 $0x8  }
0x131: {  	_ =	swait.ge @!p1 [sflag:s19], $0x2800  }
0x132: {  	[sflag:s19] =	ssyncset.done @!p1 $0x0  }
0x133: {  	[sflag:s19] =	ssyncadd.s32 @!p1 $0xFFFFD800  }
0x134: {  	_ =	swait.ge [sflag:s8], $0x80  }
0x135: {  	[sflag:s8] =	ssyncset.done $0x0  }
0x136: {  	[sflag:s8] =	ssyncadd.s32 $0xFFFFFF80  }
0x137: {  	v2 =	vld [tilespmem:$0x80];
	_ =	sdelay $0x1  }
0x138: {  	v3 =	vld [tilespmem:$0x90];
	_ =	sdelay $0x1  }
0x139: {  	v4 =	vld [tilespmem:$0xA0]  }
0x13a: {  	v5 =	vand.u32 $0xFFFF, v2  }
0x13b: {  	v63 =	vld [tilespmem:$0xB0];
	v2 =	vshrl.u32 v2, $0x10;
	[tilespmem:$0x280] =	vst v5  }
0x13c: {  	[tilespmem:$0x480] =	vst v2;
	v2 =	vand.u32 $0xFFFF, v3  }
0x13d: {  	[tilespmem:$0x290] =	vst v2;
	v2 =	vshrl.u32 v3, $0x10;
	v3 =	vld [tilespmem:$0xC0]  }
0x13e: {  	[tilespmem:$0x490] =	vst v2;
	v2 =	vand.u32 $0xFFFF, v4  }
0x13f: {  	[tilespmem:$0x2A0] =	vst v2;
	v2 =	vshrl.u32 v4, $0x10  }
0x140: {  	p0 =	seq.s32 s18, $0x4000;
	[tilespmem:$0x4A0] =	vst v2;
	v2 =	vand.u32 $0xFFFF, v63  }
.Ltmp5:
0x141: {  	[tilespmem:$0x2B0] =	vst v2;
	v2 =	vshrl.u32 v63, $0x10;
	(pc) =	sbr.rel @p0 .LBB2_6-.Ltmp5, $4  }
0x142: {  	[tilespmem:$0x4B0] =	vst v2;
	v2 =	vand.u32 $0xFFFF, v3  }
0x143: {  	[tilespmem:$0x2C0] =	vst v2;
	v2 =	vshrl.u32 v3, $0x10  }
0x144: {  	[tilespmem:$0x4C0] =	vst v2  }
0x145: {  	[tilespmem:s10], [sflag:$0x5] =	stream.indirect.gather [hbm4b:s15+s6], $0x80, s9, s6, $0xb8;
	[tilespmem:$0x1E100] =	vst v63  }
0x146: {  	s19 =	sadd.s32 $0xFFFFFF00, s18  }
0x147: {  	s20 =	sand.u32 $0xFC00, s19  }
0x148: {  	s19 =	sand.u32 $0x380, s19;
	s20 =	sadd.s32 s3, s20  }
0x149: {  	s19 =	sor.u32 s19, s20  }
0x14a: {  	s19 =	sshrl.u32 s19, $0x3  }
0x14b: {  	s19 =	sadd.s32 s16, s19  }
0x14c: {  	[tilespmem:s2], [sflag:$0x1] =	stream.linear.gather [hbm4b:s19+s2], $0x80, $0x38;
	[tilespmem:$0x1E100] =	vst v63  }
0x14d: {  	_ =	swait.ge [sflag:s11], $0x2800  }
0x14e: {  	[sflag:s11] =	ssyncset.done $0x0  }
0x14f: {  	s19 =	simm.s32 @!p1 $0x9;
	[sflag:s11] =	ssyncadd.s32 $0xFFFFD800  }
0x150: {  	[spmem:s1] =	stream.indirect.scatter.add.f32 [tilespmem:s7], [sflag:$0x7], $0x80, s13, s6, $0xb8;
	[tilespmem:$0x1E100] =	vst v63  }
0x151: {  	_ =	swait.ge @!p1 [sflag:s19], $0x2800  }
0x152: {  	[sflag:s19] =	ssyncset.done @!p1 $0x0  }
0x153: {  	[sflag:s19] =	ssyncadd.s32 @!p1 $0xFFFFD800  }
0x154: {  	_ =	swait.ge [sflag:s5], $0x80  }
0x155: {  	[sflag:s5] =	ssyncset.done $0x0  }
0x156: {  	[sflag:s5] =	ssyncadd.s32 $0xFFFFFF80  }
0x157: {  	v2 =	vld [tilespmem:$0x100];
	_ =	sdelay $0x1  }
0x158: {  	v3 =	vld [tilespmem:$0x110];
	_ =	sdelay $0x1  }
0x159: {  	v4 =	vld [tilespmem:$0x120]  }
0x15a: {  	v5 =	vand.u32 $0xFFFF, v2  }
0x15b: {  	v63 =	vld [tilespmem:$0x130];
	v2 =	vshrl.u32 v2, $0x10;
	[tilespmem:$0x300] =	vst v5  }
0x15c: {  	[tilespmem:$0x500] =	vst v2;
	v2 =	vand.u32 $0xFFFF, v3  }
0x15d: {  	[tilespmem:$0x310] =	vst v2;
	v2 =	vshrl.u32 v3, $0x10;
	v3 =	vld [tilespmem:$0x140]  }
0x15e: {  	[tilespmem:$0x510] =	vst v2;
	v2 =	vand.u32 $0xFFFF, v4  }
0x15f: {  	[tilespmem:$0x320] =	vst v2;
	v2 =	vshrl.u32 v4, $0x10  }
0x160: {  	s21 =	sadd.s32 $0xFFFFFF80, s18;
	[tilespmem:$0x520] =	vst v2;
	v2 =	vand.u32 $0xFFFF, v63  }
0x161: {  	s22 =	sand.u32 $0xFC00, s21;
	[tilespmem:$0x330] =	vst v2;
	v2 =	vshrl.u32 v63, $0x10  }
0x162: {  	s20 =	sadd.s32 s3, s22;
	s19 =	sand.u32 $0x380, s21;
	[tilespmem:$0x530] =	vst v2;
	v2 =	vand.u32 $0xFFFF, v3  }
.Ltmp6:
0x163: {  	s19 =	sor.u32 s19, s20;
	[tilespmem:$0x340] =	vst v2;
	v2 =	vshrl.u32 v3, $0x10;
	(pc) =	sbr.rel .LBB2_7-.Ltmp6, $4  }
0x164: {  	s19 =	sshrl.u32 s19, $0x3;
	[tilespmem:$0x540] =	vst v2  }
0x165: {  	[tilespmem:s31], [sflag:$0x6] =	stream.indirect.gather [hbm4b:s15+s6], $0x80, s30, s6, $0xb8;
	[tilespmem:$0x1E100] =	vst v63  }
0x166: {  	s19 =	sadd.s32 s16, s19  }
0x167: {  	[tilespmem:s4], [sflag:$0x2] =	stream.linear.gather [hbm4b:s19+s2], $0x80, $0x38;
	[tilespmem:$0x1E100] =	vst v63  }
.LBB2_9:
0x168: {  	_ =	sfence.sel $0x180000  }
0x169: {  	[bflag:$0x0] =	sbarrier.arrive $0xFFFF  }
0x16a: {  	_ =	strace $0x9000004A  }
0x16b: {  	s0 =	stileid.u32;
	[bflag:$0x2] =	sbarrier.arrive $0xFFFF  }
0x16c: {  	p0 =	sne.s32 s0, $0x0;
	s0 =	rddreg [dreg:$0x2]  }
0x16d: {  	s0 =	sadd.s32 @!p0 $0x100000, s0  }
0x16e: {  	[sflag:s0] =	ssyncadd.tile.s32 @!p0 $0x1;
	_ =	shalt  }
.Lfunc_end2:
_tile_overlayer_lowered:
.L_overlay_start_2:
0x16f: {  	(tag) =	ssettag $0x2  }
0x170: {  	s0 =	rddreg [dreg:$0x0];
	s2 =	stileid.u32  }
0x171: {  	s1 =	rddreg [dreg:$0x1];
	p0 =	sne.s32 s2, $0x0  }
0x172: {  	s3 =	rddreg [dreg:$0x2];
	[bflag:$0x3] =	sbarrier.arrive $0xFFFF;
	s2 =	simm.s32 @!p0 $0x1C0A  }
0x173: {  	[timem:s3], [sflag:s2] =	dma.local @!p0 [hbm:s0], s1  }
0x174: {  	s0 =	simm.s32 @!p0 $0xA  }
0x175: {  	_ =	swait.ge @!p0 [sflag:s0], s1  }
0x176: {  	s1 =	ssub.s32 @!p0 $0x0, s1;
	[sflag:s0] =	ssyncset.done @!p0 $0x0  }
0x177: {  	[sflag:s0] =	ssyncadd.s32 @!p0 s1  }
0x178: {  	[bflag:$0x3] =	sbarrier.arrive $0xFFFF  }
0x179: {  	_ =	shalt  }

</sc_bundles>
